<compile_context>
chip_gen: v7x
topology: tpu7x:2x2x1
jax: 0.10.2.dev20260603
libtpu: 0.0.44.dev20260713+nightly
codegen_flags: <defaults>
</compile_context>

<pallas_src>
import functools

import jax
import jax.numpy as jnp
from jax import lax
from jax.experimental import pallas as pl
from jax.experimental.pallas import tpu as pltpu
from jax.experimental.pallas import tpu_sc as plsc

_B = 16384
_VOCAB = 1_000_000
_NS = 26
_NSA = 13
_NSB = _NS - _NSA
_NH = 50
_ND = 13
_NT = _NS + 1
_L = 16

_NC = 2
_NSUB = 16
_NW = _NC * _NSUB
_BPW = _B // _NW
_GPW = _BPW // _L
_CHUNK = 128
_CPF = _BPW // _CHUNK

_NFA = _NSA
_NFB = _NSB + _NH
_NIDXA = _NFA * _BPW
_NIDXB = _NFB * _BPW


def _body_a(*refs):
    sp_hbm = refs[0]
    tabs = refs[1:1 + _NSA]
    out_hbm = refs[1 + _NSA]
    idxs, vals, accs, ssem, gsem = refs[2 + _NSA:]

    wid = lax.axis_index("s") * _NC + lax.axis_index("c")
    base = wid * _BPW

    def sp_stage(f, c):
        pltpu.make_async_copy(
            sp_hbm.at[pl.ds(f * _B + base, _BPW)],
            idxs.at[pl.ds(f * _BPW, _BPW)], ssem).start()
        return c

    lax.fori_loop(0, _NSA, sp_stage, 0)

    def stage_drain(f, c):
        pltpu.make_async_copy(
            sp_hbm.at[pl.ds(base, _BPW)],
            idxs.at[pl.ds(0, _BPW)], ssem).wait()
        return c

    lax.fori_loop(0, _NFA, stage_drain, 0)

    for f in range(_NSA):
        for j in range(_CPF):
            r = f * _CPF + j
            pltpu.make_async_copy(
                tabs[f].at[idxs.at[pl.ds(r * _CHUNK, _CHUNK)]],
                vals.at[pl.ds(r * _CHUNK, _CHUNK)], gsem).start()

    def gdrain(r, c):
        pltpu.make_async_copy(
            tabs[0].at[idxs.at[pl.ds(0, _CHUNK)]],
            vals.at[pl.ds(0, _CHUNK)], gsem).wait()
        return c

    lax.fori_loop(0, _NFA * _CPF, gdrain, 0)

    def reduce(g, c):
        off = g * _L
        acc = jnp.zeros((_L,), jnp.float32)
        for f in range(_NSA):
            acc = acc + vals[pl.ds(f * _BPW + off, _L)]
        accs[pl.ds(off, _L)] = acc
        return c

    lax.fori_loop(0, _GPW, reduce, 0)

    pltpu.sync_copy(accs, out_hbm.at[pl.ds(base, _BPW)])


def _body_b(*refs):
    sp_hbm, vl_hbm, dn_hbm, wb_hbm, pt_hbm = refs[:5]
    tabs = refs[5:5 + _NSB + 1]
    out_hbm = refs[6 + _NSB]
    idxs, vals, dense, wb, part, accs, ssem, gsem = refs[7 + _NSB:]

    wid = lax.axis_index("s") * _NC + lax.axis_index("c")
    base = wid * _BPW

    def sp_stage(f, c):
        pltpu.make_async_copy(
            sp_hbm.at[pl.ds((_NSA + f) * _B + base, _BPW)],
            idxs.at[pl.ds(f * _BPW, _BPW)], ssem).start()
        return c

    def vl_stage(h, c):
        pltpu.make_async_copy(
            vl_hbm.at[pl.ds(h * _B + base, _BPW)],
            idxs.at[pl.ds((_NSB + h) * _BPW, _BPW)], ssem).start()
        return c

    def dn_stage(d, c):
        pltpu.make_async_copy(
            dn_hbm.at[pl.ds(d * _B + base, _BPW)],
            dense.at[pl.ds(d * _BPW, _BPW)], ssem).start()
        return c

    lax.fori_loop(0, _NSB, sp_stage, 0)
    lax.fori_loop(0, _NH, vl_stage, 0)
    lax.fori_loop(0, _ND, dn_stage, 0)
    pltpu.make_async_copy(
        pt_hbm.at[pl.ds(base, _BPW)], part, ssem).start()
    pltpu.sync_copy(wb_hbm, wb)

    def stage_drain(f, c):
        pltpu.make_async_copy(
            sp_hbm.at[pl.ds(base, _BPW)],
            idxs.at[pl.ds(0, _BPW)], ssem).wait()
        return c

    lax.fori_loop(0, _NFB + _ND + 1, stage_drain, 0)

    for f in range(_NSB):
        for j in range(_CPF):
            r = f * _CPF + j
            pltpu.make_async_copy(
                tabs[f].at[idxs.at[pl.ds(r * _CHUNK, _CHUNK)]],
                vals.at[pl.ds(r * _CHUNK, _CHUNK)], gsem).start()

    def vfire(t, c):
        r = _NSB * _CPF + t
        pltpu.make_async_copy(
            tabs[_NSB].at[idxs.at[pl.ds(r * _CHUNK, _CHUNK)]],
            vals.at[pl.ds(r * _CHUNK, _CHUNK)], gsem).start()
        return c

    lax.fori_loop(0, _NH * _CPF, vfire, 0)

    def gdrain(r, c):
        pltpu.make_async_copy(
            tabs[0].at[idxs.at[pl.ds(0, _CHUNK)]],
            vals.at[pl.ds(0, _CHUNK)], gsem).wait()
        return c

    lax.fori_loop(0, _NFB * _CPF, gdrain, 0)

    wd = [wb[pl.ds(d * _L, _L)] for d in range(_ND)]

    def reduce(g, c):
        off = g * _L
        acc = part[pl.ds(off, _L)]
        for f in range(_NSB):
            acc = acc + vals[pl.ds(f * _BPW + off, _L)]
        vsum = jnp.zeros((_L,), jnp.float32)
        cnt = jnp.zeros((_L,), jnp.float32)
        for h in range(_NH):
            p = (_NSB + h) * _BPW + off
            v = vals[pl.ds(p, _L)]
            ix = idxs[pl.ds(p, _L)]
            m = ix > 0
            vsum = vsum + jnp.where(m, v, 0.0)
            cnt = cnt + jnp.where(m, 1.0, 0.0)
        acc = acc + vsum / jnp.maximum(cnt, 1.0)
        for d in range(_ND):
            acc = acc + dense[pl.ds(d * _BPW + off, _L)] * wd[d]
        accs[pl.ds(off, _L)] = acc
        return c

    lax.fori_loop(0, _GPW, reduce, 0)

    pltpu.sync_copy(accs, out_hbm.at[pl.ds(base, _BPW)])


@jax.jit
def _run(sp_t, dn_t, vl_t, w_b, *tabs):
    mesh = plsc.VectorSubcoreMesh(core_axis_name="c", subcore_axis_name="s")
    params = pltpu.CompilerParams(
        needs_layout_passes=False, use_tc_tiling_on_sc=False)
    kfn_a = functools.partial(
        pl.kernel,
        out_type=jax.ShapeDtypeStruct((_B,), jnp.float32),
        mesh=mesh,
        compiler_params=params,
        scratch_types=[
            pltpu.VMEM((_NIDXA,), jnp.int32),
            pltpu.VMEM((_NIDXA,), jnp.float32),
            pltpu.VMEM((_BPW,), jnp.float32),
            pltpu.SemaphoreType.DMA,
            pltpu.SemaphoreType.DMA,
        ],
    )(_body_a)
    kfn_b = functools.partial(
        pl.kernel,
        out_type=jax.ShapeDtypeStruct((_B,), jnp.float32),
        mesh=mesh,
        compiler_params=params,
        scratch_types=[
            pltpu.VMEM((_NIDXB,), jnp.int32),
            pltpu.VMEM((_NIDXB,), jnp.float32),
            pltpu.VMEM((_BPW * _ND,), jnp.float32),
            pltpu.VMEM((_ND * _L,), jnp.float32),
            pltpu.VMEM((_BPW,), jnp.float32),
            pltpu.VMEM((_BPW,), jnp.float32),
            pltpu.SemaphoreType.DMA,
            pltpu.SemaphoreType.DMA,
        ],
    )(_body_b)
    part = kfn_a(sp_t, *tabs[:_NSA])
    return kfn_b(sp_t, vl_t, dn_t, w_b, part, *tabs[_NSA:])


def kernel(sparse_idx, dense_vals, varlen_idx, emb_tables, W):
    sp_t = sparse_idx.T.reshape(-1)
    vl_t = varlen_idx.T.reshape(-1)
    dn_t = dense_vals.T.reshape(-1)
    tabs = [emb_tables[f, :, 0] for f in range(_NT)]
    w_b = jnp.broadcast_to(W.reshape(_ND, 1), (_ND, _L)).reshape(-1)
    out = _run(sp_t, dn_t, vl_t, w_b, *tabs)
    return out.reshape(_B, 1)

# --- scband reference (transcript-rebuilt; emitter-appended) ---
"""Pipeline reference for scband-linear-42056319762711 (READ-ONLY COPY).

The authoritative reference and input builder live on the scoring server;
editing this copy changes nothing except your own understanding.
"""

import jax, jax.numpy as jnp
import numpy as np

B = 16384
VOCAB = 1000000
N_SPARSE = 26
N_DENSE = 13
HIST = 50
INIT_STD = 1e-4


def setup_inputs(seed: int = 0) -> dict:
    key = jax.random.key(seed)
    k1, k2, k3, k4, k5 = jax.random.split(key, 5)
    sparse_idx = jax.random.randint(k1, (B, N_SPARSE), 0, VOCAB, dtype=jnp.int32)
    dense_vals = jax.random.normal(k2, (B, N_DENSE), dtype=jnp.float32)
    varlen_idx = jax.random.randint(k3, (B, HIST), 0, VOCAB, dtype=jnp.int32)
    # Learned params: one dim-1 linear embedding table per sparse field (26) plus
    # one shared table for the varlen field -> stacked [27, VOCAB, 1].
    emb_tables = (jax.random.normal(k4, (N_SPARSE + 1, VOCAB, 1), dtype=jnp.float32) * INIT_STD)
    W = (jax.random.normal(k5, (N_DENSE, 1), dtype=jnp.float32) * INIT_STD)
    return {"sparse_idx": sparse_idx, "dense_vals": dense_vals,
            "varlen_idx": varlen_idx, "emb_tables": emb_tables, "W": W}


def reference(sparse_idx, dense_vals, varlen_idx, emb_tables, W):
    # --- sparse feature linear embeddings (dim=1 lookups) ---
    sparse_emb_list = []
    for f in range(N_SPARSE):
        sparse_emb_list.append(jnp.take(emb_tables[f], sparse_idx[:, f], axis=0))  # [B, 1]
    # --- varlen sequence embedding lookup + masked mean pooling (0 = padding) ---
    seq_emb = jnp.take(emb_tables[N_SPARSE], varlen_idx, axis=0)  # [B, HIST, 1]
    mask = (varlen_idx > 0).astype(seq_emb.dtype)[..., None]      # [B, HIST, 1]
    pooled = jnp.sum(seq_emb * mask, axis=1) / jnp.maximum(jnp.sum(mask, axis=1), 1.0)  # [B, 1]
    sparse_emb_list.append(pooled)
    # --- linear logit ---
    sparse_emb_cat = jnp.concatenate(sparse_emb_list, axis=-1)     # [B, 27]
    linear_logit = jnp.sum(sparse_emb_cat, axis=-1, keepdims=True)  # [B, 1]
    linear_logit = linear_logit + dense_vals @ W                   # [B, 1]
    return linear_logit

if __name__ == "__main__":
    import jax
    _d = setup_inputs()
    print(jax.jit(kernel)(*tuple(_d.values())))

</pallas_src>

<mosaic_0001>
#map = affine_map<(d0, d1) -> (0)>
module attributes {stable_mosaic.version = 14 : i64} {
  func.func @_body_b(%arg0: i32, %arg1: i32, %arg2: memref<425984xi32, #tpu.memory_space<hbm>>, %arg3: memref<819200xi32, #tpu.memory_space<hbm>>, %arg4: memref<212992xf32, #tpu.memory_space<hbm>>, %arg5: memref<208xf32, #tpu.memory_space<hbm>>, %arg6: memref<16384xf32, #tpu.memory_space<hbm>>, %arg7: memref<1000000xf32, #tpu.memory_space<hbm>>, %arg8: memref<1000000xf32, #tpu.memory_space<hbm>>, %arg9: memref<1000000xf32, #tpu.memory_space<hbm>>, %arg10: memref<1000000xf32, #tpu.memory_space<hbm>>, %arg11: memref<1000000xf32, #tpu.memory_space<hbm>>, %arg12: memref<1000000xf32, #tpu.memory_space<hbm>>, %arg13: memref<1000000xf32, #tpu.memory_space<hbm>>, %arg14: memref<1000000xf32, #tpu.memory_space<hbm>>, %arg15: memref<1000000xf32, #tpu.memory_space<hbm>>, %arg16: memref<1000000xf32, #tpu.memory_space<hbm>>, %arg17: memref<1000000xf32, #tpu.memory_space<hbm>>, %arg18: memref<1000000xf32, #tpu.memory_space<hbm>>, %arg19: memref<1000000xf32, #tpu.memory_space<hbm>>, %arg20: memref<1000000xf32, #tpu.memory_space<hbm>>, %arg21: memref<16384xf32, #tpu.memory_space<hbm>>, %arg22: memref<32256xi32, #tpu.memory_space<vmem>>, %arg23: memref<32256xf32, #tpu.memory_space<vmem>>, %arg24: memref<6656xf32, #tpu.memory_space<vmem>>, %arg25: memref<208xf32, #tpu.memory_space<vmem>>, %arg26: memref<512xf32, #tpu.memory_space<vmem>>, %arg27: memref<512xf32, #tpu.memory_space<vmem>>, %arg28: memref<!tpu.dma_semaphore, #tpu.memory_space<semaphore_mem>>, %arg29: memref<!tpu.dma_semaphore, #tpu.memory_space<semaphore_mem>>) attributes {dimension_semantics = [#tpu.dimension_semantics<core_parallel>, #tpu.dimension_semantics<subcore_parallel>], iteration_bounds = array<i64: 2, 16>, scalar_prefetch = 0 : i64, scratch_operands = 8 : i64, tpu.core_type = #tpu.core_type<sc_vector_subcore>, window_params = [{transform_indices = #map}, {transform_indices = #map}, {transform_indices = #map}, {transform_indices = #map}, {transform_indices = #map}, {transform_indices = #map}, {transform_indices = #map}, {transform_indices = #map}, {transform_indices = #map}, {transform_indices = #map}, {transform_indices = #map}, {transform_indices = #map}, {transform_indices = #map}, {transform_indices = #map}, {transform_indices = #map}, {transform_indices = #map}, {transform_indices = #map}, {transform_indices = #map}, {transform_indices = #map}, {transform_indices = #map}]} {
    %mul3A = arith.constant 2 : i32
    %mul3A_0 = arith.muli %arg1, %mul3A : i32
    %add3A = arith.addi %mul3A_0, %arg0 : i32
    %mul3A_1 = arith.constant 512 : i32
    %mul3A_2 = arith.muli %add3A, %mul3A_1 : i32
    %scan3A = arith.constant 0 : i32
    %scan3A_3 = arith.constant 0 : i32
    %scan3A_4 = arith.constant 13 : i32
    %scan3A_5 = arith.addi %scan3A_3, %scan3A_4 : i32
    %scan3A_6 = arith.constant 1 : i32
    scf.for %scan3A_382 = %scan3A_3 to %scan3A_5 step %scan3A_6  : i32 {
      %add3A_383 = arith.constant 13 : i32
      %add3A_384 = arith.addi %add3A_383, %scan3A_382 : i32
      %mul3A_385 = arith.constant 16384 : i32
      %mul3A_386 = arith.muli %add3A_384, %mul3A_385 : i32
      %add3A_387 = arith.addi %mul3A_386, %mul3A_2 : i32
      %mul3A_388 = arith.constant 512 : i32
      %mul3A_389 = arith.muli %scan3A_382, %mul3A_388 : i32
      %dma_start3A_390 = tpu.memref_slice %arg22[%mul3A_389] : memref<32256xi32, #tpu.memory_space<vmem>> -> memref<512xi32, #tpu.memory_space<vmem>>
      %dma_start3A_391 = tpu.memref_slice %arg2[%add3A_387] : memref<425984xi32, #tpu.memory_space<hbm>> -> memref<512xi32, #tpu.memory_space<hbm>>
      %dma_start3A_392 = tpu.memref_slice %arg22[%mul3A_389] : memref<32256xi32, #tpu.memory_space<vmem>> -> memref<512xi32, #tpu.memory_space<vmem>>
      %dma_start3A_393 = tpu.memref_slice %arg2[%add3A_387] : memref<425984xi32, #tpu.memory_space<hbm>> -> memref<512xi32, #tpu.memory_space<hbm>>
      tpu.enqueue_dma source(%dma_start3A_393 : memref<512xi32, #tpu.memory_space<hbm>>) target(%dma_start3A_392 : memref<512xi32, #tpu.memory_space<vmem>>) target_semaphore(%arg28 : memref<!tpu.dma_semaphore, #tpu.memory_space<semaphore_mem>>)
    }
    %scan3A_7 = arith.constant 13 : i32
    %scan3A_8 = arith.constant 0 : i32
    %scan3A_9 = arith.constant 0 : i32
    %scan3A_10 = arith.constant 50 : i32
    %scan3A_11 = arith.addi %scan3A_9, %scan3A_10 : i32
    %scan3A_12 = arith.constant 1 : i32
    scf.for %scan3A_382 = %scan3A_9 to %scan3A_11 step %scan3A_12  : i32 {
      %mul3A_383 = arith.constant 16384 : i32
      %mul3A_384 = arith.muli %scan3A_382, %mul3A_383 : i32
      %add3A_385 = arith.addi %mul3A_384, %mul3A_2 : i32
      %add3A_386 = arith.constant 13 : i32
      %add3A_387 = arith.addi %add3A_386, %scan3A_382 : i32
      %mul3A_388 = arith.constant 512 : i32
      %mul3A_389 = arith.muli %add3A_387, %mul3A_388 : i32
      %dma_start3A_390 = tpu.memref_slice %arg22[%mul3A_389] : memref<32256xi32, #tpu.memory_space<vmem>> -> memref<512xi32, #tpu.memory_space<vmem>>
      %dma_start3A_391 = tpu.memref_slice %arg3[%add3A_385] : memref<819200xi32, #tpu.memory_space<hbm>> -> memref<512xi32, #tpu.memory_space<hbm>>
      %dma_start3A_392 = tpu.memref_slice %arg22[%mul3A_389] : memref<32256xi32, #tpu.memory_space<vmem>> -> memref<512xi32, #tpu.memory_space<vmem>>
      %dma_start3A_393 = tpu.memref_slice %arg3[%add3A_385] : memref<819200xi32, #tpu.memory_space<hbm>> -> memref<512xi32, #tpu.memory_space<hbm>>
      tpu.enqueue_dma source(%dma_start3A_393 : memref<512xi32, #tpu.memory_space<hbm>>) target(%dma_start3A_392 : memref<512xi32, #tpu.memory_space<vmem>>) target_semaphore(%arg28 : memref<!tpu.dma_semaphore, #tpu.memory_space<semaphore_mem>>)
    }
    %scan3A_13 = arith.constant 50 : i32
    %scan3A_14 = arith.constant 0 : i32
    %scan3A_15 = arith.constant 0 : i32
    %scan3A_16 = arith.constant 13 : i32
    %scan3A_17 = arith.addi %scan3A_15, %scan3A_16 : i32
    %scan3A_18 = arith.constant 1 : i32
    scf.for %scan3A_382 = %scan3A_15 to %scan3A_17 step %scan3A_18  : i32 {
      %mul3A_383 = arith.constant 16384 : i32
      %mul3A_384 = arith.muli %scan3A_382, %mul3A_383 : i32
      %add3A_385 = arith.addi %mul3A_384, %mul3A_2 : i32
      %mul3A_386 = arith.constant 512 : i32
      %mul3A_387 = arith.muli %scan3A_382, %mul3A_386 : i32
      %dma_start3A_388 = tpu.memref_slice %arg24[%mul3A_387] : memref<6656xf32, #tpu.memory_space<vmem>> -> memref<512xf32, #tpu.memory_space<vmem>>
      %dma_start3A_389 = tpu.memref_slice %arg4[%add3A_385] : memref<212992xf32, #tpu.memory_space<hbm>> -> memref<512xf32, #tpu.memory_space<hbm>>
      %dma_start3A_390 = tpu.memref_slice %arg24[%mul3A_387] : memref<6656xf32, #tpu.memory_space<vmem>> -> memref<512xf32, #tpu.memory_space<vmem>>
      %dma_start3A_391 = tpu.memref_slice %arg4[%add3A_385] : memref<212992xf32, #tpu.memory_space<hbm>> -> memref<512xf32, #tpu.memory_space<hbm>>
      tpu.enqueue_dma source(%dma_start3A_391 : memref<512xf32, #tpu.memory_space<hbm>>) target(%dma_start3A_390 : memref<512xf32, #tpu.memory_space<vmem>>) target_semaphore(%arg28 : memref<!tpu.dma_semaphore, #tpu.memory_space<semaphore_mem>>)
    }
    %scan3A_19 = arith.constant 13 : i32
    %dma_start3A = tpu.memref_slice %arg6[%mul3A_2] : memref<16384xf32, #tpu.memory_space<hbm>> -> memref<512xf32, #tpu.memory_space<hbm>>
    %dma_start3A_20 = tpu.memref_slice %arg6[%mul3A_2] : memref<16384xf32, #tpu.memory_space<hbm>> -> memref<512xf32, #tpu.memory_space<hbm>>
    tpu.enqueue_dma source(%dma_start3A_20 : memref<512xf32, #tpu.memory_space<hbm>>) target(%arg26 : memref<512xf32, #tpu.memory_space<vmem>>) target_semaphore(%arg28 : memref<!tpu.dma_semaphore, #tpu.memory_space<semaphore_mem>>)
    "tpu.region"() ({
      %run_scoped3A = tpu.sem_alloc : memref<!tpu.dma_semaphore, #tpu.memory_space<semaphore_mem>>
      tpu.enqueue_dma source(%arg5 : memref<208xf32, #tpu.memory_space<hbm>>) target(%arg25 : memref<208xf32, #tpu.memory_space<vmem>>) target_semaphore(%run_scoped3A : memref<!tpu.dma_semaphore, #tpu.memory_space<semaphore_mem>>)
      tpu.wait_dma2 semaphore(%run_scoped3A : memref<!tpu.dma_semaphore, #tpu.memory_space<semaphore_mem>>) src(%arg5 : memref<208xf32, #tpu.memory_space<hbm>>) dst(%arg25 : memref<208xf32, #tpu.memory_space<vmem>>)
      tpu.yield
    }) : () -> ()
    %scan3A_21 = arith.constant 0 : i32
    %scan3A_22 = arith.constant 0 : i32
    %scan3A_23 = arith.constant 77 : i32
    %scan3A_24 = arith.addi %scan3A_22, %scan3A_23 : i32
    %scan3A_25 = arith.constant 1 : i32
    scf.for %scan3A_382 = %scan3A_22 to %scan3A_24 step %scan3A_25  : i32 {
      %dma_wait3A = arith.constant 0 : i32
      %dma_wait3A_383 = tpu.memref_slice %arg22[%dma_wait3A] : memref<32256xi32, #tpu.memory_space<vmem>> -> memref<512xi32, #tpu.memory_space<vmem>>
      %dma_wait3A_384 = tpu.memref_slice %arg2[%mul3A_2] : memref<425984xi32, #tpu.memory_space<hbm>> -> memref<512xi32, #tpu.memory_space<hbm>>
      %dma_wait3A_385 = arith.constant 0 : i32
      %dma_wait3A_386 = tpu.memref_slice %arg22[%dma_wait3A_385] : memref<32256xi32, #tpu.memory_space<vmem>> -> memref<512xi32, #tpu.memory_space<vmem>>
      %dma_wait3A_387 = tpu.memref_slice %arg2[%mul3A_2] : memref<425984xi32, #tpu.memory_space<hbm>> -> memref<512xi32, #tpu.memory_space<hbm>>
      tpu.wait_dma2 semaphore(%arg28 : memref<!tpu.dma_semaphore, #tpu.memory_space<semaphore_mem>>) src(%dma_wait3A_387 : memref<512xi32, #tpu.memory_space<hbm>>) dst(%dma_wait3A_386 : memref<512xi32, #tpu.memory_space<vmem>>)
    }
    %scan3A_26 = arith.constant 77 : i32
    %dma_start3A_27 = arith.constant 0 : i32
    %dma_start3A_28 = tpu.memref_slice %arg23[%dma_start3A_27] : memref<32256xf32, #tpu.memory_space<vmem>> -> memref<128xf32, #tpu.memory_space<vmem>>
    %dma_start3A_29 = arith.constant 0 : i32
    %dma_start3A_30 = tpu.memref_slice %arg22[%dma_start3A_29] : memref<32256xi32, #tpu.memory_space<vmem>> -> memref<128xi32, #tpu.memory_space<vmem>>
    %dma_start3A_31 = arith.constant 0 : i32
    %dma_start3A_32 = tpu.memref_slice %arg7[%dma_start3A_31] : memref<1000000xf32, #tpu.memory_space<hbm>> -> memref<1000000xf32, #tpu.memory_space<hbm>>
    tpu.enqueue_indirect_dma source(%dma_start3A_32 : memref<1000000xf32, #tpu.memory_space<hbm>>) target(%dma_start3A_28 : memref<128xf32, #tpu.memory_space<vmem>>) offsets(%dma_start3A_30 : memref<128xi32, #tpu.memory_space<vmem>>) semaphore(%arg29 : memref<!tpu.dma_semaphore, #tpu.memory_space<semaphore_mem>>)
    %dma_start3A_33 = arith.constant 128 : i32
    %dma_start3A_34 = tpu.memref_slice %arg23[%dma_start3A_33] : memref<32256xf32, #tpu.memory_space<vmem>> -> memref<128xf32, #tpu.memory_space<vmem>>
    %dma_start3A_35 = arith.constant 128 : i32
    %dma_start3A_36 = tpu.memref_slice %arg22[%dma_start3A_35] : memref<32256xi32, #tpu.memory_space<vmem>> -> memref<128xi32, #tpu.memory_space<vmem>>
    %dma_start3A_37 = arith.constant 0 : i32
    %dma_start3A_38 = tpu.memref_slice %arg7[%dma_start3A_37] : memref<1000000xf32, #tpu.memory_space<hbm>> -> memref<1000000xf32, #tpu.memory_space<hbm>>
    tpu.enqueue_indirect_dma source(%dma_start3A_38 : memref<1000000xf32, #tpu.memory_space<hbm>>) target(%dma_start3A_34 : memref<128xf32, #tpu.memory_space<vmem>>) offsets(%dma_start3A_36 : memref<128xi32, #tpu.memory_space<vmem>>) semaphore(%arg29 : memref<!tpu.dma_semaphore, #tpu.memory_space<semaphore_mem>>)
    %dma_start3A_39 = arith.constant 256 : i32
    %dma_start3A_40 = tpu.memref_slice %arg23[%dma_start3A_39] : memref<32256xf32, #tpu.memory_space<vmem>> -> memref<128xf32, #tpu.memory_space<vmem>>
    %dma_start3A_41 = arith.constant 256 : i32
    %dma_start3A_42 = tpu.memref_slice %arg22[%dma_start3A_41] : memref<32256xi32, #tpu.memory_space<vmem>> -> memref<128xi32, #tpu.memory_space<vmem>>
    %dma_start3A_43 = arith.constant 0 : i32
    %dma_start3A_44 = tpu.memref_slice %arg7[%dma_start3A_43] : memref<1000000xf32, #tpu.memory_space<hbm>> -> memref<1000000xf32, #tpu.memory_space<hbm>>
    tpu.enqueue_indirect_dma source(%dma_start3A_44 : memref<1000000xf32, #tpu.memory_space<hbm>>) target(%dma_start3A_40 : memref<128xf32, #tpu.memory_space<vmem>>) offsets(%dma_start3A_42 : memref<128xi32, #tpu.memory_space<vmem>>) semaphore(%arg29 : memref<!tpu.dma_semaphore, #tpu.memory_space<semaphore_mem>>)
    %dma_start3A_45 = arith.constant 384 : i32
    %dma_start3A_46 = tpu.memref_slice %arg23[%dma_start3A_45] : memref<32256xf32, #tpu.memory_space<vmem>> -> memref<128xf32, #tpu.memory_space<vmem>>
    %dma_start3A_47 = arith.constant 384 : i32
    %dma_start3A_48 = tpu.memref_slice %arg22[%dma_start3A_47] : memref<32256xi32, #tpu.memory_space<vmem>> -> memref<128xi32, #tpu.memory_space<vmem>>
    %dma_start3A_49 = arith.constant 0 : i32
    %dma_start3A_50 = tpu.memref_slice %arg7[%dma_start3A_49] : memref<1000000xf32, #tpu.memory_space<hbm>> -> memref<1000000xf32, #tpu.memory_space<hbm>>
    tpu.enqueue_indirect_dma source(%dma_start3A_50 : memref<1000000xf32, #tpu.memory_space<hbm>>) target(%dma_start3A_46 : memref<128xf32, #tpu.memory_space<vmem>>) offsets(%dma_start3A_48 : memref<128xi32, #tpu.memory_space<vmem>>) semaphore(%arg29 : memref<!tpu.dma_semaphore, #tpu.memory_space<semaphore_mem>>)
    %dma_start3A_51 = arith.constant 512 : i32
    %dma_start3A_52 = tpu.memref_slice %arg23[%dma_start3A_51] : memref<32256xf32, #tpu.memory_space<vmem>> -> memref<128xf32, #tpu.memory_space<vmem>>
    %dma_start3A_53 = arith.constant 512 : i32
    %dma_start3A_54 = tpu.memref_slice %arg22[%dma_start3A_53] : memref<32256xi32, #tpu.memory_space<vmem>> -> memref<128xi32, #tpu.memory_space<vmem>>
    %dma_start3A_55 = arith.constant 0 : i32
    %dma_start3A_56 = tpu.memref_slice %arg8[%dma_start3A_55] : memref<1000000xf32, #tpu.memory_space<hbm>> -> memref<1000000xf32, #tpu.memory_space<hbm>>
    tpu.enqueue_indirect_dma source(%dma_start3A_56 : memref<1000000xf32, #tpu.memory_space<hbm>>) target(%dma_start3A_52 : memref<128xf32, #tpu.memory_space<vmem>>) offsets(%dma_start3A_54 : memref<128xi32, #tpu.memory_space<vmem>>) semaphore(%arg29 : memref<!tpu.dma_semaphore, #tpu.memory_space<semaphore_mem>>)
    %dma_start3A_57 = arith.constant 640 : i32
    %dma_start3A_58 = tpu.memref_slice %arg23[%dma_start3A_57] : memref<32256xf32, #tpu.memory_space<vmem>> -> memref<128xf32, #tpu.memory_space<vmem>>
    %dma_start3A_59 = arith.constant 640 : i32
    %dma_start3A_60 = tpu.memref_slice %arg22[%dma_start3A_59] : memref<32256xi32, #tpu.memory_space<vmem>> -> memref<128xi32, #tpu.memory_space<vmem>>
    %dma_start3A_61 = arith.constant 0 : i32
    %dma_start3A_62 = tpu.memref_slice %arg8[%dma_start3A_61] : memref<1000000xf32, #tpu.memory_space<hbm>> -> memref<1000000xf32, #tpu.memory_space<hbm>>
    tpu.enqueue_indirect_dma source(%dma_start3A_62 : memref<1000000xf32, #tpu.memory_space<hbm>>) target(%dma_start3A_58 : memref<128xf32, #tpu.memory_space<vmem>>) offsets(%dma_start3A_60 : memref<128xi32, #tpu.memory_space<vmem>>) semaphore(%arg29 : memref<!tpu.dma_semaphore, #tpu.memory_space<semaphore_mem>>)
    %dma_start3A_63 = arith.constant 768 : i32
    %dma_start3A_64 = tpu.memref_slice %arg23[%dma_start3A_63] : memref<32256xf32, #tpu.memory_space<vmem>> -> memref<128xf32, #tpu.memory_space<vmem>>
    %dma_start3A_65 = arith.constant 768 : i32
    %dma_start3A_66 = tpu.memref_slice %arg22[%dma_start3A_65] : memref<32256xi32, #tpu.memory_space<vmem>> -> memref<128xi32, #tpu.memory_space<vmem>>
    %dma_start3A_67 = arith.constant 0 : i32
    %dma_start3A_68 = tpu.memref_slice %arg8[%dma_start3A_67] : memref<1000000xf32, #tpu.memory_space<hbm>> -> memref<1000000xf32, #tpu.memory_space<hbm>>
    tpu.enqueue_indirect_dma source(%dma_start3A_68 : memref<1000000xf32, #tpu.memory_space<hbm>>) target(%dma_start3A_64 : memref<128xf32, #tpu.memory_space<vmem>>) offsets(%dma_start3A_66 : memref<128xi32, #tpu.memory_space<vmem>>) semaphore(%arg29 : memref<!tpu.dma_semaphore, #tpu.memory_space<semaphore_mem>>)
    %dma_start3A_69 = arith.constant 896 : i32
    %dma_start3A_70 = tpu.memref_slice %arg23[%dma_start3A_69] : memref<32256xf32, #tpu.memory_space<vmem>> -> memref<128xf32, #tpu.memory_space<vmem>>
    %dma_start3A_71 = arith.constant 896 : i32
    %dma_start3A_72 = tpu.memref_slice %arg22[%dma_start3A_71] : memref<32256xi32, #tpu.memory_space<vmem>> -> memref<128xi32, #tpu.memory_space<vmem>>
    %dma_start3A_73 = arith.constant 0 : i32
    %dma_start3A_74 = tpu.memref_slice %arg8[%dma_start3A_73] : memref<1000000xf32, #tpu.memory_space<hbm>> -> memref<1000000xf32, #tpu.memory_space<hbm>>
    tpu.enqueue_indirect_dma source(%dma_start3A_74 : memref<1000000xf32, #tpu.memory_space<hbm>>) target(%dma_start3A_70 : memref<128xf32, #tpu.memory_space<vmem>>) offsets(%dma_start3A_72 : memref<128xi32, #tpu.memory_space<vmem>>) semaphore(%arg29 : memref<!tpu.dma_semaphore, #tpu.memory_space<semaphore_mem>>)
    %dma_start3A_75 = arith.constant 1024 : i32
    %dma_start3A_76 = tpu.memref_slice %arg23[%dma_start3A_75] : memref<32256xf32, #tpu.memory_space<vmem>> -> memref<128xf32, #tpu.memory_space<vmem>>
    %dma_start3A_77 = arith.constant 1024 : i32
    %dma_start3A_78 = tpu.memref_slice %arg22[%dma_start3A_77] : memref<32256xi32, #tpu.memory_space<vmem>> -> memref<128xi32, #tpu.memory_space<vmem>>
    %dma_start3A_79 = arith.constant 0 : i32
    %dma_start3A_80 = tpu.memref_slice %arg9[%dma_start3A_79] : memref<1000000xf32, #tpu.memory_space<hbm>> -> memref<1000000xf32, #tpu.memory_space<hbm>>
    tpu.enqueue_indirect_dma source(%dma_start3A_80 : memref<1000000xf32, #tpu.memory_space<hbm>>) target(%dma_start3A_76 : memref<128xf32, #tpu.memory_space<vmem>>) offsets(%dma_start3A_78 : memref<128xi32, #tpu.memory_space<vmem>>) semaphore(%arg29 : memref<!tpu.dma_semaphore, #tpu.memory_space<semaphore_mem>>)
    %dma_start3A_81 = arith.constant 1152 : i32
    %dma_start3A_82 = tpu.memref_slice %arg23[%dma_start3A_81] : memref<32256xf32, #tpu.memory_space<vmem>> -> memref<128xf32, #tpu.memory_space<vmem>>
    %dma_start3A_83 = arith.constant 1152 : i32
    %dma_start3A_84 = tpu.memref_slice %arg22[%dma_start3A_83] : memref<32256xi32, #tpu.memory_space<vmem>> -> memref<128xi32, #tpu.memory_space<vmem>>
    %dma_start3A_85 = arith.constant 0 : i32
    %dma_start3A_86 = tpu.memref_slice %arg9[%dma_start3A_85] : memref<1000000xf32, #tpu.memory_space<hbm>> -> memref<1000000xf32, #tpu.memory_space<hbm>>
    tpu.enqueue_indirect_dma source(%dma_start3A_86 : memref<1000000xf32, #tpu.memory_space<hbm>>) target(%dma_start3A_82 : memref<128xf32, #tpu.memory_space<vmem>>) offsets(%dma_start3A_84 : memref<128xi32, #tpu.memory_space<vmem>>) semaphore(%arg29 : memref<!tpu.dma_semaphore, #tpu.memory_space<semaphore_mem>>)
    %dma_start3A_87 = arith.constant 1280 : i32
    %dma_start3A_88 = tpu.memref_slice %arg23[%dma_start3A_87] : memref<32256xf32, #tpu.memory_space<vmem>> -> memref<128xf32, #tpu.memory_space<vmem>>
    %dma_start3A_89 = arith.constant 1280 : i32
    %dma_start3A_90 = tpu.memref_slice %arg22[%dma_start3A_89] : memref<32256xi32, #tpu.memory_space<vmem>> -> memref<128xi32, #tpu.memory_space<vmem>>
    %dma_start3A_91 = arith.constant 0 : i32
    %dma_start3A_92 = tpu.memref_slice %arg9[%dma_start3A_91] : memref<1000000xf32, #tpu.memory_space<hbm>> -> memref<1000000xf32, #tpu.memory_space<hbm>>
    tpu.enqueue_indirect_dma source(%dma_start3A_92 : memref<1000000xf32, #tpu.memory_space<hbm>>) target(%dma_start3A_88 : memref<128xf32, #tpu.memory_space<vmem>>) offsets(%dma_start3A_90 : memref<128xi32, #tpu.memory_space<vmem>>) semaphore(%arg29 : memref<!tpu.dma_semaphore, #tpu.memory_space<semaphore_mem>>)
    %dma_start3A_93 = arith.constant 1408 : i32
    %dma_start3A_94 = tpu.memref_slice %arg23[%dma_start3A_93] : memref<32256xf32, #tpu.memory_space<vmem>> -> memref<128xf32, #tpu.memory_space<vmem>>
    %dma_start3A_95 = arith.constant 1408 : i32
    %dma_start3A_96 = tpu.memref_slice %arg22[%dma_start3A_95] : memref<32256xi32, #tpu.memory_space<vmem>> -> memref<128xi32, #tpu.memory_space<vmem>>
    %dma_start3A_97 = arith.constant 0 : i32
    %dma_start3A_98 = tpu.memref_slice %arg9[%dma_start3A_97] : memref<1000000xf32, #tpu.memory_space<hbm>> -> memref<1000000xf32, #tpu.memory_space<hbm>>
    tpu.enqueue_indirect_dma source(%dma_start3A_98 : memref<1000000xf32, #tpu.memory_space<hbm>>) target(%dma_start3A_94 : memref<128xf32, #tpu.memory_space<vmem>>) offsets(%dma_start3A_96 : memref<128xi32, #tpu.memory_space<vmem>>) semaphore(%arg29 : memref<!tpu.dma_semaphore, #tpu.memory_space<semaphore_mem>>)
    %dma_start3A_99 = arith.constant 1536 : i32
    %dma_start3A_100 = tpu.memref_slice %arg23[%dma_start3A_99] : memref<32256xf32, #tpu.memory_space<vmem>> -> memref<128xf32, #tpu.memory_space<vmem>>
    %dma_start3A_101 = arith.constant 1536 : i32
    %dma_start3A_102 = tpu.memref_slice %arg22[%dma_start3A_101] : memref<32256xi32, #tpu.memory_space<vmem>> -> memref<128xi32, #tpu.memory_space<vmem>>
    %dma_start3A_103 = arith.constant 0 : i32
    %dma_start3A_104 = tpu.memref_slice %arg10[%dma_start3A_103] : memref<1000000xf32, #tpu.memory_space<hbm>> -> memref<1000000xf32, #tpu.memory_space<hbm>>
    tpu.enqueue_indirect_dma source(%dma_start3A_104 : memref<1000000xf32, #tpu.memory_space<hbm>>) target(%dma_start3A_100 : memref<128xf32, #tpu.memory_space<vmem>>) offsets(%dma_start3A_102 : memref<128xi32, #tpu.memory_space<vmem>>) semaphore(%arg29 : memref<!tpu.dma_semaphore, #tpu.memory_space<semaphore_mem>>)
    %dma_start3A_105 = arith.constant 1664 : i32
    %dma_start3A_106 = tpu.memref_slice %arg23[%dma_start3A_105] : memref<32256xf32, #tpu.memory_space<vmem>> -> memref<128xf32, #tpu.memory_space<vmem>>
    %dma_start3A_107 = arith.constant 1664 : i32
    %dma_start3A_108 = tpu.memref_slice %arg22[%dma_start3A_107] : memref<32256xi32, #tpu.memory_space<vmem>> -> memref<128xi32, #tpu.memory_space<vmem>>
    %dma_start3A_109 = arith.constant 0 : i32
    %dma_start3A_110 = tpu.memref_slice %arg10[%dma_start3A_109] : memref<1000000xf32, #tpu.memory_space<hbm>> -> memref<1000000xf32, #tpu.memory_space<hbm>>
    tpu.enqueue_indirect_dma source(%dma_start3A_110 : memref<1000000xf32, #tpu.memory_space<hbm>>) target(%dma_start3A_106 : memref<128xf32, #tpu.memory_space<vmem>>) offsets(%dma_start3A_108 : memref<128xi32, #tpu.memory_space<vmem>>) semaphore(%arg29 : memref<!tpu.dma_semaphore, #tpu.memory_space<semaphore_mem>>)
    %dma_start3A_111 = arith.constant 1792 : i32
    %dma_start3A_112 = tpu.memref_slice %arg23[%dma_start3A_111] : memref<32256xf32, #tpu.memory_space<vmem>> -> memref<128xf32, #tpu.memory_space<vmem>>
    %dma_start3A_113 = arith.constant 1792 : i32
    %dma_start3A_114 = tpu.memref_slice %arg22[%dma_start3A_113] : memref<32256xi32, #tpu.memory_space<vmem>> -> memref<128xi32, #tpu.memory_space<vmem>>
    %dma_start3A_115 = arith.constant 0 : i32
    %dma_start3A_116 = tpu.memref_slice %arg10[%dma_start3A_115] : memref<1000000xf32, #tpu.memory_space<hbm>> -> memref<1000000xf32, #tpu.memory_space<hbm>>
    tpu.enqueue_indirect_dma source(%dma_start3A_116 : memref<1000000xf32, #tpu.memory_space<hbm>>) target(%dma_start3A_112 : memref<128xf32, #tpu.memory_space<vmem>>) offsets(%dma_start3A_114 : memref<128xi32, #tpu.memory_space<vmem>>) semaphore(%arg29 : memref<!tpu.dma_semaphore, #tpu.memory_space<semaphore_mem>>)
    %dma_start3A_117 = arith.constant 1920 : i32
    %dma_start3A_118 = tpu.memref_slice %arg23[%dma_start3A_117] : memref<32256xf32, #tpu.memory_space<vmem>> -> memref<128xf32, #tpu.memory_space<vmem>>
    %dma_start3A_119 = arith.constant 1920 : i32
    %dma_start3A_120 = tpu.memref_slice %arg22[%dma_start3A_119] : memref<32256xi32, #tpu.memory_space<vmem>> -> memref<128xi32, #tpu.memory_space<vmem>>
    %dma_start3A_121 = arith.constant 0 : i32
    %dma_start3A_122 = tpu.memref_slice %arg10[%dma_start3A_121] : memref<1000000xf32, #tpu.memory_space<hbm>> -> memref<1000000xf32, #tpu.memory_space<hbm>>
    tpu.enqueue_indirect_dma source(%dma_start3A_122 : memref<1000000xf32, #tpu.memory_space<hbm>>) target(%dma_start3A_118 : memref<128xf32, #tpu.memory_space<vmem>>) offsets(%dma_start3A_120 : memref<128xi32, #tpu.memory_space<vmem>>) semaphore(%arg29 : memref<!tpu.dma_semaphore, #tpu.memory_space<semaphore_mem>>)
    %dma_start3A_123 = arith.constant 2048 : i32
    %dma_start3A_124 = tpu.memref_slice %arg23[%dma_start3A_123] : memref<32256xf32, #tpu.memory_space<vmem>> -> memref<128xf32, #tpu.memory_space<vmem>>
    %dma_start3A_125 = arith.constant 2048 : i32
    %dma_start3A_126 = tpu.memref_slice %arg22[%dma_start3A_125] : memref<32256xi32, #tpu.memory_space<vmem>> -> memref<128xi32, #tpu.memory_space<vmem>>
    %dma_start3A_127 = arith.constant 0 : i32
    %dma_start3A_128 = tpu.memref_slice %arg11[%dma_start3A_127] : memref<1000000xf32, #tpu.memory_space<hbm>> -> memref<1000000xf32, #tpu.memory_space<hbm>>
    tpu.enqueue_indirect_dma source(%dma_start3A_128 : memref<1000000xf32, #tpu.memory_space<hbm>>) target(%dma_start3A_124 : memref<128xf32, #tpu.memory_space<vmem>>) offsets(%dma_start3A_126 : memref<128xi32, #tpu.memory_space<vmem>>) semaphore(%arg29 : memref<!tpu.dma_semaphore, #tpu.memory_space<semaphore_mem>>)
    %dma_start3A_129 = arith.constant 2176 : i32
    %dma_start3A_130 = tpu.memref_slice %arg23[%dma_start3A_129] : memref<32256xf32, #tpu.memory_space<vmem>> -> memref<128xf32, #tpu.memory_space<vmem>>
    %dma_start3A_131 = arith.constant 2176 : i32
    %dma_start3A_132 = tpu.memref_slice %arg22[%dma_start3A_131] : memref<32256xi32, #tpu.memory_space<vmem>> -> memref<128xi32, #tpu.memory_space<vmem>>
    %dma_start3A_133 = arith.constant 0 : i32
    %dma_start3A_134 = tpu.memref_slice %arg11[%dma_start3A_133] : memref<1000000xf32, #tpu.memory_space<hbm>> -> memref<1000000xf32, #tpu.memory_space<hbm>>
    tpu.enqueue_indirect_dma source(%dma_start3A_134 : memref<1000000xf32, #tpu.memory_space<hbm>>) target(%dma_start3A_130 : memref<128xf32, #tpu.memory_space<vmem>>) offsets(%dma_start3A_132 : memref<128xi32, #tpu.memory_space<vmem>>) semaphore(%arg29 : memref<!tpu.dma_semaphore, #tpu.memory_space<semaphore_mem>>)
    %dma_start3A_135 = arith.constant 2304 : i32
    %dma_start3A_136 = tpu.memref_slice %arg23[%dma_start3A_135] : memref<32256xf32, #tpu.memory_space<vmem>> -> memref<128xf32, #tpu.memory_space<vmem>>
    %dma_start3A_137 = arith.constant 2304 : i32
    %dma_start3A_138 = tpu.memref_slice %arg22[%dma_start3A_137] : memref<32256xi32, #tpu.memory_space<vmem>> -> memref<128xi32, #tpu.memory_space<vmem>>
    %dma_start3A_139 = arith.constant 0 : i32
    %dma_start3A_140 = tpu.memref_slice %arg11[%dma_start3A_139] : memref<1000000xf32, #tpu.memory_space<hbm>> -> memref<1000000xf32, #tpu.memory_space<hbm>>
    tpu.enqueue_indirect_dma source(%dma_start3A_140 : memref<1000000xf32, #tpu.memory_space<hbm>>) target(%dma_start3A_136 : memref<128xf32, #tpu.memory_space<vmem>>) offsets(%dma_start3A_138 : memref<128xi32, #tpu.memory_space<vmem>>) semaphore(%arg29 : memref<!tpu.dma_semaphore, #tpu.memory_space<semaphore_mem>>)
    %dma_start3A_141 = arith.constant 2432 : i32
    %dma_start3A_142 = tpu.memref_slice %arg23[%dma_start3A_141] : memref<32256xf32, #tpu.memory_space<vmem>> -> memref<128xf32, #tpu.memory_space<vmem>>
    %dma_start3A_143 = arith.constant 2432 : i32
    %dma_start3A_144 = tpu.memref_slice %arg22[%dma_start3A_143] : memref<32256xi32, #tpu.memory_space<vmem>> -> memref<128xi32, #tpu.memory_space<vmem>>
    %dma_start3A_145 = arith.constant 0 : i32
    %dma_start3A_146 = tpu.memref_slice %arg11[%dma_start3A_145] : memref<1000000xf32, #tpu.memory_space<hbm>> -> memref<1000000xf32, #tpu.memory_space<hbm>>
    tpu.enqueue_indirect_dma source(%dma_start3A_146 : memref<1000000xf32, #tpu.memory_space<hbm>>) target(%dma_start3A_142 : memref<128xf32, #tpu.memory_space<vmem>>) offsets(%dma_start3A_144 : memref<128xi32, #tpu.memory_space<vmem>>) semaphore(%arg29 : memref<!tpu.dma_semaphore, #tpu.memory_space<semaphore_mem>>)
    %dma_start3A_147 = arith.constant 2560 : i32
    %dma_start3A_148 = tpu.memref_slice %arg23[%dma_start3A_147] : memref<32256xf32, #tpu.memory_space<vmem>> -> memref<128xf32, #tpu.memory_space<vmem>>
    %dma_start3A_149 = arith.constant 2560 : i32
    %dma_start3A_150 = tpu.memref_slice %arg22[%dma_start3A_149] : memref<32256xi32, #tpu.memory_space<vmem>> -> memref<128xi32, #tpu.memory_space<vmem>>
    %dma_start3A_151 = arith.constant 0 : i32
    %dma_start3A_152 = tpu.memref_slice %arg12[%dma_start3A_151] : memref<1000000xf32, #tpu.memory_space<hbm>> -> memref<1000000xf32, #tpu.memory_space<hbm>>
    tpu.enqueue_indirect_dma source(%dma_start3A_152 : memref<1000000xf32, #tpu.memory_space<hbm>>) target(%dma_start3A_148 : memref<128xf32, #tpu.memory_space<vmem>>) offsets(%dma_start3A_150 : memref<128xi32, #tpu.memory_space<vmem>>) semaphore(%arg29 : memref<!tpu.dma_semaphore, #tpu.memory_space<semaphore_mem>>)
    %dma_start3A_153 = arith.constant 2688 : i32
    %dma_start3A_154 = tpu.memref_slice %arg23[%dma_start3A_153] : memref<32256xf32, #tpu.memory_space<vmem>> -> memref<128xf32, #tpu.memory_space<vmem>>
    %dma_start3A_155 = arith.constant 2688 : i32
    %dma_start3A_156 = tpu.memref_slice %arg22[%dma_start3A_155] : memref<32256xi32, #tpu.memory_space<vmem>> -> memref<128xi32, #tpu.memory_space<vmem>>
    %dma_start3A_157 = arith.constant 0 : i32
    %dma_start3A_158 = tpu.memref_slice %arg12[%dma_start3A_157] : memref<1000000xf32, #tpu.memory_space<hbm>> -> memref<1000000xf32, #tpu.memory_space<hbm>>
    tpu.enqueue_indirect_dma source(%dma_start3A_158 : memref<1000000xf32, #tpu.memory_space<hbm>>) target(%dma_start3A_154 : memref<128xf32, #tpu.memory_space<vmem>>) offsets(%dma_start3A_156 : memref<128xi32, #tpu.memory_space<vmem>>) semaphore(%arg29 : memref<!tpu.dma_semaphore, #tpu.memory_space<semaphore_mem>>)
    %dma_start3A_159 = arith.constant 2816 : i32
    %dma_start3A_160 = tpu.memref_slice %arg23[%dma_start3A_159] : memref<32256xf32, #tpu.memory_space<vmem>> -> memref<128xf32, #tpu.memory_space<vmem>>
    %dma_start3A_161 = arith.constant 2816 : i32
    %dma_start3A_162 = tpu.memref_slice %arg22[%dma_start3A_161] : memref<32256xi32, #tpu.memory_space<vmem>> -> memref<128xi32, #tpu.memory_space<vmem>>
    %dma_start3A_163 = arith.constant 0 : i32
    %dma_start3A_164 = tpu.memref_slice %arg12[%dma_start3A_163] : memref<1000000xf32, #tpu.memory_space<hbm>> -> memref<1000000xf32, #tpu.memory_space<hbm>>
    tpu.enqueue_indirect_dma source(%dma_start3A_164 : memref<1000000xf32, #tpu.memory_space<hbm>>) target(%dma_start3A_160 : memref<128xf32, #tpu.memory_space<vmem>>) offsets(%dma_start3A_162 : memref<128xi32, #tpu.memory_space<vmem>>) semaphore(%arg29 : memref<!tpu.dma_semaphore, #tpu.memory_space<semaphore_mem>>)
    %dma_start3A_165 = arith.constant 2944 : i32
    %dma_start3A_166 = tpu.memref_slice %arg23[%dma_start3A_165] : memref<32256xf32, #tpu.memory_space<vmem>> -> memref<128xf32, #tpu.memory_space<vmem>>
    %dma_start3A_167 = arith.constant 2944 : i32
    %dma_start3A_168 = tpu.memref_slice %arg22[%dma_start3A_167] : memref<32256xi32, #tpu.memory_space<vmem>> -> memref<128xi32, #tpu.memory_space<vmem>>
    %dma_start3A_169 = arith.constant 0 : i32
    %dma_start3A_170 = tpu.memref_slice %arg12[%dma_start3A_169] : memref<1000000xf32, #tpu.memory_space<hbm>> -> memref<1000000xf32, #tpu.memory_space<hbm>>
    tpu.enqueue_indirect_dma source(%dma_start3A_170 : memref<1000000xf32, #tpu.memory_space<hbm>>) target(%dma_start3A_166 : memref<128xf32, #tpu.memory_space<vmem>>) offsets(%dma_start3A_168 : memref<128xi32, #tpu.memory_space<vmem>>) semaphore(%arg29 : memref<!tpu.dma_semaphore, #tpu.memory_space<semaphore_mem>>)
    %dma_start3A_171 = arith.constant 3072 : i32
    %dma_start3A_172 = tpu.memref_slice %arg23[%dma_start3A_171] : memref<32256xf32, #tpu.memory_space<vmem>> -> memref<128xf32, #tpu.memory_space<vmem>>
    %dma_start3A_173 = arith.constant 3072 : i32
    %dma_start3A_174 = tpu.memref_slice %arg22[%dma_start3A_173] : memref<32256xi32, #tpu.memory_space<vmem>> -> memref<128xi32, #tpu.memory_space<vmem>>
    %dma_start3A_175 = arith.constant 0 : i32
    %dma_start3A_176 = tpu.memref_slice %arg13[%dma_start3A_175] : memref<1000000xf32, #tpu.memory_space<hbm>> -> memref<1000000xf32, #tpu.memory_space<hbm>>
    tpu.enqueue_indirect_dma source(%dma_start3A_176 : memref<1000000xf32, #tpu.memory_space<hbm>>) target(%dma_start3A_172 : memref<128xf32, #tpu.memory_space<vmem>>) offsets(%dma_start3A_174 : memref<128xi32, #tpu.memory_space<vmem>>) semaphore(%arg29 : memref<!tpu.dma_semaphore, #tpu.memory_space<semaphore_mem>>)
    %dma_start3A_177 = arith.constant 3200 : i32
    %dma_start3A_178 = tpu.memref_slice %arg23[%dma_start3A_177] : memref<32256xf32, #tpu.memory_space<vmem>> -> memref<128xf32, #tpu.memory_space<vmem>>
    %dma_start3A_179 = arith.constant 3200 : i32
    %dma_start3A_180 = tpu.memref_slice %arg22[%dma_start3A_179] : memref<32256xi32, #tpu.memory_space<vmem>> -> memref<128xi32, #tpu.memory_space<vmem>>
    %dma_start3A_181 = arith.constant 0 : i32
    %dma_start3A_182 = tpu.memref_slice %arg13[%dma_start3A_181] : memref<1000000xf32, #tpu.memory_space<hbm>> -> memref<1000000xf32, #tpu.memory_space<hbm>>
    tpu.enqueue_indirect_dma source(%dma_start3A_182 : memref<1000000xf32, #tpu.memory_space<hbm>>) target(%dma_start3A_178 : memref<128xf32, #tpu.memory_space<vmem>>) offsets(%dma_start3A_180 : memref<128xi32, #tpu.memory_space<vmem>>) semaphore(%arg29 : memref<!tpu.dma_semaphore, #tpu.memory_space<semaphore_mem>>)
    %dma_start3A_183 = arith.constant 3328 : i32
    %dma_start3A_184 = tpu.memref_slice %arg23[%dma_start3A_183] : memref<32256xf32, #tpu.memory_space<vmem>> -> memref<128xf32, #tpu.memory_space<vmem>>
    %dma_start3A_185 = arith.constant 3328 : i32
    %dma_start3A_186 = tpu.memref_slice %arg22[%dma_start3A_185] : memref<32256xi32, #tpu.memory_space<vmem>> -> memref<128xi32, #tpu.memory_space<vmem>>
    %dma_start3A_187 = arith.constant 0 : i32
    %dma_start3A_188 = tpu.memref_slice %arg13[%dma_start3A_187] : memref<1000000xf32, #tpu.memory_space<hbm>> -> memref<1000000xf32, #tpu.memory_space<hbm>>
    tpu.enqueue_indirect_dma source(%dma_start3A_188 : memref<1000000xf32, #tpu.memory_space<hbm>>) target(%dma_start3A_184 : memref<128xf32, #tpu.memory_space<vmem>>) offsets(%dma_start3A_186 : memref<128xi32, #tpu.memory_space<vmem>>) semaphore(%arg29 : memref<!tpu.dma_semaphore, #tpu.memory_space<semaphore_mem>>)
    %dma_start3A_189 = arith.constant 3456 : i32
    %dma_start3A_190 = tpu.memref_slice %arg23[%dma_start3A_189] : memref<32256xf32, #tpu.memory_space<vmem>> -> memref<128xf32, #tpu.memory_space<vmem>>
    %dma_start3A_191 = arith.constant 3456 : i32
    %dma_start3A_192 = tpu.memref_slice %arg22[%dma_start3A_191] : memref<32256xi32, #tpu.memory_space<vmem>> -> memref<128xi32, #tpu.memory_space<vmem>>
    %dma_start3A_193 = arith.constant 0 : i32
    %dma_start3A_194 = tpu.memref_slice %arg13[%dma_start3A_193] : memref<1000000xf32, #tpu.memory_space<hbm>> -> memref<1000000xf32, #tpu.memory_space<hbm>>
    tpu.enqueue_indirect_dma source(%dma_start3A_194 : memref<1000000xf32, #tpu.memory_space<hbm>>) target(%dma_start3A_190 : memref<128xf32, #tpu.memory_space<vmem>>) offsets(%dma_start3A_192 : memref<128xi32, #tpu.memory_space<vmem>>) semaphore(%arg29 : memref<!tpu.dma_semaphore, #tpu.memory_space<semaphore_mem>>)
    %dma_start3A_195 = arith.constant 3584 : i32
    %dma_start3A_196 = tpu.memref_slice %arg23[%dma_start3A_195] : memref<32256xf32, #tpu.memory_space<vmem>> -> memref<128xf32, #tpu.memory_space<vmem>>
    %dma_start3A_197 = arith.constant 3584 : i32
    %dma_start3A_198 = tpu.memref_slice %arg22[%dma_start3A_197] : memref<32256xi32, #tpu.memory_space<vmem>> -> memref<128xi32, #tpu.memory_space<vmem>>
    %dma_start3A_199 = arith.constant 0 : i32
    %dma_start3A_200 = tpu.memref_slice %arg14[%dma_start3A_199] : memref<1000000xf32, #tpu.memory_space<hbm>> -> memref<1000000xf32, #tpu.memory_space<hbm>>
    tpu.enqueue_indirect_dma source(%dma_start3A_200 : memref<1000000xf32, #tpu.memory_space<hbm>>) target(%dma_start3A_196 : memref<128xf32, #tpu.memory_space<vmem>>) offsets(%dma_start3A_198 : memref<128xi32, #tpu.memory_space<vmem>>) semaphore(%arg29 : memref<!tpu.dma_semaphore, #tpu.memory_space<semaphore_mem>>)
    %dma_start3A_201 = arith.constant 3712 : i32
    %dma_start3A_202 = tpu.memref_slice %arg23[%dma_start3A_201] : memref<32256xf32, #tpu.memory_space<vmem>> -> memref<128xf32, #tpu.memory_space<vmem>>
    %dma_start3A_203 = arith.constant 3712 : i32
    %dma_start3A_204 = tpu.memref_slice %arg22[%dma_start3A_203] : memref<32256xi32, #tpu.memory_space<vmem>> -> memref<128xi32, #tpu.memory_space<vmem>>
    %dma_start3A_205 = arith.constant 0 : i32
    %dma_start3A_206 = tpu.memref_slice %arg14[%dma_start3A_205] : memref<1000000xf32, #tpu.memory_space<hbm>> -> memref<1000000xf32, #tpu.memory_space<hbm>>
    tpu.enqueue_indirect_dma source(%dma_start3A_206 : memref<1000000xf32, #tpu.memory_space<hbm>>) target(%dma_start3A_202 : memref<128xf32, #tpu.memory_space<vmem>>) offsets(%dma_start3A_204 : memref<128xi32, #tpu.memory_space<vmem>>) semaphore(%arg29 : memref<!tpu.dma_semaphore, #tpu.memory_space<semaphore_mem>>)
    %dma_start3A_207 = arith.constant 3840 : i32
    %dma_start3A_208 = tpu.memref_slice %arg23[%dma_start3A_207] : memref<32256xf32, #tpu.memory_space<vmem>> -> memref<128xf32, #tpu.memory_space<vmem>>
    %dma_start3A_209 = arith.constant 3840 : i32
    %dma_start3A_210 = tpu.memref_slice %arg22[%dma_start3A_209] : memref<32256xi32, #tpu.memory_space<vmem>> -> memref<128xi32, #tpu.memory_space<vmem>>
    %dma_start3A_211 = arith.constant 0 : i32
    %dma_start3A_212 = tpu.memref_slice %arg14[%dma_start3A_211] : memref<1000000xf32, #tpu.memory_space<hbm>> -> memref<1000000xf32, #tpu.memory_space<hbm>>
    tpu.enqueue_indirect_dma source(%dma_start3A_212 : memref<1000000xf32, #tpu.memory_space<hbm>>) target(%dma_start3A_208 : memref<128xf32, #tpu.memory_space<vmem>>) offsets(%dma_start3A_210 : memref<128xi32, #tpu.memory_space<vmem>>) semaphore(%arg29 : memref<!tpu.dma_semaphore, #tpu.memory_space<semaphore_mem>>)
    %dma_start3A_213 = arith.constant 3968 : i32
    %dma_start3A_214 = tpu.memref_slice %arg23[%dma_start3A_213] : memref<32256xf32, #tpu.memory_space<vmem>> -> memref<128xf32, #tpu.memory_space<vmem>>
    %dma_start3A_215 = arith.constant 3968 : i32
    %dma_start3A_216 = tpu.memref_slice %arg22[%dma_start3A_215] : memref<32256xi32, #tpu.memory_space<vmem>> -> memref<128xi32, #tpu.memory_space<vmem>>
    %dma_start3A_217 = arith.constant 0 : i32
    %dma_start3A_218 = tpu.memref_slice %arg14[%dma_start3A_217] : memref<1000000xf32, #tpu.memory_space<hbm>> -> memref<1000000xf32, #tpu.memory_space<hbm>>
    tpu.enqueue_indirect_dma source(%dma_start3A_218 : memref<1000000xf32, #tpu.memory_space<hbm>>) target(%dma_start3A_214 : memref<128xf32, #tpu.memory_space<vmem>>) offsets(%dma_start3A_216 : memref<128xi32, #tpu.memory_space<vmem>>) semaphore(%arg29 : memref<!tpu.dma_semaphore, #tpu.memory_space<semaphore_mem>>)
    %dma_start3A_219 = arith.constant 4096 : i32
    %dma_start3A_220 = tpu.memref_slice %arg23[%dma_start3A_219] : memref<32256xf32, #tpu.memory_space<vmem>> -> memref<128xf32, #tpu.memory_space<vmem>>
    %dma_start3A_221 = arith.constant 4096 : i32
    %dma_start3A_222 = tpu.memref_slice %arg22[%dma_start3A_221] : memref<32256xi32, #tpu.memory_space<vmem>> -> memref<128xi32, #tpu.memory_space<vmem>>
    %dma_start3A_223 = arith.constant 0 : i32
    %dma_start3A_224 = tpu.memref_slice %arg15[%dma_start3A_223] : memref<1000000xf32, #tpu.memory_space<hbm>> -> memref<1000000xf32, #tpu.memory_space<hbm>>
    tpu.enqueue_indirect_dma source(%dma_start3A_224 : memref<1000000xf32, #tpu.memory_space<hbm>>) target(%dma_start3A_220 : memref<128xf32, #tpu.memory_space<vmem>>) offsets(%dma_start3A_222 : memref<128xi32, #tpu.memory_space<vmem>>) semaphore(%arg29 : memref<!tpu.dma_semaphore, #tpu.memory_space<semaphore_mem>>)
    %dma_start3A_225 = arith.constant 4224 : i32
    %dma_start3A_226 = tpu.memref_slice %arg23[%dma_start3A_225] : memref<32256xf32, #tpu.memory_space<vmem>> -> memref<128xf32, #tpu.memory_space<vmem>>
    %dma_start3A_227 = arith.constant 4224 : i32
    %dma_start3A_228 = tpu.memref_slice %arg22[%dma_start3A_227] : memref<32256xi32, #tpu.memory_space<vmem>> -> memref<128xi32, #tpu.memory_space<vmem>>
    %dma_start3A_229 = arith.constant 0 : i32
    %dma_start3A_230 = tpu.memref_slice %arg15[%dma_start3A_229] : memref<1000000xf32, #tpu.memory_space<hbm>> -> memref<1000000xf32, #tpu.memory_space<hbm>>
    tpu.enqueue_indirect_dma source(%dma_start3A_230 : memref<1000000xf32, #tpu.memory_space<hbm>>) target(%dma_start3A_226 : memref<128xf32, #tpu.memory_space<vmem>>) offsets(%dma_start3A_228 : memref<128xi32, #tpu.memory_space<vmem>>) semaphore(%arg29 : memref<!tpu.dma_semaphore, #tpu.memory_space<semaphore_mem>>)
    %dma_start3A_231 = arith.constant 4352 : i32
    %dma_start3A_232 = tpu.memref_slice %arg23[%dma_start3A_231] : memref<32256xf32, #tpu.memory_space<vmem>> -> memref<128xf32, #tpu.memory_space<vmem>>
    %dma_start3A_233 = arith.constant 4352 : i32
    %dma_start3A_234 = tpu.memref_slice %arg22[%dma_start3A_233] : memref<32256xi32, #tpu.memory_space<vmem>> -> memref<128xi32, #tpu.memory_space<vmem>>
    %dma_start3A_235 = arith.constant 0 : i32
    %dma_start3A_236 = tpu.memref_slice %arg15[%dma_start3A_235] : memref<1000000xf32, #tpu.memory_space<hbm>> -> memref<1000000xf32, #tpu.memory_space<hbm>>
    tpu.enqueue_indirect_dma source(%dma_start3A_236 : memref<1000000xf32, #tpu.memory_space<hbm>>) target(%dma_start3A_232 : memref<128xf32, #tpu.memory_space<vmem>>) offsets(%dma_start3A_234 : memref<128xi32, #tpu.memory_space<vmem>>) semaphore(%arg29 : memref<!tpu.dma_semaphore, #tpu.memory_space<semaphore_mem>>)
    %dma_start3A_237 = arith.constant 4480 : i32
    %dma_start3A_238 = tpu.memref_slice %arg23[%dma_start3A_237] : memref<32256xf32, #tpu.memory_space<vmem>> -> memref<128xf32, #tpu.memory_space<vmem>>
    %dma_start3A_239 = arith.constant 4480 : i32
    %dma_start3A_240 = tpu.memref_slice %arg22[%dma_start3A_239] : memref<32256xi32, #tpu.memory_space<vmem>> -> memref<128xi32, #tpu.memory_space<vmem>>
    %dma_start3A_241 = arith.constant 0 : i32
    %dma_start3A_242 = tpu.memref_slice %arg15[%dma_start3A_241] : memref<1000000xf32, #tpu.memory_space<hbm>> -> memref<1000000xf32, #tpu.memory_space<hbm>>
    tpu.enqueue_indirect_dma source(%dma_start3A_242 : memref<1000000xf32, #tpu.memory_space<hbm>>) target(%dma_start3A_238 : memref<128xf32, #tpu.memory_space<vmem>>) offsets(%dma_start3A_240 : memref<128xi32, #tpu.memory_space<vmem>>) semaphore(%arg29 : memref<!tpu.dma_semaphore, #tpu.memory_space<semaphore_mem>>)
    %dma_start3A_243 = arith.constant 4608 : i32
    %dma_start3A_244 = tpu.memref_slice %arg23[%dma_start3A_243] : memref<32256xf32, #tpu.memory_space<vmem>> -> memref<128xf32, #tpu.memory_space<vmem>>
    %dma_start3A_245 = arith.constant 4608 : i32
    %dma_start3A_246 = tpu.memref_slice %arg22[%dma_start3A_245] : memref<32256xi32, #tpu.memory_space<vmem>> -> memref<128xi32, #tpu.memory_space<vmem>>
    %dma_start3A_247 = arith.constant 0 : i32
    %dma_start3A_248 = tpu.memref_slice %arg16[%dma_start3A_247] : memref<1000000xf32, #tpu.memory_space<hbm>> -> memref<1000000xf32, #tpu.memory_space<hbm>>
    tpu.enqueue_indirect_dma source(%dma_start3A_248 : memref<1000000xf32, #tpu.memory_space<hbm>>) target(%dma_start3A_244 : memref<128xf32, #tpu.memory_space<vmem>>) offsets(%dma_start3A_246 : memref<128xi32, #tpu.memory_space<vmem>>) semaphore(%arg29 : memref<!tpu.dma_semaphore, #tpu.memory_space<semaphore_mem>>)
    %dma_start3A_249 = arith.constant 4736 : i32
    %dma_start3A_250 = tpu.memref_slice %arg23[%dma_start3A_249] : memref<32256xf32, #tpu.memory_space<vmem>> -> memref<128xf32, #tpu.memory_space<vmem>>
    %dma_start3A_251 = arith.constant 4736 : i32
    %dma_start3A_252 = tpu.memref_slice %arg22[%dma_start3A_251] : memref<32256xi32, #tpu.memory_space<vmem>> -> memref<128xi32, #tpu.memory_space<vmem>>
    %dma_start3A_253 = arith.constant 0 : i32
    %dma_start3A_254 = tpu.memref_slice %arg16[%dma_start3A_253] : memref<1000000xf32, #tpu.memory_space<hbm>> -> memref<1000000xf32, #tpu.memory_space<hbm>>
    tpu.enqueue_indirect_dma source(%dma_start3A_254 : memref<1000000xf32, #tpu.memory_space<hbm>>) target(%dma_start3A_250 : memref<128xf32, #tpu.memory_space<vmem>>) offsets(%dma_start3A_252 : memref<128xi32, #tpu.memory_space<vmem>>) semaphore(%arg29 : memref<!tpu.dma_semaphore, #tpu.memory_space<semaphore_mem>>)
    %dma_start3A_255 = arith.constant 4864 : i32
    %dma_start3A_256 = tpu.memref_slice %arg23[%dma_start3A_255] : memref<32256xf32, #tpu.memory_space<vmem>> -> memref<128xf32, #tpu.memory_space<vmem>>
    %dma_start3A_257 = arith.constant 4864 : i32
    %dma_start3A_258 = tpu.memref_slice %arg22[%dma_start3A_257] : memref<32256xi32, #tpu.memory_space<vmem>> -> memref<128xi32, #tpu.memory_space<vmem>>
    %dma_start3A_259 = arith.constant 0 : i32
    %dma_start3A_260 = tpu.memref_slice %arg16[%dma_start3A_259] : memref<1000000xf32, #tpu.memory_space<hbm>> -> memref<1000000xf32, #tpu.memory_space<hbm>>
    tpu.enqueue_indirect_dma source(%dma_start3A_260 : memref<1000000xf32, #tpu.memory_space<hbm>>) target(%dma_start3A_256 : memref<128xf32, #tpu.memory_space<vmem>>) offsets(%dma_start3A_258 : memref<128xi32, #tpu.memory_space<vmem>>) semaphore(%arg29 : memref<!tpu.dma_semaphore, #tpu.memory_space<semaphore_mem>>)
    %dma_start3A_261 = arith.constant 4992 : i32
    %dma_start3A_262 = tpu.memref_slice %arg23[%dma_start3A_261] : memref<32256xf32, #tpu.memory_space<vmem>> -> memref<128xf32, #tpu.memory_space<vmem>>
    %dma_start3A_263 = arith.constant 4992 : i32
    %dma_start3A_264 = tpu.memref_slice %arg22[%dma_start3A_263] : memref<32256xi32, #tpu.memory_space<vmem>> -> memref<128xi32, #tpu.memory_space<vmem>>
    %dma_start3A_265 = arith.constant 0 : i32
    %dma_start3A_266 = tpu.memref_slice %arg16[%dma_start3A_265] : memref<1000000xf32, #tpu.memory_space<hbm>> -> memref<1000000xf32, #tpu.memory_space<hbm>>
    tpu.enqueue_indirect_dma source(%dma_start3A_266 : memref<1000000xf32, #tpu.memory_space<hbm>>) target(%dma_start3A_262 : memref<128xf32, #tpu.memory_space<vmem>>) offsets(%dma_start3A_264 : memref<128xi32, #tpu.memory_space<vmem>>) semaphore(%arg29 : memref<!tpu.dma_semaphore, #tpu.memory_space<semaphore_mem>>)
    %dma_start3A_267 = arith.constant 5120 : i32
    %dma_start3A_268 = tpu.memref_slice %arg23[%dma_start3A_267] : memref<32256xf32, #tpu.memory_space<vmem>> -> memref<128xf32, #tpu.memory_space<vmem>>
    %dma_start3A_269 = arith.constant 5120 : i32
    %dma_start3A_270 = tpu.memref_slice %arg22[%dma_start3A_269] : memref<32256xi32, #tpu.memory_space<vmem>> -> memref<128xi32, #tpu.memory_space<vmem>>
    %dma_start3A_271 = arith.constant 0 : i32
    %dma_start3A_272 = tpu.memref_slice %arg17[%dma_start3A_271] : memref<1000000xf32, #tpu.memory_space<hbm>> -> memref<1000000xf32, #tpu.memory_space<hbm>>
    tpu.enqueue_indirect_dma source(%dma_start3A_272 : memref<1000000xf32, #tpu.memory_space<hbm>>) target(%dma_start3A_268 : memref<128xf32, #tpu.memory_space<vmem>>) offsets(%dma_start3A_270 : memref<128xi32, #tpu.memory_space<vmem>>) semaphore(%arg29 : memref<!tpu.dma_semaphore, #tpu.memory_space<semaphore_mem>>)
    %dma_start3A_273 = arith.constant 5248 : i32
    %dma_start3A_274 = tpu.memref_slice %arg23[%dma_start3A_273] : memref<32256xf32, #tpu.memory_space<vmem>> -> memref<128xf32, #tpu.memory_space<vmem>>
    %dma_start3A_275 = arith.constant 5248 : i32
    %dma_start3A_276 = tpu.memref_slice %arg22[%dma_start3A_275] : memref<32256xi32, #tpu.memory_space<vmem>> -> memref<128xi32, #tpu.memory_space<vmem>>
    %dma_start3A_277 = arith.constant 0 : i32
    %dma_start3A_278 = tpu.memref_slice %arg17[%dma_start3A_277] : memref<1000000xf32, #tpu.memory_space<hbm>> -> memref<1000000xf32, #tpu.memory_space<hbm>>
    tpu.enqueue_indirect_dma source(%dma_start3A_278 : memref<1000000xf32, #tpu.memory_space<hbm>>) target(%dma_start3A_274 : memref<128xf32, #tpu.memory_space<vmem>>) offsets(%dma_start3A_276 : memref<128xi32, #tpu.memory_space<vmem>>) semaphore(%arg29 : memref<!tpu.dma_semaphore, #tpu.memory_space<semaphore_mem>>)
    %dma_start3A_279 = arith.constant 5376 : i32
    %dma_start3A_280 = tpu.memref_slice %arg23[%dma_start3A_279] : memref<32256xf32, #tpu.memory_space<vmem>> -> memref<128xf32, #tpu.memory_space<vmem>>
    %dma_start3A_281 = arith.constant 5376 : i32
    %dma_start3A_282 = tpu.memref_slice %arg22[%dma_start3A_281] : memref<32256xi32, #tpu.memory_space<vmem>> -> memref<128xi32, #tpu.memory_space<vmem>>
    %dma_start3A_283 = arith.constant 0 : i32
    %dma_start3A_284 = tpu.memref_slice %arg17[%dma_start3A_283] : memref<1000000xf32, #tpu.memory_space<hbm>> -> memref<1000000xf32, #tpu.memory_space<hbm>>
    tpu.enqueue_indirect_dma source(%dma_start3A_284 : memref<1000000xf32, #tpu.memory_space<hbm>>) target(%dma_start3A_280 : memref<128xf32, #tpu.memory_space<vmem>>) offsets(%dma_start3A_282 : memref<128xi32, #tpu.memory_space<vmem>>) semaphore(%arg29 : memref<!tpu.dma_semaphore, #tpu.memory_space<semaphore_mem>>)
    %dma_start3A_285 = arith.constant 5504 : i32
    %dma_start3A_286 = tpu.memref_slice %arg23[%dma_start3A_285] : memref<32256xf32, #tpu.memory_space<vmem>> -> memref<128xf32, #tpu.memory_space<vmem>>
    %dma_start3A_287 = arith.constant 5504 : i32
    %dma_start3A_288 = tpu.memref_slice %arg22[%dma_start3A_287] : memref<32256xi32, #tpu.memory_space<vmem>> -> memref<128xi32, #tpu.memory_space<vmem>>
    %dma_start3A_289 = arith.constant 0 : i32
    %dma_start3A_290 = tpu.memref_slice %arg17[%dma_start3A_289] : memref<1000000xf32, #tpu.memory_space<hbm>> -> memref<1000000xf32, #tpu.memory_space<hbm>>
    tpu.enqueue_indirect_dma source(%dma_start3A_290 : memref<1000000xf32, #tpu.memory_space<hbm>>) target(%dma_start3A_286 : memref<128xf32, #tpu.memory_space<vmem>>) offsets(%dma_start3A_288 : memref<128xi32, #tpu.memory_space<vmem>>) semaphore(%arg29 : memref<!tpu.dma_semaphore, #tpu.memory_space<semaphore_mem>>)
    %dma_start3A_291 = arith.constant 5632 : i32
    %dma_start3A_292 = tpu.memref_slice %arg23[%dma_start3A_291] : memref<32256xf32, #tpu.memory_space<vmem>> -> memref<128xf32, #tpu.memory_space<vmem>>
    %dma_start3A_293 = arith.constant 5632 : i32
    %dma_start3A_294 = tpu.memref_slice %arg22[%dma_start3A_293] : memref<32256xi32, #tpu.memory_space<vmem>> -> memref<128xi32, #tpu.memory_space<vmem>>
    %dma_start3A_295 = arith.constant 0 : i32
    %dma_start3A_296 = tpu.memref_slice %arg18[%dma_start3A_295] : memref<1000000xf32, #tpu.memory_space<hbm>> -> memref<1000000xf32, #tpu.memory_space<hbm>>
    tpu.enqueue_indirect_dma source(%dma_start3A_296 : memref<1000000xf32, #tpu.memory_space<hbm>>) target(%dma_start3A_292 : memref<128xf32, #tpu.memory_space<vmem>>) offsets(%dma_start3A_294 : memref<128xi32, #tpu.memory_space<vmem>>) semaphore(%arg29 : memref<!tpu.dma_semaphore, #tpu.memory_space<semaphore_mem>>)
    %dma_start3A_297 = arith.constant 5760 : i32
    %dma_start3A_298 = tpu.memref_slice %arg23[%dma_start3A_297] : memref<32256xf32, #tpu.memory_space<vmem>> -> memref<128xf32, #tpu.memory_space<vmem>>
    %dma_start3A_299 = arith.constant 5760 : i32
    %dma_start3A_300 = tpu.memref_slice %arg22[%dma_start3A_299] : memref<32256xi32, #tpu.memory_space<vmem>> -> memref<128xi32, #tpu.memory_space<vmem>>
    %dma_start3A_301 = arith.constant 0 : i32
    %dma_start3A_302 = tpu.memref_slice %arg18[%dma_start3A_301] : memref<1000000xf32, #tpu.memory_space<hbm>> -> memref<1000000xf32, #tpu.memory_space<hbm>>
    tpu.enqueue_indirect_dma source(%dma_start3A_302 : memref<1000000xf32, #tpu.memory_space<hbm>>) target(%dma_start3A_298 : memref<128xf32, #tpu.memory_space<vmem>>) offsets(%dma_start3A_300 : memref<128xi32, #tpu.memory_space<vmem>>) semaphore(%arg29 : memref<!tpu.dma_semaphore, #tpu.memory_space<semaphore_mem>>)
    %dma_start3A_303 = arith.constant 5888 : i32
    %dma_start3A_304 = tpu.memref_slice %arg23[%dma_start3A_303] : memref<32256xf32, #tpu.memory_space<vmem>> -> memref<128xf32, #tpu.memory_space<vmem>>
    %dma_start3A_305 = arith.constant 5888 : i32
    %dma_start3A_306 = tpu.memref_slice %arg22[%dma_start3A_305] : memref<32256xi32, #tpu.memory_space<vmem>> -> memref<128xi32, #tpu.memory_space<vmem>>
    %dma_start3A_307 = arith.constant 0 : i32
    %dma_start3A_308 = tpu.memref_slice %arg18[%dma_start3A_307] : memref<1000000xf32, #tpu.memory_space<hbm>> -> memref<1000000xf32, #tpu.memory_space<hbm>>
    tpu.enqueue_indirect_dma source(%dma_start3A_308 : memref<1000000xf32, #tpu.memory_space<hbm>>) target(%dma_start3A_304 : memref<128xf32, #tpu.memory_space<vmem>>) offsets(%dma_start3A_306 : memref<128xi32, #tpu.memory_space<vmem>>) semaphore(%arg29 : memref<!tpu.dma_semaphore, #tpu.memory_space<semaphore_mem>>)
    %dma_start3A_309 = arith.constant 6016 : i32
    %dma_start3A_310 = tpu.memref_slice %arg23[%dma_start3A_309] : memref<32256xf32, #tpu.memory_space<vmem>> -> memref<128xf32, #tpu.memory_space<vmem>>
    %dma_start3A_311 = arith.constant 6016 : i32
    %dma_start3A_312 = tpu.memref_slice %arg22[%dma_start3A_311] : memref<32256xi32, #tpu.memory_space<vmem>> -> memref<128xi32, #tpu.memory_space<vmem>>
    %dma_start3A_313 = arith.constant 0 : i32
    %dma_start3A_314 = tpu.memref_slice %arg18[%dma_start3A_313] : memref<1000000xf32, #tpu.memory_space<hbm>> -> memref<1000000xf32, #tpu.memory_space<hbm>>
    tpu.enqueue_indirect_dma source(%dma_start3A_314 : memref<1000000xf32, #tpu.memory_space<hbm>>) target(%dma_start3A_310 : memref<128xf32, #tpu.memory_space<vmem>>) offsets(%dma_start3A_312 : memref<128xi32, #tpu.memory_space<vmem>>) semaphore(%arg29 : memref<!tpu.dma_semaphore, #tpu.memory_space<semaphore_mem>>)
    %dma_start3A_315 = arith.constant 6144 : i32
    %dma_start3A_316 = tpu.memref_slice %arg23[%dma_start3A_315] : memref<32256xf32, #tpu.memory_space<vmem>> -> memref<128xf32, #tpu.memory_space<vmem>>
    %dma_start3A_317 = arith.constant 6144 : i32
    %dma_start3A_318 = tpu.memref_slice %arg22[%dma_start3A_317] : memref<32256xi32, #tpu.memory_space<vmem>> -> memref<128xi32, #tpu.memory_space<vmem>>
    %dma_start3A_319 = arith.constant 0 : i32
    %dma_start3A_320 = tpu.memref_slice %arg19[%dma_start3A_319] : memref<1000000xf32, #tpu.memory_space<hbm>> -> memref<1000000xf32, #tpu.memory_space<hbm>>
    tpu.enqueue_indirect_dma source(%dma_start3A_320 : memref<1000000xf32, #tpu.memory_space<hbm>>) target(%dma_start3A_316 : memref<128xf32, #tpu.memory_space<vmem>>) offsets(%dma_start3A_318 : memref<128xi32, #tpu.memory_space<vmem>>) semaphore(%arg29 : memref<!tpu.dma_semaphore, #tpu.memory_space<semaphore_mem>>)
    %dma_start3A_321 = arith.constant 6272 : i32
    %dma_start3A_322 = tpu.memref_slice %arg23[%dma_start3A_321] : memref<32256xf32, #tpu.memory_space<vmem>> -> memref<128xf32, #tpu.memory_space<vmem>>
    %dma_start3A_323 = arith.constant 6272 : i32
    %dma_start3A_324 = tpu.memref_slice %arg22[%dma_start3A_323] : memref<32256xi32, #tpu.memory_space<vmem>> -> memref<128xi32, #tpu.memory_space<vmem>>
    %dma_start3A_325 = arith.constant 0 : i32
    %dma_start3A_326 = tpu.memref_slice %arg19[%dma_start3A_325] : memref<1000000xf32, #tpu.memory_space<hbm>> -> memref<1000000xf32, #tpu.memory_space<hbm>>
    tpu.enqueue_indirect_dma source(%dma_start3A_326 : memref<1000000xf32, #tpu.memory_space<hbm>>) target(%dma_start3A_322 : memref<128xf32, #tpu.memory_space<vmem>>) offsets(%dma_start3A_324 : memref<128xi32, #tpu.memory_space<vmem>>) semaphore(%arg29 : memref<!tpu.dma_semaphore, #tpu.memory_space<semaphore_mem>>)
    %dma_start3A_327 = arith.constant 6400 : i32
    %dma_start3A_328 = tpu.memref_slice %arg23[%dma_start3A_327] : memref<32256xf32, #tpu.memory_space<vmem>> -> memref<128xf32, #tpu.memory_space<vmem>>
    %dma_start3A_329 = arith.constant 6400 : i32
    %dma_start3A_330 = tpu.memref_slice %arg22[%dma_start3A_329] : memref<32256xi32, #tpu.memory_space<vmem>> -> memref<128xi32, #tpu.memory_space<vmem>>
    %dma_start3A_331 = arith.constant 0 : i32
    %dma_start3A_332 = tpu.memref_slice %arg19[%dma_start3A_331] : memref<1000000xf32, #tpu.memory_space<hbm>> -> memref<1000000xf32, #tpu.memory_space<hbm>>
    tpu.enqueue_indirect_dma source(%dma_start3A_332 : memref<1000000xf32, #tpu.memory_space<hbm>>) target(%dma_start3A_328 : memref<128xf32, #tpu.memory_space<vmem>>) offsets(%dma_start3A_330 : memref<128xi32, #tpu.memory_space<vmem>>) semaphore(%arg29 : memref<!tpu.dma_semaphore, #tpu.memory_space<semaphore_mem>>)
    %dma_start3A_333 = arith.constant 6528 : i32
    %dma_start3A_334 = tpu.memref_slice %arg23[%dma_start3A_333] : memref<32256xf32, #tpu.memory_space<vmem>> -> memref<128xf32, #tpu.memory_space<vmem>>
    %dma_start3A_335 = arith.constant 6528 : i32
    %dma_start3A_336 = tpu.memref_slice %arg22[%dma_start3A_335] : memref<32256xi32, #tpu.memory_space<vmem>> -> memref<128xi32, #tpu.memory_space<vmem>>
    %dma_start3A_337 = arith.constant 0 : i32
    %dma_start3A_338 = tpu.memref_slice %arg19[%dma_start3A_337] : memref<1000000xf32, #tpu.memory_space<hbm>> -> memref<1000000xf32, #tpu.memory_space<hbm>>
    tpu.enqueue_indirect_dma source(%dma_start3A_338 : memref<1000000xf32, #tpu.memory_space<hbm>>) target(%dma_start3A_334 : memref<128xf32, #tpu.memory_space<vmem>>) offsets(%dma_start3A_336 : memref<128xi32, #tpu.memory_space<vmem>>) semaphore(%arg29 : memref<!tpu.dma_semaphore, #tpu.memory_space<semaphore_mem>>)
    %scan3A_339 = arith.constant 0 : i32
    %scan3A_340 = arith.constant 0 : i32
    %scan3A_341 = arith.constant 200 : i32
    %scan3A_342 = arith.addi %scan3A_340, %scan3A_341 : i32
    %scan3A_343 = arith.constant 1 : i32
    scf.for %scan3A_382 = %scan3A_340 to %scan3A_342 step %scan3A_343  : i32 {
      %add3A_383 = arith.constant 52 : i32
      %add3A_384 = arith.addi %add3A_383, %scan3A_382 : i32
      %mul3A_385 = arith.constant 128 : i32
      %mul3A_386 = arith.muli %add3A_384, %mul3A_385 : i32
      %mul3A_387 = arith.constant 128 : i32
      %mul3A_388 = arith.muli %add3A_384, %mul3A_387 : i32
      %dma_start3A_389 = tpu.memref_slice %arg23[%mul3A_388] : memref<32256xf32, #tpu.memory_space<vmem>> -> memref<128xf32, #tpu.memory_space<vmem>>
      %dma_start3A_390 = tpu.memref_slice %arg22[%mul3A_386] : memref<32256xi32, #tpu.memory_space<vmem>> -> memref<128xi32, #tpu.memory_space<vmem>>
      %dma_start3A_391 = arith.constant 0 : i32
      %dma_start3A_392 = tpu.memref_slice %arg20[%dma_start3A_391] : memref<1000000xf32, #tpu.memory_space<hbm>> -> memref<1000000xf32, #tpu.memory_space<hbm>>
      tpu.enqueue_indirect_dma source(%dma_start3A_392 : memref<1000000xf32, #tpu.memory_space<hbm>>) target(%dma_start3A_389 : memref<128xf32, #tpu.memory_space<vmem>>) offsets(%dma_start3A_390 : memref<128xi32, #tpu.memory_space<vmem>>) semaphore(%arg29 : memref<!tpu.dma_semaphore, #tpu.memory_space<semaphore_mem>>)
    }
    %scan3A_344 = arith.constant 200 : i32
    %scan3A_345 = arith.constant 0 : i32
    %scan3A_346 = arith.constant 0 : i32
    %scan3A_347 = arith.constant 252 : i32
    %scan3A_348 = arith.addi %scan3A_346, %scan3A_347 : i32
    %scan3A_349 = arith.constant 1 : i32
    scf.for %scan3A_382 = %scan3A_346 to %scan3A_348 step %scan3A_349  : i32 {
      %dma_wait3A = arith.constant 0 : i32
      %dma_wait3A_383 = tpu.memref_slice %arg23[%dma_wait3A] : memref<32256xf32, #tpu.memory_space<vmem>> -> memref<128xf32, #tpu.memory_space<vmem>>
      %dma_wait3A_384 = arith.constant 0 : i32
      %dma_wait3A_385 = tpu.memref_slice %arg22[%dma_wait3A_384] : memref<32256xi32, #tpu.memory_space<vmem>> -> memref<128xi32, #tpu.memory_space<vmem>>
      %dma_wait3A_386 = arith.constant 0 : i32
      %dma_wait3A_387 = tpu.memref_slice %arg7[%dma_wait3A_386] : memref<1000000xf32, #tpu.memory_space<hbm>> -> memref<1000000xf32, #tpu.memory_space<hbm>>
      tpu.wait_indirect_dma semaphore(%arg29 : memref<!tpu.dma_semaphore, #tpu.memory_space<semaphore_mem>>) src(%dma_wait3A_387 : memref<1000000xf32, #tpu.memory_space<hbm>>) dst(%dma_wait3A_383 : memref<128xf32, #tpu.memory_space<vmem>>)
    }
    %scan3A_350 = arith.constant 252 : i32
    %get3A = arith.constant 0 : index
    %get3A_351 = tpu.vector_load %arg25[%get3A] {strides = array<i32>} : memref<208xf32, #tpu.memory_space<vmem>>, vector<16xf32>,
    %get3A_352 = arith.constant 16 : index
    %get3A_353 = tpu.vector_load %arg25[%get3A_352] {strides = array<i32>} : memref<208xf32, #tpu.memory_space<vmem>>, vector<16xf32>,
    %get3A_354 = arith.constant 32 : index
    %get3A_355 = tpu.vector_load %arg25[%get3A_354] {strides = array<i32>} : memref<208xf32, #tpu.memory_space<vmem>>, vector<16xf32>,
    %get3A_356 = arith.constant 48 : index
    %get3A_357 = tpu.vector_load %arg25[%get3A_356] {strides = array<i32>} : memref<208xf32, #tpu.memory_space<vmem>>, vector<16xf32>,
    %get3A_358 = arith.constant 64 : index
    %get3A_359 = tpu.vector_load %arg25[%get3A_358] {strides = array<i32>} : memref<208xf32, #tpu.memory_space<vmem>>, vector<16xf32>,
    %get3A_360 = arith.constant 80 : index
    %get3A_361 = tpu.vector_load %arg25[%get3A_360] {strides = array<i32>} : memref<208xf32, #tpu.memory_space<vmem>>, vector<16xf32>,
    %get3A_362 = arith.constant 96 : index
    %get3A_363 = tpu.vector_load %arg25[%get3A_362] {strides = array<i32>} : memref<208xf32, #tpu.memory_space<vmem>>, vector<16xf32>,
    %get3A_364 = arith.constant 112 : index
    %get3A_365 = tpu.vector_load %arg25[%get3A_364] {strides = array<i32>} : memref<208xf32, #tpu.memory_space<vmem>>, vector<16xf32>,
    %get3A_366 = arith.constant 128 : index
    %get3A_367 = tpu.vector_load %arg25[%get3A_366] {strides = array<i32>} : memref<208xf32, #tpu.memory_space<vmem>>, vector<16xf32>,
    %get3A_368 = arith.constant 144 : index
    %get3A_369 = tpu.vector_load %arg25[%get3A_368] {strides = array<i32>} : memref<208xf32, #tpu.memory_space<vmem>>, vector<16xf32>,
    %get3A_370 = arith.constant 160 : index
    %get3A_371 = tpu.vector_load %arg25[%get3A_370] {strides = array<i32>} : memref<208xf32, #tpu.memory_space<vmem>>, vector<16xf32>,
    %get3A_372 = arith.constant 176 : index
    %get3A_373 = tpu.vector_load %arg25[%get3A_372] {strides = array<i32>} : memref<208xf32, #tpu.memory_space<vmem>>, vector<16xf32>,
    %get3A_374 = arith.constant 192 : index
    %get3A_375 = tpu.vector_load %arg25[%get3A_374] {strides = array<i32>} : memref<208xf32, #tpu.memory_space<vmem>>, vector<16xf32>,
    %scan3A_376 = arith.constant 0 : i32
    %scan3A_377 = arith.constant 0 : i32
    %scan3A_378 = arith.constant 32 : i32
    %scan3A_379 = arith.addi %scan3A_377, %scan3A_378 : i32
    %scan3A_380 = arith.constant 1 : i32
    scf.for %scan3A_382 = %scan3A_377 to %scan3A_379 step %scan3A_380  : i32 {
      %mul3A_383 = arith.constant 16 : i32
      %mul3A_384 = arith.muli %scan3A_382, %mul3A_383 : i32
      %get3A_385 = arith.index_cast %mul3A_384 : i32 to index
      %get3A_386 = tpu.vector_load %arg26[%get3A_385] {strides = array<i32>} : memref<512xf32, #tpu.memory_space<vmem>>, vector<16xf32>,
      %add3A_387 = arith.constant 0 : i32
      %add3A_388 = arith.addi %add3A_387, %mul3A_384 : i32
      %get3A_389 = arith.index_cast %add3A_388 : i32 to index
      %get3A_390 = tpu.vector_load %arg23[%get3A_389] {strides = array<i32>} : memref<32256xf32, #tpu.memory_space<vmem>>, vector<16xf32>,
      %add3A_391 = arith.addf %get3A_386, %get3A_390 : vector<16xf32>
      %add3A_392 = arith.constant 512 : i32
      %add3A_393 = arith.addi %add3A_392, %mul3A_384 : i32
      %get3A_394 = arith.index_cast %add3A_393 : i32 to index
      %get3A_395 = tpu.vector_load %arg23[%get3A_394] {strides = array<i32>} : memref<32256xf32, #tpu.memory_space<vmem>>, vector<16xf32>,
      %add3A_396 = arith.addf %add3A_391, %get3A_395 : vector<16xf32>
      %add3A_397 = arith.constant 1024 : i32
      %add3A_398 = arith.addi %add3A_397, %mul3A_384 : i32
      %get3A_399 = arith.index_cast %add3A_398 : i32 to index
      %get3A_400 = tpu.vector_load %arg23[%get3A_399] {strides = array<i32>} : memref<32256xf32, #tpu.memory_space<vmem>>, vector<16xf32>,
      %add3A_401 = arith.addf %add3A_396, %get3A_400 : vector<16xf32>
      %add3A_402 = arith.constant 1536 : i32
      %add3A_403 = arith.addi %add3A_402, %mul3A_384 : i32
      %get3A_404 = arith.index_cast %add3A_403 : i32 to index
      %get3A_405 = tpu.vector_load %arg23[%get3A_404] {strides = array<i32>} : memref<32256xf32, #tpu.memory_space<vmem>>, vector<16xf32>,
      %add3A_406 = arith.addf %add3A_401, %get3A_405 : vector<16xf32>
      %add3A_407 = arith.constant 2048 : i32
      %add3A_408 = arith.addi %add3A_407, %mul3A_384 : i32
      %get3A_409 = arith.index_cast %add3A_408 : i32 to index
      %get3A_410 = tpu.vector_load %arg23[%get3A_409] {strides = array<i32>} : memref<32256xf32, #tpu.memory_space<vmem>>, vector<16xf32>,
      %add3A_411 = arith.addf %add3A_406, %get3A_410 : vector<16xf32>
      %add3A_412 = arith.constant 2560 : i32
      %add3A_413 = arith.addi %add3A_412, %mul3A_384 : i32
      %get3A_414 = arith.index_cast %add3A_413 : i32 to index
      %get3A_415 = tpu.vector_load %arg23[%get3A_414] {strides = array<i32>} : memref<32256xf32, #tpu.memory_space<vmem>>, vector<16xf32>,
      %add3A_416 = arith.addf %add3A_411, %get3A_415 : vector<16xf32>
      %add3A_417 = arith.constant 3072 : i32
      %add3A_418 = arith.addi %add3A_417, %mul3A_384 : i32
      %get3A_419 = arith.index_cast %add3A_418 : i32 to index
      %get3A_420 = tpu.vector_load %arg23[%get3A_419] {strides = array<i32>} : memref<32256xf32, #tpu.memory_space<vmem>>, vector<16xf32>,
      %add3A_421 = arith.addf %add3A_416, %get3A_420 : vector<16xf32>
      %add3A_422 = arith.constant 3584 : i32
      %add3A_423 = arith.addi %add3A_422, %mul3A_384 : i32
      %get3A_424 = arith.index_cast %add3A_423 : i32 to index
      %get3A_425 = tpu.vector_load %arg23[%get3A_424] {strides = array<i32>} : memref<32256xf32, #tpu.memory_space<vmem>>, vector<16xf32>,
      %add3A_426 = arith.addf %add3A_421, %get3A_425 : vector<16xf32>
      %add3A_427 = arith.constant 4096 : i32
      %add3A_428 = arith.addi %add3A_427, %mul3A_384 : i32
      %get3A_429 = arith.index_cast %add3A_428 : i32 to index
      %get3A_430 = tpu.vector_load %arg23[%get3A_429] {strides = array<i32>} : memref<32256xf32, #tpu.memory_space<vmem>>, vector<16xf32>,
      %add3A_431 = arith.addf %add3A_426, %get3A_430 : vector<16xf32>
      %add3A_432 = arith.constant 4608 : i32
      %add3A_433 = arith.addi %add3A_432, %mul3A_384 : i32
      %get3A_434 = arith.index_cast %add3A_433 : i32 to index
      %get3A_435 = tpu.vector_load %arg23[%get3A_434] {strides = array<i32>} : memref<32256xf32, #tpu.memory_space<vmem>>, vector<16xf32>,
      %add3A_436 = arith.addf %add3A_431, %get3A_435 : vector<16xf32>
      %add3A_437 = arith.constant 5120 : i32
      %add3A_438 = arith.addi %add3A_437, %mul3A_384 : i32
      %get3A_439 = arith.index_cast %add3A_438 : i32 to index
      %get3A_440 = tpu.vector_load %arg23[%get3A_439] {strides = array<i32>} : memref<32256xf32, #tpu.memory_space<vmem>>, vector<16xf32>,
      %add3A_441 = arith.addf %add3A_436, %get3A_440 : vector<16xf32>
      %add3A_442 = arith.constant 5632 : i32
      %add3A_443 = arith.addi %add3A_442, %mul3A_384 : i32
      %get3A_444 = arith.index_cast %add3A_443 : i32 to index
      %get3A_445 = tpu.vector_load %arg23[%get3A_444] {strides = array<i32>} : memref<32256xf32, #tpu.memory_space<vmem>>, vector<16xf32>,
      %add3A_446 = arith.addf %add3A_441, %get3A_445 : vector<16xf32>
      %add3A_447 = arith.constant 6144 : i32
      %add3A_448 = arith.addi %add3A_447, %mul3A_384 : i32
      %get3A_449 = arith.index_cast %add3A_448 : i32 to index
      %get3A_450 = tpu.vector_load %arg23[%get3A_449] {strides = array<i32>} : memref<32256xf32, #tpu.memory_space<vmem>>, vector<16xf32>,
      %add3A_451 = arith.addf %add3A_446, %get3A_450 : vector<16xf32>
      %broadcast_in_dim3A = arith.constant 0.000000e+00 : f32
      %broadcast_in_dim3A_452 = vector.broadcast %broadcast_in_dim3A : f32 to vector<16xf32>
      %broadcast_in_dim3A_453 = arith.constant 0.000000e+00 : f32
      %broadcast_in_dim3A_454 = vector.broadcast %broadcast_in_dim3A_453 : f32 to vector<16xf32>
      %add3A_455 = arith.constant 6656 : i32
      %add3A_456 = arith.addi %add3A_455, %mul3A_384 : i32
      %get3A_457 = arith.index_cast %add3A_456 : i32 to index
      %get3A_458 = tpu.vector_load %arg23[%get3A_457] {strides = array<i32>} : memref<32256xf32, #tpu.memory_space<vmem>>, vector<16xf32>,
      %get3A_459 = arith.index_cast %add3A_456 : i32 to index
      %get3A_460 = tpu.vector_load %arg22[%get3A_459] {strides = array<i32>} : memref<32256xi32, #tpu.memory_space<vmem>>, vector<16xi32>,
      %gt3A = arith.constant 0 : i32
      %gt3A_461 = vector.broadcast %gt3A : i32 to vector<16xi32>
      %gt3A_462 = arith.cmpi sgt, %get3A_460, %gt3A_461 : vector<16xi32>
      %jit3A = arith.constant 0.000000e+00 : f32
      %broadcast_in_dim3A_463 = vector.broadcast %jit3A : f32 to vector<16xf32>
      %select_n3A = arith.select %gt3A_462, %get3A_458, %broadcast_in_dim3A_463 : vector<16xi1>, vector<16xf32>
      %add3A_464 = arith.addf %broadcast_in_dim3A_452, %select_n3A : vector<16xf32>
      %jit3A_465 = arith.constant 1.000000e+00 : f32
      %jit3A_466 = arith.constant 0.000000e+00 : f32
      %broadcast_in_dim3A_467 = vector.broadcast %jit3A_465 : f32 to vector<16xf32>
      %broadcast_in_dim3A_468 = vector.broadcast %jit3A_466 : f32 to vector<16xf32>
      %select_n3A_469 = arith.select %gt3A_462, %broadcast_in_dim3A_467, %broadcast_in_dim3A_468 : vector<16xi1>, vector<16xf32>
      %add3A_470 = arith.addf %broadcast_in_dim3A_454, %select_n3A_469 : vector<16xf32>
      %add3A_471 = arith.constant 7168 : i32
      %add3A_472 = arith.addi %add3A_471, %mul3A_384 : i32
      %get3A_473 = arith.index_cast %add3A_472 : i32 to index
      %get3A_474 = tpu.vector_load %arg23[%get3A_473] {strides = array<i32>} : memref<32256xf32, #tpu.memory_space<vmem>>, vector<16xf32>,
      %get3A_475 = arith.index_cast %add3A_472 : i32 to index
      %get3A_476 = tpu.vector_load %arg22[%get3A_475] {strides = array<i32>} : memref<32256xi32, #tpu.memory_space<vmem>>, vector<16xi32>,
      %gt3A_477 = arith.constant 0 : i32
      %gt3A_478 = vector.broadcast %gt3A_477 : i32 to vector<16xi32>
      %gt3A_479 = arith.cmpi sgt, %get3A_476, %gt3A_478 : vector<16xi32>
      %jit3A_480 = arith.constant 0.000000e+00 : f32
      %broadcast_in_dim3A_481 = vector.broadcast %jit3A_480 : f32 to vector<16xf32>
      %select_n3A_482 = arith.select %gt3A_479, %get3A_474, %broadcast_in_dim3A_481 : vector<16xi1>, vector<16xf32>
      %add3A_483 = arith.addf %add3A_464, %select_n3A_482 : vector<16xf32>
      %jit3A_484 = arith.constant 1.000000e+00 : f32
      %jit3A_485 = arith.constant 0.000000e+00 : f32
      %broadcast_in_dim3A_486 = vector.broadcast %jit3A_484 : f32 to vector<16xf32>
      %broadcast_in_dim3A_487 = vector.broadcast %jit3A_485 : f32 to vector<16xf32>
      %select_n3A_488 = arith.select %gt3A_479, %broadcast_in_dim3A_486, %broadcast_in_dim3A_487 : vector<16xi1>, vector<16xf32>
      %add3A_489 = arith.addf %add3A_470, %select_n3A_488 : vector<16xf32>
      %add3A_490 = arith.constant 7680 : i32
      %add3A_491 = arith.addi %add3A_490, %mul3A_384 : i32
      %get3A_492 = arith.index_cast %add3A_491 : i32 to index
      %get3A_493 = tpu.vector_load %arg23[%get3A_492] {strides = array<i32>} : memref<32256xf32, #tpu.memory_space<vmem>>, vector<16xf32>,
      %get3A_494 = arith.index_cast %add3A_491 : i32 to index
      %get3A_495 = tpu.vector_load %arg22[%get3A_494] {strides = array<i32>} : memref<32256xi32, #tpu.memory_space<vmem>>, vector<16xi32>,
      %gt3A_496 = arith.constant 0 : i32
      %gt3A_497 = vector.broadcast %gt3A_496 : i32 to vector<16xi32>
      %gt3A_498 = arith.cmpi sgt, %get3A_495, %gt3A_497 : vector<16xi32>
      %jit3A_499 = arith.constant 0.000000e+00 : f32
      %broadcast_in_dim3A_500 = vector.broadcast %jit3A_499 : f32 to vector<16xf32>
      %select_n3A_501 = arith.select %gt3A_498, %get3A_493, %broadcast_in_dim3A_500 : vector<16xi1>, vector<16xf32>
      %add3A_502 = arith.addf %add3A_483, %select_n3A_501 : vector<16xf32>
      %jit3A_503 = arith.constant 1.000000e+00 : f32
      %jit3A_504 = arith.constant 0.000000e+00 : f32
      %broadcast_in_dim3A_505 = vector.broadcast %jit3A_503 : f32 to vector<16xf32>
      %broadcast_in_dim3A_506 = vector.broadcast %jit3A_504 : f32 to vector<16xf32>
      %select_n3A_507 = arith.select %gt3A_498, %broadcast_in_dim3A_505, %broadcast_in_dim3A_506 : vector<16xi1>, vector<16xf32>
      %add3A_508 = arith.addf %add3A_489, %select_n3A_507 : vector<16xf32>
      %add3A_509 = arith.constant 8192 : i32
      %add3A_510 = arith.addi %add3A_509, %mul3A_384 : i32
      %get3A_511 = arith.index_cast %add3A_510 : i32 to index
      %get3A_512 = tpu.vector_load %arg23[%get3A_511] {strides = array<i32>} : memref<32256xf32, #tpu.memory_space<vmem>>, vector<16xf32>,
      %get3A_513 = arith.index_cast %add3A_510 : i32 to index
      %get3A_514 = tpu.vector_load %arg22[%get3A_513] {strides = array<i32>} : memref<32256xi32, #tpu.memory_space<vmem>>, vector<16xi32>,
      %gt3A_515 = arith.constant 0 : i32
      %gt3A_516 = vector.broadcast %gt3A_515 : i32 to vector<16xi32>
      %gt3A_517 = arith.cmpi sgt, %get3A_514, %gt3A_516 : vector<16xi32>
      %jit3A_518 = arith.constant 0.000000e+00 : f32
      %broadcast_in_dim3A_519 = vector.broadcast %jit3A_518 : f32 to vector<16xf32>
      %select_n3A_520 = arith.select %gt3A_517, %get3A_512, %broadcast_in_dim3A_519 : vector<16xi1>, vector<16xf32>
      %add3A_521 = arith.addf %add3A_502, %select_n3A_520 : vector<16xf32>
      %jit3A_522 = arith.constant 1.000000e+00 : f32
      %jit3A_523 = arith.constant 0.000000e+00 : f32
      %broadcast_in_dim3A_524 = vector.broadcast %jit3A_522 : f32 to vector<16xf32>
      %broadcast_in_dim3A_525 = vector.broadcast %jit3A_523 : f32 to vector<16xf32>
      %select_n3A_526 = arith.select %gt3A_517, %broadcast_in_dim3A_524, %broadcast_in_dim3A_525 : vector<16xi1>, vector<16xf32>
      %add3A_527 = arith.addf %add3A_508, %select_n3A_526 : vector<16xf32>
      %add3A_528 = arith.constant 8704 : i32
      %add3A_529 = arith.addi %add3A_528, %mul3A_384 : i32
      %get3A_530 = arith.index_cast %add3A_529 : i32 to index
      %get3A_531 = tpu.vector_load %arg23[%get3A_530] {strides = array<i32>} : memref<32256xf32, #tpu.memory_space<vmem>>, vector<16xf32>,
      %get3A_532 = arith.index_cast %add3A_529 : i32 to index
      %get3A_533 = tpu.vector_load %arg22[%get3A_532] {strides = array<i32>} : memref<32256xi32, #tpu.memory_space<vmem>>, vector<16xi32>,
      %gt3A_534 = arith.constant 0 : i32
      %gt3A_535 = vector.broadcast %gt3A_534 : i32 to vector<16xi32>
      %gt3A_536 = arith.cmpi sgt, %get3A_533, %gt3A_535 : vector<16xi32>
      %jit3A_537 = arith.constant 0.000000e+00 : f32
      %broadcast_in_dim3A_538 = vector.broadcast %jit3A_537 : f32 to vector<16xf32>
      %select_n3A_539 = arith.select %gt3A_536, %get3A_531, %broadcast_in_dim3A_538 : vector<16xi1>, vector<16xf32>
      %add3A_540 = arith.addf %add3A_521, %select_n3A_539 : vector<16xf32>
      %jit3A_541 = arith.constant 1.000000e+00 : f32
      %jit3A_542 = arith.constant 0.000000e+00 : f32
      %broadcast_in_dim3A_543 = vector.broadcast %jit3A_541 : f32 to vector<16xf32>
      %broadcast_in_dim3A_544 = vector.broadcast %jit3A_542 : f32 to vector<16xf32>
      %select_n3A_545 = arith.select %gt3A_536, %broadcast_in_dim3A_543, %broadcast_in_dim3A_544 : vector<16xi1>, vector<16xf32>
      %add3A_546 = arith.addf %add3A_527, %select_n3A_545 : vector<16xf32>
      %add3A_547 = arith.constant 9216 : i32
      %add3A_548 = arith.addi %add3A_547, %mul3A_384 : i32
      %get3A_549 = arith.index_cast %add3A_548 : i32 to index
      %get3A_550 = tpu.vector_load %arg23[%get3A_549] {strides = array<i32>} : memref<32256xf32, #tpu.memory_space<vmem>>, vector<16xf32>,
      %get3A_551 = arith.index_cast %add3A_548 : i32 to index
      %get3A_552 = tpu.vector_load %arg22[%get3A_551] {strides = array<i32>} : memref<32256xi32, #tpu.memory_space<vmem>>, vector<16xi32>,
      %gt3A_553 = arith.constant 0 : i32
      %gt3A_554 = vector.broadcast %gt3A_553 : i32 to vector<16xi32>
      %gt3A_555 = arith.cmpi sgt, %get3A_552, %gt3A_554 : vector<16xi32>
      %jit3A_556 = arith.constant 0.000000e+00 : f32
      %broadcast_in_dim3A_557 = vector.broadcast %jit3A_556 : f32 to vector<16xf32>
      %select_n3A_558 = arith.select %gt3A_555, %get3A_550, %broadcast_in_dim3A_557 : vector<16xi1>, vector<16xf32>
      %add3A_559 = arith.addf %add3A_540, %select_n3A_558 : vector<16xf32>
      %jit3A_560 = arith.constant 1.000000e+00 : f32
      %jit3A_561 = arith.constant 0.000000e+00 : f32
      %broadcast_in_dim3A_562 = vector.broadcast %jit3A_560 : f32 to vector<16xf32>
      %broadcast_in_dim3A_563 = vector.broadcast %jit3A_561 : f32 to vector<16xf32>
      %select_n3A_564 = arith.select %gt3A_555, %broadcast_in_dim3A_562, %broadcast_in_dim3A_563 : vector<16xi1>, vector<16xf32>
      %add3A_565 = arith.addf %add3A_546, %select_n3A_564 : vector<16xf32>
      %add3A_566 = arith.constant 9728 : i32
      %add3A_567 = arith.addi %add3A_566, %mul3A_384 : i32
      %get3A_568 = arith.index_cast %add3A_567 : i32 to index
      %get3A_569 = tpu.vector_load %arg23[%get3A_568] {strides = array<i32>} : memref<32256xf32, #tpu.memory_space<vmem>>, vector<16xf32>,
      %get3A_570 = arith.index_cast %add3A_567 : i32 to index
      %get3A_571 = tpu.vector_load %arg22[%get3A_570] {strides = array<i32>} : memref<32256xi32, #tpu.memory_space<vmem>>, vector<16xi32>,
      %gt3A_572 = arith.constant 0 : i32
      %gt3A_573 = vector.broadcast %gt3A_572 : i32 to vector<16xi32>
      %gt3A_574 = arith.cmpi sgt, %get3A_571, %gt3A_573 : vector<16xi32>
      %jit3A_575 = arith.constant 0.000000e+00 : f32
      %broadcast_in_dim3A_576 = vector.broadcast %jit3A_575 : f32 to vector<16xf32>
      %select_n3A_577 = arith.select %gt3A_574, %get3A_569, %broadcast_in_dim3A_576 : vector<16xi1>, vector<16xf32>
      %add3A_578 = arith.addf %add3A_559, %select_n3A_577 : vector<16xf32>
      %jit3A_579 = arith.constant 1.000000e+00 : f32
      %jit3A_580 = arith.constant 0.000000e+00 : f32
      %broadcast_in_dim3A_581 = vector.broadcast %jit3A_579 : f32 to vector<16xf32>
      %broadcast_in_dim3A_582 = vector.broadcast %jit3A_580 : f32 to vector<16xf32>
      %select_n3A_583 = arith.select %gt3A_574, %broadcast_in_dim3A_581, %broadcast_in_dim3A_582 : vector<16xi1>, vector<16xf32>
      %add3A_584 = arith.addf %add3A_565, %select_n3A_583 : vector<16xf32>
      %add3A_585 = arith.constant 10240 : i32
      %add3A_586 = arith.addi %add3A_585, %mul3A_384 : i32
      %get3A_587 = arith.index_cast %add3A_586 : i32 to index
      %get3A_588 = tpu.vector_load %arg23[%get3A_587] {strides = array<i32>} : memref<32256xf32, #tpu.memory_space<vmem>>, vector<16xf32>,
      %get3A_589 = arith.index_cast %add3A_586 : i32 to index
      %get3A_590 = tpu.vector_load %arg22[%get3A_589] {strides = array<i32>} : memref<32256xi32, #tpu.memory_space<vmem>>, vector<16xi32>,
      %gt3A_591 = arith.constant 0 : i32
      %gt3A_592 = vector.broadcast %gt3A_591 : i32 to vector<16xi32>
      %gt3A_593 = arith.cmpi sgt, %get3A_590, %gt3A_592 : vector<16xi32>
      %jit3A_594 = arith.constant 0.000000e+00 : f32
      %broadcast_in_dim3A_595 = vector.broadcast %jit3A_594 : f32 to vector<16xf32>
      %select_n3A_596 = arith.select %gt3A_593, %get3A_588, %broadcast_in_dim3A_595 : vector<16xi1>, vector<16xf32>
      %add3A_597 = arith.addf %add3A_578, %select_n3A_596 : vector<16xf32>
      %jit3A_598 = arith.constant 1.000000e+00 : f32
      %jit3A_599 = arith.constant 0.000000e+00 : f32
      %broadcast_in_dim3A_600 = vector.broadcast %jit3A_598 : f32 to vector<16xf32>
      %broadcast_in_dim3A_601 = vector.broadcast %jit3A_599 : f32 to vector<16xf32>
      %select_n3A_602 = arith.select %gt3A_593, %broadcast_in_dim3A_600, %broadcast_in_dim3A_601 : vector<16xi1>, vector<16xf32>
      %add3A_603 = arith.addf %add3A_584, %select_n3A_602 : vector<16xf32>
      %add3A_604 = arith.constant 10752 : i32
      %add3A_605 = arith.addi %add3A_604, %mul3A_384 : i32
      %get3A_606 = arith.index_cast %add3A_605 : i32 to index
      %get3A_607 = tpu.vector_load %arg23[%get3A_606] {strides = array<i32>} : memref<32256xf32, #tpu.memory_space<vmem>>, vector<16xf32>,
      %get3A_608 = arith.index_cast %add3A_605 : i32 to index
      %get3A_609 = tpu.vector_load %arg22[%get3A_608] {strides = array<i32>} : memref<32256xi32, #tpu.memory_space<vmem>>, vector<16xi32>,
      %gt3A_610 = arith.constant 0 : i32
      %gt3A_611 = vector.broadcast %gt3A_610 : i32 to vector<16xi32>
      %gt3A_612 = arith.cmpi sgt, %get3A_609, %gt3A_611 : vector<16xi32>
      %jit3A_613 = arith.constant 0.000000e+00 : f32
      %broadcast_in_dim3A_614 = vector.broadcast %jit3A_613 : f32 to vector<16xf32>
      %select_n3A_615 = arith.select %gt3A_612, %get3A_607, %broadcast_in_dim3A_614 : vector<16xi1>, vector<16xf32>
      %add3A_616 = arith.addf %add3A_597, %select_n3A_615 : vector<16xf32>
      %jit3A_617 = arith.constant 1.000000e+00 : f32
      %jit3A_618 = arith.constant 0.000000e+00 : f32
      %broadcast_in_dim3A_619 = vector.broadcast %jit3A_617 : f32 to vector<16xf32>
      %broadcast_in_dim3A_620 = vector.broadcast %jit3A_618 : f32 to vector<16xf32>
      %select_n3A_621 = arith.select %gt3A_612, %broadcast_in_dim3A_619, %broadcast_in_dim3A_620 : vector<16xi1>, vector<16xf32>
      %add3A_622 = arith.addf %add3A_603, %select_n3A_621 : vector<16xf32>
      %add3A_623 = arith.constant 11264 : i32
      %add3A_624 = arith.addi %add3A_623, %mul3A_384 : i32
      %get3A_625 = arith.index_cast %add3A_624 : i32 to index
      %get3A_626 = tpu.vector_load %arg23[%get3A_625] {strides = array<i32>} : memref<32256xf32, #tpu.memory_space<vmem>>, vector<16xf32>,
      %get3A_627 = arith.index_cast %add3A_624 : i32 to index
      %get3A_628 = tpu.vector_load %arg22[%get3A_627] {strides = array<i32>} : memref<32256xi32, #tpu.memory_space<vmem>>, vector<16xi32>,
      %gt3A_629 = arith.constant 0 : i32
      %gt3A_630 = vector.broadcast %gt3A_629 : i32 to vector<16xi32>
      %gt3A_631 = arith.cmpi sgt, %get3A_628, %gt3A_630 : vector<16xi32>
      %jit3A_632 = arith.constant 0.000000e+00 : f32
      %broadcast_in_dim3A_633 = vector.broadcast %jit3A_632 : f32 to vector<16xf32>
      %select_n3A_634 = arith.select %gt3A_631, %get3A_626, %broadcast_in_dim3A_633 : vector<16xi1>, vector<16xf32>
      %add3A_635 = arith.addf %add3A_616, %select_n3A_634 : vector<16xf32>
      %jit3A_636 = arith.constant 1.000000e+00 : f32
      %jit3A_637 = arith.constant 0.000000e+00 : f32
      %broadcast_in_dim3A_638 = vector.broadcast %jit3A_636 : f32 to vector<16xf32>
      %broadcast_in_dim3A_639 = vector.broadcast %jit3A_637 : f32 to vector<16xf32>
      %select_n3A_640 = arith.select %gt3A_631, %broadcast_in_dim3A_638, %broadcast_in_dim3A_639 : vector<16xi1>, vector<16xf32>
      %add3A_641 = arith.addf %add3A_622, %select_n3A_640 : vector<16xf32>
      %add3A_642 = arith.constant 11776 : i32
      %add3A_643 = arith.addi %add3A_642, %mul3A_384 : i32
      %get3A_644 = arith.index_cast %add3A_643 : i32 to index
      %get3A_645 = tpu.vector_load %arg23[%get3A_644] {strides = array<i32>} : memref<32256xf32, #tpu.memory_space<vmem>>, vector<16xf32>,
      %get3A_646 = arith.index_cast %add3A_643 : i32 to index
      %get3A_647 = tpu.vector_load %arg22[%get3A_646] {strides = array<i32>} : memref<32256xi32, #tpu.memory_space<vmem>>, vector<16xi32>,
      %gt3A_648 = arith.constant 0 : i32
      %gt3A_649 = vector.broadcast %gt3A_648 : i32 to vector<16xi32>
      %gt3A_650 = arith.cmpi sgt, %get3A_647, %gt3A_649 : vector<16xi32>
      %jit3A_651 = arith.constant 0.000000e+00 : f32
      %broadcast_in_dim3A_652 = vector.broadcast %jit3A_651 : f32 to vector<16xf32>
      %select_n3A_653 = arith.select %gt3A_650, %get3A_645, %broadcast_in_dim3A_652 : vector<16xi1>, vector<16xf32>
      %add3A_654 = arith.addf %add3A_635, %select_n3A_653 : vector<16xf32>
      %jit3A_655 = arith.constant 1.000000e+00 : f32
      %jit3A_656 = arith.constant 0.000000e+00 : f32
      %broadcast_in_dim3A_657 = vector.broadcast %jit3A_655 : f32 to vector<16xf32>
      %broadcast_in_dim3A_658 = vector.broadcast %jit3A_656 : f32 to vector<16xf32>
      %select_n3A_659 = arith.select %gt3A_650, %broadcast_in_dim3A_657, %broadcast_in_dim3A_658 : vector<16xi1>, vector<16xf32>
      %add3A_660 = arith.addf %add3A_641, %select_n3A_659 : vector<16xf32>
      %add3A_661 = arith.constant 12288 : i32
      %add3A_662 = arith.addi %add3A_661, %mul3A_384 : i32
      %get3A_663 = arith.index_cast %add3A_662 : i32 to index
      %get3A_664 = tpu.vector_load %arg23[%get3A_663] {strides = array<i32>} : memref<32256xf32, #tpu.memory_space<vmem>>, vector<16xf32>,
      %get3A_665 = arith.index_cast %add3A_662 : i32 to index
      %get3A_666 = tpu.vector_load %arg22[%get3A_665] {strides = array<i32>} : memref<32256xi32, #tpu.memory_space<vmem>>, vector<16xi32>,
      %gt3A_667 = arith.constant 0 : i32
      %gt3A_668 = vector.broadcast %gt3A_667 : i32 to vector<16xi32>
      %gt3A_669 = arith.cmpi sgt, %get3A_666, %gt3A_668 : vector<16xi32>
      %jit3A_670 = arith.constant 0.000000e+00 : f32
      %broadcast_in_dim3A_671 = vector.broadcast %jit3A_670 : f32 to vector<16xf32>
      %select_n3A_672 = arith.select %gt3A_669, %get3A_664, %broadcast_in_dim3A_671 : vector<16xi1>, vector<16xf32>
      %add3A_673 = arith.addf %add3A_654, %select_n3A_672 : vector<16xf32>
      %jit3A_674 = arith.constant 1.000000e+00 : f32
      %jit3A_675 = arith.constant 0.000000e+00 : f32
      %broadcast_in_dim3A_676 = vector.broadcast %jit3A_674 : f32 to vector<16xf32>
      %broadcast_in_dim3A_677 = vector.broadcast %jit3A_675 : f32 to vector<16xf32>
      %select_n3A_678 = arith.select %gt3A_669, %broadcast_in_dim3A_676, %broadcast_in_dim3A_677 : vector<16xi1>, vector<16xf32>
      %add3A_679 = arith.addf %add3A_660, %select_n3A_678 : vector<16xf32>
      %add3A_680 = arith.constant 12800 : i32
      %add3A_681 = arith.addi %add3A_680, %mul3A_384 : i32
      %get3A_682 = arith.index_cast %add3A_681 : i32 to index
      %get3A_683 = tpu.vector_load %arg23[%get3A_682] {strides = array<i32>} : memref<32256xf32, #tpu.memory_space<vmem>>, vector<16xf32>,
      %get3A_684 = arith.index_cast %add3A_681 : i32 to index
      %get3A_685 = tpu.vector_load %arg22[%get3A_684] {strides = array<i32>} : memref<32256xi32, #tpu.memory_space<vmem>>, vector<16xi32>,
      %gt3A_686 = arith.constant 0 : i32
      %gt3A_687 = vector.broadcast %gt3A_686 : i32 to vector<16xi32>
      %gt3A_688 = arith.cmpi sgt, %get3A_685, %gt3A_687 : vector<16xi32>
      %jit3A_689 = arith.constant 0.000000e+00 : f32
      %broadcast_in_dim3A_690 = vector.broadcast %jit3A_689 : f32 to vector<16xf32>
      %select_n3A_691 = arith.select %gt3A_688, %get3A_683, %broadcast_in_dim3A_690 : vector<16xi1>, vector<16xf32>
      %add3A_692 = arith.addf %add3A_673, %select_n3A_691 : vector<16xf32>
      %jit3A_693 = arith.constant 1.000000e+00 : f32
      %jit3A_694 = arith.constant 0.000000e+00 : f32
      %broadcast_in_dim3A_695 = vector.broadcast %jit3A_693 : f32 to vector<16xf32>
      %broadcast_in_dim3A_696 = vector.broadcast %jit3A_694 : f32 to vector<16xf32>
      %select_n3A_697 = arith.select %gt3A_688, %broadcast_in_dim3A_695, %broadcast_in_dim3A_696 : vector<16xi1>, vector<16xf32>
      %add3A_698 = arith.addf %add3A_679, %select_n3A_697 : vector<16xf32>
      %add3A_699 = arith.constant 13312 : i32
      %add3A_700 = arith.addi %add3A_699, %mul3A_384 : i32
      %get3A_701 = arith.index_cast %add3A_700 : i32 to index
      %get3A_702 = tpu.vector_load %arg23[%get3A_701] {strides = array<i32>} : memref<32256xf32, #tpu.memory_space<vmem>>, vector<16xf32>,
      %get3A_703 = arith.index_cast %add3A_700 : i32 to index
      %get3A_704 = tpu.vector_load %arg22[%get3A_703] {strides = array<i32>} : memref<32256xi32, #tpu.memory_space<vmem>>, vector<16xi32>,
      %gt3A_705 = arith.constant 0 : i32
      %gt3A_706 = vector.broadcast %gt3A_705 : i32 to vector<16xi32>
      %gt3A_707 = arith.cmpi sgt, %get3A_704, %gt3A_706 : vector<16xi32>
      %jit3A_708 = arith.constant 0.000000e+00 : f32
      %broadcast_in_dim3A_709 = vector.broadcast %jit3A_708 : f32 to vector<16xf32>
      %select_n3A_710 = arith.select %gt3A_707, %get3A_702, %broadcast_in_dim3A_709 : vector<16xi1>, vector<16xf32>
      %add3A_711 = arith.addf %add3A_692, %select_n3A_710 : vector<16xf32>
      %jit3A_712 = arith.constant 1.000000e+00 : f32
      %jit3A_713 = arith.constant 0.000000e+00 : f32
      %broadcast_in_dim3A_714 = vector.broadcast %jit3A_712 : f32 to vector<16xf32>
      %broadcast_in_dim3A_715 = vector.broadcast %jit3A_713 : f32 to vector<16xf32>
      %select_n3A_716 = arith.select %gt3A_707, %broadcast_in_dim3A_714, %broadcast_in_dim3A_715 : vector<16xi1>, vector<16xf32>
      %add3A_717 = arith.addf %add3A_698, %select_n3A_716 : vector<16xf32>
      %add3A_718 = arith.constant 13824 : i32
      %add3A_719 = arith.addi %add3A_718, %mul3A_384 : i32
      %get3A_720 = arith.index_cast %add3A_719 : i32 to index
      %get3A_721 = tpu.vector_load %arg23[%get3A_720] {strides = array<i32>} : memref<32256xf32, #tpu.memory_space<vmem>>, vector<16xf32>,
      %get3A_722 = arith.index_cast %add3A_719 : i32 to index
      %get3A_723 = tpu.vector_load %arg22[%get3A_722] {strides = array<i32>} : memref<32256xi32, #tpu.memory_space<vmem>>, vector<16xi32>,
      %gt3A_724 = arith.constant 0 : i32
      %gt3A_725 = vector.broadcast %gt3A_724 : i32 to vector<16xi32>
      %gt3A_726 = arith.cmpi sgt, %get3A_723, %gt3A_725 : vector<16xi32>
      %jit3A_727 = arith.constant 0.000000e+00 : f32
      %broadcast_in_dim3A_728 = vector.broadcast %jit3A_727 : f32 to vector<16xf32>
      %select_n3A_729 = arith.select %gt3A_726, %get3A_721, %broadcast_in_dim3A_728 : vector<16xi1>, vector<16xf32>
      %add3A_730 = arith.addf %add3A_711, %select_n3A_729 : vector<16xf32>
      %jit3A_731 = arith.constant 1.000000e+00 : f32
      %jit3A_732 = arith.constant 0.000000e+00 : f32
      %broadcast_in_dim3A_733 = vector.broadcast %jit3A_731 : f32 to vector<16xf32>
      %broadcast_in_dim3A_734 = vector.broadcast %jit3A_732 : f32 to vector<16xf32>
      %select_n3A_735 = arith.select %gt3A_726, %broadcast_in_dim3A_733, %broadcast_in_dim3A_734 : vector<16xi1>, vector<16xf32>
      %add3A_736 = arith.addf %add3A_717, %select_n3A_735 : vector<16xf32>
      %add3A_737 = arith.constant 14336 : i32
      %add3A_738 = arith.addi %add3A_737, %mul3A_384 : i32
      %get3A_739 = arith.index_cast %add3A_738 : i32 to index
      %get3A_740 = tpu.vector_load %arg23[%get3A_739] {strides = array<i32>} : memref<32256xf32, #tpu.memory_space<vmem>>, vector<16xf32>,
      %get3A_741 = arith.index_cast %add3A_738 : i32 to index
      %get3A_742 = tpu.vector_load %arg22[%get3A_741] {strides = array<i32>} : memref<32256xi32, #tpu.memory_space<vmem>>, vector<16xi32>,
      %gt3A_743 = arith.constant 0 : i32
      %gt3A_744 = vector.broadcast %gt3A_743 : i32 to vector<16xi32>
      %gt3A_745 = arith.cmpi sgt, %get3A_742, %gt3A_744 : vector<16xi32>
      %jit3A_746 = arith.constant 0.000000e+00 : f32
      %broadcast_in_dim3A_747 = vector.broadcast %jit3A_746 : f32 to vector<16xf32>
      %select_n3A_748 = arith.select %gt3A_745, %get3A_740, %broadcast_in_dim3A_747 : vector<16xi1>, vector<16xf32>
      %add3A_749 = arith.addf %add3A_730, %select_n3A_748 : vector<16xf32>
      %jit3A_750 = arith.constant 1.000000e+00 : f32
      %jit3A_751 = arith.constant 0.000000e+00 : f32
      %broadcast_in_dim3A_752 = vector.broadcast %jit3A_750 : f32 to vector<16xf32>
      %broadcast_in_dim3A_753 = vector.broadcast %jit3A_751 : f32 to vector<16xf32>
      %select_n3A_754 = arith.select %gt3A_745, %broadcast_in_dim3A_752, %broadcast_in_dim3A_753 : vector<16xi1>, vector<16xf32>
      %add3A_755 = arith.addf %add3A_736, %select_n3A_754 : vector<16xf32>
      %add3A_756 = arith.constant 14848 : i32
      %add3A_757 = arith.addi %add3A_756, %mul3A_384 : i32
      %get3A_758 = arith.index_cast %add3A_757 : i32 to index
      %get3A_759 = tpu.vector_load %arg23[%get3A_758] {strides = array<i32>} : memref<32256xf32, #tpu.memory_space<vmem>>, vector<16xf32>,
      %get3A_760 = arith.index_cast %add3A_757 : i32 to index
      %get3A_761 = tpu.vector_load %arg22[%get3A_760] {strides = array<i32>} : memref<32256xi32, #tpu.memory_space<vmem>>, vector<16xi32>,
      %gt3A_762 = arith.constant 0 : i32
      %gt3A_763 = vector.broadcast %gt3A_762 : i32 to vector<16xi32>
      %gt3A_764 = arith.cmpi sgt, %get3A_761, %gt3A_763 : vector<16xi32>
      %jit3A_765 = arith.constant 0.000000e+00 : f32
      %broadcast_in_dim3A_766 = vector.broadcast %jit3A_765 : f32 to vector<16xf32>
      %select_n3A_767 = arith.select %gt3A_764, %get3A_759, %broadcast_in_dim3A_766 : vector<16xi1>, vector<16xf32>
      %add3A_768 = arith.addf %add3A_749, %select_n3A_767 : vector<16xf32>
      %jit3A_769 = arith.constant 1.000000e+00 : f32
      %jit3A_770 = arith.constant 0.000000e+00 : f32
      %broadcast_in_dim3A_771 = vector.broadcast %jit3A_769 : f32 to vector<16xf32>
      %broadcast_in_dim3A_772 = vector.broadcast %jit3A_770 : f32 to vector<16xf32>
      %select_n3A_773 = arith.select %gt3A_764, %broadcast_in_dim3A_771, %broadcast_in_dim3A_772 : vector<16xi1>, vector<16xf32>
      %add3A_774 = arith.addf %add3A_755, %select_n3A_773 : vector<16xf32>
      %add3A_775 = arith.constant 15360 : i32
      %add3A_776 = arith.addi %add3A_775, %mul3A_384 : i32
      %get3A_777 = arith.index_cast %add3A_776 : i32 to index
      %get3A_778 = tpu.vector_load %arg23[%get3A_777] {strides = array<i32>} : memref<32256xf32, #tpu.memory_space<vmem>>, vector<16xf32>,
      %get3A_779 = arith.index_cast %add3A_776 : i32 to index
      %get3A_780 = tpu.vector_load %arg22[%get3A_779] {strides = array<i32>} : memref<32256xi32, #tpu.memory_space<vmem>>, vector<16xi32>,
      %gt3A_781 = arith.constant 0 : i32
      %gt3A_782 = vector.broadcast %gt3A_781 : i32 to vector<16xi32>
      %gt3A_783 = arith.cmpi sgt, %get3A_780, %gt3A_782 : vector<16xi32>
      %jit3A_784 = arith.constant 0.000000e+00 : f32
      %broadcast_in_dim3A_785 = vector.broadcast %jit3A_784 : f32 to vector<16xf32>
      %select_n3A_786 = arith.select %gt3A_783, %get3A_778, %broadcast_in_dim3A_785 : vector<16xi1>, vector<16xf32>
      %add3A_787 = arith.addf %add3A_768, %select_n3A_786 : vector<16xf32>
      %jit3A_788 = arith.constant 1.000000e+00 : f32
      %jit3A_789 = arith.constant 0.000000e+00 : f32
      %broadcast_in_dim3A_790 = vector.broadcast %jit3A_788 : f32 to vector<16xf32>
      %broadcast_in_dim3A_791 = vector.broadcast %jit3A_789 : f32 to vector<16xf32>
      %select_n3A_792 = arith.select %gt3A_783, %broadcast_in_dim3A_790, %broadcast_in_dim3A_791 : vector<16xi1>, vector<16xf32>
      %add3A_793 = arith.addf %add3A_774, %select_n3A_792 : vector<16xf32>
      %add3A_794 = arith.constant 15872 : i32
      %add3A_795 = arith.addi %add3A_794, %mul3A_384 : i32
      %get3A_796 = arith.index_cast %add3A_795 : i32 to index
      %get3A_797 = tpu.vector_load %arg23[%get3A_796] {strides = array<i32>} : memref<32256xf32, #tpu.memory_space<vmem>>, vector<16xf32>,
      %get3A_798 = arith.index_cast %add3A_795 : i32 to index
      %get3A_799 = tpu.vector_load %arg22[%get3A_798] {strides = array<i32>} : memref<32256xi32, #tpu.memory_space<vmem>>, vector<16xi32>,
      %gt3A_800 = arith.constant 0 : i32
      %gt3A_801 = vector.broadcast %gt3A_800 : i32 to vector<16xi32>
      %gt3A_802 = arith.cmpi sgt, %get3A_799, %gt3A_801 : vector<16xi32>
      %jit3A_803 = arith.constant 0.000000e+00 : f32
      %broadcast_in_dim3A_804 = vector.broadcast %jit3A_803 : f32 to vector<16xf32>
      %select_n3A_805 = arith.select %gt3A_802, %get3A_797, %broadcast_in_dim3A_804 : vector<16xi1>, vector<16xf32>
      %add3A_806 = arith.addf %add3A_787, %select_n3A_805 : vector<16xf32>
      %jit3A_807 = arith.constant 1.000000e+00 : f32
      %jit3A_808 = arith.constant 0.000000e+00 : f32
      %broadcast_in_dim3A_809 = vector.broadcast %jit3A_807 : f32 to vector<16xf32>
      %broadcast_in_dim3A_810 = vector.broadcast %jit3A_808 : f32 to vector<16xf32>
      %select_n3A_811 = arith.select %gt3A_802, %broadcast_in_dim3A_809, %broadcast_in_dim3A_810 : vector<16xi1>, vector<16xf32>
      %add3A_812 = arith.addf %add3A_793, %select_n3A_811 : vector<16xf32>
      %add3A_813 = arith.constant 16384 : i32
      %add3A_814 = arith.addi %add3A_813, %mul3A_384 : i32
      %get3A_815 = arith.index_cast %add3A_814 : i32 to index
      %get3A_816 = tpu.vector_load %arg23[%get3A_815] {strides = array<i32>} : memref<32256xf32, #tpu.memory_space<vmem>>, vector<16xf32>,
      %get3A_817 = arith.index_cast %add3A_814 : i32 to index
      %get3A_818 = tpu.vector_load %arg22[%get3A_817] {strides = array<i32>} : memref<32256xi32, #tpu.memory_space<vmem>>, vector<16xi32>,
      %gt3A_819 = arith.constant 0 : i32
      %gt3A_820 = vector.broadcast %gt3A_819 : i32 to vector<16xi32>
      %gt3A_821 = arith.cmpi sgt, %get3A_818, %gt3A_820 : vector<16xi32>
      %jit3A_822 = arith.constant 0.000000e+00 : f32
      %broadcast_in_dim3A_823 = vector.broadcast %jit3A_822 : f32 to vector<16xf32>
      %select_n3A_824 = arith.select %gt3A_821, %get3A_816, %broadcast_in_dim3A_823 : vector<16xi1>, vector<16xf32>
      %add3A_825 = arith.addf %add3A_806, %select_n3A_824 : vector<16xf32>
      %jit3A_826 = arith.constant 1.000000e+00 : f32
      %jit3A_827 = arith.constant 0.000000e+00 : f32
      %broadcast_in_dim3A_828 = vector.broadcast %jit3A_826 : f32 to vector<16xf32>
      %broadcast_in_dim3A_829 = vector.broadcast %jit3A_827 : f32 to vector<16xf32>
      %select_n3A_830 = arith.select %gt3A_821, %broadcast_in_dim3A_828, %broadcast_in_dim3A_829 : vector<16xi1>, vector<16xf32>
      %add3A_831 = arith.addf %add3A_812, %select_n3A_830 : vector<16xf32>
      %add3A_832 = arith.constant 16896 : i32
      %add3A_833 = arith.addi %add3A_832, %mul3A_384 : i32
      %get3A_834 = arith.index_cast %add3A_833 : i32 to index
      %get3A_835 = tpu.vector_load %arg23[%get3A_834] {strides = array<i32>} : memref<32256xf32, #tpu.memory_space<vmem>>, vector<16xf32>,
      %get3A_836 = arith.index_cast %add3A_833 : i32 to index
      %get3A_837 = tpu.vector_load %arg22[%get3A_836] {strides = array<i32>} : memref<32256xi32, #tpu.memory_space<vmem>>, vector<16xi32>,
      %gt3A_838 = arith.constant 0 : i32
      %gt3A_839 = vector.broadcast %gt3A_838 : i32 to vector<16xi32>
      %gt3A_840 = arith.cmpi sgt, %get3A_837, %gt3A_839 : vector<16xi32>
      %jit3A_841 = arith.constant 0.000000e+00 : f32
      %broadcast_in_dim3A_842 = vector.broadcast %jit3A_841 : f32 to vector<16xf32>
      %select_n3A_843 = arith.select %gt3A_840, %get3A_835, %broadcast_in_dim3A_842 : vector<16xi1>, vector<16xf32>
      %add3A_844 = arith.addf %add3A_825, %select_n3A_843 : vector<16xf32>
      %jit3A_845 = arith.constant 1.000000e+00 : f32
      %jit3A_846 = arith.constant 0.000000e+00 : f32
      %broadcast_in_dim3A_847 = vector.broadcast %jit3A_845 : f32 to vector<16xf32>
      %broadcast_in_dim3A_848 = vector.broadcast %jit3A_846 : f32 to vector<16xf32>
      %select_n3A_849 = arith.select %gt3A_840, %broadcast_in_dim3A_847, %broadcast_in_dim3A_848 : vector<16xi1>, vector<16xf32>
      %add3A_850 = arith.addf %add3A_831, %select_n3A_849 : vector<16xf32>
      %add3A_851 = arith.constant 17408 : i32
      %add3A_852 = arith.addi %add3A_851, %mul3A_384 : i32
      %get3A_853 = arith.index_cast %add3A_852 : i32 to index
      %get3A_854 = tpu.vector_load %arg23[%get3A_853] {strides = array<i32>} : memref<32256xf32, #tpu.memory_space<vmem>>, vector<16xf32>,
      %get3A_855 = arith.index_cast %add3A_852 : i32 to index
      %get3A_856 = tpu.vector_load %arg22[%get3A_855] {strides = array<i32>} : memref<32256xi32, #tpu.memory_space<vmem>>, vector<16xi32>,
      %gt3A_857 = arith.constant 0 : i32
      %gt3A_858 = vector.broadcast %gt3A_857 : i32 to vector<16xi32>
      %gt3A_859 = arith.cmpi sgt, %get3A_856, %gt3A_858 : vector<16xi32>
      %jit3A_860 = arith.constant 0.000000e+00 : f32
      %broadcast_in_dim3A_861 = vector.broadcast %jit3A_860 : f32 to vector<16xf32>
      %select_n3A_862 = arith.select %gt3A_859, %get3A_854, %broadcast_in_dim3A_861 : vector<16xi1>, vector<16xf32>
      %add3A_863 = arith.addf %add3A_844, %select_n3A_862 : vector<16xf32>
      %jit3A_864 = arith.constant 1.000000e+00 : f32
      %jit3A_865 = arith.constant 0.000000e+00 : f32
      %broadcast_in_dim3A_866 = vector.broadcast %jit3A_864 : f32 to vector<16xf32>
      %broadcast_in_dim3A_867 = vector.broadcast %jit3A_865 : f32 to vector<16xf32>
      %select_n3A_868 = arith.select %gt3A_859, %broadcast_in_dim3A_866, %broadcast_in_dim3A_867 : vector<16xi1>, vector<16xf32>
      %add3A_869 = arith.addf %add3A_850, %select_n3A_868 : vector<16xf32>
      %add3A_870 = arith.constant 17920 : i32
      %add3A_871 = arith.addi %add3A_870, %mul3A_384 : i32
      %get3A_872 = arith.index_cast %add3A_871 : i32 to index
      %get3A_873 = tpu.vector_load %arg23[%get3A_872] {strides = array<i32>} : memref<32256xf32, #tpu.memory_space<vmem>>, vector<16xf32>,
      %get3A_874 = arith.index_cast %add3A_871 : i32 to index
      %get3A_875 = tpu.vector_load %arg22[%get3A_874] {strides = array<i32>} : memref<32256xi32, #tpu.memory_space<vmem>>, vector<16xi32>,
      %gt3A_876 = arith.constant 0 : i32
      %gt3A_877 = vector.broadcast %gt3A_876 : i32 to vector<16xi32>
      %gt3A_878 = arith.cmpi sgt, %get3A_875, %gt3A_877 : vector<16xi32>
      %jit3A_879 = arith.constant 0.000000e+00 : f32
      %broadcast_in_dim3A_880 = vector.broadcast %jit3A_879 : f32 to vector<16xf32>
      %select_n3A_881 = arith.select %gt3A_878, %get3A_873, %broadcast_in_dim3A_880 : vector<16xi1>, vector<16xf32>
      %add3A_882 = arith.addf %add3A_863, %select_n3A_881 : vector<16xf32>
      %jit3A_883 = arith.constant 1.000000e+00 : f32
      %jit3A_884 = arith.constant 0.000000e+00 : f32
      %broadcast_in_dim3A_885 = vector.broadcast %jit3A_883 : f32 to vector<16xf32>
      %broadcast_in_dim3A_886 = vector.broadcast %jit3A_884 : f32 to vector<16xf32>
      %select_n3A_887 = arith.select %gt3A_878, %broadcast_in_dim3A_885, %broadcast_in_dim3A_886 : vector<16xi1>, vector<16xf32>
      %add3A_888 = arith.addf %add3A_869, %select_n3A_887 : vector<16xf32>
      %add3A_889 = arith.constant 18432 : i32
      %add3A_890 = arith.addi %add3A_889, %mul3A_384 : i32
      %get3A_891 = arith.index_cast %add3A_890 : i32 to index
      %get3A_892 = tpu.vector_load %arg23[%get3A_891] {strides = array<i32>} : memref<32256xf32, #tpu.memory_space<vmem>>, vector<16xf32>,
      %get3A_893 = arith.index_cast %add3A_890 : i32 to index
      %get3A_894 = tpu.vector_load %arg22[%get3A_893] {strides = array<i32>} : memref<32256xi32, #tpu.memory_space<vmem>>, vector<16xi32>,
      %gt3A_895 = arith.constant 0 : i32
      %gt3A_896 = vector.broadcast %gt3A_895 : i32 to vector<16xi32>
      %gt3A_897 = arith.cmpi sgt, %get3A_894, %gt3A_896 : vector<16xi32>
      %jit3A_898 = arith.constant 0.000000e+00 : f32
      %broadcast_in_dim3A_899 = vector.broadcast %jit3A_898 : f32 to vector<16xf32>
      %select_n3A_900 = arith.select %gt3A_897, %get3A_892, %broadcast_in_dim3A_899 : vector<16xi1>, vector<16xf32>
      %add3A_901 = arith.addf %add3A_882, %select_n3A_900 : vector<16xf32>
      %jit3A_902 = arith.constant 1.000000e+00 : f32
      %jit3A_903 = arith.constant 0.000000e+00 : f32
      %broadcast_in_dim3A_904 = vector.broadcast %jit3A_902 : f32 to vector<16xf32>
      %broadcast_in_dim3A_905 = vector.broadcast %jit3A_903 : f32 to vector<16xf32>
      %select_n3A_906 = arith.select %gt3A_897, %broadcast_in_dim3A_904, %broadcast_in_dim3A_905 : vector<16xi1>, vector<16xf32>
      %add3A_907 = arith.addf %add3A_888, %select_n3A_906 : vector<16xf32>
      %add3A_908 = arith.constant 18944 : i32
      %add3A_909 = arith.addi %add3A_908, %mul3A_384 : i32
      %get3A_910 = arith.index_cast %add3A_909 : i32 to index
      %get3A_911 = tpu.vector_load %arg23[%get3A_910] {strides = array<i32>} : memref<32256xf32, #tpu.memory_space<vmem>>, vector<16xf32>,
      %get3A_912 = arith.index_cast %add3A_909 : i32 to index
      %get3A_913 = tpu.vector_load %arg22[%get3A_912] {strides = array<i32>} : memref<32256xi32, #tpu.memory_space<vmem>>, vector<16xi32>,
      %gt3A_914 = arith.constant 0 : i32
      %gt3A_915 = vector.broadcast %gt3A_914 : i32 to vector<16xi32>
      %gt3A_916 = arith.cmpi sgt, %get3A_913, %gt3A_915 : vector<16xi32>
      %jit3A_917 = arith.constant 0.000000e+00 : f32
      %broadcast_in_dim3A_918 = vector.broadcast %jit3A_917 : f32 to vector<16xf32>
      %select_n3A_919 = arith.select %gt3A_916, %get3A_911, %broadcast_in_dim3A_918 : vector<16xi1>, vector<16xf32>
      %add3A_920 = arith.addf %add3A_901, %select_n3A_919 : vector<16xf32>
      %jit3A_921 = arith.constant 1.000000e+00 : f32
      %jit3A_922 = arith.constant 0.000000e+00 : f32
      %broadcast_in_dim3A_923 = vector.broadcast %jit3A_921 : f32 to vector<16xf32>
      %broadcast_in_dim3A_924 = vector.broadcast %jit3A_922 : f32 to vector<16xf32>
      %select_n3A_925 = arith.select %gt3A_916, %broadcast_in_dim3A_923, %broadcast_in_dim3A_924 : vector<16xi1>, vector<16xf32>
      %add3A_926 = arith.addf %add3A_907, %select_n3A_925 : vector<16xf32>
      %add3A_927 = arith.constant 19456 : i32
      %add3A_928 = arith.addi %add3A_927, %mul3A_384 : i32
      %get3A_929 = arith.index_cast %add3A_928 : i32 to index
      %get3A_930 = tpu.vector_load %arg23[%get3A_929] {strides = array<i32>} : memref<32256xf32, #tpu.memory_space<vmem>>, vector<16xf32>,
      %get3A_931 = arith.index_cast %add3A_928 : i32 to index
      %get3A_932 = tpu.vector_load %arg22[%get3A_931] {strides = array<i32>} : memref<32256xi32, #tpu.memory_space<vmem>>, vector<16xi32>,
      %gt3A_933 = arith.constant 0 : i32
      %gt3A_934 = vector.broadcast %gt3A_933 : i32 to vector<16xi32>
      %gt3A_935 = arith.cmpi sgt, %get3A_932, %gt3A_934 : vector<16xi32>
      %jit3A_936 = arith.constant 0.000000e+00 : f32
      %broadcast_in_dim3A_937 = vector.broadcast %jit3A_936 : f32 to vector<16xf32>
      %select_n3A_938 = arith.select %gt3A_935, %get3A_930, %broadcast_in_dim3A_937 : vector<16xi1>, vector<16xf32>
      %add3A_939 = arith.addf %add3A_920, %select_n3A_938 : vector<16xf32>
      %jit3A_940 = arith.constant 1.000000e+00 : f32
      %jit3A_941 = arith.constant 0.000000e+00 : f32
      %broadcast_in_dim3A_942 = vector.broadcast %jit3A_940 : f32 to vector<16xf32>
      %broadcast_in_dim3A_943 = vector.broadcast %jit3A_941 : f32 to vector<16xf32>
      %select_n3A_944 = arith.select %gt3A_935, %broadcast_in_dim3A_942, %broadcast_in_dim3A_943 : vector<16xi1>, vector<16xf32>
      %add3A_945 = arith.addf %add3A_926, %select_n3A_944 : vector<16xf32>
      %add3A_946 = arith.constant 19968 : i32
      %add3A_947 = arith.addi %add3A_946, %mul3A_384 : i32
      %get3A_948 = arith.index_cast %add3A_947 : i32 to index
      %get3A_949 = tpu.vector_load %arg23[%get3A_948] {strides = array<i32>} : memref<32256xf32, #tpu.memory_space<vmem>>, vector<16xf32>,
      %get3A_950 = arith.index_cast %add3A_947 : i32 to index
      %get3A_951 = tpu.vector_load %arg22[%get3A_950] {strides = array<i32>} : memref<32256xi32, #tpu.memory_space<vmem>>, vector<16xi32>,
      %gt3A_952 = arith.constant 0 : i32
      %gt3A_953 = vector.broadcast %gt3A_952 : i32 to vector<16xi32>
      %gt3A_954 = arith.cmpi sgt, %get3A_951, %gt3A_953 : vector<16xi32>
      %jit3A_955 = arith.constant 0.000000e+00 : f32
      %broadcast_in_dim3A_956 = vector.broadcast %jit3A_955 : f32 to vector<16xf32>
      %select_n3A_957 = arith.select %gt3A_954, %get3A_949, %broadcast_in_dim3A_956 : vector<16xi1>, vector<16xf32>
      %add3A_958 = arith.addf %add3A_939, %select_n3A_957 : vector<16xf32>
      %jit3A_959 = arith.constant 1.000000e+00 : f32
      %jit3A_960 = arith.constant 0.000000e+00 : f32
      %broadcast_in_dim3A_961 = vector.broadcast %jit3A_959 : f32 to vector<16xf32>
      %broadcast_in_dim3A_962 = vector.broadcast %jit3A_960 : f32 to vector<16xf32>
      %select_n3A_963 = arith.select %gt3A_954, %broadcast_in_dim3A_961, %broadcast_in_dim3A_962 : vector<16xi1>, vector<16xf32>
      %add3A_964 = arith.addf %add3A_945, %select_n3A_963 : vector<16xf32>
      %add3A_965 = arith.constant 20480 : i32
      %add3A_966 = arith.addi %add3A_965, %mul3A_384 : i32
      %get3A_967 = arith.index_cast %add3A_966 : i32 to index
      %get3A_968 = tpu.vector_load %arg23[%get3A_967] {strides = array<i32>} : memref<32256xf32, #tpu.memory_space<vmem>>, vector<16xf32>,
      %get3A_969 = arith.index_cast %add3A_966 : i32 to index
      %get3A_970 = tpu.vector_load %arg22[%get3A_969] {strides = array<i32>} : memref<32256xi32, #tpu.memory_space<vmem>>, vector<16xi32>,
      %gt3A_971 = arith.constant 0 : i32
      %gt3A_972 = vector.broadcast %gt3A_971 : i32 to vector<16xi32>
      %gt3A_973 = arith.cmpi sgt, %get3A_970, %gt3A_972 : vector<16xi32>
      %jit3A_974 = arith.constant 0.000000e+00 : f32
      %broadcast_in_dim3A_975 = vector.broadcast %jit3A_974 : f32 to vector<16xf32>
      %select_n3A_976 = arith.select %gt3A_973, %get3A_968, %broadcast_in_dim3A_975 : vector<16xi1>, vector<16xf32>
      %add3A_977 = arith.addf %add3A_958, %select_n3A_976 : vector<16xf32>
      %jit3A_978 = arith.constant 1.000000e+00 : f32
      %jit3A_979 = arith.constant 0.000000e+00 : f32
      %broadcast_in_dim3A_980 = vector.broadcast %jit3A_978 : f32 to vector<16xf32>
      %broadcast_in_dim3A_981 = vector.broadcast %jit3A_979 : f32 to vector<16xf32>
      %select_n3A_982 = arith.select %gt3A_973, %broadcast_in_dim3A_980, %broadcast_in_dim3A_981 : vector<16xi1>, vector<16xf32>
      %add3A_983 = arith.addf %add3A_964, %select_n3A_982 : vector<16xf32>
      %add3A_984 = arith.constant 20992 : i32
      %add3A_985 = arith.addi %add3A_984, %mul3A_384 : i32
      %get3A_986 = arith.index_cast %add3A_985 : i32 to index
      %get3A_987 = tpu.vector_load %arg23[%get3A_986] {strides = array<i32>} : memref<32256xf32, #tpu.memory_space<vmem>>, vector<16xf32>,
      %get3A_988 = arith.index_cast %add3A_985 : i32 to index
      %get3A_989 = tpu.vector_load %arg22[%get3A_988] {strides = array<i32>} : memref<32256xi32, #tpu.memory_space<vmem>>, vector<16xi32>,
      %gt3A_990 = arith.constant 0 : i32
      %gt3A_991 = vector.broadcast %gt3A_990 : i32 to vector<16xi32>
      %gt3A_992 = arith.cmpi sgt, %get3A_989, %gt3A_991 : vector<16xi32>
      %jit3A_993 = arith.constant 0.000000e+00 : f32
      %broadcast_in_dim3A_994 = vector.broadcast %jit3A_993 : f32 to vector<16xf32>
      %select_n3A_995 = arith.select %gt3A_992, %get3A_987, %broadcast_in_dim3A_994 : vector<16xi1>, vector<16xf32>
      %add3A_996 = arith.addf %add3A_977, %select_n3A_995 : vector<16xf32>
      %jit3A_997 = arith.constant 1.000000e+00 : f32
      %jit3A_998 = arith.constant 0.000000e+00 : f32
      %broadcast_in_dim3A_999 = vector.broadcast %jit3A_997 : f32 to vector<16xf32>
      %broadcast_in_dim3A_1000 = vector.broadcast %jit3A_998 : f32 to vector<16xf32>
      %select_n3A_1001 = arith.select %gt3A_992, %broadcast_in_dim3A_999, %broadcast_in_dim3A_1000 : vector<16xi1>, vector<16xf32>
      %add3A_1002 = arith.addf %add3A_983, %select_n3A_1001 : vector<16xf32>
      %add3A_1003 = arith.constant 21504 : i32
      %add3A_1004 = arith.addi %add3A_1003, %mul3A_384 : i32
      %get3A_1005 = arith.index_cast %add3A_1004 : i32 to index
      %get3A_1006 = tpu.vector_load %arg23[%get3A_1005] {strides = array<i32>} : memref<32256xf32, #tpu.memory_space<vmem>>, vector<16xf32>,
      %get3A_1007 = arith.index_cast %add3A_1004 : i32 to index
      %get3A_1008 = tpu.vector_load %arg22[%get3A_1007] {strides = array<i32>} : memref<32256xi32, #tpu.memory_space<vmem>>, vector<16xi32>,
      %gt3A_1009 = arith.constant 0 : i32
      %gt3A_1010 = vector.broadcast %gt3A_1009 : i32 to vector<16xi32>
      %gt3A_1011 = arith.cmpi sgt, %get3A_1008, %gt3A_1010 : vector<16xi32>
      %jit3A_1012 = arith.constant 0.000000e+00 : f32
      %broadcast_in_dim3A_1013 = vector.broadcast %jit3A_1012 : f32 to vector<16xf32>
      %select_n3A_1014 = arith.select %gt3A_1011, %get3A_1006, %broadcast_in_dim3A_1013 : vector<16xi1>, vector<16xf32>
      %add3A_1015 = arith.addf %add3A_996, %select_n3A_1014 : vector<16xf32>
      %jit3A_1016 = arith.constant 1.000000e+00 : f32
      %jit3A_1017 = arith.constant 0.000000e+00 : f32
      %broadcast_in_dim3A_1018 = vector.broadcast %jit3A_1016 : f32 to vector<16xf32>
      %broadcast_in_dim3A_1019 = vector.broadcast %jit3A_1017 : f32 to vector<16xf32>
      %select_n3A_1020 = arith.select %gt3A_1011, %broadcast_in_dim3A_1018, %broadcast_in_dim3A_1019 : vector<16xi1>, vector<16xf32>
      %add3A_1021 = arith.addf %add3A_1002, %select_n3A_1020 : vector<16xf32>
      %add3A_1022 = arith.constant 22016 : i32
      %add3A_1023 = arith.addi %add3A_1022, %mul3A_384 : i32
      %get3A_1024 = arith.index_cast %add3A_1023 : i32 to index
      %get3A_1025 = tpu.vector_load %arg23[%get3A_1024] {strides = array<i32>} : memref<32256xf32, #tpu.memory_space<vmem>>, vector<16xf32>,
      %get3A_1026 = arith.index_cast %add3A_1023 : i32 to index
      %get3A_1027 = tpu.vector_load %arg22[%get3A_1026] {strides = array<i32>} : memref<32256xi32, #tpu.memory_space<vmem>>, vector<16xi32>,
      %gt3A_1028 = arith.constant 0 : i32
      %gt3A_1029 = vector.broadcast %gt3A_1028 : i32 to vector<16xi32>
      %gt3A_1030 = arith.cmpi sgt, %get3A_1027, %gt3A_1029 : vector<16xi32>
      %jit3A_1031 = arith.constant 0.000000e+00 : f32
      %broadcast_in_dim3A_1032 = vector.broadcast %jit3A_1031 : f32 to vector<16xf32>
      %select_n3A_1033 = arith.select %gt3A_1030, %get3A_1025, %broadcast_in_dim3A_1032 : vector<16xi1>, vector<16xf32>
      %add3A_1034 = arith.addf %add3A_1015, %select_n3A_1033 : vector<16xf32>
      %jit3A_1035 = arith.constant 1.000000e+00 : f32
      %jit3A_1036 = arith.constant 0.000000e+00 : f32
      %broadcast_in_dim3A_1037 = vector.broadcast %jit3A_1035 : f32 to vector<16xf32>
      %broadcast_in_dim3A_1038 = vector.broadcast %jit3A_1036 : f32 to vector<16xf32>
      %select_n3A_1039 = arith.select %gt3A_1030, %broadcast_in_dim3A_1037, %broadcast_in_dim3A_1038 : vector<16xi1>, vector<16xf32>
      %add3A_1040 = arith.addf %add3A_1021, %select_n3A_1039 : vector<16xf32>
      %add3A_1041 = arith.constant 22528 : i32
      %add3A_1042 = arith.addi %add3A_1041, %mul3A_384 : i32
      %get3A_1043 = arith.index_cast %add3A_1042 : i32 to index
      %get3A_1044 = tpu.vector_load %arg23[%get3A_1043] {strides = array<i32>} : memref<32256xf32, #tpu.memory_space<vmem>>, vector<16xf32>,
      %get3A_1045 = arith.index_cast %add3A_1042 : i32 to index
      %get3A_1046 = tpu.vector_load %arg22[%get3A_1045] {strides = array<i32>} : memref<32256xi32, #tpu.memory_space<vmem>>, vector<16xi32>,
      %gt3A_1047 = arith.constant 0 : i32
      %gt3A_1048 = vector.broadcast %gt3A_1047 : i32 to vector<16xi32>
      %gt3A_1049 = arith.cmpi sgt, %get3A_1046, %gt3A_1048 : vector<16xi32>
      %jit3A_1050 = arith.constant 0.000000e+00 : f32
      %broadcast_in_dim3A_1051 = vector.broadcast %jit3A_1050 : f32 to vector<16xf32>
      %select_n3A_1052 = arith.select %gt3A_1049, %get3A_1044, %broadcast_in_dim3A_1051 : vector<16xi1>, vector<16xf32>
      %add3A_1053 = arith.addf %add3A_1034, %select_n3A_1052 : vector<16xf32>
      %jit3A_1054 = arith.constant 1.000000e+00 : f32
      %jit3A_1055 = arith.constant 0.000000e+00 : f32
      %broadcast_in_dim3A_1056 = vector.broadcast %jit3A_1054 : f32 to vector<16xf32>
      %broadcast_in_dim3A_1057 = vector.broadcast %jit3A_1055 : f32 to vector<16xf32>
      %select_n3A_1058 = arith.select %gt3A_1049, %broadcast_in_dim3A_1056, %broadcast_in_dim3A_1057 : vector<16xi1>, vector<16xf32>
      %add3A_1059 = arith.addf %add3A_1040, %select_n3A_1058 : vector<16xf32>
      %add3A_1060 = arith.constant 23040 : i32
      %add3A_1061 = arith.addi %add3A_1060, %mul3A_384 : i32
      %get3A_1062 = arith.index_cast %add3A_1061 : i32 to index
      %get3A_1063 = tpu.vector_load %arg23[%get3A_1062] {strides = array<i32>} : memref<32256xf32, #tpu.memory_space<vmem>>, vector<16xf32>,
      %get3A_1064 = arith.index_cast %add3A_1061 : i32 to index
      %get3A_1065 = tpu.vector_load %arg22[%get3A_1064] {strides = array<i32>} : memref<32256xi32, #tpu.memory_space<vmem>>, vector<16xi32>,
      %gt3A_1066 = arith.constant 0 : i32
      %gt3A_1067 = vector.broadcast %gt3A_1066 : i32 to vector<16xi32>
      %gt3A_1068 = arith.cmpi sgt, %get3A_1065, %gt3A_1067 : vector<16xi32>
      %jit3A_1069 = arith.constant 0.000000e+00 : f32
      %broadcast_in_dim3A_1070 = vector.broadcast %jit3A_1069 : f32 to vector<16xf32>
      %select_n3A_1071 = arith.select %gt3A_1068, %get3A_1063, %broadcast_in_dim3A_1070 : vector<16xi1>, vector<16xf32>
      %add3A_1072 = arith.addf %add3A_1053, %select_n3A_1071 : vector<16xf32>
      %jit3A_1073 = arith.constant 1.000000e+00 : f32
      %jit3A_1074 = arith.constant 0.000000e+00 : f32
      %broadcast_in_dim3A_1075 = vector.broadcast %jit3A_1073 : f32 to vector<16xf32>
      %broadcast_in_dim3A_1076 = vector.broadcast %jit3A_1074 : f32 to vector<16xf32>
      %select_n3A_1077 = arith.select %gt3A_1068, %broadcast_in_dim3A_1075, %broadcast_in_dim3A_1076 : vector<16xi1>, vector<16xf32>
      %add3A_1078 = arith.addf %add3A_1059, %select_n3A_1077 : vector<16xf32>
      %add3A_1079 = arith.constant 23552 : i32
      %add3A_1080 = arith.addi %add3A_1079, %mul3A_384 : i32
      %get3A_1081 = arith.index_cast %add3A_1080 : i32 to index
      %get3A_1082 = tpu.vector_load %arg23[%get3A_1081] {strides = array<i32>} : memref<32256xf32, #tpu.memory_space<vmem>>, vector<16xf32>,
      %get3A_1083 = arith.index_cast %add3A_1080 : i32 to index
      %get3A_1084 = tpu.vector_load %arg22[%get3A_1083] {strides = array<i32>} : memref<32256xi32, #tpu.memory_space<vmem>>, vector<16xi32>,
      %gt3A_1085 = arith.constant 0 : i32
      %gt3A_1086 = vector.broadcast %gt3A_1085 : i32 to vector<16xi32>
      %gt3A_1087 = arith.cmpi sgt, %get3A_1084, %gt3A_1086 : vector<16xi32>
      %jit3A_1088 = arith.constant 0.000000e+00 : f32
      %broadcast_in_dim3A_1089 = vector.broadcast %jit3A_1088 : f32 to vector<16xf32>
      %select_n3A_1090 = arith.select %gt3A_1087, %get3A_1082, %broadcast_in_dim3A_1089 : vector<16xi1>, vector<16xf32>
      %add3A_1091 = arith.addf %add3A_1072, %select_n3A_1090 : vector<16xf32>
      %jit3A_1092 = arith.constant 1.000000e+00 : f32
      %jit3A_1093 = arith.constant 0.000000e+00 : f32
      %broadcast_in_dim3A_1094 = vector.broadcast %jit3A_1092 : f32 to vector<16xf32>
      %broadcast_in_dim3A_1095 = vector.broadcast %jit3A_1093 : f32 to vector<16xf32>
      %select_n3A_1096 = arith.select %gt3A_1087, %broadcast_in_dim3A_1094, %broadcast_in_dim3A_1095 : vector<16xi1>, vector<16xf32>
      %add3A_1097 = arith.addf %add3A_1078, %select_n3A_1096 : vector<16xf32>
      %add3A_1098 = arith.constant 24064 : i32
      %add3A_1099 = arith.addi %add3A_1098, %mul3A_384 : i32
      %get3A_1100 = arith.index_cast %add3A_1099 : i32 to index
      %get3A_1101 = tpu.vector_load %arg23[%get3A_1100] {strides = array<i32>} : memref<32256xf32, #tpu.memory_space<vmem>>, vector<16xf32>,
      %get3A_1102 = arith.index_cast %add3A_1099 : i32 to index
      %get3A_1103 = tpu.vector_load %arg22[%get3A_1102] {strides = array<i32>} : memref<32256xi32, #tpu.memory_space<vmem>>, vector<16xi32>,
      %gt3A_1104 = arith.constant 0 : i32
      %gt3A_1105 = vector.broadcast %gt3A_1104 : i32 to vector<16xi32>
      %gt3A_1106 = arith.cmpi sgt, %get3A_1103, %gt3A_1105 : vector<16xi32>
      %jit3A_1107 = arith.constant 0.000000e+00 : f32
      %broadcast_in_dim3A_1108 = vector.broadcast %jit3A_1107 : f32 to vector<16xf32>
      %select_n3A_1109 = arith.select %gt3A_1106, %get3A_1101, %broadcast_in_dim3A_1108 : vector<16xi1>, vector<16xf32>
      %add3A_1110 = arith.addf %add3A_1091, %select_n3A_1109 : vector<16xf32>
      %jit3A_1111 = arith.constant 1.000000e+00 : f32
      %jit3A_1112 = arith.constant 0.000000e+00 : f32
      %broadcast_in_dim3A_1113 = vector.broadcast %jit3A_1111 : f32 to vector<16xf32>
      %broadcast_in_dim3A_1114 = vector.broadcast %jit3A_1112 : f32 to vector<16xf32>
      %select_n3A_1115 = arith.select %gt3A_1106, %broadcast_in_dim3A_1113, %broadcast_in_dim3A_1114 : vector<16xi1>, vector<16xf32>
      %add3A_1116 = arith.addf %add3A_1097, %select_n3A_1115 : vector<16xf32>
      %add3A_1117 = arith.constant 24576 : i32
      %add3A_1118 = arith.addi %add3A_1117, %mul3A_384 : i32
      %get3A_1119 = arith.index_cast %add3A_1118 : i32 to index
      %get3A_1120 = tpu.vector_load %arg23[%get3A_1119] {strides = array<i32>} : memref<32256xf32, #tpu.memory_space<vmem>>, vector<16xf32>,
      %get3A_1121 = arith.index_cast %add3A_1118 : i32 to index
      %get3A_1122 = tpu.vector_load %arg22[%get3A_1121] {strides = array<i32>} : memref<32256xi32, #tpu.memory_space<vmem>>, vector<16xi32>,
      %gt3A_1123 = arith.constant 0 : i32
      %gt3A_1124 = vector.broadcast %gt3A_1123 : i32 to vector<16xi32>
      %gt3A_1125 = arith.cmpi sgt, %get3A_1122, %gt3A_1124 : vector<16xi32>
      %jit3A_1126 = arith.constant 0.000000e+00 : f32
      %broadcast_in_dim3A_1127 = vector.broadcast %jit3A_1126 : f32 to vector<16xf32>
      %select_n3A_1128 = arith.select %gt3A_1125, %get3A_1120, %broadcast_in_dim3A_1127 : vector<16xi1>, vector<16xf32>
      %add3A_1129 = arith.addf %add3A_1110, %select_n3A_1128 : vector<16xf32>
      %jit3A_1130 = arith.constant 1.000000e+00 : f32
      %jit3A_1131 = arith.constant 0.000000e+00 : f32
      %broadcast_in_dim3A_1132 = vector.broadcast %jit3A_1130 : f32 to vector<16xf32>
      %broadcast_in_dim3A_1133 = vector.broadcast %jit3A_1131 : f32 to vector<16xf32>
      %select_n3A_1134 = arith.select %gt3A_1125, %broadcast_in_dim3A_1132, %broadcast_in_dim3A_1133 : vector<16xi1>, vector<16xf32>
      %add3A_1135 = arith.addf %add3A_1116, %select_n3A_1134 : vector<16xf32>
      %add3A_1136 = arith.constant 25088 : i32
      %add3A_1137 = arith.addi %add3A_1136, %mul3A_384 : i32
      %get3A_1138 = arith.index_cast %add3A_1137 : i32 to index
      %get3A_1139 = tpu.vector_load %arg23[%get3A_1138] {strides = array<i32>} : memref<32256xf32, #tpu.memory_space<vmem>>, vector<16xf32>,
      %get3A_1140 = arith.index_cast %add3A_1137 : i32 to index
      %get3A_1141 = tpu.vector_load %arg22[%get3A_1140] {strides = array<i32>} : memref<32256xi32, #tpu.memory_space<vmem>>, vector<16xi32>,
      %gt3A_1142 = arith.constant 0 : i32
      %gt3A_1143 = vector.broadcast %gt3A_1142 : i32 to vector<16xi32>
      %gt3A_1144 = arith.cmpi sgt, %get3A_1141, %gt3A_1143 : vector<16xi32>
      %jit3A_1145 = arith.constant 0.000000e+00 : f32
      %broadcast_in_dim3A_1146 = vector.broadcast %jit3A_1145 : f32 to vector<16xf32>
      %select_n3A_1147 = arith.select %gt3A_1144, %get3A_1139, %broadcast_in_dim3A_1146 : vector<16xi1>, vector<16xf32>
      %add3A_1148 = arith.addf %add3A_1129, %select_n3A_1147 : vector<16xf32>
      %jit3A_1149 = arith.constant 1.000000e+00 : f32
      %jit3A_1150 = arith.constant 0.000000e+00 : f32
      %broadcast_in_dim3A_1151 = vector.broadcast %jit3A_1149 : f32 to vector<16xf32>
      %broadcast_in_dim3A_1152 = vector.broadcast %jit3A_1150 : f32 to vector<16xf32>
      %select_n3A_1153 = arith.select %gt3A_1144, %broadcast_in_dim3A_1151, %broadcast_in_dim3A_1152 : vector<16xi1>, vector<16xf32>
      %add3A_1154 = arith.addf %add3A_1135, %select_n3A_1153 : vector<16xf32>
      %add3A_1155 = arith.constant 25600 : i32
      %add3A_1156 = arith.addi %add3A_1155, %mul3A_384 : i32
      %get3A_1157 = arith.index_cast %add3A_1156 : i32 to index
      %get3A_1158 = tpu.vector_load %arg23[%get3A_1157] {strides = array<i32>} : memref<32256xf32, #tpu.memory_space<vmem>>, vector<16xf32>,
      %get3A_1159 = arith.index_cast %add3A_1156 : i32 to index
      %get3A_1160 = tpu.vector_load %arg22[%get3A_1159] {strides = array<i32>} : memref<32256xi32, #tpu.memory_space<vmem>>, vector<16xi32>,
      %gt3A_1161 = arith.constant 0 : i32
      %gt3A_1162 = vector.broadcast %gt3A_1161 : i32 to vector<16xi32>
      %gt3A_1163 = arith.cmpi sgt, %get3A_1160, %gt3A_1162 : vector<16xi32>
      %jit3A_1164 = arith.constant 0.000000e+00 : f32
      %broadcast_in_dim3A_1165 = vector.broadcast %jit3A_1164 : f32 to vector<16xf32>
      %select_n3A_1166 = arith.select %gt3A_1163, %get3A_1158, %broadcast_in_dim3A_1165 : vector<16xi1>, vector<16xf32>
      %add3A_1167 = arith.addf %add3A_1148, %select_n3A_1166 : vector<16xf32>
      %jit3A_1168 = arith.constant 1.000000e+00 : f32
      %jit3A_1169 = arith.constant 0.000000e+00 : f32
      %broadcast_in_dim3A_1170 = vector.broadcast %jit3A_1168 : f32 to vector<16xf32>
      %broadcast_in_dim3A_1171 = vector.broadcast %jit3A_1169 : f32 to vector<16xf32>
      %select_n3A_1172 = arith.select %gt3A_1163, %broadcast_in_dim3A_1170, %broadcast_in_dim3A_1171 : vector<16xi1>, vector<16xf32>
      %add3A_1173 = arith.addf %add3A_1154, %select_n3A_1172 : vector<16xf32>
      %add3A_1174 = arith.constant 26112 : i32
      %add3A_1175 = arith.addi %add3A_1174, %mul3A_384 : i32
      %get3A_1176 = arith.index_cast %add3A_1175 : i32 to index
      %get3A_1177 = tpu.vector_load %arg23[%get3A_1176] {strides = array<i32>} : memref<32256xf32, #tpu.memory_space<vmem>>, vector<16xf32>,
      %get3A_1178 = arith.index_cast %add3A_1175 : i32 to index
      %get3A_1179 = tpu.vector_load %arg22[%get3A_1178] {strides = array<i32>} : memref<32256xi32, #tpu.memory_space<vmem>>, vector<16xi32>,
      %gt3A_1180 = arith.constant 0 : i32
      %gt3A_1181 = vector.broadcast %gt3A_1180 : i32 to vector<16xi32>
      %gt3A_1182 = arith.cmpi sgt, %get3A_1179, %gt3A_1181 : vector<16xi32>
      %jit3A_1183 = arith.constant 0.000000e+00 : f32
      %broadcast_in_dim3A_1184 = vector.broadcast %jit3A_1183 : f32 to vector<16xf32>
      %select_n3A_1185 = arith.select %gt3A_1182, %get3A_1177, %broadcast_in_dim3A_1184 : vector<16xi1>, vector<16xf32>
      %add3A_1186 = arith.addf %add3A_1167, %select_n3A_1185 : vector<16xf32>
      %jit3A_1187 = arith.constant 1.000000e+00 : f32
      %jit3A_1188 = arith.constant 0.000000e+00 : f32
      %broadcast_in_dim3A_1189 = vector.broadcast %jit3A_1187 : f32 to vector<16xf32>
      %broadcast_in_dim3A_1190 = vector.broadcast %jit3A_1188 : f32 to vector<16xf32>
      %select_n3A_1191 = arith.select %gt3A_1182, %broadcast_in_dim3A_1189, %broadcast_in_dim3A_1190 : vector<16xi1>, vector<16xf32>
      %add3A_1192 = arith.addf %add3A_1173, %select_n3A_1191 : vector<16xf32>
      %add3A_1193 = arith.constant 26624 : i32
      %add3A_1194 = arith.addi %add3A_1193, %mul3A_384 : i32
      %get3A_1195 = arith.index_cast %add3A_1194 : i32 to index
      %get3A_1196 = tpu.vector_load %arg23[%get3A_1195] {strides = array<i32>} : memref<32256xf32, #tpu.memory_space<vmem>>, vector<16xf32>,
      %get3A_1197 = arith.index_cast %add3A_1194 : i32 to index
      %get3A_1198 = tpu.vector_load %arg22[%get3A_1197] {strides = array<i32>} : memref<32256xi32, #tpu.memory_space<vmem>>, vector<16xi32>,
      %gt3A_1199 = arith.constant 0 : i32
      %gt3A_1200 = vector.broadcast %gt3A_1199 : i32 to vector<16xi32>
      %gt3A_1201 = arith.cmpi sgt, %get3A_1198, %gt3A_1200 : vector<16xi32>
      %jit3A_1202 = arith.constant 0.000000e+00 : f32
      %broadcast_in_dim3A_1203 = vector.broadcast %jit3A_1202 : f32 to vector<16xf32>
      %select_n3A_1204 = arith.select %gt3A_1201, %get3A_1196, %broadcast_in_dim3A_1203 : vector<16xi1>, vector<16xf32>
      %add3A_1205 = arith.addf %add3A_1186, %select_n3A_1204 : vector<16xf32>
      %jit3A_1206 = arith.constant 1.000000e+00 : f32
      %jit3A_1207 = arith.constant 0.000000e+00 : f32
      %broadcast_in_dim3A_1208 = vector.broadcast %jit3A_1206 : f32 to vector<16xf32>
      %broadcast_in_dim3A_1209 = vector.broadcast %jit3A_1207 : f32 to vector<16xf32>
      %select_n3A_1210 = arith.select %gt3A_1201, %broadcast_in_dim3A_1208, %broadcast_in_dim3A_1209 : vector<16xi1>, vector<16xf32>
      %add3A_1211 = arith.addf %add3A_1192, %select_n3A_1210 : vector<16xf32>
      %add3A_1212 = arith.constant 27136 : i32
      %add3A_1213 = arith.addi %add3A_1212, %mul3A_384 : i32
      %get3A_1214 = arith.index_cast %add3A_1213 : i32 to index
      %get3A_1215 = tpu.vector_load %arg23[%get3A_1214] {strides = array<i32>} : memref<32256xf32, #tpu.memory_space<vmem>>, vector<16xf32>,
      %get3A_1216 = arith.index_cast %add3A_1213 : i32 to index
      %get3A_1217 = tpu.vector_load %arg22[%get3A_1216] {strides = array<i32>} : memref<32256xi32, #tpu.memory_space<vmem>>, vector<16xi32>,
      %gt3A_1218 = arith.constant 0 : i32
      %gt3A_1219 = vector.broadcast %gt3A_1218 : i32 to vector<16xi32>
      %gt3A_1220 = arith.cmpi sgt, %get3A_1217, %gt3A_1219 : vector<16xi32>
      %jit3A_1221 = arith.constant 0.000000e+00 : f32
      %broadcast_in_dim3A_1222 = vector.broadcast %jit3A_1221 : f32 to vector<16xf32>
      %select_n3A_1223 = arith.select %gt3A_1220, %get3A_1215, %broadcast_in_dim3A_1222 : vector<16xi1>, vector<16xf32>
      %add3A_1224 = arith.addf %add3A_1205, %select_n3A_1223 : vector<16xf32>
      %jit3A_1225 = arith.constant 1.000000e+00 : f32
      %jit3A_1226 = arith.constant 0.000000e+00 : f32
      %broadcast_in_dim3A_1227 = vector.broadcast %jit3A_1225 : f32 to vector<16xf32>
      %broadcast_in_dim3A_1228 = vector.broadcast %jit3A_1226 : f32 to vector<16xf32>
      %select_n3A_1229 = arith.select %gt3A_1220, %broadcast_in_dim3A_1227, %broadcast_in_dim3A_1228 : vector<16xi1>, vector<16xf32>
      %add3A_1230 = arith.addf %add3A_1211, %select_n3A_1229 : vector<16xf32>
      %add3A_1231 = arith.constant 27648 : i32
      %add3A_1232 = arith.addi %add3A_1231, %mul3A_384 : i32
      %get3A_1233 = arith.index_cast %add3A_1232 : i32 to index
      %get3A_1234 = tpu.vector_load %arg23[%get3A_1233] {strides = array<i32>} : memref<32256xf32, #tpu.memory_space<vmem>>, vector<16xf32>,
      %get3A_1235 = arith.index_cast %add3A_1232 : i32 to index
      %get3A_1236 = tpu.vector_load %arg22[%get3A_1235] {strides = array<i32>} : memref<32256xi32, #tpu.memory_space<vmem>>, vector<16xi32>,
      %gt3A_1237 = arith.constant 0 : i32
      %gt3A_1238 = vector.broadcast %gt3A_1237 : i32 to vector<16xi32>
      %gt3A_1239 = arith.cmpi sgt, %get3A_1236, %gt3A_1238 : vector<16xi32>
      %jit3A_1240 = arith.constant 0.000000e+00 : f32
      %broadcast_in_dim3A_1241 = vector.broadcast %jit3A_1240 : f32 to vector<16xf32>
      %select_n3A_1242 = arith.select %gt3A_1239, %get3A_1234, %broadcast_in_dim3A_1241 : vector<16xi1>, vector<16xf32>
      %add3A_1243 = arith.addf %add3A_1224, %select_n3A_1242 : vector<16xf32>
      %jit3A_1244 = arith.constant 1.000000e+00 : f32
      %jit3A_1245 = arith.constant 0.000000e+00 : f32
      %broadcast_in_dim3A_1246 = vector.broadcast %jit3A_1244 : f32 to vector<16xf32>
      %broadcast_in_dim3A_1247 = vector.broadcast %jit3A_1245 : f32 to vector<16xf32>
      %select_n3A_1248 = arith.select %gt3A_1239, %broadcast_in_dim3A_1246, %broadcast_in_dim3A_1247 : vector<16xi1>, vector<16xf32>
      %add3A_1249 = arith.addf %add3A_1230, %select_n3A_1248 : vector<16xf32>
      %add3A_1250 = arith.constant 28160 : i32
      %add3A_1251 = arith.addi %add3A_1250, %mul3A_384 : i32
      %get3A_1252 = arith.index_cast %add3A_1251 : i32 to index
      %get3A_1253 = tpu.vector_load %arg23[%get3A_1252] {strides = array<i32>} : memref<32256xf32, #tpu.memory_space<vmem>>, vector<16xf32>,
      %get3A_1254 = arith.index_cast %add3A_1251 : i32 to index
      %get3A_1255 = tpu.vector_load %arg22[%get3A_1254] {strides = array<i32>} : memref<32256xi32, #tpu.memory_space<vmem>>, vector<16xi32>,
      %gt3A_1256 = arith.constant 0 : i32
      %gt3A_1257 = vector.broadcast %gt3A_1256 : i32 to vector<16xi32>
      %gt3A_1258 = arith.cmpi sgt, %get3A_1255, %gt3A_1257 : vector<16xi32>
      %jit3A_1259 = arith.constant 0.000000e+00 : f32
      %broadcast_in_dim3A_1260 = vector.broadcast %jit3A_1259 : f32 to vector<16xf32>
      %select_n3A_1261 = arith.select %gt3A_1258, %get3A_1253, %broadcast_in_dim3A_1260 : vector<16xi1>, vector<16xf32>
      %add3A_1262 = arith.addf %add3A_1243, %select_n3A_1261 : vector<16xf32>
      %jit3A_1263 = arith.constant 1.000000e+00 : f32
      %jit3A_1264 = arith.constant 0.000000e+00 : f32
      %broadcast_in_dim3A_1265 = vector.broadcast %jit3A_1263 : f32 to vector<16xf32>
      %broadcast_in_dim3A_1266 = vector.broadcast %jit3A_1264 : f32 to vector<16xf32>
      %select_n3A_1267 = arith.select %gt3A_1258, %broadcast_in_dim3A_1265, %broadcast_in_dim3A_1266 : vector<16xi1>, vector<16xf32>
      %add3A_1268 = arith.addf %add3A_1249, %select_n3A_1267 : vector<16xf32>
      %add3A_1269 = arith.constant 28672 : i32
      %add3A_1270 = arith.addi %add3A_1269, %mul3A_384 : i32
      %get3A_1271 = arith.index_cast %add3A_1270 : i32 to index
      %get3A_1272 = tpu.vector_load %arg23[%get3A_1271] {strides = array<i32>} : memref<32256xf32, #tpu.memory_space<vmem>>, vector<16xf32>,
      %get3A_1273 = arith.index_cast %add3A_1270 : i32 to index
      %get3A_1274 = tpu.vector_load %arg22[%get3A_1273] {strides = array<i32>} : memref<32256xi32, #tpu.memory_space<vmem>>, vector<16xi32>,
      %gt3A_1275 = arith.constant 0 : i32
      %gt3A_1276 = vector.broadcast %gt3A_1275 : i32 to vector<16xi32>
      %gt3A_1277 = arith.cmpi sgt, %get3A_1274, %gt3A_1276 : vector<16xi32>
      %jit3A_1278 = arith.constant 0.000000e+00 : f32
      %broadcast_in_dim3A_1279 = vector.broadcast %jit3A_1278 : f32 to vector<16xf32>
      %select_n3A_1280 = arith.select %gt3A_1277, %get3A_1272, %broadcast_in_dim3A_1279 : vector<16xi1>, vector<16xf32>
      %add3A_1281 = arith.addf %add3A_1262, %select_n3A_1280 : vector<16xf32>
      %jit3A_1282 = arith.constant 1.000000e+00 : f32
      %jit3A_1283 = arith.constant 0.000000e+00 : f32
      %broadcast_in_dim3A_1284 = vector.broadcast %jit3A_1282 : f32 to vector<16xf32>
      %broadcast_in_dim3A_1285 = vector.broadcast %jit3A_1283 : f32 to vector<16xf32>
      %select_n3A_1286 = arith.select %gt3A_1277, %broadcast_in_dim3A_1284, %broadcast_in_dim3A_1285 : vector<16xi1>, vector<16xf32>
      %add3A_1287 = arith.addf %add3A_1268, %select_n3A_1286 : vector<16xf32>
      %add3A_1288 = arith.constant 29184 : i32
      %add3A_1289 = arith.addi %add3A_1288, %mul3A_384 : i32
      %get3A_1290 = arith.index_cast %add3A_1289 : i32 to index
      %get3A_1291 = tpu.vector_load %arg23[%get3A_1290] {strides = array<i32>} : memref<32256xf32, #tpu.memory_space<vmem>>, vector<16xf32>,
      %get3A_1292 = arith.index_cast %add3A_1289 : i32 to index
      %get3A_1293 = tpu.vector_load %arg22[%get3A_1292] {strides = array<i32>} : memref<32256xi32, #tpu.memory_space<vmem>>, vector<16xi32>,
      %gt3A_1294 = arith.constant 0 : i32
      %gt3A_1295 = vector.broadcast %gt3A_1294 : i32 to vector<16xi32>
      %gt3A_1296 = arith.cmpi sgt, %get3A_1293, %gt3A_1295 : vector<16xi32>
      %jit3A_1297 = arith.constant 0.000000e+00 : f32
      %broadcast_in_dim3A_1298 = vector.broadcast %jit3A_1297 : f32 to vector<16xf32>
      %select_n3A_1299 = arith.select %gt3A_1296, %get3A_1291, %broadcast_in_dim3A_1298 : vector<16xi1>, vector<16xf32>
      %add3A_1300 = arith.addf %add3A_1281, %select_n3A_1299 : vector<16xf32>
      %jit3A_1301 = arith.constant 1.000000e+00 : f32
      %jit3A_1302 = arith.constant 0.000000e+00 : f32
      %broadcast_in_dim3A_1303 = vector.broadcast %jit3A_1301 : f32 to vector<16xf32>
      %broadcast_in_dim3A_1304 = vector.broadcast %jit3A_1302 : f32 to vector<16xf32>
      %select_n3A_1305 = arith.select %gt3A_1296, %broadcast_in_dim3A_1303, %broadcast_in_dim3A_1304 : vector<16xi1>, vector<16xf32>
      %add3A_1306 = arith.addf %add3A_1287, %select_n3A_1305 : vector<16xf32>
      %add3A_1307 = arith.constant 29696 : i32
      %add3A_1308 = arith.addi %add3A_1307, %mul3A_384 : i32
      %get3A_1309 = arith.index_cast %add3A_1308 : i32 to index
      %get3A_1310 = tpu.vector_load %arg23[%get3A_1309] {strides = array<i32>} : memref<32256xf32, #tpu.memory_space<vmem>>, vector<16xf32>,
      %get3A_1311 = arith.index_cast %add3A_1308 : i32 to index
      %get3A_1312 = tpu.vector_load %arg22[%get3A_1311] {strides = array<i32>} : memref<32256xi32, #tpu.memory_space<vmem>>, vector<16xi32>,
      %gt3A_1313 = arith.constant 0 : i32
      %gt3A_1314 = vector.broadcast %gt3A_1313 : i32 to vector<16xi32>
      %gt3A_1315 = arith.cmpi sgt, %get3A_1312, %gt3A_1314 : vector<16xi32>
      %jit3A_1316 = arith.constant 0.000000e+00 : f32
      %broadcast_in_dim3A_1317 = vector.broadcast %jit3A_1316 : f32 to vector<16xf32>
      %select_n3A_1318 = arith.select %gt3A_1315, %get3A_1310, %broadcast_in_dim3A_1317 : vector<16xi1>, vector<16xf32>
      %add3A_1319 = arith.addf %add3A_1300, %select_n3A_1318 : vector<16xf32>
      %jit3A_1320 = arith.constant 1.000000e+00 : f32
      %jit3A_1321 = arith.constant 0.000000e+00 : f32
      %broadcast_in_dim3A_1322 = vector.broadcast %jit3A_1320 : f32 to vector<16xf32>
      %broadcast_in_dim3A_1323 = vector.broadcast %jit3A_1321 : f32 to vector<16xf32>
      %select_n3A_1324 = arith.select %gt3A_1315, %broadcast_in_dim3A_1322, %broadcast_in_dim3A_1323 : vector<16xi1>, vector<16xf32>
      %add3A_1325 = arith.addf %add3A_1306, %select_n3A_1324 : vector<16xf32>
      %add3A_1326 = arith.constant 30208 : i32
      %add3A_1327 = arith.addi %add3A_1326, %mul3A_384 : i32
      %get3A_1328 = arith.index_cast %add3A_1327 : i32 to index
      %get3A_1329 = tpu.vector_load %arg23[%get3A_1328] {strides = array<i32>} : memref<32256xf32, #tpu.memory_space<vmem>>, vector<16xf32>,
      %get3A_1330 = arith.index_cast %add3A_1327 : i32 to index
      %get3A_1331 = tpu.vector_load %arg22[%get3A_1330] {strides = array<i32>} : memref<32256xi32, #tpu.memory_space<vmem>>, vector<16xi32>,
      %gt3A_1332 = arith.constant 0 : i32
      %gt3A_1333 = vector.broadcast %gt3A_1332 : i32 to vector<16xi32>
      %gt3A_1334 = arith.cmpi sgt, %get3A_1331, %gt3A_1333 : vector<16xi32>
      %jit3A_1335 = arith.constant 0.000000e+00 : f32
      %broadcast_in_dim3A_1336 = vector.broadcast %jit3A_1335 : f32 to vector<16xf32>
      %select_n3A_1337 = arith.select %gt3A_1334, %get3A_1329, %broadcast_in_dim3A_1336 : vector<16xi1>, vector<16xf32>
      %add3A_1338 = arith.addf %add3A_1319, %select_n3A_1337 : vector<16xf32>
      %jit3A_1339 = arith.constant 1.000000e+00 : f32
      %jit3A_1340 = arith.constant 0.000000e+00 : f32
      %broadcast_in_dim3A_1341 = vector.broadcast %jit3A_1339 : f32 to vector<16xf32>
      %broadcast_in_dim3A_1342 = vector.broadcast %jit3A_1340 : f32 to vector<16xf32>
      %select_n3A_1343 = arith.select %gt3A_1334, %broadcast_in_dim3A_1341, %broadcast_in_dim3A_1342 : vector<16xi1>, vector<16xf32>
      %add3A_1344 = arith.addf %add3A_1325, %select_n3A_1343 : vector<16xf32>
      %add3A_1345 = arith.constant 30720 : i32
      %add3A_1346 = arith.addi %add3A_1345, %mul3A_384 : i32
      %get3A_1347 = arith.index_cast %add3A_1346 : i32 to index
      %get3A_1348 = tpu.vector_load %arg23[%get3A_1347] {strides = array<i32>} : memref<32256xf32, #tpu.memory_space<vmem>>, vector<16xf32>,
      %get3A_1349 = arith.index_cast %add3A_1346 : i32 to index
      %get3A_1350 = tpu.vector_load %arg22[%get3A_1349] {strides = array<i32>} : memref<32256xi32, #tpu.memory_space<vmem>>, vector<16xi32>,
      %gt3A_1351 = arith.constant 0 : i32
      %gt3A_1352 = vector.broadcast %gt3A_1351 : i32 to vector<16xi32>
      %gt3A_1353 = arith.cmpi sgt, %get3A_1350, %gt3A_1352 : vector<16xi32>
      %jit3A_1354 = arith.constant 0.000000e+00 : f32
      %broadcast_in_dim3A_1355 = vector.broadcast %jit3A_1354 : f32 to vector<16xf32>
      %select_n3A_1356 = arith.select %gt3A_1353, %get3A_1348, %broadcast_in_dim3A_1355 : vector<16xi1>, vector<16xf32>
      %add3A_1357 = arith.addf %add3A_1338, %select_n3A_1356 : vector<16xf32>
      %jit3A_1358 = arith.constant 1.000000e+00 : f32
      %jit3A_1359 = arith.constant 0.000000e+00 : f32
      %broadcast_in_dim3A_1360 = vector.broadcast %jit3A_1358 : f32 to vector<16xf32>
      %broadcast_in_dim3A_1361 = vector.broadcast %jit3A_1359 : f32 to vector<16xf32>
      %select_n3A_1362 = arith.select %gt3A_1353, %broadcast_in_dim3A_1360, %broadcast_in_dim3A_1361 : vector<16xi1>, vector<16xf32>
      %add3A_1363 = arith.addf %add3A_1344, %select_n3A_1362 : vector<16xf32>
      %add3A_1364 = arith.constant 31232 : i32
      %add3A_1365 = arith.addi %add3A_1364, %mul3A_384 : i32
      %get3A_1366 = arith.index_cast %add3A_1365 : i32 to index
      %get3A_1367 = tpu.vector_load %arg23[%get3A_1366] {strides = array<i32>} : memref<32256xf32, #tpu.memory_space<vmem>>, vector<16xf32>,
      %get3A_1368 = arith.index_cast %add3A_1365 : i32 to index
      %get3A_1369 = tpu.vector_load %arg22[%get3A_1368] {strides = array<i32>} : memref<32256xi32, #tpu.memory_space<vmem>>, vector<16xi32>,
      %gt3A_1370 = arith.constant 0 : i32
      %gt3A_1371 = vector.broadcast %gt3A_1370 : i32 to vector<16xi32>
      %gt3A_1372 = arith.cmpi sgt, %get3A_1369, %gt3A_1371 : vector<16xi32>
      %jit3A_1373 = arith.constant 0.000000e+00 : f32
      %broadcast_in_dim3A_1374 = vector.broadcast %jit3A_1373 : f32 to vector<16xf32>
      %select_n3A_1375 = arith.select %gt3A_1372, %get3A_1367, %broadcast_in_dim3A_1374 : vector<16xi1>, vector<16xf32>
      %add3A_1376 = arith.addf %add3A_1357, %select_n3A_1375 : vector<16xf32>
      %jit3A_1377 = arith.constant 1.000000e+00 : f32
      %jit3A_1378 = arith.constant 0.000000e+00 : f32
      %broadcast_in_dim3A_1379 = vector.broadcast %jit3A_1377 : f32 to vector<16xf32>
      %broadcast_in_dim3A_1380 = vector.broadcast %jit3A_1378 : f32 to vector<16xf32>
      %select_n3A_1381 = arith.select %gt3A_1372, %broadcast_in_dim3A_1379, %broadcast_in_dim3A_1380 : vector<16xi1>, vector<16xf32>
      %add3A_1382 = arith.addf %add3A_1363, %select_n3A_1381 : vector<16xf32>
      %add3A_1383 = arith.constant 31744 : i32
      %add3A_1384 = arith.addi %add3A_1383, %mul3A_384 : i32
      %get3A_1385 = arith.index_cast %add3A_1384 : i32 to index
      %get3A_1386 = tpu.vector_load %arg23[%get3A_1385] {strides = array<i32>} : memref<32256xf32, #tpu.memory_space<vmem>>, vector<16xf32>,
      %get3A_1387 = arith.index_cast %add3A_1384 : i32 to index
      %get3A_1388 = tpu.vector_load %arg22[%get3A_1387] {strides = array<i32>} : memref<32256xi32, #tpu.memory_space<vmem>>, vector<16xi32>,
      %gt3A_1389 = arith.constant 0 : i32
      %gt3A_1390 = vector.broadcast %gt3A_1389 : i32 to vector<16xi32>
      %gt3A_1391 = arith.cmpi sgt, %get3A_1388, %gt3A_1390 : vector<16xi32>
      %jit3A_1392 = arith.constant 0.000000e+00 : f32
      %broadcast_in_dim3A_1393 = vector.broadcast %jit3A_1392 : f32 to vector<16xf32>
      %select_n3A_1394 = arith.select %gt3A_1391, %get3A_1386, %broadcast_in_dim3A_1393 : vector<16xi1>, vector<16xf32>
      %add3A_1395 = arith.addf %add3A_1376, %select_n3A_1394 : vector<16xf32>
      %jit3A_1396 = arith.constant 1.000000e+00 : f32
      %jit3A_1397 = arith.constant 0.000000e+00 : f32
      %broadcast_in_dim3A_1398 = vector.broadcast %jit3A_1396 : f32 to vector<16xf32>
      %broadcast_in_dim3A_1399 = vector.broadcast %jit3A_1397 : f32 to vector<16xf32>
      %select_n3A_1400 = arith.select %gt3A_1391, %broadcast_in_dim3A_1398, %broadcast_in_dim3A_1399 : vector<16xi1>, vector<16xf32>
      %add3A_1401 = arith.addf %add3A_1382, %select_n3A_1400 : vector<16xf32>
      %max3A = arith.constant 1.000000e+00 : f32
      %max3A_1402 = vector.broadcast %max3A : f32 to vector<16xf32>
      %max3A_1403 = arith.maximumf %add3A_1401, %max3A_1402 : vector<16xf32>
      %div3A = arith.divf %add3A_1395, %max3A_1403 : vector<16xf32>
      %add3A_1404 = arith.addf %add3A_451, %div3A : vector<16xf32>
      %add3A_1405 = arith.constant 0 : i32
      %add3A_1406 = arith.addi %add3A_1405, %mul3A_384 : i32
      %get3A_1407 = arith.index_cast %add3A_1406 : i32 to index
      %get3A_1408 = tpu.vector_load %arg24[%get3A_1407] {strides = array<i32>} : memref<6656xf32, #tpu.memory_space<vmem>>, vector<16xf32>,
      %mul3A_1409 = arith.mulf %get3A_1408, %get3A_351 : vector<16xf32>
      %add3A_1410 = arith.addf %add3A_1404, %mul3A_1409 : vector<16xf32>
      %add3A_1411 = arith.constant 512 : i32
      %add3A_1412 = arith.addi %add3A_1411, %mul3A_384 : i32
      %get3A_1413 = arith.index_cast %add3A_1412 : i32 to index
      %get3A_1414 = tpu.vector_load %arg24[%get3A_1413] {strides = array<i32>} : memref<6656xf32, #tpu.memory_space<vmem>>, vector<16xf32>,
      %mul3A_1415 = arith.mulf %get3A_1414, %get3A_353 : vector<16xf32>
      %add3A_1416 = arith.addf %add3A_1410, %mul3A_1415 : vector<16xf32>
      %add3A_1417 = arith.constant 1024 : i32
      %add3A_1418 = arith.addi %add3A_1417, %mul3A_384 : i32
      %get3A_1419 = arith.index_cast %add3A_1418 : i32 to index
      %get3A_1420 = tpu.vector_load %arg24[%get3A_1419] {strides = array<i32>} : memref<6656xf32, #tpu.memory_space<vmem>>, vector<16xf32>,
      %mul3A_1421 = arith.mulf %get3A_1420, %get3A_355 : vector<16xf32>
      %add3A_1422 = arith.addf %add3A_1416, %mul3A_1421 : vector<16xf32>
      %add3A_1423 = arith.constant 1536 : i32
      %add3A_1424 = arith.addi %add3A_1423, %mul3A_384 : i32
      %get3A_1425 = arith.index_cast %add3A_1424 : i32 to index
      %get3A_1426 = tpu.vector_load %arg24[%get3A_1425] {strides = array<i32>} : memref<6656xf32, #tpu.memory_space<vmem>>, vector<16xf32>,
      %mul3A_1427 = arith.mulf %get3A_1426, %get3A_357 : vector<16xf32>
      %add3A_1428 = arith.addf %add3A_1422, %mul3A_1427 : vector<16xf32>
      %add3A_1429 = arith.constant 2048 : i32
      %add3A_1430 = arith.addi %add3A_1429, %mul3A_384 : i32
      %get3A_1431 = arith.index_cast %add3A_1430 : i32 to index
      %get3A_1432 = tpu.vector_load %arg24[%get3A_1431] {strides = array<i32>} : memref<6656xf32, #tpu.memory_space<vmem>>, vector<16xf32>,
      %mul3A_1433 = arith.mulf %get3A_1432, %get3A_359 : vector<16xf32>
      %add3A_1434 = arith.addf %add3A_1428, %mul3A_1433 : vector<16xf32>
      %add3A_1435 = arith.constant 2560 : i32
      %add3A_1436 = arith.addi %add3A_1435, %mul3A_384 : i32
      %get3A_1437 = arith.index_cast %add3A_1436 : i32 to index
      %get3A_1438 = tpu.vector_load %arg24[%get3A_1437] {strides = array<i32>} : memref<6656xf32, #tpu.memory_space<vmem>>, vector<16xf32>,
      %mul3A_1439 = arith.mulf %get3A_1438, %get3A_361 : vector<16xf32>
      %add3A_1440 = arith.addf %add3A_1434, %mul3A_1439 : vector<16xf32>
      %add3A_1441 = arith.constant 3072 : i32
      %add3A_1442 = arith.addi %add3A_1441, %mul3A_384 : i32
      %get3A_1443 = arith.index_cast %add3A_1442 : i32 to index
      %get3A_1444 = tpu.vector_load %arg24[%get3A_1443] {strides = array<i32>} : memref<6656xf32, #tpu.memory_space<vmem>>, vector<16xf32>,
      %mul3A_1445 = arith.mulf %get3A_1444, %get3A_363 : vector<16xf32>
      %add3A_1446 = arith.addf %add3A_1440, %mul3A_1445 : vector<16xf32>
      %add3A_1447 = arith.constant 3584 : i32
      %add3A_1448 = arith.addi %add3A_1447, %mul3A_384 : i32
      %get3A_1449 = arith.index_cast %add3A_1448 : i32 to index
      %get3A_1450 = tpu.vector_load %arg24[%get3A_1449] {strides = array<i32>} : memref<6656xf32, #tpu.memory_space<vmem>>, vector<16xf32>,
      %mul3A_1451 = arith.mulf %get3A_1450, %get3A_365 : vector<16xf32>
      %add3A_1452 = arith.addf %add3A_1446, %mul3A_1451 : vector<16xf32>
      %add3A_1453 = arith.constant 4096 : i32
      %add3A_1454 = arith.addi %add3A_1453, %mul3A_384 : i32
      %get3A_1455 = arith.index_cast %add3A_1454 : i32 to index
      %get3A_1456 = tpu.vector_load %arg24[%get3A_1455] {strides = array<i32>} : memref<6656xf32, #tpu.memory_space<vmem>>, vector<16xf32>,
      %mul3A_1457 = arith.mulf %get3A_1456, %get3A_367 : vector<16xf32>
      %add3A_1458 = arith.addf %add3A_1452, %mul3A_1457 : vector<16xf32>
      %add3A_1459 = arith.constant 4608 : i32
      %add3A_1460 = arith.addi %add3A_1459, %mul3A_384 : i32
      %get3A_1461 = arith.index_cast %add3A_1460 : i32 to index
      %get3A_1462 = tpu.vector_load %arg24[%get3A_1461] {strides = array<i32>} : memref<6656xf32, #tpu.memory_space<vmem>>, vector<16xf32>,
      %mul3A_1463 = arith.mulf %get3A_1462, %get3A_369 : vector<16xf32>
      %add3A_1464 = arith.addf %add3A_1458, %mul3A_1463 : vector<16xf32>
      %add3A_1465 = arith.constant 5120 : i32
      %add3A_1466 = arith.addi %add3A_1465, %mul3A_384 : i32
      %get3A_1467 = arith.index_cast %add3A_1466 : i32 to index
      %get3A_1468 = tpu.vector_load %arg24[%get3A_1467] {strides = array<i32>} : memref<6656xf32, #tpu.memory_space<vmem>>, vector<16xf32>,
      %mul3A_1469 = arith.mulf %get3A_1468, %get3A_371 : vector<16xf32>
      %add3A_1470 = arith.addf %add3A_1464, %mul3A_1469 : vector<16xf32>
      %add3A_1471 = arith.constant 5632 : i32
      %add3A_1472 = arith.addi %add3A_1471, %mul3A_384 : i32
      %get3A_1473 = arith.index_cast %add3A_1472 : i32 to index
      %get3A_1474 = tpu.vector_load %arg24[%get3A_1473] {strides = array<i32>} : memref<6656xf32, #tpu.memory_space<vmem>>, vector<16xf32>,
      %mul3A_1475 = arith.mulf %get3A_1474, %get3A_373 : vector<16xf32>
      %add3A_1476 = arith.addf %add3A_1470, %mul3A_1475 : vector<16xf32>
      %add3A_1477 = arith.constant 6144 : i32
      %add3A_1478 = arith.addi %add3A_1477, %mul3A_384 : i32
      %get3A_1479 = arith.index_cast %add3A_1478 : i32 to index
      %get3A_1480 = tpu.vector_load %arg24[%get3A_1479] {strides = array<i32>} : memref<6656xf32, #tpu.memory_space<vmem>>, vector<16xf32>,
      %mul3A_1481 = arith.mulf %get3A_1480, %get3A_375 : vector<16xf32>
      %add3A_1482 = arith.addf %add3A_1476, %mul3A_1481 : vector<16xf32>
      %swap3A = arith.index_cast %mul3A_384 : i32 to index
      %swap3A_1483 = tpu.vector_load %arg27[%swap3A] {strides = array<i32>} : memref<512xf32, #tpu.memory_space<vmem>>, vector<16xf32>,
      tpu.vector_store %arg27[%swap3A], %add3A_1482 {strides = array<i32>} : memref<512xf32, #tpu.memory_space<vmem>>, vector<16xf32>,
    }
    %scan3A_381 = arith.constant 32 : i32
    "tpu.region"() ({
      %run_scoped3A = tpu.sem_alloc : memref<!tpu.dma_semaphore, #tpu.memory_space<semaphore_mem>>
      %dma_start3A_382 = tpu.memref_slice %arg21[%mul3A_2] : memref<16384xf32, #tpu.memory_space<hbm>> -> memref<512xf32, #tpu.memory_space<hbm>>
      %dma_start3A_383 = tpu.memref_slice %arg21[%mul3A_2] : memref<16384xf32, #tpu.memory_space<hbm>> -> memref<512xf32, #tpu.memory_space<hbm>>
      tpu.enqueue_dma source(%arg27 : memref<512xf32, #tpu.memory_space<vmem>>) target(%dma_start3A_383 : memref<512xf32, #tpu.memory_space<hbm>>) target_semaphore(%run_scoped3A : memref<!tpu.dma_semaphore, #tpu.memory_space<semaphore_mem>>)
      %dma_wait3A = tpu.memref_slice %arg21[%mul3A_2] : memref<16384xf32, #tpu.memory_space<hbm>> -> memref<512xf32, #tpu.memory_space<hbm>>
      %dma_wait3A_384 = tpu.memref_slice %arg21[%mul3A_2] : memref<16384xf32, #tpu.memory_space<hbm>> -> memref<512xf32, #tpu.memory_space<hbm>>
      tpu.wait_dma2 semaphore(%run_scoped3A : memref<!tpu.dma_semaphore, #tpu.memory_space<semaphore_mem>>) src(%arg27 : memref<512xf32, #tpu.memory_space<vmem>>) dst(%dma_wait3A_384 : memref<512xf32, #tpu.memory_space<hbm>>)
      tpu.yield
    }) : () -> ()
    return
  }
}

#map = affine_map<(d0, d1) -> (0)>
module attributes {stable_mosaic.version = 14 : i64} {
  func.func @_body_a(%arg0: i32, %arg1: i32, %arg2: memref<425984xi32, #tpu.memory_space<hbm>>, %arg3: memref<1000000xf32, #tpu.memory_space<hbm>>, %arg4: memref<1000000xf32, #tpu.memory_space<hbm>>, %arg5: memref<1000000xf32, #tpu.memory_space<hbm>>, %arg6: memref<1000000xf32, #tpu.memory_space<hbm>>, %arg7: memref<1000000xf32, #tpu.memory_space<hbm>>, %arg8: memref<1000000xf32, #tpu.memory_space<hbm>>, %arg9: memref<1000000xf32, #tpu.memory_space<hbm>>, %arg10: memref<1000000xf32, #tpu.memory_space<hbm>>, %arg11: memref<1000000xf32, #tpu.memory_space<hbm>>, %arg12: memref<1000000xf32, #tpu.memory_space<hbm>>, %arg13: memref<1000000xf32, #tpu.memory_space<hbm>>, %arg14: memref<1000000xf32, #tpu.memory_space<hbm>>, %arg15: memref<1000000xf32, #tpu.memory_space<hbm>>, %arg16: memref<16384xf32, #tpu.memory_space<hbm>>, %arg17: memref<6656xi32, #tpu.memory_space<vmem>>, %arg18: memref<6656xf32, #tpu.memory_space<vmem>>, %arg19: memref<512xf32, #tpu.memory_space<vmem>>, %arg20: memref<!tpu.dma_semaphore, #tpu.memory_space<semaphore_mem>>, %arg21: memref<!tpu.dma_semaphore, #tpu.memory_space<semaphore_mem>>) attributes {dimension_semantics = [#tpu.dimension_semantics<core_parallel>, #tpu.dimension_semantics<subcore_parallel>], iteration_bounds = array<i64: 2, 16>, scalar_prefetch = 0 : i64, scratch_operands = 5 : i64, tpu.core_type = #tpu.core_type<sc_vector_subcore>, window_params = [{transform_indices = #map}, {transform_indices = #map}, {transform_indices = #map}, {transform_indices = #map}, {transform_indices = #map}, {transform_indices = #map}, {transform_indices = #map}, {transform_indices = #map}, {transform_indices = #map}, {transform_indices = #map}, {transform_indices = #map}, {transform_indices = #map}, {transform_indices = #map}, {transform_indices = #map}, {transform_indices = #map}]} {
    %mul3A = arith.constant 2 : i32
    %mul3A_0 = arith.muli %arg1, %mul3A : i32
    %add3A = arith.addi %mul3A_0, %arg0 : i32
    %mul3A_1 = arith.constant 512 : i32
    %mul3A_2 = arith.muli %add3A, %mul3A_1 : i32
    %scan3A = arith.constant 0 : i32
    %scan3A_3 = arith.constant 0 : i32
    %scan3A_4 = arith.constant 13 : i32
    %scan3A_5 = arith.addi %scan3A_3, %scan3A_4 : i32
    %scan3A_6 = arith.constant 1 : i32
    scf.for %scan3A_337 = %scan3A_3 to %scan3A_5 step %scan3A_6  : i32 {
      %mul3A_338 = arith.constant 16384 : i32
      %mul3A_339 = arith.muli %scan3A_337, %mul3A_338 : i32
      %add3A_340 = arith.addi %mul3A_339, %mul3A_2 : i32
      %mul3A_341 = arith.constant 512 : i32
      %mul3A_342 = arith.muli %scan3A_337, %mul3A_341 : i32
      %dma_start3A_343 = tpu.memref_slice %arg17[%mul3A_342] : memref<6656xi32, #tpu.memory_space<vmem>> -> memref<512xi32, #tpu.memory_space<vmem>>
      %dma_start3A_344 = tpu.memref_slice %arg2[%add3A_340] : memref<425984xi32, #tpu.memory_space<hbm>> -> memref<512xi32, #tpu.memory_space<hbm>>
      %dma_start3A_345 = tpu.memref_slice %arg17[%mul3A_342] : memref<6656xi32, #tpu.memory_space<vmem>> -> memref<512xi32, #tpu.memory_space<vmem>>
      %dma_start3A_346 = tpu.memref_slice %arg2[%add3A_340] : memref<425984xi32, #tpu.memory_space<hbm>> -> memref<512xi32, #tpu.memory_space<hbm>>
      tpu.enqueue_dma source(%dma_start3A_346 : memref<512xi32, #tpu.memory_space<hbm>>) target(%dma_start3A_345 : memref<512xi32, #tpu.memory_space<vmem>>) target_semaphore(%arg20 : memref<!tpu.dma_semaphore, #tpu.memory_space<semaphore_mem>>)
    }
    %scan3A_7 = arith.constant 13 : i32
    %scan3A_8 = arith.constant 0 : i32
    %scan3A_9 = arith.constant 0 : i32
    %scan3A_10 = arith.constant 13 : i32
    %scan3A_11 = arith.addi %scan3A_9, %scan3A_10 : i32
    %scan3A_12 = arith.constant 1 : i32
    scf.for %scan3A_337 = %scan3A_9 to %scan3A_11 step %scan3A_12  : i32 {
      %dma_wait3A = arith.constant 0 : i32
      %dma_wait3A_338 = tpu.memref_slice %arg17[%dma_wait3A] : memref<6656xi32, #tpu.memory_space<vmem>> -> memref<512xi32, #tpu.memory_space<vmem>>
      %dma_wait3A_339 = tpu.memref_slice %arg2[%mul3A_2] : memref<425984xi32, #tpu.memory_space<hbm>> -> memref<512xi32, #tpu.memory_space<hbm>>
      %dma_wait3A_340 = arith.constant 0 : i32
      %dma_wait3A_341 = tpu.memref_slice %arg17[%dma_wait3A_340] : memref<6656xi32, #tpu.memory_space<vmem>> -> memref<512xi32, #tpu.memory_space<vmem>>
      %dma_wait3A_342 = tpu.memref_slice %arg2[%mul3A_2] : memref<425984xi32, #tpu.memory_space<hbm>> -> memref<512xi32, #tpu.memory_space<hbm>>
      tpu.wait_dma2 semaphore(%arg20 : memref<!tpu.dma_semaphore, #tpu.memory_space<semaphore_mem>>) src(%dma_wait3A_342 : memref<512xi32, #tpu.memory_space<hbm>>) dst(%dma_wait3A_341 : memref<512xi32, #tpu.memory_space<vmem>>)
    }
    %scan3A_13 = arith.constant 13 : i32
    %dma_start3A = arith.constant 0 : i32
    %dma_start3A_14 = tpu.memref_slice %arg18[%dma_start3A] : memref<6656xf32, #tpu.memory_space<vmem>> -> memref<128xf32, #tpu.memory_space<vmem>>
    %dma_start3A_15 = arith.constant 0 : i32
    %dma_start3A_16 = tpu.memref_slice %arg17[%dma_start3A_15] : memref<6656xi32, #tpu.memory_space<vmem>> -> memref<128xi32, #tpu.memory_space<vmem>>
    %dma_start3A_17 = arith.constant 0 : i32
    %dma_start3A_18 = tpu.memref_slice %arg3[%dma_start3A_17] : memref<1000000xf32, #tpu.memory_space<hbm>> -> memref<1000000xf32, #tpu.memory_space<hbm>>
    tpu.enqueue_indirect_dma source(%dma_start3A_18 : memref<1000000xf32, #tpu.memory_space<hbm>>) target(%dma_start3A_14 : memref<128xf32, #tpu.memory_space<vmem>>) offsets(%dma_start3A_16 : memref<128xi32, #tpu.memory_space<vmem>>) semaphore(%arg21 : memref<!tpu.dma_semaphore, #tpu.memory_space<semaphore_mem>>)
    %dma_start3A_19 = arith.constant 128 : i32
    %dma_start3A_20 = tpu.memref_slice %arg18[%dma_start3A_19] : memref<6656xf32, #tpu.memory_space<vmem>> -> memref<128xf32, #tpu.memory_space<vmem>>
    %dma_start3A_21 = arith.constant 128 : i32
    %dma_start3A_22 = tpu.memref_slice %arg17[%dma_start3A_21] : memref<6656xi32, #tpu.memory_space<vmem>> -> memref<128xi32, #tpu.memory_space<vmem>>
    %dma_start3A_23 = arith.constant 0 : i32
    %dma_start3A_24 = tpu.memref_slice %arg3[%dma_start3A_23] : memref<1000000xf32, #tpu.memory_space<hbm>> -> memref<1000000xf32, #tpu.memory_space<hbm>>
    tpu.enqueue_indirect_dma source(%dma_start3A_24 : memref<1000000xf32, #tpu.memory_space<hbm>>) target(%dma_start3A_20 : memref<128xf32, #tpu.memory_space<vmem>>) offsets(%dma_start3A_22 : memref<128xi32, #tpu.memory_space<vmem>>) semaphore(%arg21 : memref<!tpu.dma_semaphore, #tpu.memory_space<semaphore_mem>>)
    %dma_start3A_25 = arith.constant 256 : i32
    %dma_start3A_26 = tpu.memref_slice %arg18[%dma_start3A_25] : memref<6656xf32, #tpu.memory_space<vmem>> -> memref<128xf32, #tpu.memory_space<vmem>>
    %dma_start3A_27 = arith.constant 256 : i32
    %dma_start3A_28 = tpu.memref_slice %arg17[%dma_start3A_27] : memref<6656xi32, #tpu.memory_space<vmem>> -> memref<128xi32, #tpu.memory_space<vmem>>
    %dma_start3A_29 = arith.constant 0 : i32
    %dma_start3A_30 = tpu.memref_slice %arg3[%dma_start3A_29] : memref<1000000xf32, #tpu.memory_space<hbm>> -> memref<1000000xf32, #tpu.memory_space<hbm>>
    tpu.enqueue_indirect_dma source(%dma_start3A_30 : memref<1000000xf32, #tpu.memory_space<hbm>>) target(%dma_start3A_26 : memref<128xf32, #tpu.memory_space<vmem>>) offsets(%dma_start3A_28 : memref<128xi32, #tpu.memory_space<vmem>>) semaphore(%arg21 : memref<!tpu.dma_semaphore, #tpu.memory_space<semaphore_mem>>)
    %dma_start3A_31 = arith.constant 384 : i32
    %dma_start3A_32 = tpu.memref_slice %arg18[%dma_start3A_31] : memref<6656xf32, #tpu.memory_space<vmem>> -> memref<128xf32, #tpu.memory_space<vmem>>
    %dma_start3A_33 = arith.constant 384 : i32
    %dma_start3A_34 = tpu.memref_slice %arg17[%dma_start3A_33] : memref<6656xi32, #tpu.memory_space<vmem>> -> memref<128xi32, #tpu.memory_space<vmem>>
    %dma_start3A_35 = arith.constant 0 : i32
    %dma_start3A_36 = tpu.memref_slice %arg3[%dma_start3A_35] : memref<1000000xf32, #tpu.memory_space<hbm>> -> memref<1000000xf32, #tpu.memory_space<hbm>>
    tpu.enqueue_indirect_dma source(%dma_start3A_36 : memref<1000000xf32, #tpu.memory_space<hbm>>) target(%dma_start3A_32 : memref<128xf32, #tpu.memory_space<vmem>>) offsets(%dma_start3A_34 : memref<128xi32, #tpu.memory_space<vmem>>) semaphore(%arg21 : memref<!tpu.dma_semaphore, #tpu.memory_space<semaphore_mem>>)
    %dma_start3A_37 = arith.constant 512 : i32
    %dma_start3A_38 = tpu.memref_slice %arg18[%dma_start3A_37] : memref<6656xf32, #tpu.memory_space<vmem>> -> memref<128xf32, #tpu.memory_space<vmem>>
    %dma_start3A_39 = arith.constant 512 : i32
    %dma_start3A_40 = tpu.memref_slice %arg17[%dma_start3A_39] : memref<6656xi32, #tpu.memory_space<vmem>> -> memref<128xi32, #tpu.memory_space<vmem>>
    %dma_start3A_41 = arith.constant 0 : i32
    %dma_start3A_42 = tpu.memref_slice %arg4[%dma_start3A_41] : memref<1000000xf32, #tpu.memory_space<hbm>> -> memref<1000000xf32, #tpu.memory_space<hbm>>
    tpu.enqueue_indirect_dma source(%dma_start3A_42 : memref<1000000xf32, #tpu.memory_space<hbm>>) target(%dma_start3A_38 : memref<128xf32, #tpu.memory_space<vmem>>) offsets(%dma_start3A_40 : memref<128xi32, #tpu.memory_space<vmem>>) semaphore(%arg21 : memref<!tpu.dma_semaphore, #tpu.memory_space<semaphore_mem>>)
    %dma_start3A_43 = arith.constant 640 : i32
    %dma_start3A_44 = tpu.memref_slice %arg18[%dma_start3A_43] : memref<6656xf32, #tpu.memory_space<vmem>> -> memref<128xf32, #tpu.memory_space<vmem>>
    %dma_start3A_45 = arith.constant 640 : i32
    %dma_start3A_46 = tpu.memref_slice %arg17[%dma_start3A_45] : memref<6656xi32, #tpu.memory_space<vmem>> -> memref<128xi32, #tpu.memory_space<vmem>>
    %dma_start3A_47 = arith.constant 0 : i32
    %dma_start3A_48 = tpu.memref_slice %arg4[%dma_start3A_47] : memref<1000000xf32, #tpu.memory_space<hbm>> -> memref<1000000xf32, #tpu.memory_space<hbm>>
    tpu.enqueue_indirect_dma source(%dma_start3A_48 : memref<1000000xf32, #tpu.memory_space<hbm>>) target(%dma_start3A_44 : memref<128xf32, #tpu.memory_space<vmem>>) offsets(%dma_start3A_46 : memref<128xi32, #tpu.memory_space<vmem>>) semaphore(%arg21 : memref<!tpu.dma_semaphore, #tpu.memory_space<semaphore_mem>>)
    %dma_start3A_49 = arith.constant 768 : i32
    %dma_start3A_50 = tpu.memref_slice %arg18[%dma_start3A_49] : memref<6656xf32, #tpu.memory_space<vmem>> -> memref<128xf32, #tpu.memory_space<vmem>>
    %dma_start3A_51 = arith.constant 768 : i32
    %dma_start3A_52 = tpu.memref_slice %arg17[%dma_start3A_51] : memref<6656xi32, #tpu.memory_space<vmem>> -> memref<128xi32, #tpu.memory_space<vmem>>
    %dma_start3A_53 = arith.constant 0 : i32
    %dma_start3A_54 = tpu.memref_slice %arg4[%dma_start3A_53] : memref<1000000xf32, #tpu.memory_space<hbm>> -> memref<1000000xf32, #tpu.memory_space<hbm>>
    tpu.enqueue_indirect_dma source(%dma_start3A_54 : memref<1000000xf32, #tpu.memory_space<hbm>>) target(%dma_start3A_50 : memref<128xf32, #tpu.memory_space<vmem>>) offsets(%dma_start3A_52 : memref<128xi32, #tpu.memory_space<vmem>>) semaphore(%arg21 : memref<!tpu.dma_semaphore, #tpu.memory_space<semaphore_mem>>)
    %dma_start3A_55 = arith.constant 896 : i32
    %dma_start3A_56 = tpu.memref_slice %arg18[%dma_start3A_55] : memref<6656xf32, #tpu.memory_space<vmem>> -> memref<128xf32, #tpu.memory_space<vmem>>
    %dma_start3A_57 = arith.constant 896 : i32
    %dma_start3A_58 = tpu.memref_slice %arg17[%dma_start3A_57] : memref<6656xi32, #tpu.memory_space<vmem>> -> memref<128xi32, #tpu.memory_space<vmem>>
    %dma_start3A_59 = arith.constant 0 : i32
    %dma_start3A_60 = tpu.memref_slice %arg4[%dma_start3A_59] : memref<1000000xf32, #tpu.memory_space<hbm>> -> memref<1000000xf32, #tpu.memory_space<hbm>>
    tpu.enqueue_indirect_dma source(%dma_start3A_60 : memref<1000000xf32, #tpu.memory_space<hbm>>) target(%dma_start3A_56 : memref<128xf32, #tpu.memory_space<vmem>>) offsets(%dma_start3A_58 : memref<128xi32, #tpu.memory_space<vmem>>) semaphore(%arg21 : memref<!tpu.dma_semaphore, #tpu.memory_space<semaphore_mem>>)
    %dma_start3A_61 = arith.constant 1024 : i32
    %dma_start3A_62 = tpu.memref_slice %arg18[%dma_start3A_61] : memref<6656xf32, #tpu.memory_space<vmem>> -> memref<128xf32, #tpu.memory_space<vmem>>
    %dma_start3A_63 = arith.constant 1024 : i32
    %dma_start3A_64 = tpu.memref_slice %arg17[%dma_start3A_63] : memref<6656xi32, #tpu.memory_space<vmem>> -> memref<128xi32, #tpu.memory_space<vmem>>
    %dma_start3A_65 = arith.constant 0 : i32
    %dma_start3A_66 = tpu.memref_slice %arg5[%dma_start3A_65] : memref<1000000xf32, #tpu.memory_space<hbm>> -> memref<1000000xf32, #tpu.memory_space<hbm>>
    tpu.enqueue_indirect_dma source(%dma_start3A_66 : memref<1000000xf32, #tpu.memory_space<hbm>>) target(%dma_start3A_62 : memref<128xf32, #tpu.memory_space<vmem>>) offsets(%dma_start3A_64 : memref<128xi32, #tpu.memory_space<vmem>>) semaphore(%arg21 : memref<!tpu.dma_semaphore, #tpu.memory_space<semaphore_mem>>)
    %dma_start3A_67 = arith.constant 1152 : i32
    %dma_start3A_68 = tpu.memref_slice %arg18[%dma_start3A_67] : memref<6656xf32, #tpu.memory_space<vmem>> -> memref<128xf32, #tpu.memory_space<vmem>>
    %dma_start3A_69 = arith.constant 1152 : i32
    %dma_start3A_70 = tpu.memref_slice %arg17[%dma_start3A_69] : memref<6656xi32, #tpu.memory_space<vmem>> -> memref<128xi32, #tpu.memory_space<vmem>>
    %dma_start3A_71 = arith.constant 0 : i32
    %dma_start3A_72 = tpu.memref_slice %arg5[%dma_start3A_71] : memref<1000000xf32, #tpu.memory_space<hbm>> -> memref<1000000xf32, #tpu.memory_space<hbm>>
    tpu.enqueue_indirect_dma source(%dma_start3A_72 : memref<1000000xf32, #tpu.memory_space<hbm>>) target(%dma_start3A_68 : memref<128xf32, #tpu.memory_space<vmem>>) offsets(%dma_start3A_70 : memref<128xi32, #tpu.memory_space<vmem>>) semaphore(%arg21 : memref<!tpu.dma_semaphore, #tpu.memory_space<semaphore_mem>>)
    %dma_start3A_73 = arith.constant 1280 : i32
    %dma_start3A_74 = tpu.memref_slice %arg18[%dma_start3A_73] : memref<6656xf32, #tpu.memory_space<vmem>> -> memref<128xf32, #tpu.memory_space<vmem>>
    %dma_start3A_75 = arith.constant 1280 : i32
    %dma_start3A_76 = tpu.memref_slice %arg17[%dma_start3A_75] : memref<6656xi32, #tpu.memory_space<vmem>> -> memref<128xi32, #tpu.memory_space<vmem>>
    %dma_start3A_77 = arith.constant 0 : i32
    %dma_start3A_78 = tpu.memref_slice %arg5[%dma_start3A_77] : memref<1000000xf32, #tpu.memory_space<hbm>> -> memref<1000000xf32, #tpu.memory_space<hbm>>
    tpu.enqueue_indirect_dma source(%dma_start3A_78 : memref<1000000xf32, #tpu.memory_space<hbm>>) target(%dma_start3A_74 : memref<128xf32, #tpu.memory_space<vmem>>) offsets(%dma_start3A_76 : memref<128xi32, #tpu.memory_space<vmem>>) semaphore(%arg21 : memref<!tpu.dma_semaphore, #tpu.memory_space<semaphore_mem>>)
    %dma_start3A_79 = arith.constant 1408 : i32
    %dma_start3A_80 = tpu.memref_slice %arg18[%dma_start3A_79] : memref<6656xf32, #tpu.memory_space<vmem>> -> memref<128xf32, #tpu.memory_space<vmem>>
    %dma_start3A_81 = arith.constant 1408 : i32
    %dma_start3A_82 = tpu.memref_slice %arg17[%dma_start3A_81] : memref<6656xi32, #tpu.memory_space<vmem>> -> memref<128xi32, #tpu.memory_space<vmem>>
    %dma_start3A_83 = arith.constant 0 : i32
    %dma_start3A_84 = tpu.memref_slice %arg5[%dma_start3A_83] : memref<1000000xf32, #tpu.memory_space<hbm>> -> memref<1000000xf32, #tpu.memory_space<hbm>>
    tpu.enqueue_indirect_dma source(%dma_start3A_84 : memref<1000000xf32, #tpu.memory_space<hbm>>) target(%dma_start3A_80 : memref<128xf32, #tpu.memory_space<vmem>>) offsets(%dma_start3A_82 : memref<128xi32, #tpu.memory_space<vmem>>) semaphore(%arg21 : memref<!tpu.dma_semaphore, #tpu.memory_space<semaphore_mem>>)
    %dma_start3A_85 = arith.constant 1536 : i32
    %dma_start3A_86 = tpu.memref_slice %arg18[%dma_start3A_85] : memref<6656xf32, #tpu.memory_space<vmem>> -> memref<128xf32, #tpu.memory_space<vmem>>
    %dma_start3A_87 = arith.constant 1536 : i32
    %dma_start3A_88 = tpu.memref_slice %arg17[%dma_start3A_87] : memref<6656xi32, #tpu.memory_space<vmem>> -> memref<128xi32, #tpu.memory_space<vmem>>
    %dma_start3A_89 = arith.constant 0 : i32
    %dma_start3A_90 = tpu.memref_slice %arg6[%dma_start3A_89] : memref<1000000xf32, #tpu.memory_space<hbm>> -> memref<1000000xf32, #tpu.memory_space<hbm>>
    tpu.enqueue_indirect_dma source(%dma_start3A_90 : memref<1000000xf32, #tpu.memory_space<hbm>>) target(%dma_start3A_86 : memref<128xf32, #tpu.memory_space<vmem>>) offsets(%dma_start3A_88 : memref<128xi32, #tpu.memory_space<vmem>>) semaphore(%arg21 : memref<!tpu.dma_semaphore, #tpu.memory_space<semaphore_mem>>)
    %dma_start3A_91 = arith.constant 1664 : i32
    %dma_start3A_92 = tpu.memref_slice %arg18[%dma_start3A_91] : memref<6656xf32, #tpu.memory_space<vmem>> -> memref<128xf32, #tpu.memory_space<vmem>>
    %dma_start3A_93 = arith.constant 1664 : i32
    %dma_start3A_94 = tpu.memref_slice %arg17[%dma_start3A_93] : memref<6656xi32, #tpu.memory_space<vmem>> -> memref<128xi32, #tpu.memory_space<vmem>>
    %dma_start3A_95 = arith.constant 0 : i32
    %dma_start3A_96 = tpu.memref_slice %arg6[%dma_start3A_95] : memref<1000000xf32, #tpu.memory_space<hbm>> -> memref<1000000xf32, #tpu.memory_space<hbm>>
    tpu.enqueue_indirect_dma source(%dma_start3A_96 : memref<1000000xf32, #tpu.memory_space<hbm>>) target(%dma_start3A_92 : memref<128xf32, #tpu.memory_space<vmem>>) offsets(%dma_start3A_94 : memref<128xi32, #tpu.memory_space<vmem>>) semaphore(%arg21 : memref<!tpu.dma_semaphore, #tpu.memory_space<semaphore_mem>>)
    %dma_start3A_97 = arith.constant 1792 : i32
    %dma_start3A_98 = tpu.memref_slice %arg18[%dma_start3A_97] : memref<6656xf32, #tpu.memory_space<vmem>> -> memref<128xf32, #tpu.memory_space<vmem>>
    %dma_start3A_99 = arith.constant 1792 : i32
    %dma_start3A_100 = tpu.memref_slice %arg17[%dma_start3A_99] : memref<6656xi32, #tpu.memory_space<vmem>> -> memref<128xi32, #tpu.memory_space<vmem>>
    %dma_start3A_101 = arith.constant 0 : i32
    %dma_start3A_102 = tpu.memref_slice %arg6[%dma_start3A_101] : memref<1000000xf32, #tpu.memory_space<hbm>> -> memref<1000000xf32, #tpu.memory_space<hbm>>
    tpu.enqueue_indirect_dma source(%dma_start3A_102 : memref<1000000xf32, #tpu.memory_space<hbm>>) target(%dma_start3A_98 : memref<128xf32, #tpu.memory_space<vmem>>) offsets(%dma_start3A_100 : memref<128xi32, #tpu.memory_space<vmem>>) semaphore(%arg21 : memref<!tpu.dma_semaphore, #tpu.memory_space<semaphore_mem>>)
    %dma_start3A_103 = arith.constant 1920 : i32
    %dma_start3A_104 = tpu.memref_slice %arg18[%dma_start3A_103] : memref<6656xf32, #tpu.memory_space<vmem>> -> memref<128xf32, #tpu.memory_space<vmem>>
    %dma_start3A_105 = arith.constant 1920 : i32
    %dma_start3A_106 = tpu.memref_slice %arg17[%dma_start3A_105] : memref<6656xi32, #tpu.memory_space<vmem>> -> memref<128xi32, #tpu.memory_space<vmem>>
    %dma_start3A_107 = arith.constant 0 : i32
    %dma_start3A_108 = tpu.memref_slice %arg6[%dma_start3A_107] : memref<1000000xf32, #tpu.memory_space<hbm>> -> memref<1000000xf32, #tpu.memory_space<hbm>>
    tpu.enqueue_indirect_dma source(%dma_start3A_108 : memref<1000000xf32, #tpu.memory_space<hbm>>) target(%dma_start3A_104 : memref<128xf32, #tpu.memory_space<vmem>>) offsets(%dma_start3A_106 : memref<128xi32, #tpu.memory_space<vmem>>) semaphore(%arg21 : memref<!tpu.dma_semaphore, #tpu.memory_space<semaphore_mem>>)
    %dma_start3A_109 = arith.constant 2048 : i32
    %dma_start3A_110 = tpu.memref_slice %arg18[%dma_start3A_109] : memref<6656xf32, #tpu.memory_space<vmem>> -> memref<128xf32, #tpu.memory_space<vmem>>
    %dma_start3A_111 = arith.constant 2048 : i32
    %dma_start3A_112 = tpu.memref_slice %arg17[%dma_start3A_111] : memref<6656xi32, #tpu.memory_space<vmem>> -> memref<128xi32, #tpu.memory_space<vmem>>
    %dma_start3A_113 = arith.constant 0 : i32
    %dma_start3A_114 = tpu.memref_slice %arg7[%dma_start3A_113] : memref<1000000xf32, #tpu.memory_space<hbm>> -> memref<1000000xf32, #tpu.memory_space<hbm>>
    tpu.enqueue_indirect_dma source(%dma_start3A_114 : memref<1000000xf32, #tpu.memory_space<hbm>>) target(%dma_start3A_110 : memref<128xf32, #tpu.memory_space<vmem>>) offsets(%dma_start3A_112 : memref<128xi32, #tpu.memory_space<vmem>>) semaphore(%arg21 : memref<!tpu.dma_semaphore, #tpu.memory_space<semaphore_mem>>)
    %dma_start3A_115 = arith.constant 2176 : i32
    %dma_start3A_116 = tpu.memref_slice %arg18[%dma_start3A_115] : memref<6656xf32, #tpu.memory_space<vmem>> -> memref<128xf32, #tpu.memory_space<vmem>>
    %dma_start3A_117 = arith.constant 2176 : i32
    %dma_start3A_118 = tpu.memref_slice %arg17[%dma_start3A_117] : memref<6656xi32, #tpu.memory_space<vmem>> -> memref<128xi32, #tpu.memory_space<vmem>>
    %dma_start3A_119 = arith.constant 0 : i32
    %dma_start3A_120 = tpu.memref_slice %arg7[%dma_start3A_119] : memref<1000000xf32, #tpu.memory_space<hbm>> -> memref<1000000xf32, #tpu.memory_space<hbm>>
    tpu.enqueue_indirect_dma source(%dma_start3A_120 : memref<1000000xf32, #tpu.memory_space<hbm>>) target(%dma_start3A_116 : memref<128xf32, #tpu.memory_space<vmem>>) offsets(%dma_start3A_118 : memref<128xi32, #tpu.memory_space<vmem>>) semaphore(%arg21 : memref<!tpu.dma_semaphore, #tpu.memory_space<semaphore_mem>>)
    %dma_start3A_121 = arith.constant 2304 : i32
    %dma_start3A_122 = tpu.memref_slice %arg18[%dma_start3A_121] : memref<6656xf32, #tpu.memory_space<vmem>> -> memref<128xf32, #tpu.memory_space<vmem>>
    %dma_start3A_123 = arith.constant 2304 : i32
    %dma_start3A_124 = tpu.memref_slice %arg17[%dma_start3A_123] : memref<6656xi32, #tpu.memory_space<vmem>> -> memref<128xi32, #tpu.memory_space<vmem>>
    %dma_start3A_125 = arith.constant 0 : i32
    %dma_start3A_126 = tpu.memref_slice %arg7[%dma_start3A_125] : memref<1000000xf32, #tpu.memory_space<hbm>> -> memref<1000000xf32, #tpu.memory_space<hbm>>
    tpu.enqueue_indirect_dma source(%dma_start3A_126 : memref<1000000xf32, #tpu.memory_space<hbm>>) target(%dma_start3A_122 : memref<128xf32, #tpu.memory_space<vmem>>) offsets(%dma_start3A_124 : memref<128xi32, #tpu.memory_space<vmem>>) semaphore(%arg21 : memref<!tpu.dma_semaphore, #tpu.memory_space<semaphore_mem>>)
    %dma_start3A_127 = arith.constant 2432 : i32
    %dma_start3A_128 = tpu.memref_slice %arg18[%dma_start3A_127] : memref<6656xf32, #tpu.memory_space<vmem>> -> memref<128xf32, #tpu.memory_space<vmem>>
    %dma_start3A_129 = arith.constant 2432 : i32
    %dma_start3A_130 = tpu.memref_slice %arg17[%dma_start3A_129] : memref<6656xi32, #tpu.memory_space<vmem>> -> memref<128xi32, #tpu.memory_space<vmem>>
    %dma_start3A_131 = arith.constant 0 : i32
    %dma_start3A_132 = tpu.memref_slice %arg7[%dma_start3A_131] : memref<1000000xf32, #tpu.memory_space<hbm>> -> memref<1000000xf32, #tpu.memory_space<hbm>>
    tpu.enqueue_indirect_dma source(%dma_start3A_132 : memref<1000000xf32, #tpu.memory_space<hbm>>) target(%dma_start3A_128 : memref<128xf32, #tpu.memory_space<vmem>>) offsets(%dma_start3A_130 : memref<128xi32, #tpu.memory_space<vmem>>) semaphore(%arg21 : memref<!tpu.dma_semaphore, #tpu.memory_space<semaphore_mem>>)
    %dma_start3A_133 = arith.constant 2560 : i32
    %dma_start3A_134 = tpu.memref_slice %arg18[%dma_start3A_133] : memref<6656xf32, #tpu.memory_space<vmem>> -> memref<128xf32, #tpu.memory_space<vmem>>
    %dma_start3A_135 = arith.constant 2560 : i32
    %dma_start3A_136 = tpu.memref_slice %arg17[%dma_start3A_135] : memref<6656xi32, #tpu.memory_space<vmem>> -> memref<128xi32, #tpu.memory_space<vmem>>
    %dma_start3A_137 = arith.constant 0 : i32
    %dma_start3A_138 = tpu.memref_slice %arg8[%dma_start3A_137] : memref<1000000xf32, #tpu.memory_space<hbm>> -> memref<1000000xf32, #tpu.memory_space<hbm>>
    tpu.enqueue_indirect_dma source(%dma_start3A_138 : memref<1000000xf32, #tpu.memory_space<hbm>>) target(%dma_start3A_134 : memref<128xf32, #tpu.memory_space<vmem>>) offsets(%dma_start3A_136 : memref<128xi32, #tpu.memory_space<vmem>>) semaphore(%arg21 : memref<!tpu.dma_semaphore, #tpu.memory_space<semaphore_mem>>)
    %dma_start3A_139 = arith.constant 2688 : i32
    %dma_start3A_140 = tpu.memref_slice %arg18[%dma_start3A_139] : memref<6656xf32, #tpu.memory_space<vmem>> -> memref<128xf32, #tpu.memory_space<vmem>>
    %dma_start3A_141 = arith.constant 2688 : i32
    %dma_start3A_142 = tpu.memref_slice %arg17[%dma_start3A_141] : memref<6656xi32, #tpu.memory_space<vmem>> -> memref<128xi32, #tpu.memory_space<vmem>>
    %dma_start3A_143 = arith.constant 0 : i32
    %dma_start3A_144 = tpu.memref_slice %arg8[%dma_start3A_143] : memref<1000000xf32, #tpu.memory_space<hbm>> -> memref<1000000xf32, #tpu.memory_space<hbm>>
    tpu.enqueue_indirect_dma source(%dma_start3A_144 : memref<1000000xf32, #tpu.memory_space<hbm>>) target(%dma_start3A_140 : memref<128xf32, #tpu.memory_space<vmem>>) offsets(%dma_start3A_142 : memref<128xi32, #tpu.memory_space<vmem>>) semaphore(%arg21 : memref<!tpu.dma_semaphore, #tpu.memory_space<semaphore_mem>>)
    %dma_start3A_145 = arith.constant 2816 : i32
    %dma_start3A_146 = tpu.memref_slice %arg18[%dma_start3A_145] : memref<6656xf32, #tpu.memory_space<vmem>> -> memref<128xf32, #tpu.memory_space<vmem>>
    %dma_start3A_147 = arith.constant 2816 : i32
    %dma_start3A_148 = tpu.memref_slice %arg17[%dma_start3A_147] : memref<6656xi32, #tpu.memory_space<vmem>> -> memref<128xi32, #tpu.memory_space<vmem>>
    %dma_start3A_149 = arith.constant 0 : i32
    %dma_start3A_150 = tpu.memref_slice %arg8[%dma_start3A_149] : memref<1000000xf32, #tpu.memory_space<hbm>> -> memref<1000000xf32, #tpu.memory_space<hbm>>
    tpu.enqueue_indirect_dma source(%dma_start3A_150 : memref<1000000xf32, #tpu.memory_space<hbm>>) target(%dma_start3A_146 : memref<128xf32, #tpu.memory_space<vmem>>) offsets(%dma_start3A_148 : memref<128xi32, #tpu.memory_space<vmem>>) semaphore(%arg21 : memref<!tpu.dma_semaphore, #tpu.memory_space<semaphore_mem>>)
    %dma_start3A_151 = arith.constant 2944 : i32
    %dma_start3A_152 = tpu.memref_slice %arg18[%dma_start3A_151] : memref<6656xf32, #tpu.memory_space<vmem>> -> memref<128xf32, #tpu.memory_space<vmem>>
    %dma_start3A_153 = arith.constant 2944 : i32
    %dma_start3A_154 = tpu.memref_slice %arg17[%dma_start3A_153] : memref<6656xi32, #tpu.memory_space<vmem>> -> memref<128xi32, #tpu.memory_space<vmem>>
    %dma_start3A_155 = arith.constant 0 : i32
    %dma_start3A_156 = tpu.memref_slice %arg8[%dma_start3A_155] : memref<1000000xf32, #tpu.memory_space<hbm>> -> memref<1000000xf32, #tpu.memory_space<hbm>>
    tpu.enqueue_indirect_dma source(%dma_start3A_156 : memref<1000000xf32, #tpu.memory_space<hbm>>) target(%dma_start3A_152 : memref<128xf32, #tpu.memory_space<vmem>>) offsets(%dma_start3A_154 : memref<128xi32, #tpu.memory_space<vmem>>) semaphore(%arg21 : memref<!tpu.dma_semaphore, #tpu.memory_space<semaphore_mem>>)
    %dma_start3A_157 = arith.constant 3072 : i32
    %dma_start3A_158 = tpu.memref_slice %arg18[%dma_start3A_157] : memref<6656xf32, #tpu.memory_space<vmem>> -> memref<128xf32, #tpu.memory_space<vmem>>
    %dma_start3A_159 = arith.constant 3072 : i32
    %dma_start3A_160 = tpu.memref_slice %arg17[%dma_start3A_159] : memref<6656xi32, #tpu.memory_space<vmem>> -> memref<128xi32, #tpu.memory_space<vmem>>
    %dma_start3A_161 = arith.constant 0 : i32
    %dma_start3A_162 = tpu.memref_slice %arg9[%dma_start3A_161] : memref<1000000xf32, #tpu.memory_space<hbm>> -> memref<1000000xf32, #tpu.memory_space<hbm>>
    tpu.enqueue_indirect_dma source(%dma_start3A_162 : memref<1000000xf32, #tpu.memory_space<hbm>>) target(%dma_start3A_158 : memref<128xf32, #tpu.memory_space<vmem>>) offsets(%dma_start3A_160 : memref<128xi32, #tpu.memory_space<vmem>>) semaphore(%arg21 : memref<!tpu.dma_semaphore, #tpu.memory_space<semaphore_mem>>)
    %dma_start3A_163 = arith.constant 3200 : i32
    %dma_start3A_164 = tpu.memref_slice %arg18[%dma_start3A_163] : memref<6656xf32, #tpu.memory_space<vmem>> -> memref<128xf32, #tpu.memory_space<vmem>>
    %dma_start3A_165 = arith.constant 3200 : i32
    %dma_start3A_166 = tpu.memref_slice %arg17[%dma_start3A_165] : memref<6656xi32, #tpu.memory_space<vmem>> -> memref<128xi32, #tpu.memory_space<vmem>>
    %dma_start3A_167 = arith.constant 0 : i32
    %dma_start3A_168 = tpu.memref_slice %arg9[%dma_start3A_167] : memref<1000000xf32, #tpu.memory_space<hbm>> -> memref<1000000xf32, #tpu.memory_space<hbm>>
    tpu.enqueue_indirect_dma source(%dma_start3A_168 : memref<1000000xf32, #tpu.memory_space<hbm>>) target(%dma_start3A_164 : memref<128xf32, #tpu.memory_space<vmem>>) offsets(%dma_start3A_166 : memref<128xi32, #tpu.memory_space<vmem>>) semaphore(%arg21 : memref<!tpu.dma_semaphore, #tpu.memory_space<semaphore_mem>>)
    %dma_start3A_169 = arith.constant 3328 : i32
    %dma_start3A_170 = tpu.memref_slice %arg18[%dma_start3A_169] : memref<6656xf32, #tpu.memory_space<vmem>> -> memref<128xf32, #tpu.memory_space<vmem>>
    %dma_start3A_171 = arith.constant 3328 : i32
    %dma_start3A_172 = tpu.memref_slice %arg17[%dma_start3A_171] : memref<6656xi32, #tpu.memory_space<vmem>> -> memref<128xi32, #tpu.memory_space<vmem>>
    %dma_start3A_173 = arith.constant 0 : i32
    %dma_start3A_174 = tpu.memref_slice %arg9[%dma_start3A_173] : memref<1000000xf32, #tpu.memory_space<hbm>> -> memref<1000000xf32, #tpu.memory_space<hbm>>
    tpu.enqueue_indirect_dma source(%dma_start3A_174 : memref<1000000xf32, #tpu.memory_space<hbm>>) target(%dma_start3A_170 : memref<128xf32, #tpu.memory_space<vmem>>) offsets(%dma_start3A_172 : memref<128xi32, #tpu.memory_space<vmem>>) semaphore(%arg21 : memref<!tpu.dma_semaphore, #tpu.memory_space<semaphore_mem>>)
    %dma_start3A_175 = arith.constant 3456 : i32
    %dma_start3A_176 = tpu.memref_slice %arg18[%dma_start3A_175] : memref<6656xf32, #tpu.memory_space<vmem>> -> memref<128xf32, #tpu.memory_space<vmem>>
    %dma_start3A_177 = arith.constant 3456 : i32
    %dma_start3A_178 = tpu.memref_slice %arg17[%dma_start3A_177] : memref<6656xi32, #tpu.memory_space<vmem>> -> memref<128xi32, #tpu.memory_space<vmem>>
    %dma_start3A_179 = arith.constant 0 : i32
    %dma_start3A_180 = tpu.memref_slice %arg9[%dma_start3A_179] : memref<1000000xf32, #tpu.memory_space<hbm>> -> memref<1000000xf32, #tpu.memory_space<hbm>>
    tpu.enqueue_indirect_dma source(%dma_start3A_180 : memref<1000000xf32, #tpu.memory_space<hbm>>) target(%dma_start3A_176 : memref<128xf32, #tpu.memory_space<vmem>>) offsets(%dma_start3A_178 : memref<128xi32, #tpu.memory_space<vmem>>) semaphore(%arg21 : memref<!tpu.dma_semaphore, #tpu.memory_space<semaphore_mem>>)
    %dma_start3A_181 = arith.constant 3584 : i32
    %dma_start3A_182 = tpu.memref_slice %arg18[%dma_start3A_181] : memref<6656xf32, #tpu.memory_space<vmem>> -> memref<128xf32, #tpu.memory_space<vmem>>
    %dma_start3A_183 = arith.constant 3584 : i32
    %dma_start3A_184 = tpu.memref_slice %arg17[%dma_start3A_183] : memref<6656xi32, #tpu.memory_space<vmem>> -> memref<128xi32, #tpu.memory_space<vmem>>
    %dma_start3A_185 = arith.constant 0 : i32
    %dma_start3A_186 = tpu.memref_slice %arg10[%dma_start3A_185] : memref<1000000xf32, #tpu.memory_space<hbm>> -> memref<1000000xf32, #tpu.memory_space<hbm>>
    tpu.enqueue_indirect_dma source(%dma_start3A_186 : memref<1000000xf32, #tpu.memory_space<hbm>>) target(%dma_start3A_182 : memref<128xf32, #tpu.memory_space<vmem>>) offsets(%dma_start3A_184 : memref<128xi32, #tpu.memory_space<vmem>>) semaphore(%arg21 : memref<!tpu.dma_semaphore, #tpu.memory_space<semaphore_mem>>)
    %dma_start3A_187 = arith.constant 3712 : i32
    %dma_start3A_188 = tpu.memref_slice %arg18[%dma_start3A_187] : memref<6656xf32, #tpu.memory_space<vmem>> -> memref<128xf32, #tpu.memory_space<vmem>>
    %dma_start3A_189 = arith.constant 3712 : i32
    %dma_start3A_190 = tpu.memref_slice %arg17[%dma_start3A_189] : memref<6656xi32, #tpu.memory_space<vmem>> -> memref<128xi32, #tpu.memory_space<vmem>>
    %dma_start3A_191 = arith.constant 0 : i32
    %dma_start3A_192 = tpu.memref_slice %arg10[%dma_start3A_191] : memref<1000000xf32, #tpu.memory_space<hbm>> -> memref<1000000xf32, #tpu.memory_space<hbm>>
    tpu.enqueue_indirect_dma source(%dma_start3A_192 : memref<1000000xf32, #tpu.memory_space<hbm>>) target(%dma_start3A_188 : memref<128xf32, #tpu.memory_space<vmem>>) offsets(%dma_start3A_190 : memref<128xi32, #tpu.memory_space<vmem>>) semaphore(%arg21 : memref<!tpu.dma_semaphore, #tpu.memory_space<semaphore_mem>>)
    %dma_start3A_193 = arith.constant 3840 : i32
    %dma_start3A_194 = tpu.memref_slice %arg18[%dma_start3A_193] : memref<6656xf32, #tpu.memory_space<vmem>> -> memref<128xf32, #tpu.memory_space<vmem>>
    %dma_start3A_195 = arith.constant 3840 : i32
    %dma_start3A_196 = tpu.memref_slice %arg17[%dma_start3A_195] : memref<6656xi32, #tpu.memory_space<vmem>> -> memref<128xi32, #tpu.memory_space<vmem>>
    %dma_start3A_197 = arith.constant 0 : i32
    %dma_start3A_198 = tpu.memref_slice %arg10[%dma_start3A_197] : memref<1000000xf32, #tpu.memory_space<hbm>> -> memref<1000000xf32, #tpu.memory_space<hbm>>
    tpu.enqueue_indirect_dma source(%dma_start3A_198 : memref<1000000xf32, #tpu.memory_space<hbm>>) target(%dma_start3A_194 : memref<128xf32, #tpu.memory_space<vmem>>) offsets(%dma_start3A_196 : memref<128xi32, #tpu.memory_space<vmem>>) semaphore(%arg21 : memref<!tpu.dma_semaphore, #tpu.memory_space<semaphore_mem>>)
    %dma_start3A_199 = arith.constant 3968 : i32
    %dma_start3A_200 = tpu.memref_slice %arg18[%dma_start3A_199] : memref<6656xf32, #tpu.memory_space<vmem>> -> memref<128xf32, #tpu.memory_space<vmem>>
    %dma_start3A_201 = arith.constant 3968 : i32
    %dma_start3A_202 = tpu.memref_slice %arg17[%dma_start3A_201] : memref<6656xi32, #tpu.memory_space<vmem>> -> memref<128xi32, #tpu.memory_space<vmem>>
    %dma_start3A_203 = arith.constant 0 : i32
    %dma_start3A_204 = tpu.memref_slice %arg10[%dma_start3A_203] : memref<1000000xf32, #tpu.memory_space<hbm>> -> memref<1000000xf32, #tpu.memory_space<hbm>>
    tpu.enqueue_indirect_dma source(%dma_start3A_204 : memref<1000000xf32, #tpu.memory_space<hbm>>) target(%dma_start3A_200 : memref<128xf32, #tpu.memory_space<vmem>>) offsets(%dma_start3A_202 : memref<128xi32, #tpu.memory_space<vmem>>) semaphore(%arg21 : memref<!tpu.dma_semaphore, #tpu.memory_space<semaphore_mem>>)
    %dma_start3A_205 = arith.constant 4096 : i32
    %dma_start3A_206 = tpu.memref_slice %arg18[%dma_start3A_205] : memref<6656xf32, #tpu.memory_space<vmem>> -> memref<128xf32, #tpu.memory_space<vmem>>
    %dma_start3A_207 = arith.constant 4096 : i32
    %dma_start3A_208 = tpu.memref_slice %arg17[%dma_start3A_207] : memref<6656xi32, #tpu.memory_space<vmem>> -> memref<128xi32, #tpu.memory_space<vmem>>
    %dma_start3A_209 = arith.constant 0 : i32
    %dma_start3A_210 = tpu.memref_slice %arg11[%dma_start3A_209] : memref<1000000xf32, #tpu.memory_space<hbm>> -> memref<1000000xf32, #tpu.memory_space<hbm>>
    tpu.enqueue_indirect_dma source(%dma_start3A_210 : memref<1000000xf32, #tpu.memory_space<hbm>>) target(%dma_start3A_206 : memref<128xf32, #tpu.memory_space<vmem>>) offsets(%dma_start3A_208 : memref<128xi32, #tpu.memory_space<vmem>>) semaphore(%arg21 : memref<!tpu.dma_semaphore, #tpu.memory_space<semaphore_mem>>)
    %dma_start3A_211 = arith.constant 4224 : i32
    %dma_start3A_212 = tpu.memref_slice %arg18[%dma_start3A_211] : memref<6656xf32, #tpu.memory_space<vmem>> -> memref<128xf32, #tpu.memory_space<vmem>>
    %dma_start3A_213 = arith.constant 4224 : i32
    %dma_start3A_214 = tpu.memref_slice %arg17[%dma_start3A_213] : memref<6656xi32, #tpu.memory_space<vmem>> -> memref<128xi32, #tpu.memory_space<vmem>>
    %dma_start3A_215 = arith.constant 0 : i32
    %dma_start3A_216 = tpu.memref_slice %arg11[%dma_start3A_215] : memref<1000000xf32, #tpu.memory_space<hbm>> -> memref<1000000xf32, #tpu.memory_space<hbm>>
    tpu.enqueue_indirect_dma source(%dma_start3A_216 : memref<1000000xf32, #tpu.memory_space<hbm>>) target(%dma_start3A_212 : memref<128xf32, #tpu.memory_space<vmem>>) offsets(%dma_start3A_214 : memref<128xi32, #tpu.memory_space<vmem>>) semaphore(%arg21 : memref<!tpu.dma_semaphore, #tpu.memory_space<semaphore_mem>>)
    %dma_start3A_217 = arith.constant 4352 : i32
    %dma_start3A_218 = tpu.memref_slice %arg18[%dma_start3A_217] : memref<6656xf32, #tpu.memory_space<vmem>> -> memref<128xf32, #tpu.memory_space<vmem>>
    %dma_start3A_219 = arith.constant 4352 : i32
    %dma_start3A_220 = tpu.memref_slice %arg17[%dma_start3A_219] : memref<6656xi32, #tpu.memory_space<vmem>> -> memref<128xi32, #tpu.memory_space<vmem>>
    %dma_start3A_221 = arith.constant 0 : i32
    %dma_start3A_222 = tpu.memref_slice %arg11[%dma_start3A_221] : memref<1000000xf32, #tpu.memory_space<hbm>> -> memref<1000000xf32, #tpu.memory_space<hbm>>
    tpu.enqueue_indirect_dma source(%dma_start3A_222 : memref<1000000xf32, #tpu.memory_space<hbm>>) target(%dma_start3A_218 : memref<128xf32, #tpu.memory_space<vmem>>) offsets(%dma_start3A_220 : memref<128xi32, #tpu.memory_space<vmem>>) semaphore(%arg21 : memref<!tpu.dma_semaphore, #tpu.memory_space<semaphore_mem>>)
    %dma_start3A_223 = arith.constant 4480 : i32
    %dma_start3A_224 = tpu.memref_slice %arg18[%dma_start3A_223] : memref<6656xf32, #tpu.memory_space<vmem>> -> memref<128xf32, #tpu.memory_space<vmem>>
    %dma_start3A_225 = arith.constant 4480 : i32
    %dma_start3A_226 = tpu.memref_slice %arg17[%dma_start3A_225] : memref<6656xi32, #tpu.memory_space<vmem>> -> memref<128xi32, #tpu.memory_space<vmem>>
    %dma_start3A_227 = arith.constant 0 : i32
    %dma_start3A_228 = tpu.memref_slice %arg11[%dma_start3A_227] : memref<1000000xf32, #tpu.memory_space<hbm>> -> memref<1000000xf32, #tpu.memory_space<hbm>>
    tpu.enqueue_indirect_dma source(%dma_start3A_228 : memref<1000000xf32, #tpu.memory_space<hbm>>) target(%dma_start3A_224 : memref<128xf32, #tpu.memory_space<vmem>>) offsets(%dma_start3A_226 : memref<128xi32, #tpu.memory_space<vmem>>) semaphore(%arg21 : memref<!tpu.dma_semaphore, #tpu.memory_space<semaphore_mem>>)
    %dma_start3A_229 = arith.constant 4608 : i32
    %dma_start3A_230 = tpu.memref_slice %arg18[%dma_start3A_229] : memref<6656xf32, #tpu.memory_space<vmem>> -> memref<128xf32, #tpu.memory_space<vmem>>
    %dma_start3A_231 = arith.constant 4608 : i32
    %dma_start3A_232 = tpu.memref_slice %arg17[%dma_start3A_231] : memref<6656xi32, #tpu.memory_space<vmem>> -> memref<128xi32, #tpu.memory_space<vmem>>
    %dma_start3A_233 = arith.constant 0 : i32
    %dma_start3A_234 = tpu.memref_slice %arg12[%dma_start3A_233] : memref<1000000xf32, #tpu.memory_space<hbm>> -> memref<1000000xf32, #tpu.memory_space<hbm>>
    tpu.enqueue_indirect_dma source(%dma_start3A_234 : memref<1000000xf32, #tpu.memory_space<hbm>>) target(%dma_start3A_230 : memref<128xf32, #tpu.memory_space<vmem>>) offsets(%dma_start3A_232 : memref<128xi32, #tpu.memory_space<vmem>>) semaphore(%arg21 : memref<!tpu.dma_semaphore, #tpu.memory_space<semaphore_mem>>)
    %dma_start3A_235 = arith.constant 4736 : i32
    %dma_start3A_236 = tpu.memref_slice %arg18[%dma_start3A_235] : memref<6656xf32, #tpu.memory_space<vmem>> -> memref<128xf32, #tpu.memory_space<vmem>>
    %dma_start3A_237 = arith.constant 4736 : i32
    %dma_start3A_238 = tpu.memref_slice %arg17[%dma_start3A_237] : memref<6656xi32, #tpu.memory_space<vmem>> -> memref<128xi32, #tpu.memory_space<vmem>>
    %dma_start3A_239 = arith.constant 0 : i32
    %dma_start3A_240 = tpu.memref_slice %arg12[%dma_start3A_239] : memref<1000000xf32, #tpu.memory_space<hbm>> -> memref<1000000xf32, #tpu.memory_space<hbm>>
    tpu.enqueue_indirect_dma source(%dma_start3A_240 : memref<1000000xf32, #tpu.memory_space<hbm>>) target(%dma_start3A_236 : memref<128xf32, #tpu.memory_space<vmem>>) offsets(%dma_start3A_238 : memref<128xi32, #tpu.memory_space<vmem>>) semaphore(%arg21 : memref<!tpu.dma_semaphore, #tpu.memory_space<semaphore_mem>>)
    %dma_start3A_241 = arith.constant 4864 : i32
    %dma_start3A_242 = tpu.memref_slice %arg18[%dma_start3A_241] : memref<6656xf32, #tpu.memory_space<vmem>> -> memref<128xf32, #tpu.memory_space<vmem>>
    %dma_start3A_243 = arith.constant 4864 : i32
    %dma_start3A_244 = tpu.memref_slice %arg17[%dma_start3A_243] : memref<6656xi32, #tpu.memory_space<vmem>> -> memref<128xi32, #tpu.memory_space<vmem>>
    %dma_start3A_245 = arith.constant 0 : i32
    %dma_start3A_246 = tpu.memref_slice %arg12[%dma_start3A_245] : memref<1000000xf32, #tpu.memory_space<hbm>> -> memref<1000000xf32, #tpu.memory_space<hbm>>
    tpu.enqueue_indirect_dma source(%dma_start3A_246 : memref<1000000xf32, #tpu.memory_space<hbm>>) target(%dma_start3A_242 : memref<128xf32, #tpu.memory_space<vmem>>) offsets(%dma_start3A_244 : memref<128xi32, #tpu.memory_space<vmem>>) semaphore(%arg21 : memref<!tpu.dma_semaphore, #tpu.memory_space<semaphore_mem>>)
    %dma_start3A_247 = arith.constant 4992 : i32
    %dma_start3A_248 = tpu.memref_slice %arg18[%dma_start3A_247] : memref<6656xf32, #tpu.memory_space<vmem>> -> memref<128xf32, #tpu.memory_space<vmem>>
    %dma_start3A_249 = arith.constant 4992 : i32
    %dma_start3A_250 = tpu.memref_slice %arg17[%dma_start3A_249] : memref<6656xi32, #tpu.memory_space<vmem>> -> memref<128xi32, #tpu.memory_space<vmem>>
    %dma_start3A_251 = arith.constant 0 : i32
    %dma_start3A_252 = tpu.memref_slice %arg12[%dma_start3A_251] : memref<1000000xf32, #tpu.memory_space<hbm>> -> memref<1000000xf32, #tpu.memory_space<hbm>>
    tpu.enqueue_indirect_dma source(%dma_start3A_252 : memref<1000000xf32, #tpu.memory_space<hbm>>) target(%dma_start3A_248 : memref<128xf32, #tpu.memory_space<vmem>>) offsets(%dma_start3A_250 : memref<128xi32, #tpu.memory_space<vmem>>) semaphore(%arg21 : memref<!tpu.dma_semaphore, #tpu.memory_space<semaphore_mem>>)
    %dma_start3A_253 = arith.constant 5120 : i32
    %dma_start3A_254 = tpu.memref_slice %arg18[%dma_start3A_253] : memref<6656xf32, #tpu.memory_space<vmem>> -> memref<128xf32, #tpu.memory_space<vmem>>
    %dma_start3A_255 = arith.constant 5120 : i32
    %dma_start3A_256 = tpu.memref_slice %arg17[%dma_start3A_255] : memref<6656xi32, #tpu.memory_space<vmem>> -> memref<128xi32, #tpu.memory_space<vmem>>
    %dma_start3A_257 = arith.constant 0 : i32
    %dma_start3A_258 = tpu.memref_slice %arg13[%dma_start3A_257] : memref<1000000xf32, #tpu.memory_space<hbm>> -> memref<1000000xf32, #tpu.memory_space<hbm>>
    tpu.enqueue_indirect_dma source(%dma_start3A_258 : memref<1000000xf32, #tpu.memory_space<hbm>>) target(%dma_start3A_254 : memref<128xf32, #tpu.memory_space<vmem>>) offsets(%dma_start3A_256 : memref<128xi32, #tpu.memory_space<vmem>>) semaphore(%arg21 : memref<!tpu.dma_semaphore, #tpu.memory_space<semaphore_mem>>)
    %dma_start3A_259 = arith.constant 5248 : i32
    %dma_start3A_260 = tpu.memref_slice %arg18[%dma_start3A_259] : memref<6656xf32, #tpu.memory_space<vmem>> -> memref<128xf32, #tpu.memory_space<vmem>>
    %dma_start3A_261 = arith.constant 5248 : i32
    %dma_start3A_262 = tpu.memref_slice %arg17[%dma_start3A_261] : memref<6656xi32, #tpu.memory_space<vmem>> -> memref<128xi32, #tpu.memory_space<vmem>>
    %dma_start3A_263 = arith.constant 0 : i32
    %dma_start3A_264 = tpu.memref_slice %arg13[%dma_start3A_263] : memref<1000000xf32, #tpu.memory_space<hbm>> -> memref<1000000xf32, #tpu.memory_space<hbm>>
    tpu.enqueue_indirect_dma source(%dma_start3A_264 : memref<1000000xf32, #tpu.memory_space<hbm>>) target(%dma_start3A_260 : memref<128xf32, #tpu.memory_space<vmem>>) offsets(%dma_start3A_262 : memref<128xi32, #tpu.memory_space<vmem>>) semaphore(%arg21 : memref<!tpu.dma_semaphore, #tpu.memory_space<semaphore_mem>>)
    %dma_start3A_265 = arith.constant 5376 : i32
    %dma_start3A_266 = tpu.memref_slice %arg18[%dma_start3A_265] : memref<6656xf32, #tpu.memory_space<vmem>> -> memref<128xf32, #tpu.memory_space<vmem>>
    %dma_start3A_267 = arith.constant 5376 : i32
    %dma_start3A_268 = tpu.memref_slice %arg17[%dma_start3A_267] : memref<6656xi32, #tpu.memory_space<vmem>> -> memref<128xi32, #tpu.memory_space<vmem>>
    %dma_start3A_269 = arith.constant 0 : i32
    %dma_start3A_270 = tpu.memref_slice %arg13[%dma_start3A_269] : memref<1000000xf32, #tpu.memory_space<hbm>> -> memref<1000000xf32, #tpu.memory_space<hbm>>
    tpu.enqueue_indirect_dma source(%dma_start3A_270 : memref<1000000xf32, #tpu.memory_space<hbm>>) target(%dma_start3A_266 : memref<128xf32, #tpu.memory_space<vmem>>) offsets(%dma_start3A_268 : memref<128xi32, #tpu.memory_space<vmem>>) semaphore(%arg21 : memref<!tpu.dma_semaphore, #tpu.memory_space<semaphore_mem>>)
    %dma_start3A_271 = arith.constant 5504 : i32
    %dma_start3A_272 = tpu.memref_slice %arg18[%dma_start3A_271] : memref<6656xf32, #tpu.memory_space<vmem>> -> memref<128xf32, #tpu.memory_space<vmem>>
    %dma_start3A_273 = arith.constant 5504 : i32
    %dma_start3A_274 = tpu.memref_slice %arg17[%dma_start3A_273] : memref<6656xi32, #tpu.memory_space<vmem>> -> memref<128xi32, #tpu.memory_space<vmem>>
    %dma_start3A_275 = arith.constant 0 : i32
    %dma_start3A_276 = tpu.memref_slice %arg13[%dma_start3A_275] : memref<1000000xf32, #tpu.memory_space<hbm>> -> memref<1000000xf32, #tpu.memory_space<hbm>>
    tpu.enqueue_indirect_dma source(%dma_start3A_276 : memref<1000000xf32, #tpu.memory_space<hbm>>) target(%dma_start3A_272 : memref<128xf32, #tpu.memory_space<vmem>>) offsets(%dma_start3A_274 : memref<128xi32, #tpu.memory_space<vmem>>) semaphore(%arg21 : memref<!tpu.dma_semaphore, #tpu.memory_space<semaphore_mem>>)
    %dma_start3A_277 = arith.constant 5632 : i32
    %dma_start3A_278 = tpu.memref_slice %arg18[%dma_start3A_277] : memref<6656xf32, #tpu.memory_space<vmem>> -> memref<128xf32, #tpu.memory_space<vmem>>
    %dma_start3A_279 = arith.constant 5632 : i32
    %dma_start3A_280 = tpu.memref_slice %arg17[%dma_start3A_279] : memref<6656xi32, #tpu.memory_space<vmem>> -> memref<128xi32, #tpu.memory_space<vmem>>
    %dma_start3A_281 = arith.constant 0 : i32
    %dma_start3A_282 = tpu.memref_slice %arg14[%dma_start3A_281] : memref<1000000xf32, #tpu.memory_space<hbm>> -> memref<1000000xf32, #tpu.memory_space<hbm>>
    tpu.enqueue_indirect_dma source(%dma_start3A_282 : memref<1000000xf32, #tpu.memory_space<hbm>>) target(%dma_start3A_278 : memref<128xf32, #tpu.memory_space<vmem>>) offsets(%dma_start3A_280 : memref<128xi32, #tpu.memory_space<vmem>>) semaphore(%arg21 : memref<!tpu.dma_semaphore, #tpu.memory_space<semaphore_mem>>)
    %dma_start3A_283 = arith.constant 5760 : i32
    %dma_start3A_284 = tpu.memref_slice %arg18[%dma_start3A_283] : memref<6656xf32, #tpu.memory_space<vmem>> -> memref<128xf32, #tpu.memory_space<vmem>>
    %dma_start3A_285 = arith.constant 5760 : i32
    %dma_start3A_286 = tpu.memref_slice %arg17[%dma_start3A_285] : memref<6656xi32, #tpu.memory_space<vmem>> -> memref<128xi32, #tpu.memory_space<vmem>>
    %dma_start3A_287 = arith.constant 0 : i32
    %dma_start3A_288 = tpu.memref_slice %arg14[%dma_start3A_287] : memref<1000000xf32, #tpu.memory_space<hbm>> -> memref<1000000xf32, #tpu.memory_space<hbm>>
    tpu.enqueue_indirect_dma source(%dma_start3A_288 : memref<1000000xf32, #tpu.memory_space<hbm>>) target(%dma_start3A_284 : memref<128xf32, #tpu.memory_space<vmem>>) offsets(%dma_start3A_286 : memref<128xi32, #tpu.memory_space<vmem>>) semaphore(%arg21 : memref<!tpu.dma_semaphore, #tpu.memory_space<semaphore_mem>>)
    %dma_start3A_289 = arith.constant 5888 : i32
    %dma_start3A_290 = tpu.memref_slice %arg18[%dma_start3A_289] : memref<6656xf32, #tpu.memory_space<vmem>> -> memref<128xf32, #tpu.memory_space<vmem>>
    %dma_start3A_291 = arith.constant 5888 : i32
    %dma_start3A_292 = tpu.memref_slice %arg17[%dma_start3A_291] : memref<6656xi32, #tpu.memory_space<vmem>> -> memref<128xi32, #tpu.memory_space<vmem>>
    %dma_start3A_293 = arith.constant 0 : i32
    %dma_start3A_294 = tpu.memref_slice %arg14[%dma_start3A_293] : memref<1000000xf32, #tpu.memory_space<hbm>> -> memref<1000000xf32, #tpu.memory_space<hbm>>
    tpu.enqueue_indirect_dma source(%dma_start3A_294 : memref<1000000xf32, #tpu.memory_space<hbm>>) target(%dma_start3A_290 : memref<128xf32, #tpu.memory_space<vmem>>) offsets(%dma_start3A_292 : memref<128xi32, #tpu.memory_space<vmem>>) semaphore(%arg21 : memref<!tpu.dma_semaphore, #tpu.memory_space<semaphore_mem>>)
    %dma_start3A_295 = arith.constant 6016 : i32
    %dma_start3A_296 = tpu.memref_slice %arg18[%dma_start3A_295] : memref<6656xf32, #tpu.memory_space<vmem>> -> memref<128xf32, #tpu.memory_space<vmem>>
    %dma_start3A_297 = arith.constant 6016 : i32
    %dma_start3A_298 = tpu.memref_slice %arg17[%dma_start3A_297] : memref<6656xi32, #tpu.memory_space<vmem>> -> memref<128xi32, #tpu.memory_space<vmem>>
    %dma_start3A_299 = arith.constant 0 : i32
    %dma_start3A_300 = tpu.memref_slice %arg14[%dma_start3A_299] : memref<1000000xf32, #tpu.memory_space<hbm>> -> memref<1000000xf32, #tpu.memory_space<hbm>>
    tpu.enqueue_indirect_dma source(%dma_start3A_300 : memref<1000000xf32, #tpu.memory_space<hbm>>) target(%dma_start3A_296 : memref<128xf32, #tpu.memory_space<vmem>>) offsets(%dma_start3A_298 : memref<128xi32, #tpu.memory_space<vmem>>) semaphore(%arg21 : memref<!tpu.dma_semaphore, #tpu.memory_space<semaphore_mem>>)
    %dma_start3A_301 = arith.constant 6144 : i32
    %dma_start3A_302 = tpu.memref_slice %arg18[%dma_start3A_301] : memref<6656xf32, #tpu.memory_space<vmem>> -> memref<128xf32, #tpu.memory_space<vmem>>
    %dma_start3A_303 = arith.constant 6144 : i32
    %dma_start3A_304 = tpu.memref_slice %arg17[%dma_start3A_303] : memref<6656xi32, #tpu.memory_space<vmem>> -> memref<128xi32, #tpu.memory_space<vmem>>
    %dma_start3A_305 = arith.constant 0 : i32
    %dma_start3A_306 = tpu.memref_slice %arg15[%dma_start3A_305] : memref<1000000xf32, #tpu.memory_space<hbm>> -> memref<1000000xf32, #tpu.memory_space<hbm>>
    tpu.enqueue_indirect_dma source(%dma_start3A_306 : memref<1000000xf32, #tpu.memory_space<hbm>>) target(%dma_start3A_302 : memref<128xf32, #tpu.memory_space<vmem>>) offsets(%dma_start3A_304 : memref<128xi32, #tpu.memory_space<vmem>>) semaphore(%arg21 : memref<!tpu.dma_semaphore, #tpu.memory_space<semaphore_mem>>)
    %dma_start3A_307 = arith.constant 6272 : i32
    %dma_start3A_308 = tpu.memref_slice %arg18[%dma_start3A_307] : memref<6656xf32, #tpu.memory_space<vmem>> -> memref<128xf32, #tpu.memory_space<vmem>>
    %dma_start3A_309 = arith.constant 6272 : i32
    %dma_start3A_310 = tpu.memref_slice %arg17[%dma_start3A_309] : memref<6656xi32, #tpu.memory_space<vmem>> -> memref<128xi32, #tpu.memory_space<vmem>>
    %dma_start3A_311 = arith.constant 0 : i32
    %dma_start3A_312 = tpu.memref_slice %arg15[%dma_start3A_311] : memref<1000000xf32, #tpu.memory_space<hbm>> -> memref<1000000xf32, #tpu.memory_space<hbm>>
    tpu.enqueue_indirect_dma source(%dma_start3A_312 : memref<1000000xf32, #tpu.memory_space<hbm>>) target(%dma_start3A_308 : memref<128xf32, #tpu.memory_space<vmem>>) offsets(%dma_start3A_310 : memref<128xi32, #tpu.memory_space<vmem>>) semaphore(%arg21 : memref<!tpu.dma_semaphore, #tpu.memory_space<semaphore_mem>>)
    %dma_start3A_313 = arith.constant 6400 : i32
    %dma_start3A_314 = tpu.memref_slice %arg18[%dma_start3A_313] : memref<6656xf32, #tpu.memory_space<vmem>> -> memref<128xf32, #tpu.memory_space<vmem>>
    %dma_start3A_315 = arith.constant 6400 : i32
    %dma_start3A_316 = tpu.memref_slice %arg17[%dma_start3A_315] : memref<6656xi32, #tpu.memory_space<vmem>> -> memref<128xi32, #tpu.memory_space<vmem>>
    %dma_start3A_317 = arith.constant 0 : i32
    %dma_start3A_318 = tpu.memref_slice %arg15[%dma_start3A_317] : memref<1000000xf32, #tpu.memory_space<hbm>> -> memref<1000000xf32, #tpu.memory_space<hbm>>
    tpu.enqueue_indirect_dma source(%dma_start3A_318 : memref<1000000xf32, #tpu.memory_space<hbm>>) target(%dma_start3A_314 : memref<128xf32, #tpu.memory_space<vmem>>) offsets(%dma_start3A_316 : memref<128xi32, #tpu.memory_space<vmem>>) semaphore(%arg21 : memref<!tpu.dma_semaphore, #tpu.memory_space<semaphore_mem>>)
    %dma_start3A_319 = arith.constant 6528 : i32
    %dma_start3A_320 = tpu.memref_slice %arg18[%dma_start3A_319] : memref<6656xf32, #tpu.memory_space<vmem>> -> memref<128xf32, #tpu.memory_space<vmem>>
    %dma_start3A_321 = arith.constant 6528 : i32
    %dma_start3A_322 = tpu.memref_slice %arg17[%dma_start3A_321] : memref<6656xi32, #tpu.memory_space<vmem>> -> memref<128xi32, #tpu.memory_space<vmem>>
    %dma_start3A_323 = arith.constant 0 : i32
    %dma_start3A_324 = tpu.memref_slice %arg15[%dma_start3A_323] : memref<1000000xf32, #tpu.memory_space<hbm>> -> memref<1000000xf32, #tpu.memory_space<hbm>>
    tpu.enqueue_indirect_dma source(%dma_start3A_324 : memref<1000000xf32, #tpu.memory_space<hbm>>) target(%dma_start3A_320 : memref<128xf32, #tpu.memory_space<vmem>>) offsets(%dma_start3A_322 : memref<128xi32, #tpu.memory_space<vmem>>) semaphore(%arg21 : memref<!tpu.dma_semaphore, #tpu.memory_space<semaphore_mem>>)
    %scan3A_325 = arith.constant 0 : i32
    %scan3A_326 = arith.constant 0 : i32
    %scan3A_327 = arith.constant 52 : i32
    %scan3A_328 = arith.addi %scan3A_326, %scan3A_327 : i32
    %scan3A_329 = arith.constant 1 : i32
    scf.for %scan3A_337 = %scan3A_326 to %scan3A_328 step %scan3A_329  : i32 {
      %dma_wait3A = arith.constant 0 : i32
      %dma_wait3A_338 = tpu.memref_slice %arg18[%dma_wait3A] : memref<6656xf32, #tpu.memory_space<vmem>> -> memref<128xf32, #tpu.memory_space<vmem>>
      %dma_wait3A_339 = arith.constant 0 : i32
      %dma_wait3A_340 = tpu.memref_slice %arg17[%dma_wait3A_339] : memref<6656xi32, #tpu.memory_space<vmem>> -> memref<128xi32, #tpu.memory_space<vmem>>
      %dma_wait3A_341 = arith.constant 0 : i32
      %dma_wait3A_342 = tpu.memref_slice %arg3[%dma_wait3A_341] : memref<1000000xf32, #tpu.memory_space<hbm>> -> memref<1000000xf32, #tpu.memory_space<hbm>>
      tpu.wait_indirect_dma semaphore(%arg21 : memref<!tpu.dma_semaphore, #tpu.memory_space<semaphore_mem>>) src(%dma_wait3A_342 : memref<1000000xf32, #tpu.memory_space<hbm>>) dst(%dma_wait3A_338 : memref<128xf32, #tpu.memory_space<vmem>>)
    }
    %scan3A_330 = arith.constant 52 : i32
    %scan3A_331 = arith.constant 0 : i32
    %scan3A_332 = arith.constant 0 : i32
    %scan3A_333 = arith.constant 32 : i32
    %scan3A_334 = arith.addi %scan3A_332, %scan3A_333 : i32
    %scan3A_335 = arith.constant 1 : i32
    scf.for %scan3A_337 = %scan3A_332 to %scan3A_334 step %scan3A_335  : i32 {
      %mul3A_338 = arith.constant 16 : i32
      %mul3A_339 = arith.muli %scan3A_337, %mul3A_338 : i32
      %broadcast_in_dim3A = arith.constant 0.000000e+00 : f32
      %broadcast_in_dim3A_340 = vector.broadcast %broadcast_in_dim3A : f32 to vector<16xf32>
      %add3A_341 = arith.constant 0 : i32
      %add3A_342 = arith.addi %add3A_341, %mul3A_339 : i32
      %get3A = arith.index_cast %add3A_342 : i32 to index
      %get3A_343 = tpu.vector_load %arg18[%get3A] {strides = array<i32>} : memref<6656xf32, #tpu.memory_space<vmem>>, vector<16xf32>,
      %add3A_344 = arith.addf %broadcast_in_dim3A_340, %get3A_343 : vector<16xf32>
      %add3A_345 = arith.constant 512 : i32
      %add3A_346 = arith.addi %add3A_345, %mul3A_339 : i32
      %get3A_347 = arith.index_cast %add3A_346 : i32 to index
      %get3A_348 = tpu.vector_load %arg18[%get3A_347] {strides = array<i32>} : memref<6656xf32, #tpu.memory_space<vmem>>, vector<16xf32>,
      %add3A_349 = arith.addf %add3A_344, %get3A_348 : vector<16xf32>
      %add3A_350 = arith.constant 1024 : i32
      %add3A_351 = arith.addi %add3A_350, %mul3A_339 : i32
      %get3A_352 = arith.index_cast %add3A_351 : i32 to index
      %get3A_353 = tpu.vector_load %arg18[%get3A_352] {strides = array<i32>} : memref<6656xf32, #tpu.memory_space<vmem>>, vector<16xf32>,
      %add3A_354 = arith.addf %add3A_349, %get3A_353 : vector<16xf32>
      %add3A_355 = arith.constant 1536 : i32
      %add3A_356 = arith.addi %add3A_355, %mul3A_339 : i32
      %get3A_357 = arith.index_cast %add3A_356 : i32 to index
      %get3A_358 = tpu.vector_load %arg18[%get3A_357] {strides = array<i32>} : memref<6656xf32, #tpu.memory_space<vmem>>, vector<16xf32>,
      %add3A_359 = arith.addf %add3A_354, %get3A_358 : vector<16xf32>
      %add3A_360 = arith.constant 2048 : i32
      %add3A_361 = arith.addi %add3A_360, %mul3A_339 : i32
      %get3A_362 = arith.index_cast %add3A_361 : i32 to index
      %get3A_363 = tpu.vector_load %arg18[%get3A_362] {strides = array<i32>} : memref<6656xf32, #tpu.memory_space<vmem>>, vector<16xf32>,
      %add3A_364 = arith.addf %add3A_359, %get3A_363 : vector<16xf32>
      %add3A_365 = arith.constant 2560 : i32
      %add3A_366 = arith.addi %add3A_365, %mul3A_339 : i32
      %get3A_367 = arith.index_cast %add3A_366 : i32 to index
      %get3A_368 = tpu.vector_load %arg18[%get3A_367] {strides = array<i32>} : memref<6656xf32, #tpu.memory_space<vmem>>, vector<16xf32>,
      %add3A_369 = arith.addf %add3A_364, %get3A_368 : vector<16xf32>
      %add3A_370 = arith.constant 3072 : i32
      %add3A_371 = arith.addi %add3A_370, %mul3A_339 : i32
      %get3A_372 = arith.index_cast %add3A_371 : i32 to index
      %get3A_373 = tpu.vector_load %arg18[%get3A_372] {strides = array<i32>} : memref<6656xf32, #tpu.memory_space<vmem>>, vector<16xf32>,
      %add3A_374 = arith.addf %add3A_369, %get3A_373 : vector<16xf32>
      %add3A_375 = arith.constant 3584 : i32
      %add3A_376 = arith.addi %add3A_375, %mul3A_339 : i32
      %get3A_377 = arith.index_cast %add3A_376 : i32 to index
      %get3A_378 = tpu.vector_load %arg18[%get3A_377] {strides = array<i32>} : memref<6656xf32, #tpu.memory_space<vmem>>, vector<16xf32>,
      %add3A_379 = arith.addf %add3A_374, %get3A_378 : vector<16xf32>
      %add3A_380 = arith.constant 4096 : i32
      %add3A_381 = arith.addi %add3A_380, %mul3A_339 : i32
      %get3A_382 = arith.index_cast %add3A_381 : i32 to index
      %get3A_383 = tpu.vector_load %arg18[%get3A_382] {strides = array<i32>} : memref<6656xf32, #tpu.memory_space<vmem>>, vector<16xf32>,
      %add3A_384 = arith.addf %add3A_379, %get3A_383 : vector<16xf32>
      %add3A_385 = arith.constant 4608 : i32
      %add3A_386 = arith.addi %add3A_385, %mul3A_339 : i32
      %get3A_387 = arith.index_cast %add3A_386 : i32 to index
      %get3A_388 = tpu.vector_load %arg18[%get3A_387] {strides = array<i32>} : memref<6656xf32, #tpu.memory_space<vmem>>, vector<16xf32>,
      %add3A_389 = arith.addf %add3A_384, %get3A_388 : vector<16xf32>
      %add3A_390 = arith.constant 5120 : i32
      %add3A_391 = arith.addi %add3A_390, %mul3A_339 : i32
      %get3A_392 = arith.index_cast %add3A_391 : i32 to index
      %get3A_393 = tpu.vector_load %arg18[%get3A_392] {strides = array<i32>} : memref<6656xf32, #tpu.memory_space<vmem>>, vector<16xf32>,
      %add3A_394 = arith.addf %add3A_389, %get3A_393 : vector<16xf32>
      %add3A_395 = arith.constant 5632 : i32
      %add3A_396 = arith.addi %add3A_395, %mul3A_339 : i32
      %get3A_397 = arith.index_cast %add3A_396 : i32 to index
      %get3A_398 = tpu.vector_load %arg18[%get3A_397] {strides = array<i32>} : memref<6656xf32, #tpu.memory_space<vmem>>, vector<16xf32>,
      %add3A_399 = arith.addf %add3A_394, %get3A_398 : vector<16xf32>
      %add3A_400 = arith.constant 6144 : i32
      %add3A_401 = arith.addi %add3A_400, %mul3A_339 : i32
      %get3A_402 = arith.index_cast %add3A_401 : i32 to index
      %get3A_403 = tpu.vector_load %arg18[%get3A_402] {strides = array<i32>} : memref<6656xf32, #tpu.memory_space<vmem>>, vector<16xf32>,
      %add3A_404 = arith.addf %add3A_399, %get3A_403 : vector<16xf32>
      %swap3A = arith.index_cast %mul3A_339 : i32 to index
      %swap3A_405 = tpu.vector_load %arg19[%swap3A] {strides = array<i32>} : memref<512xf32, #tpu.memory_space<vmem>>, vector<16xf32>,
      tpu.vector_store %arg19[%swap3A], %add3A_404 {strides = array<i32>} : memref<512xf32, #tpu.memory_space<vmem>>, vector<16xf32>,
    }
    %scan3A_336 = arith.constant 32 : i32
    "tpu.region"() ({
      %run_scoped3A = tpu.sem_alloc : memref<!tpu.dma_semaphore, #tpu.memory_space<semaphore_mem>>
      %dma_start3A_337 = tpu.memref_slice %arg16[%mul3A_2] : memref<16384xf32, #tpu.memory_space<hbm>> -> memref<512xf32, #tpu.memory_space<hbm>>
      %dma_start3A_338 = tpu.memref_slice %arg16[%mul3A_2] : memref<16384xf32, #tpu.memory_space<hbm>> -> memref<512xf32, #tpu.memory_space<hbm>>
      tpu.enqueue_dma source(%arg19 : memref<512xf32, #tpu.memory_space<vmem>>) target(%dma_start3A_338 : memref<512xf32, #tpu.memory_space<hbm>>) target_semaphore(%run_scoped3A : memref<!tpu.dma_semaphore, #tpu.memory_space<semaphore_mem>>)
      %dma_wait3A = tpu.memref_slice %arg16[%mul3A_2] : memref<16384xf32, #tpu.memory_space<hbm>> -> memref<512xf32, #tpu.memory_space<hbm>>
      %dma_wait3A_339 = tpu.memref_slice %arg16[%mul3A_2] : memref<16384xf32, #tpu.memory_space<hbm>> -> memref<512xf32, #tpu.memory_space<hbm>>
      tpu.wait_dma2 semaphore(%run_scoped3A : memref<!tpu.dma_semaphore, #tpu.memory_space<semaphore_mem>>) src(%arg19 : memref<512xf32, #tpu.memory_space<vmem>>) dst(%dma_wait3A_339 : memref<512xf32, #tpu.memory_space<hbm>>)
      tpu.yield
    }) : () -> ()
    return
  }
}

</mosaic_0001>

<sc_bundles>
// kernel: _run.4.cloned.1.call-start
scs
__scs_entry_jumppad:
0x0: {  	(pc) =	sbr.rel $0x88, $3  }
0x1: {  	(tag) =	ssettag $0x0;
	lr =	simm.s32 $0x1  }
0x2: {  	[smem:$0x3F82] =	sst lr;
	_ =	strace $0xD0000000  }
0x3: {  	_ = 	snop  }
0x4: {  	_ = 	snop  }
0x5: {  	_ = 	snop  }
0x6: {  	_ = 	snop  }
0x7: {  	_ = 	snop  }
__scs_overlays_trampoline_lowered:
0x8: {  	[smem:$0x3F91] =	sst s0  }
0x9: {  	[smem:$0x3F92] =	sst s1  }
0xa: {  	[smem:$0x3F93] =	sst s2  }
0xb: {  	[smem:$0x3F94] =	sst s3  }
0xc: {  	[smem:$0x3F95] =	sst s4  }
0xd: {  	[smem:$0x3F96] =	sst s5  }
0xe: {  	[smem:$0x3F97] =	sst s6  }
0xf: {  	[smem:$0x3F98] =	sst s7  }
0x10: {  	[smem:$0x3F99] =	sst s8  }
0x11: {  	[smem:$0x3F9A] =	sst s9;
	s0 =	simm.s32 @!p0 $0x0  }
0x12: {  	s1 =	sld [smem:$0x3F80];
	s0 =	simm.s32 @p0 $0x1  }
0x13: {  	[smem:$0x3F9B] =	sst s0;
	s0 =	simm.s32 @!p1 $0x0  }
0x14: {  	s2 =	sld [smem:$0x3F7F];
	s0 =	simm.s32 @p1 $0x1  }
0x15: {  	[smem:$0x3F9C] =	sst s0;
	s0 =	simm.s32 @!p2 $0x0  }
0x16: {  	s3 =	sld [smem:$0x3FDB];
	s0 =	simm.s32 @p2 $0x1  }
0x17: {  	s4 =	simm.s32 $0x1BF5;
	[smem:$0x3F9E] =	sst s0  }
0x18: {  	s0 =	sld [smem:$0x3F81];
	_ =	swait.ge [sflag:s4], $0x0  }
0x19: {  	s7 =	sld [smem:$0x3F82]  }
0x1a: {  	s8 =	sadd.s32 $0xFFFFE003, lr  }
0x1b: {  	s9 =	sadd.s32 $0xFFFFFEF7, lr;
	s5 =	simm.s32 $0xFFFFFFFF;
	p2 =	slt.u32 s8, $0xFFFFF086  }
0x1c: {  	p1 =	slt.u32 s9, $0xF7A;
	s5 =	simm.s32 @!p2 $0x0  }
0x1d: {  	s5 =	simm.s32 @p1 $0x1;
	p0 =	seq.s32 s7, s2  }
0x1e: {  	s7 =	smul.u32 @!p0 $0xF7A, s2;
	p2 =	seq.s32 @!p0 s5, $0x0  }
0x1f: {  	s9 =	smul.u32 $0xF7A, s1;
	s8 =	simm.s32 @!p0 $0x1BF5;
	p2 =	por !p2, p0  }
0x20: {  	[sflag:s8] =	ssyncset.s32 @!p0 $0xFFFFF086;
	s6 =	sadd.s32 @!p0 s3, s7;
	s7 =	simm.s32 @!p0 $0x108  }
0x21: {  	s3 =	sadd.s32 s3, s9;
	s6 =	sadd.s32 @!p0 $0x88, s6;
	s7 =	simm.s32 @p2 $0x1082  }
0x22: {  	[simem:s7], [sflag:s8] =	dma.local @!p0 [hbm:s6], $0xF7A  }
0x23: {  	s9 =	sor.u32 $0xD0000000, s2;
	s6 =	simm.s32 $0x108;
	_ =	swait.ge @!p0 [sflag:s8], $0x0  }
0x24: {  	s3 =	sadd.s32 $0x88, s3;
	s6 =	simm.s32 @!p1 $0x1082;
	[sflag:s4] =	ssyncset.s32 $0xFFFFF086  }
0x25: {  	[simem:s6], [sflag:s4] =	dma.local [hbm:s3], $0xF7A  }
0x26: {  	[smem:$0x3F82] =	sst s1;
	(tag) =	ssettag s2;
	_ =	strace s9  }
0x27: {  	s1 =	sld [smem:$0x3F92]  }
0x28: {  	s2 =	sld [smem:$0x3F93]  }
0x29: {  	s4 =	sld [smem:$0x3F95]  }
0x2a: {  	p0 =	seq.s32 s5, $0x0;
	s5 =	sld [smem:$0x3F96]  }
0x2b: {  	s6 =	sld [smem:$0x3F97]  }
0x2c: {  	s7 =	sld [smem:$0x3F98]  }
0x2d: {  	s3 =	simm.s32 $0x108;
	s8 =	sld [smem:$0x3F99]  }
0x2e: {  	s3 =	simm.s32 @!p0 $0x1082;
	s9 =	sld [smem:$0x3F9A]  }
0x2f: {  	lr =	sadd.s32 s0, s3;
	s0 =	sld [smem:$0x3F91]  }
0x30: {  	s3 =	sld [smem:$0x3F94]  }
0x31: {  	[smem:$0x3F9D] =	sst s10  }
0x32: {  	s10 =	sld [smem:$0x3F9B];
	_ =	sdelay $0x3  }
0x33: {  	p0 =	seq.s32 s10, $0x1;
	s10 =	sld [smem:$0x3F9D];
	_ =	sdelay $0x3  }
0x34: {  	[smem:$0x3F9D] =	sst s10  }
0x35: {  	s10 =	sld [smem:$0x3F9C];
	_ =	sdelay $0x3  }
0x36: {  	p1 =	seq.s32 s10, $0x1;
	s10 =	sld [smem:$0x3F9D];
	_ =	sdelay $0x3  }
0x37: {  	[smem:$0x3F9D] =	sst s10  }
0x38: {  	s10 =	sld [smem:$0x3F9E]  }
0x39: {  	_ = 	snop;
	(pc) =	sbr.ind lr, $3  }
0x3a: {  	_ = 	snop  }
0x3b: {  	_ = 	snop  }
0x3c: {  	p2 =	seq.s32 s10, $0x1;
	s10 =	sld [smem:$0x3F9D]  }
0x3d: {  	_ =	shalt  }
0x3e: {  	_ =	shalt  }
0x3f: {  	_ =	shalt  }
0x40: {  	_ =	shalt  }
0x41: {  	_ =	shalt  }
0x42: {  	_ =	shalt  }
0x43: {  	_ =	shalt  }
0x44: {  	_ =	shalt  }
0x45: {  	_ =	shalt  }
0x46: {  	_ =	shalt  }
0x47: {  	_ =	shalt  }
0x48: {  	_ =	shalt  }
0x49: {  	_ =	shalt  }
0x4a: {  	_ =	shalt  }
0x4b: {  	_ =	shalt  }
0x4c: {  	_ =	shalt  }
0x4d: {  	_ =	shalt  }
0x4e: {  	_ =	shalt  }
0x4f: {  	_ =	shalt  }
0x50: {  	_ =	shalt  }
0x51: {  	_ =	shalt  }
0x52: {  	_ =	shalt  }
0x53: {  	_ =	shalt  }
0x54: {  	_ =	shalt  }
0x55: {  	_ =	shalt  }
0x56: {  	_ =	shalt  }
0x57: {  	_ =	shalt  }
0x58: {  	_ =	shalt  }
0x59: {  	_ =	shalt  }
0x5a: {  	_ =	shalt  }
0x5b: {  	_ =	shalt  }
0x5c: {  	_ =	shalt  }
0x5d: {  	_ =	shalt  }
0x5e: {  	_ =	shalt  }
0x5f: {  	_ =	shalt  }
0x60: {  	_ =	shalt  }
0x61: {  	_ =	shalt  }
0x62: {  	_ =	shalt  }
0x63: {  	_ =	shalt  }
0x64: {  	_ =	shalt  }
0x65: {  	_ =	shalt  }
0x66: {  	_ =	shalt  }
0x67: {  	_ =	shalt  }
0x68: {  	_ =	shalt  }
0x69: {  	_ =	shalt  }
0x6a: {  	_ =	shalt  }
0x6b: {  	_ =	shalt  }
0x6c: {  	_ =	shalt  }
0x6d: {  	_ =	shalt  }
0x6e: {  	_ =	shalt  }
0x6f: {  	_ =	shalt  }
0x70: {  	_ =	shalt  }
0x71: {  	_ =	shalt  }
0x72: {  	_ =	shalt  }
0x73: {  	_ =	shalt  }
0x74: {  	_ =	shalt  }
0x75: {  	_ =	shalt  }
0x76: {  	_ =	shalt  }
0x77: {  	_ =	shalt  }
0x78: {  	_ =	shalt  }
0x79: {  	_ =	shalt  }
0x7a: {  	_ =	shalt  }
0x7b: {  	_ =	shalt  }
0x7c: {  	_ =	shalt  }
0x7d: {  	_ =	shalt  }
0x7e: {  	_ =	shalt  }
0x7f: {  	_ =	shalt  }
0x80: {  	_ =	shalt  }
0x81: {  	_ =	shalt  }
0x82: {  	_ =	shalt  }
0x83: {  	_ =	shalt  }
0x84: {  	_ =	shalt  }
0x85: {  	_ =	shalt  }
0x86: {  	_ =	shalt  }
0x87: {  	_ =	shalt  }
.Lfunc_end0:
.L_simem_size_0:
called_computation_lowered:
.L_overlay_start_0:
0x88: {  	s2 =	sld [smem:$0x3FD9]  }
0x89: {  	s3 =	sld [smem:$0x3FFE];
	_ =	sdelay $0x1  }
0x8a: {  	s1 =	srdreg.scid  }
0x8b: {  	s0 =	sand.u32 $0x1, s1  }
0x8c: {  	s24 =	sshll.u32 s0, $0xA;
	s2 =	sadd.s32 s3, s2  }
0x8d: {  	s2 =	sadd.s32 s2, s24  }
0x8e: {  	[smem:$0x3FA9] =	sst s2  }
0x8f: {  	_ = 	snop  }
0x90: {  	s2 =	sld [smem:$0x3FC9]  }
0x91: {  	s3 =	sld [smem:$0x3FC5]  }
0x92: {  	s4 =	sld [smem:$0x3FC4]  }
0x93: {  	s5 =	sld [smem:$0x3FC3]  }
0x94: {  	s6 =	sld [smem:$0x3FC2]  }
0x95: {  	s7 =	sld [smem:$0x3FC1]  }
0x96: {  	s8 =	sld [smem:$0x3FC0]  }
0x97: {  	s9 =	sld [smem:$0x3FBF]  }
0x98: {  	s10 =	sld [smem:$0x3FBE]  }
0x99: {  	s11 =	sld [smem:$0x3FBD]  }
0x9a: {  	s12 =	sld [smem:$0x3FBC]  }
0x9b: {  	s13 =	sld [smem:$0x3FBB]  }
0x9c: {  	s14 =	sld [smem:$0x3FBA]  }
0x9d: {  	s15 =	sld [smem:$0x3FB9];
	(tm) =	ssettm $0x1  }
0x9e: {  	s16 =	sld [smem:$0x3FFB];
	_ =	sdelay $0x3  }
0x9f: {  	_ =	strace s16  }
0xa0: {  	s16 =	sld [smem:$0x3FFC];
	_ =	sdelay $0x3  }
0xa1: {  	_ =	strace s16  }
0xa2: {  	s16 =	sld [smem:$0x3FFD];
	_ =	sdelay $0x3  }
0xa3: {  	_ =	strace s16  }
0xa4: {  	_ =	strace $0x8FFFFFFF  }
0xa5: {  	s25 =	sld [smem:$0x3FDB];
	_ =	sdelay $0x1  }
0xa6: {  	s17 =	simm.s32 $_scs_section_size  }
0xa7: {  	s18 =	simm.s32 $_size__tile_task_arg_handler_lowered;
	s19 =	simm.s32 $_tile_task_arg_handler_lowered  }
0xa8: {  	s29 =	simm.s32 $0x1BFF;
	s28 =	sshll.u32 s19, $0x1;
	s17 =	sadd.s32 s17, s25  }
0xa9: {  	s20 =	simm.s32 $0x60;
	s26 =	sshll.u32 s18, $0x1;
	s18 =	sadd.s32 s28, s17  }
0xaa: {  	[timem:s20], [sflag:s29] =	dma.local [hbm:s18], s26  }
0xab: {  	_ =	swait.ge [sflag:s29], s26  }
0xac: {  	s30 =	simm.s32 $_tile_overlayer_lowered;
	s16 =	ssub.s32 $0x0, s26;
	[sflag:s29] =	ssyncset.done $0x0  }
0xad: {  	s31 =	simm.s32 $_size__tile_overlayer_lowered;
	s18 =	sshll.u32 s30, $0x1;
	[sflag:s29] =	ssyncadd.s32 s16  }
0xae: {  	s21 =	simm.s32 $0x0;
	s18 =	sadd.s32 s18, s17;
	s16 =	sshll.u32 s31, $0x1  }
0xaf: {  	[timem:s21], [sflag:s29] =	dma.local [hbm:s18], s16  }
0xb0: {  	_ =	swait.ge [sflag:s29], s16  }
0xb1: {  	s22 =	ssub.s32 $0x0, s16;
	[sflag:s29] =	ssyncset.done $0x0  }
0xb2: {  	[sflag:s29] =	ssyncadd.s32 s22;
	_ =	sdelay $0x1  }
0xb3: {  	s23 =	simm.s32 $0x1B8B  }
0xb4: {  	_ =	swait.ge [sflag:s23], $0x1  }
0xb5: {  	[sflag:s23] =	ssyncset.done $0x0  }
0xb6: {  	s25 =	simm.s32 $0x1B8E;
	s24 =	sld [smem:$0x3FFE];
	[sflag:s23] =	ssyncadd.s32 $0xFFFFFFFF  }
0xb7: {  	s26 =	simm.s32 $execute0_lowered;
	[smem:$0x3FD2] =	sst s25  }
0xb8: {  	s19 =	sshll.u32 s26, $0x1;
	_ =	strace $0x80000046;
	[dreg:$0x1] =	wrdreg $0xFFFFFFFF  }
0xb9: {  	s28 =	simm.s32 $_size_execute0_lowered;
	s17 =	sadd.s32 s17, s19;
	[dreg:$0x0] =	wrdreg $0x0  }
0xba: {  	s19 =	sshll.u32 s28, $0x1;
	[dreg:$0x2] =	wrdreg s17  }
0xbb: {  	[dreg:$0x3] =	wrdreg s19  }
0xbc: {  	[dreg:$0x4] =	wrdreg $0xC0  }
0xbd: {  	_ =	task [dreg:s21], $0x5FFFF  }
0xbe: {  	[dreg:$0x1] =	wrdreg $0xFFFFFFFF  }
0xbf: {  	[dreg:$0x0] =	wrdreg $0x30  }
0xc0: {  	[dreg:$0x2] =	wrdreg $0x0  }
0xc1: {  	[dreg:$0x3] =	wrdreg s24  }
0xc2: {  	[dreg:$0x4] =	wrdreg $0x9  }
0xc3: {  	_ =	task [dreg:s21], $0x5FFFF  }
0xc4: {  	[dreg:$0x1] =	wrdreg $0xFFFFFFFF  }
0xc5: {  	[dreg:$0x0] =	wrdreg $0x60  }
0xc6: {  	[dreg:$0x2] =	wrdreg s2  }
0xc7: {  	[dreg:$0x3] =	wrdreg s3  }
0xc8: {  	[dreg:$0x4] =	wrdreg s4  }
0xc9: {  	[dreg:$0x5] =	wrdreg s5  }
0xca: {  	[dreg:$0x6] =	wrdreg s6  }
0xcb: {  	[dreg:$0x7] =	wrdreg s7  }
0xcc: {  	[dreg:$0x8] =	wrdreg s8  }
0xcd: {  	[dreg:$0x9] =	wrdreg s9  }
0xce: {  	[dreg:$0xa] =	wrdreg s10  }
0xcf: {  	[dreg:$0xb] =	wrdreg s11  }
0xd0: {  	[dreg:$0xc] =	wrdreg s12  }
0xd1: {  	[dreg:$0xd] =	wrdreg s13  }
0xd2: {  	[dreg:$0xe] =	wrdreg s14  }
0xd3: {  	[dreg:$0xf] =	wrdreg s15  }
0xd4: {  	_ =	task.clear_ibuf [dreg:s21], $0x10FFFF;
	_ =	strace $0x90000046  }
0xd5: {  	s29 =	simm.s32 $0x9;
	_ =	strace $0x80000048  }
0xd6: {  	_ =	swait.ge [sflag:s29], $0x1  }
0xd7: {  	[sflag:s29] =	ssyncadd.s32 $0xFFFFFFFF  }
0xd8: {  	_ =	strace $0x90000048  }
0xd9: {  	_ =	sfence  }
0xda: {  	s30 =	sld [smem:$0x0];
	_ =	sdelay $0x2  }
0xdb: {  	s31 =	sshll.u32 s1, $0xD;
	s1 =	sshrl.u32 s1, $0x2  }
0xdc: {  	s3 =	sand.u32 $0x4000, s31;
	s1 =	sadd.s32 s1, s30  }
0xdd: {  	s0 =	sor.u32 s3, s0;
	s1 =	sshll.u32 s1, $0x11  }
0xde: {  	s0 =	sor.u32 s1, s0  }
0xdf: {  	s0 =	sadd.s32 $0x8F2B, s0  }
0xe0: {  	[sflag:s0] =	ssyncadd.remote.s32 $0x1  }
0xe1: {  	_ =	sfence.sel $0xFFFF  }
0xe2: {  	[dreg:$0x0] =	wrdreg $0xFFFFFFFF;
	(pc) =	sbr.abs _section_cstart, $3  }
0xe3: {  	[dreg:$0x1] =	wrdreg $0xFFFFFFFF  }
0xe4: {  	_ =	task.clear_ibuf [dreg:s21], $0x2FFFF;
	_ =	strace $0x9FFFFFFF  }
0xe5: {  	(tm) =	ssettm $0x7FFFFFFF  }
tec
_tile_task_arg_handler_lowered:
.L_overlay_start_1:
0x0: {  	(tag) =	ssettag $0x1  }
0x1: {  	s0 =	rddreg [dreg:$0x0]  }
0x2: {  	s1 =	rddreg [dreg:$0x1]  }
0x3: {  	s2 =	rddreg [dreg:$0x2]  }
0x4: {  	s3 =	rddreg [dreg:$0x3]  }
0x5: {  	s4 =	rddreg [dreg:$0x4]  }
0x6: {  	s5 =	rddreg [dreg:$0x5]  }
0x7: {  	s6 =	rddreg [dreg:$0x6]  }
0x8: {  	s7 =	rddreg [dreg:$0x7]  }
0x9: {  	s8 =	rddreg [dreg:$0x8]  }
0xa: {  	s9 =	rddreg [dreg:$0x9]  }
0xb: {  	s10 =	rddreg [dreg:$0xa]  }
0xc: {  	s11 =	rddreg [dreg:$0xb]  }
0xd: {  	s12 =	rddreg [dreg:$0xc]  }
0xe: {  	s13 =	rddreg [dreg:$0xd]  }
0xf: {  	[smem:s0] =	sst s1  }
0x10: {  	[smem:s0+$0x1] =	sst s2  }
0x11: {  	[smem:s0+$0x2] =	sst s3  }
0x12: {  	[smem:s0+$0x3] =	sst s4  }
0x13: {  	[smem:s0+$0x4] =	sst s5  }
0x14: {  	[smem:s0+$0x5] =	sst s6  }
0x15: {  	[smem:s0+$0x6] =	sst s7  }
0x16: {  	[smem:s0+$0x7] =	sst s8  }
0x17: {  	[smem:s0+$0x8] =	sst s9  }
0x18: {  	[smem:s0+$0x9] =	sst s10  }
0x19: {  	[smem:s0+$0xA] =	sst s11  }
0x1a: {  	[smem:s0+$0xB] =	sst s12  }
0x1b: {  	[smem:s0+$0xC] =	sst s13;
	_ =	shalt  }
.Lfunc_end2:
execute0_lowered:
.L_overlay_start_2:
0x1c: {  	(tag) =	ssettag $0x2  }
0x1d: {  	s13 =	rddreg [dreg:$0x0]  }
0x1e: {  	s3 =	rddreg [dreg:$0x4]  }
0x1f: {  	s4 =	rddreg [dreg:$0x5]  }
0x20: {  	s5 =	rddreg [dreg:$0x6]  }
0x21: {  	s6 =	rddreg [dreg:$0x7]  }
0x22: {  	s7 =	rddreg [dreg:$0x8]  }
0x23: {  	s8 =	rddreg [dreg:$0x9]  }
0x24: {  	s9 =	rddreg [dreg:$0xa]  }
0x25: {  	s10 =	rddreg [dreg:$0xb];
	s14 =	simm.s32 $0x0  }
0x26: {  	s15 =	srdreg.scid;
	[smem:$0x7FF] =	sst s14  }
0x27: {  	s17 =	stileid.u32;
	s15 =	sand.u32 $0x1, s15;
	s16 =	sld [smem:$0x0]  }
0x28: {  	s18 =	sshll.u32 s15, $0x6;
	s15 =	ssub.s32 $0x2, s15;
	s19 =	sld [smem:$0x1]  }
0x29: {  	s11 =	rddreg [dreg:$0xc];
	s17 =	sshll.u32 s17, $0x7;
	s2 =	sshrl.u32 s15, $0x1  }
0x2a: {  	s12 =	rddreg [dreg:$0xd];
	s17 =	sor.u32 s18, s17;
	s15 =	ssub.s32 s15, s2  }
0x2b: {  	[dreg:$0xe] =	wrdreg s19;
	s16 =	sadd.s32 s17, s16;
	s15 =	smax.u32 s15, $0x1  }
0x2c: {  	s17 =	sadd.s32 s13, s17;
	_ =	strace $0x80000047;
	[dreg:$0x10] =	wrdreg s15  }
0x2d: {  	s16 =	sadd.s32 $0x800, s16;
	[dreg:$0x1d] =	wrdreg s17  }
0x2e: {  	s13 =	sadd.s32 $0x800, s17;
	[dreg:$0xf] =	wrdreg s16  }
0x2f: {  	s18 =	sadd.s32 $0x1000, s17;
	[dreg:$0x11] =	wrdreg s13  }
0x30: {  	s19 =	sadd.s32 $0x1800, s17;
	[dreg:$0x12] =	wrdreg s18  }
0x31: {  	s20 =	sadd.s32 $0x2000, s17;
	[dreg:$0x13] =	wrdreg s19  }
0x32: {  	s21 =	sadd.s32 $0x2800, s17;
	[dreg:$0x14] =	wrdreg s20  }
0x33: {  	s22 =	sadd.s32 $0x3000, s17;
	[dreg:$0x15] =	wrdreg s21  }
0x34: {  	s23 =	sadd.s32 $0x3800, s17;
	[dreg:$0x16] =	wrdreg s22  }
0x35: {  	s24 =	sadd.s32 $0x4000, s17;
	[dreg:$0x17] =	wrdreg s23  }
0x36: {  	s25 =	sadd.s32 $0x4800, s17;
	[dreg:$0x18] =	wrdreg s24  }
0x37: {  	s26 =	sadd.s32 $0x5000, s17;
	[dreg:$0x19] =	wrdreg s25  }
0x38: {  	s30 =	sadd.s32 $0x5800, s17;
	[dreg:$0x1a] =	wrdreg s26  }
0x39: {  	s28 =	simm.s32 $0x2;
	s31 =	sadd.s32 $0x6000, s17;
	[dreg:$0x1b] =	wrdreg s30  }
0x3a: {  	s29 =	simm.s32 $0x0;
	s15 =	simm.s32 $0x80;
	[dreg:$0x1c] =	wrdreg s31  }
0x3b: {  	s26 =	simm.s32 $0x1;
	s16 =	simm.s32 $0x3;
	s20 =	simm.s32 $0x800  }
0x3c: {  	s21 =	simm.s32 $0xA00;
	s22 =	simm.s32 $0xC00;
	s23 =	simm.s32 $0xE00  }
0x3d: {  	s24 =	simm.s32 $0x1000;
	s25 =	simm.s32 $0x1200;
	s18 =	simm.s32 $0x1600  }
.LBB3_1:
0x3e: {  	s13 =	rddreg [dreg:$0x1d]  }
0x3f: {  	[tilespmem:s14], [sflag:$0x1] =	stream.linear.gather [hbm4b:s13+s14], $0x200, $0x38;
	[tilespmem:$0x3600] =	vst v63  }
0x40: {  	s17 =	rddreg [dreg:$0x11];
	s19 =	simm.s32 $0x200  }
0x41: {  	[tilespmem:s19], [sflag:$0x1] =	stream.linear.gather [hbm4b:s17+s14], $0x200, $0x38;
	[tilespmem:$0x3600] =	vst v63  }
0x42: {  	s2 =	rddreg [dreg:$0x12];
	s30 =	simm.s32 $0x400  }
0x43: {  	[tilespmem:s30], [sflag:$0x1] =	stream.linear.gather [hbm4b:s2+s14], $0x200, $0x38;
	[tilespmem:$0x3600] =	vst v63  }
0x44: {  	s31 =	simm.s32 $0x600;
	s13 =	rddreg [dreg:$0x13]  }
0x45: {  	[tilespmem:s31], [sflag:$0x1] =	stream.linear.gather [hbm4b:s13+s14], $0x200, $0x38;
	[tilespmem:$0x3600] =	vst v63  }
0x46: {  	s0 =	rddreg [dreg:$0x14]  }
0x47: {  	[tilespmem:s20], [sflag:$0x1] =	stream.linear.gather [hbm4b:s0+s14], $0x200, $0x38;
	[tilespmem:$0x3600] =	vst v63  }
0x48: {  	s1 =	rddreg [dreg:$0x15]  }
0x49: {  	[tilespmem:s21], [sflag:$0x1] =	stream.linear.gather [hbm4b:s1+s14], $0x200, $0x38;
	[tilespmem:$0x3600] =	vst v63  }
0x4a: {  	s2 =	rddreg [dreg:$0x16]  }
0x4b: {  	[tilespmem:s22], [sflag:$0x1] =	stream.linear.gather [hbm4b:s2+s14], $0x200, $0x38;
	[tilespmem:$0x3600] =	vst v63  }
0x4c: {  	s13 =	rddreg [dreg:$0x17]  }
0x4d: {  	[tilespmem:s23], [sflag:$0x1] =	stream.linear.gather [hbm4b:s13+s14], $0x200, $0x38;
	[tilespmem:$0x3600] =	vst v63  }
0x4e: {  	s0 =	rddreg [dreg:$0x18]  }
0x4f: {  	[tilespmem:s24], [sflag:$0x1] =	stream.linear.gather [hbm4b:s0+s14], $0x200, $0x38;
	[tilespmem:$0x3600] =	vst v63  }
0x50: {  	s1 =	rddreg [dreg:$0x19]  }
0x51: {  	[tilespmem:s25], [sflag:$0x1] =	stream.linear.gather [hbm4b:s1+s14], $0x200, $0x38;
	[tilespmem:$0x3600] =	vst v63  }
0x52: {  	s2 =	rddreg [dreg:$0x1a];
	s13 =	simm.s32 $0x1400  }
0x53: {  	[tilespmem:s13], [sflag:$0x1] =	stream.linear.gather [hbm4b:s2+s14], $0x200, $0x38;
	[tilespmem:$0x3600] =	vst v63  }
0x54: {  	s0 =	rddreg [dreg:$0x1b]  }
0x55: {  	[tilespmem:s18], [sflag:$0x1] =	stream.linear.gather [hbm4b:s0+s14], $0x200, $0x38;
	[tilespmem:$0x3600] =	vst v63  }
0x56: {  	s1 =	rddreg [dreg:$0x1c];
	s0 =	simm.s32 $0x1800  }
0x57: {  	[tilespmem:s0], [sflag:$0x1] =	stream.linear.gather [hbm4b:s1+s14], $0x200, $0x38;
	[tilespmem:$0x3600] =	vst v63  }
0x58: {  	_ =	swait.ge [sflag:s26], $0x200  }
0x59: {  	[sflag:s26] =	ssyncset.done $0x0  }
0x5a: {  	[sflag:s26] =	ssyncadd.s32 $0xFFFFFE00  }
0x5b: {  	_ =	swait.ge [sflag:s26], $0x200  }
0x5c: {  	[sflag:s26] =	ssyncset.done $0x0  }
0x5d: {  	[sflag:s26] =	ssyncadd.s32 $0xFFFFFE00  }
0x5e: {  	_ =	swait.ge [sflag:s26], $0x200  }
0x5f: {  	[sflag:s26] =	ssyncset.done $0x0  }
0x60: {  	[sflag:s26] =	ssyncadd.s32 $0xFFFFFE00  }
0x61: {  	_ =	swait.ge [sflag:s26], $0x200  }
0x62: {  	[sflag:s26] =	ssyncset.done $0x0  }
0x63: {  	[sflag:s26] =	ssyncadd.s32 $0xFFFFFE00  }
0x64: {  	_ =	swait.ge [sflag:s26], $0x200  }
0x65: {  	[sflag:s26] =	ssyncset.done $0x0  }
0x66: {  	[sflag:s26] =	ssyncadd.s32 $0xFFFFFE00  }
0x67: {  	_ =	swait.ge [sflag:s26], $0x200  }
0x68: {  	[sflag:s26] =	ssyncset.done $0x0  }
0x69: {  	[sflag:s26] =	ssyncadd.s32 $0xFFFFFE00  }
0x6a: {  	_ =	swait.ge [sflag:s26], $0x200  }
0x6b: {  	[sflag:s26] =	ssyncset.done $0x0  }
0x6c: {  	[sflag:s26] =	ssyncadd.s32 $0xFFFFFE00  }
0x6d: {  	_ =	swait.ge [sflag:s26], $0x200  }
0x6e: {  	[sflag:s26] =	ssyncset.done $0x0  }
0x6f: {  	[sflag:s26] =	ssyncadd.s32 $0xFFFFFE00  }
0x70: {  	_ =	swait.ge [sflag:s26], $0x200  }
0x71: {  	[sflag:s26] =	ssyncset.done $0x0  }
0x72: {  	[sflag:s26] =	ssyncadd.s32 $0xFFFFFE00  }
0x73: {  	_ =	swait.ge [sflag:s26], $0x200  }
0x74: {  	[sflag:s26] =	ssyncset.done $0x0  }
0x75: {  	[sflag:s26] =	ssyncadd.s32 $0xFFFFFE00  }
0x76: {  	_ =	swait.ge [sflag:s26], $0x200  }
0x77: {  	[sflag:s26] =	ssyncset.done $0x0  }
0x78: {  	[sflag:s26] =	ssyncadd.s32 $0xFFFFFE00  }
0x79: {  	_ =	swait.ge [sflag:s26], $0x200  }
0x7a: {  	[sflag:s26] =	ssyncset.done $0x0  }
0x7b: {  	[sflag:s26] =	ssyncadd.s32 $0xFFFFFE00  }
0x7c: {  	_ =	swait.ge [sflag:s26], $0x200  }
0x7d: {  	[sflag:s26] =	ssyncset.done $0x0  }
0x7e: {  	[sflag:s26] =	ssyncadd.s32 $0xFFFFFE00  }
0x7f: {  	s1 =	simm.s32 $0x1A00;
	s17 =	rddreg [dreg:$0x1]  }
0x80: {  	[tilespmem:s1], [sflag:$0x2] =	stream.indirect.gather [hbm4b:s17+s15], $0x1, s14, s15, $0xb8;
	[tilespmem:$0x3600] =	vst v63  }
0x81: {  	s2 =	simm.s32 $0x1A80  }
0x82: {  	[tilespmem:s2], [sflag:$0x2] =	stream.indirect.gather [hbm4b:s17+s15], $0x1, s15, s15, $0xb8;
	[tilespmem:$0x3600] =	vst v63  }
0x83: {  	s1 =	simm.s32 $0x100;
	s2 =	simm.s32 $0x1B00  }
0x84: {  	[tilespmem:s2], [sflag:$0x2] =	stream.indirect.gather [hbm4b:s17+s15], $0x1, s1, s15, $0xb8;
	[tilespmem:$0x3600] =	vst v63  }
0x85: {  	s1 =	simm.s32 $0x180;
	s2 =	simm.s32 $0x1B80  }
0x86: {  	[tilespmem:s2], [sflag:$0x2] =	stream.indirect.gather [hbm4b:s17+s15], $0x1, s1, s15, $0xb8;
	[tilespmem:$0x3600] =	vst v63  }
0x87: {  	s1 =	rddreg [dreg:$0x2];
	s17 =	simm.s32 $0x1C00  }
0x88: {  	[tilespmem:s17], [sflag:$0x2] =	stream.indirect.gather [hbm4b:s1+s15], $0x1, s19, s15, $0xb8;
	[tilespmem:$0x3600] =	vst v63  }
0x89: {  	s17 =	simm.s32 $0x280;
	s19 =	simm.s32 $0x1C80  }
0x8a: {  	[tilespmem:s19], [sflag:$0x2] =	stream.indirect.gather [hbm4b:s1+s15], $0x1, s17, s15, $0xb8;
	[tilespmem:$0x3600] =	vst v63  }
0x8b: {  	s17 =	simm.s32 $0x300;
	s19 =	simm.s32 $0x1D00  }
0x8c: {  	[tilespmem:s19], [sflag:$0x2] =	stream.indirect.gather [hbm4b:s1+s15], $0x1, s17, s15, $0xb8;
	[tilespmem:$0x3600] =	vst v63  }
0x8d: {  	s17 =	simm.s32 $0x380;
	s19 =	simm.s32 $0x1D80  }
0x8e: {  	[tilespmem:s19], [sflag:$0x2] =	stream.indirect.gather [hbm4b:s1+s15], $0x1, s17, s15, $0xb8;
	[tilespmem:$0x3600] =	vst v63  }
0x8f: {  	s1 =	rddreg [dreg:$0x3];
	s17 =	simm.s32 $0x1E00  }
0x90: {  	[tilespmem:s17], [sflag:$0x2] =	stream.indirect.gather [hbm4b:s1+s15], $0x1, s30, s15, $0xb8;
	[tilespmem:$0x3600] =	vst v63  }
0x91: {  	s19 =	simm.s32 $0x480;
	s30 =	simm.s32 $0x1E80  }
0x92: {  	[tilespmem:s30], [sflag:$0x2] =	stream.indirect.gather [hbm4b:s1+s15], $0x1, s19, s15, $0xb8;
	[tilespmem:$0x3600] =	vst v63  }
0x93: {  	s19 =	simm.s32 $0x500;
	s30 =	simm.s32 $0x1F00  }
0x94: {  	[tilespmem:s30], [sflag:$0x2] =	stream.indirect.gather [hbm4b:s1+s15], $0x1, s19, s15, $0xb8;
	[tilespmem:$0x3600] =	vst v63  }
0x95: {  	s19 =	simm.s32 $0x580;
	s30 =	simm.s32 $0x1F80  }
0x96: {  	[tilespmem:s30], [sflag:$0x2] =	stream.indirect.gather [hbm4b:s1+s15], $0x1, s19, s15, $0xb8;
	[tilespmem:$0x3600] =	vst v63  }
0x97: {  	s19 =	simm.s32 $0x2000  }
0x98: {  	[tilespmem:s19], [sflag:$0x2] =	stream.indirect.gather [hbm4b:s3+s15], $0x1, s31, s15, $0xb8;
	[tilespmem:$0x3600] =	vst v63  }
0x99: {  	s30 =	simm.s32 $0x680;
	s31 =	simm.s32 $0x2080  }
0x9a: {  	[tilespmem:s31], [sflag:$0x2] =	stream.indirect.gather [hbm4b:s3+s15], $0x1, s30, s15, $0xb8;
	[tilespmem:$0x3600] =	vst v63  }
0x9b: {  	s17 =	simm.s32 $0x700;
	s19 =	simm.s32 $0x2100  }
0x9c: {  	[tilespmem:s19], [sflag:$0x2] =	stream.indirect.gather [hbm4b:s3+s15], $0x1, s17, s15, $0xb8;
	[tilespmem:$0x3600] =	vst v63  }
0x9d: {  	s30 =	simm.s32 $0x780;
	s31 =	simm.s32 $0x2180  }
0x9e: {  	[tilespmem:s31], [sflag:$0x2] =	stream.indirect.gather [hbm4b:s3+s15], $0x1, s30, s15, $0xb8;
	[tilespmem:$0x3600] =	vst v63  }
0x9f: {  	s2 =	simm.s32 $0x2200  }
0xa0: {  	[tilespmem:s2], [sflag:$0x2] =	stream.indirect.gather [hbm4b:s4+s15], $0x1, s20, s15, $0xb8;
	[tilespmem:$0x3600] =	vst v63  }
0xa1: {  	s17 =	simm.s32 $0x880;
	s19 =	simm.s32 $0x2280  }
0xa2: {  	[tilespmem:s19], [sflag:$0x2] =	stream.indirect.gather [hbm4b:s4+s15], $0x1, s17, s15, $0xb8;
	[tilespmem:$0x3600] =	vst v63  }
0xa3: {  	s30 =	simm.s32 $0x900;
	s31 =	simm.s32 $0x2300  }
0xa4: {  	[tilespmem:s31], [sflag:$0x2] =	stream.indirect.gather [hbm4b:s4+s15], $0x1, s30, s15, $0xb8;
	[tilespmem:$0x3600] =	vst v63  }
0xa5: {  	s2 =	simm.s32 $0x980;
	s17 =	simm.s32 $0x2380  }
0xa6: {  	[tilespmem:s17], [sflag:$0x2] =	stream.indirect.gather [hbm4b:s4+s15], $0x1, s2, s15, $0xb8;
	[tilespmem:$0x3600] =	vst v63  }
0xa7: {  	s19 =	simm.s32 $0x2400  }
0xa8: {  	[tilespmem:s19], [sflag:$0x2] =	stream.indirect.gather [hbm4b:s5+s15], $0x1, s21, s15, $0xb8;
	[tilespmem:$0x3600] =	vst v63  }
0xa9: {  	s30 =	simm.s32 $0xA80;
	s31 =	simm.s32 $0x2480  }
0xaa: {  	[tilespmem:s31], [sflag:$0x2] =	stream.indirect.gather [hbm4b:s5+s15], $0x1, s30, s15, $0xb8;
	[tilespmem:$0x3600] =	vst v63  }
0xab: {  	s17 =	simm.s32 $0xB00;
	s19 =	simm.s32 $0x2500  }
0xac: {  	[tilespmem:s19], [sflag:$0x2] =	stream.indirect.gather [hbm4b:s5+s15], $0x1, s17, s15, $0xb8;
	[tilespmem:$0x3600] =	vst v63  }
0xad: {  	s30 =	simm.s32 $0xB80;
	s31 =	simm.s32 $0x2580  }
0xae: {  	[tilespmem:s31], [sflag:$0x2] =	stream.indirect.gather [hbm4b:s5+s15], $0x1, s30, s15, $0xb8;
	[tilespmem:$0x3600] =	vst v63  }
0xaf: {  	s2 =	simm.s32 $0x2600  }
0xb0: {  	[tilespmem:s2], [sflag:$0x2] =	stream.indirect.gather [hbm4b:s6+s15], $0x1, s22, s15, $0xb8;
	[tilespmem:$0x3600] =	vst v63  }
0xb1: {  	s17 =	simm.s32 $0xC80;
	s19 =	simm.s32 $0x2680  }
0xb2: {  	[tilespmem:s19], [sflag:$0x2] =	stream.indirect.gather [hbm4b:s6+s15], $0x1, s17, s15, $0xb8;
	[tilespmem:$0x3600] =	vst v63  }
0xb3: {  	s30 =	simm.s32 $0xD00;
	s31 =	simm.s32 $0x2700  }
0xb4: {  	[tilespmem:s31], [sflag:$0x2] =	stream.indirect.gather [hbm4b:s6+s15], $0x1, s30, s15, $0xb8;
	[tilespmem:$0x3600] =	vst v63  }
0xb5: {  	s2 =	simm.s32 $0xD80;
	s17 =	simm.s32 $0x2780  }
0xb6: {  	[tilespmem:s17], [sflag:$0x2] =	stream.indirect.gather [hbm4b:s6+s15], $0x1, s2, s15, $0xb8;
	[tilespmem:$0x3600] =	vst v63  }
0xb7: {  	s19 =	simm.s32 $0x2800  }
0xb8: {  	[tilespmem:s19], [sflag:$0x2] =	stream.indirect.gather [hbm4b:s7+s15], $0x1, s23, s15, $0xb8;
	[tilespmem:$0x3600] =	vst v63  }
0xb9: {  	s30 =	simm.s32 $0xE80;
	s31 =	simm.s32 $0x2880  }
0xba: {  	[tilespmem:s31], [sflag:$0x2] =	stream.indirect.gather [hbm4b:s7+s15], $0x1, s30, s15, $0xb8;
	[tilespmem:$0x3600] =	vst v63  }
0xbb: {  	s17 =	simm.s32 $0xF00;
	s19 =	simm.s32 $0x2900  }
0xbc: {  	[tilespmem:s19], [sflag:$0x2] =	stream.indirect.gather [hbm4b:s7+s15], $0x1, s17, s15, $0xb8;
	[tilespmem:$0x3600] =	vst v63  }
0xbd: {  	s30 =	simm.s32 $0xF80;
	s31 =	simm.s32 $0x2980  }
0xbe: {  	[tilespmem:s31], [sflag:$0x2] =	stream.indirect.gather [hbm4b:s7+s15], $0x1, s30, s15, $0xb8;
	[tilespmem:$0x3600] =	vst v63  }
0xbf: {  	s2 =	simm.s32 $0x2A00  }
0xc0: {  	[tilespmem:s2], [sflag:$0x2] =	stream.indirect.gather [hbm4b:s8+s15], $0x1, s24, s15, $0xb8;
	[tilespmem:$0x3600] =	vst v63  }
0xc1: {  	s17 =	simm.s32 $0x1080;
	s19 =	simm.s32 $0x2A80  }
0xc2: {  	[tilespmem:s19], [sflag:$0x2] =	stream.indirect.gather [hbm4b:s8+s15], $0x1, s17, s15, $0xb8;
	[tilespmem:$0x3600] =	vst v63  }
0xc3: {  	s30 =	simm.s32 $0x1100;
	s31 =	simm.s32 $0x2B00  }
0xc4: {  	[tilespmem:s31], [sflag:$0x2] =	stream.indirect.gather [hbm4b:s8+s15], $0x1, s30, s15, $0xb8;
	[tilespmem:$0x3600] =	vst v63  }
0xc5: {  	s2 =	simm.s32 $0x1180;
	s17 =	simm.s32 $0x2B80  }
0xc6: {  	[tilespmem:s17], [sflag:$0x2] =	stream.indirect.gather [hbm4b:s8+s15], $0x1, s2, s15, $0xb8;
	[tilespmem:$0x3600] =	vst v63  }
0xc7: {  	s19 =	simm.s32 $0x2C00  }
0xc8: {  	[tilespmem:s19], [sflag:$0x2] =	stream.indirect.gather [hbm4b:s9+s15], $0x1, s25, s15, $0xb8;
	[tilespmem:$0x3600] =	vst v63  }
0xc9: {  	s30 =	simm.s32 $0x1280;
	s31 =	simm.s32 $0x2C80  }
0xca: {  	[tilespmem:s31], [sflag:$0x2] =	stream.indirect.gather [hbm4b:s9+s15], $0x1, s30, s15, $0xb8;
	[tilespmem:$0x3600] =	vst v63  }
0xcb: {  	s17 =	simm.s32 $0x1300;
	s19 =	simm.s32 $0x2D00  }
0xcc: {  	[tilespmem:s19], [sflag:$0x2] =	stream.indirect.gather [hbm4b:s9+s15], $0x1, s17, s15, $0xb8;
	[tilespmem:$0x3600] =	vst v63  }
0xcd: {  	s30 =	simm.s32 $0x1380;
	s31 =	simm.s32 $0x2D80  }
0xce: {  	[tilespmem:s31], [sflag:$0x2] =	stream.indirect.gather [hbm4b:s9+s15], $0x1, s30, s15, $0xb8;
	[tilespmem:$0x3600] =	vst v63  }
0xcf: {  	s2 =	simm.s32 $0x2E00  }
0xd0: {  	[tilespmem:s2], [sflag:$0x2] =	stream.indirect.gather [hbm4b:s10+s15], $0x1, s13, s15, $0xb8;
	[tilespmem:$0x3600] =	vst v63  }
0xd1: {  	s17 =	simm.s32 $0x1480;
	s19 =	simm.s32 $0x2E80  }
0xd2: {  	[tilespmem:s19], [sflag:$0x2] =	stream.indirect.gather [hbm4b:s10+s15], $0x1, s17, s15, $0xb8;
	[tilespmem:$0x3600] =	vst v63  }
0xd3: {  	s30 =	simm.s32 $0x1500;
	s31 =	simm.s32 $0x2F00  }
0xd4: {  	[tilespmem:s31], [sflag:$0x2] =	stream.indirect.gather [hbm4b:s10+s15], $0x1, s30, s15, $0xb8;
	[tilespmem:$0x3600] =	vst v63  }
0xd5: {  	s13 =	simm.s32 $0x1580;
	s17 =	simm.s32 $0x2F80  }
0xd6: {  	[tilespmem:s17], [sflag:$0x2] =	stream.indirect.gather [hbm4b:s10+s15], $0x1, s13, s15, $0xb8;
	[tilespmem:$0x3600] =	vst v63  }
0xd7: {  	s19 =	simm.s32 $0x3000  }
0xd8: {  	[tilespmem:s19], [sflag:$0x2] =	stream.indirect.gather [hbm4b:s11+s15], $0x1, s18, s15, $0xb8;
	[tilespmem:$0x3600] =	vst v63  }
0xd9: {  	s30 =	simm.s32 $0x1680;
	s31 =	simm.s32 $0x3080  }
0xda: {  	[tilespmem:s31], [sflag:$0x2] =	stream.indirect.gather [hbm4b:s11+s15], $0x1, s30, s15, $0xb8;
	[tilespmem:$0x3600] =	vst v63  }
0xdb: {  	s13 =	simm.s32 $0x1700;
	s17 =	simm.s32 $0x3100  }
0xdc: {  	[tilespmem:s17], [sflag:$0x2] =	stream.indirect.gather [hbm4b:s11+s15], $0x1, s13, s15, $0xb8;
	[tilespmem:$0x3600] =	vst v63  }
0xdd: {  	s19 =	simm.s32 $0x1780;
	s30 =	simm.s32 $0x3180  }
0xde: {  	[tilespmem:s30], [sflag:$0x2] =	stream.indirect.gather [hbm4b:s11+s15], $0x1, s19, s15, $0xb8;
	[tilespmem:$0x3600] =	vst v63  }
0xdf: {  	s31 =	simm.s32 $0x3200  }
0xe0: {  	[tilespmem:s31], [sflag:$0x2] =	stream.indirect.gather [hbm4b:s12+s15], $0x1, s0, s15, $0xb8;
	[tilespmem:$0x3600] =	vst v63  }
0xe1: {  	s2 =	simm.s32 $0x1880;
	s13 =	simm.s32 $0x3280  }
0xe2: {  	[tilespmem:s13], [sflag:$0x2] =	stream.indirect.gather [hbm4b:s12+s15], $0x1, s2, s15, $0xb8;
	[tilespmem:$0x3600] =	vst v63  }
0xe3: {  	s17 =	simm.s32 $0x1900;
	s19 =	simm.s32 $0x3300  }
0xe4: {  	[tilespmem:s19], [sflag:$0x2] =	stream.indirect.gather [hbm4b:s12+s15], $0x1, s17, s15, $0xb8;
	[tilespmem:$0x3600] =	vst v63  }
0xe5: {  	s30 =	simm.s32 $0x1980;
	s31 =	simm.s32 $0x3380;
	s17 =	simm.s32 $0x34  }
0xe6: {  	[tilespmem:s31], [sflag:$0x2] =	stream.indirect.gather [hbm4b:s12+s15], $0x1, s30, s15, $0xb8;
	[tilespmem:$0x3600] =	vst v63  }
.LBB3_2:
0xe7: {  	p0 =	sne.s32 s17, $0x1  }
.Ltmp0:
0xe8: {  	_ = 	snop;
	(pc) =	sbr.rel @p0 .LBB3_2-.Ltmp0, $4  }
0xe9: {  	_ = 	snop  }
0xea: {  	_ =	swait.ge [sflag:s28], $0x80  }
0xeb: {  	[sflag:s28] =	ssyncset.done $0x0  }
0xec: {  	s17 =	sadd.s32 $0xFFFFFFFF, s17;
	[sflag:s28] =	ssyncadd.s32 $0xFFFFFF80  }
0xed: {  	s30 =	simm.s32 $0x0  }
0xee: {  	v0 =	vld [tilespmem:s30+$0x1A00];
	_ =	sdelay $0x1  }
0xef: {  	v1 =	vld [tilespmem:s30+$0x1C00];
	_ =	sdelay $0x1  }
0xf0: {  	v2 =	vld [tilespmem:s30+$0x1E00]  }
0xf1: {  	v0 =	vadd.f32 $0.0e+00, v0  }
0xf2: {  	v3 =	vld [tilespmem:s30+$0x2000]  }
0xf3: {  	v0 =	vadd.f32 v1, v0  }
0xf4: {  	v1 =	vld [tilespmem:s30+$0x2200]  }
0xf5: {  	v0 =	vadd.f32 v2, v0  }
0xf6: {  	v2 =	vld [tilespmem:s30+$0x2400]  }
0xf7: {  	v0 =	vadd.f32 v3, v0  }
0xf8: {  	s17 =	simm.s32 $0x10;
	v3 =	vld [tilespmem:s30+$0x2600]  }
0xf9: {  	v4 =	vld [tilespmem:s17+$0x1A00];
	v0 =	vadd.f32 v1, v0  }
0xfa: {  	v1 =	vld [tilespmem:s30+$0x2800]  }
0xfb: {  	v5 =	vld [tilespmem:s17+$0x1C00];
	v0 =	vadd.f32 v2, v0  }
0xfc: {  	v2 =	vld [tilespmem:s30+$0x2A00]  }
0xfd: {  	v6 =	vld [tilespmem:s17+$0x1E00];
	v0 =	vadd.f32 v3, v0  }
0xfe: {  	v4 =	vadd.f32 $0.0e+00, v4;
	v3 =	vld [tilespmem:s30+$0x2C00]  }
0xff: {  	v7 =	vld [tilespmem:s17+$0x2000];
	v1 =	vadd.f32 v1, v0  }
0x100: {  	v8 =	vld [tilespmem:s30+$0x2E00];
	v4 =	vadd.f32 v5, v4  }
0x101: {  	v0 =	vld [tilespmem:s17+$0x2200];
	v5 =	vadd.f32 v2, v1  }
0x102: {  	v4 =	vadd.f32 v6, v4;
	v2 =	vld [tilespmem:s30+$0x3000]  }
0x103: {  	v1 =	vld [tilespmem:s17+$0x2400];
	v6 =	vadd.f32 v3, v5  }
0x104: {  	v3 =	vld [tilespmem:s30+$0x3200];
	v5 =	vadd.f32 v7, v4  }
0x105: {  	s19 =	simm.s32 $0x20;
	s31 =	simm.s32 $0xC0;
	v4 =	vld [tilespmem:s17+$0x2600];
	v6 =	vadd.f32 v8, v6  }
.LBB3_4:
0x106: {  	p0 =	sne.s32 s31, $0x7C0;
	v7 =	vld [tilespmem:s19+$0x1A00];
	v0 =	vadd.f32 v0, v5  }
0x107: {  	v5 =	vld [tilespmem:s17+$0x2800];
	v2 =	vadd.f32 v2, v6  }
0x108: {  	v6 =	vld [tilespmem:s19+$0x1C00];
	v0 =	vadd.f32 v1, v0  }
0x109: {  	v1 =	vld [tilespmem:s17+$0x2A00];
	v2 =	vadd.f32 v3, v2  }
0x10a: {  	v3 =	vld [tilespmem:s19+$0x1E00];
	v0 =	vadd.f32 v4, v0  }
0x10b: {  	v4 =	vadd.f32 $0.0e+00, v7;
	v7 =	vld [tilespmem:s17+$0x2C00];
	[tilespmem:s30+$0x3400] =	vst v2;
	s30 =	smov.u32 s17;
	s17 =	smov.u32 s19  }
0x10c: {  	v8 =	vld [tilespmem:s17+$0x2000];
	v2 =	vadd.f32 v5, v0  }
0x10d: {  	v4 =	vadd.f32 v6, v4;
	v6 =	vld [tilespmem:s30+$0x2E00]  }
.Ltmp1:
0x10e: {  	v0 =	vld [tilespmem:s17+$0x2200];
	v5 =	vadd.f32 v1, v2;
	(pc) =	sbr.rel @p0 .LBB3_4-.Ltmp1, $4  }
0x10f: {  	v3 =	vadd.f32 v3, v4;
	v2 =	vld [tilespmem:s30+$0x3000]  }
0x110: {  	v1 =	vld [tilespmem:s17+$0x2400];
	v7 =	vadd.f32 v7, v5  }
0x111: {  	v5 =	vadd.f32 v8, v3;
	v3 =	vld [tilespmem:s30+$0x3200]  }
0x112: {  	s19 =	sshra.s32 s31, $0x2;
	s31 =	sadd.s32 $0x40, s31;
	v4 =	vld [tilespmem:s17+$0x2600];
	v6 =	vadd.f32 v6, v7  }
0x113: {  	v7 =	vld [tilespmem:s19+$0x1A00]  }
0x114: {  	v8 =	vld [tilespmem:s17+$0x2800];
	v0 =	vadd.f32 v0, v5;
	v2 =	vadd.f32 v2, v6  }
0x115: {  	v45 =	vld [tilespmem:s19+$0x1C00]  }
0x116: {  	v46 =	vld [tilespmem:s17+$0x2A00];
	v0 =	vadd.f32 v1, v0;
	v47 =	vadd.f32 v3, v2  }
0x117: {  	v48 =	vld [tilespmem:s19+$0x1E00]  }
0x118: {  	v49 =	vld [tilespmem:s17+$0x2C00];
	v0 =	vadd.f32 v4, v0;
	v50 =	vadd.f32 $0.0e+00, v7;
	[tilespmem:s30+$0x3400] =	vst v47  }
0x119: {  	v1 =	vld [tilespmem:s19+$0x2000]  }
0x11a: {  	v0 =	vadd.f32 v8, v0;
	v51 =	vld [tilespmem:s17+$0x2E00];
	v4 =	vadd.f32 v45, v50  }
0x11b: {  	v52 =	vld [tilespmem:s19+$0x2200]  }
0x11c: {  	v53 =	vld [tilespmem:s17+$0x3000];
	v0 =	vadd.f32 v46, v0;
	v2 =	vadd.f32 v48, v4  }
0x11d: {  	v54 =	vld [tilespmem:s19+$0x2400]  }
0x11e: {  	v55 =	vld [tilespmem:s17+$0x3200];
	v0 =	vadd.f32 v49, v0;
	v1 =	vadd.f32 v1, v2  }
0x11f: {  	v56 =	vld [tilespmem:s19+$0x2600]  }
0x120: {  	v0 =	vadd.f32 v51, v0;
	v1 =	vadd.f32 v52, v1  }
0x121: {  	v57 =	vld [tilespmem:s19+$0x2800]  }
0x122: {  	v0 =	vadd.f32 v53, v0;
	v1 =	vadd.f32 v54, v1  }
0x123: {  	v58 =	vld [tilespmem:s19+$0x2A00]  }
0x124: {  	v0 =	vadd.f32 v55, v0;
	v1 =	vadd.f32 v56, v1  }
0x125: {  	v59 =	vld [tilespmem:s19+$0x2C00]  }
0x126: {  	[tilespmem:s17+$0x3400] =	vst v0;
	v60 =	vadd.f32 v57, v1  }
0x127: {  	v61 =	vld [tilespmem:s19+$0x2E00]  }
0x128: {  	v0 =	vadd.f32 v58, v60  }
0x129: {  	v62 =	vld [tilespmem:s19+$0x3000]  }
0x12a: {  	v0 =	vadd.f32 v59, v0  }
0x12b: {  	v63 =	vld [tilespmem:s19+$0x3200]  }
0x12c: {  	v0 =	vadd.f32 v61, v0;
	_ =	sdelay $0x1  }
0x12d: {  	v0 =	vadd.f32 v62, v0;
	_ =	sdelay $0x1  }
0x12e: {  	v0 =	vadd.f32 v63, v0;
	_ =	sdelay $0x1  }
0x12f: {  	s0 =	simm.s32 $0x3400;
	s30 =	rddreg [dreg:$0xf];
	[tilespmem:s19+$0x3400] =	vst v0  }
0x130: {  	[hbm4b:s30+s14] =	stream.linear.scatter [tilespmem:s0], [sflag:$0x3], $0x200, $0x38;
	[tilespmem:$0x3600] =	vst v63  }
0x131: {  	_ =	swait.ge [sflag:s16], $0x200  }
0x132: {  	s29 =	sadd.s32 $0x1, s29;
	s31 =	rddreg [dreg:$0x10]  }
0x133: {  	p0 =	sne.s32 s29, s31  }
.Ltmp2:
0x134: {  	_ = 	snop;
	(pc) =	sbr.rel @p0 .LBB3_1-.Ltmp2, $3  }
0x135: {  	_ =	sdelay $0x1  }
0x136: {  	[sflag:s16] =	ssyncset.done $0x0  }
0x137: {  	[sflag:s16] =	ssyncadd.s32 $0xFFFFFE00  }
0x138: {  	_ =	sfence.sel $0x180000  }
0x139: {  	[bflag:$0x0] =	sbarrier.arrive $0xFFFF  }
0x13a: {  	_ =	strace $0x90000047  }
0x13b: {  	s0 =	stileid.u32;
	[bflag:$0x2] =	sbarrier.arrive $0xFFFF  }
0x13c: {  	p0 =	sne.s32 s0, $0x0;
	s0 =	rddreg [dreg:$0xe]  }
0x13d: {  	s0 =	sadd.s32 @!p0 $0x100000, s0  }
0x13e: {  	[sflag:s0] =	ssyncadd.tile.s32 @!p0 $0x1;
	_ =	shalt  }
.Lfunc_end3:
_tile_overlayer_lowered:
.L_overlay_start_3:
0x13f: {  	(tag) =	ssettag $0x3  }
0x140: {  	s0 =	rddreg [dreg:$0x0];
	s2 =	stileid.u32  }
0x141: {  	s1 =	rddreg [dreg:$0x1];
	p0 =	sne.s32 s2, $0x0  }
0x142: {  	s3 =	rddreg [dreg:$0x2];
	[bflag:$0x3] =	sbarrier.arrive $0xFFFF;
	s2 =	simm.s32 @!p0 $0x1C03  }
0x143: {  	[timem:s3], [sflag:s2] =	dma.local @!p0 [hbm:s0], s1  }
0x144: {  	s0 =	simm.s32 @!p0 $0x3  }
0x145: {  	_ =	swait.ge @!p0 [sflag:s0], s1  }
0x146: {  	s1 =	ssub.s32 @!p0 $0x0, s1;
	[sflag:s0] =	ssyncset.done @!p0 $0x0  }
0x147: {  	[sflag:s0] =	ssyncadd.s32 @!p0 s1  }
0x148: {  	[bflag:$0x3] =	sbarrier.arrive $0xFFFF  }
0x149: {  	_ =	shalt  }

// kernel: _run.7.cloned.1.call-start
scs
__scs_entry_jumppad:
0x0: {  	(pc) =	sbr.rel $0x88, $3  }
0x1: {  	(tag) =	ssettag $0x0;
	lr =	simm.s32 $0x1  }
0x2: {  	[smem:$0x3F82] =	sst lr;
	_ =	strace $0xD0000000  }
0x3: {  	_ = 	snop  }
0x4: {  	_ = 	snop  }
0x5: {  	_ = 	snop  }
0x6: {  	_ = 	snop  }
0x7: {  	_ = 	snop  }
__scs_overlays_trampoline_lowered:
0x8: {  	[smem:$0x3F91] =	sst s0  }
0x9: {  	[smem:$0x3F92] =	sst s1  }
0xa: {  	[smem:$0x3F93] =	sst s2  }
0xb: {  	[smem:$0x3F94] =	sst s3  }
0xc: {  	[smem:$0x3F95] =	sst s4  }
0xd: {  	[smem:$0x3F96] =	sst s5  }
0xe: {  	[smem:$0x3F97] =	sst s6  }
0xf: {  	[smem:$0x3F98] =	sst s7  }
0x10: {  	[smem:$0x3F99] =	sst s8  }
0x11: {  	[smem:$0x3F9A] =	sst s9;
	s0 =	simm.s32 @!p0 $0x0  }
0x12: {  	s1 =	sld [smem:$0x3F80];
	s0 =	simm.s32 @p0 $0x1  }
0x13: {  	[smem:$0x3F9B] =	sst s0;
	s0 =	simm.s32 @!p1 $0x0  }
0x14: {  	s2 =	sld [smem:$0x3F7F];
	s0 =	simm.s32 @p1 $0x1  }
0x15: {  	[smem:$0x3F9C] =	sst s0;
	s0 =	simm.s32 @!p2 $0x0  }
0x16: {  	s3 =	sld [smem:$0x3FDB];
	s0 =	simm.s32 @p2 $0x1  }
0x17: {  	s4 =	simm.s32 $0x1BF5;
	[smem:$0x3F9E] =	sst s0  }
0x18: {  	s0 =	sld [smem:$0x3F81];
	_ =	swait.ge [sflag:s4], $0x0  }
0x19: {  	s7 =	sld [smem:$0x3F82]  }
0x1a: {  	s8 =	sadd.s32 $0xFFFFE003, lr  }
0x1b: {  	s9 =	sadd.s32 $0xFFFFFEF7, lr;
	s5 =	simm.s32 $0xFFFFFFFF;
	p2 =	slt.u32 s8, $0xFFFFF086  }
0x1c: {  	p1 =	slt.u32 s9, $0xF7A;
	s5 =	simm.s32 @!p2 $0x0  }
0x1d: {  	s5 =	simm.s32 @p1 $0x1;
	p0 =	seq.s32 s7, s2  }
0x1e: {  	s7 =	smul.u32 @!p0 $0xF7A, s2;
	p2 =	seq.s32 @!p0 s5, $0x0  }
0x1f: {  	s9 =	smul.u32 $0xF7A, s1;
	s8 =	simm.s32 @!p0 $0x1BF5;
	p2 =	por !p2, p0  }
0x20: {  	[sflag:s8] =	ssyncset.s32 @!p0 $0xFFFFF086;
	s6 =	sadd.s32 @!p0 s3, s7;
	s7 =	simm.s32 @!p0 $0x108  }
0x21: {  	s3 =	sadd.s32 s3, s9;
	s6 =	sadd.s32 @!p0 $0x88, s6;
	s7 =	simm.s32 @p2 $0x1082  }
0x22: {  	[simem:s7], [sflag:s8] =	dma.local @!p0 [hbm:s6], $0xF7A  }
0x23: {  	s9 =	sor.u32 $0xD0000000, s2;
	s6 =	simm.s32 $0x108;
	_ =	swait.ge @!p0 [sflag:s8], $0x0  }
0x24: {  	s3 =	sadd.s32 $0x88, s3;
	s6 =	simm.s32 @!p1 $0x1082;
	[sflag:s4] =	ssyncset.s32 $0xFFFFF086  }
0x25: {  	[simem:s6], [sflag:s4] =	dma.local [hbm:s3], $0xF7A  }
0x26: {  	[smem:$0x3F82] =	sst s1;
	(tag) =	ssettag s2;
	_ =	strace s9  }
0x27: {  	s1 =	sld [smem:$0x3F92]  }
0x28: {  	s2 =	sld [smem:$0x3F93]  }
0x29: {  	s4 =	sld [smem:$0x3F95]  }
0x2a: {  	p0 =	seq.s32 s5, $0x0;
	s5 =	sld [smem:$0x3F96]  }
0x2b: {  	s6 =	sld [smem:$0x3F97]  }
0x2c: {  	s7 =	sld [smem:$0x3F98]  }
0x2d: {  	s3 =	simm.s32 $0x108;
	s8 =	sld [smem:$0x3F99]  }
0x2e: {  	s3 =	simm.s32 @!p0 $0x1082;
	s9 =	sld [smem:$0x3F9A]  }
0x2f: {  	lr =	sadd.s32 s0, s3;
	s0 =	sld [smem:$0x3F91]  }
0x30: {  	s3 =	sld [smem:$0x3F94]  }
0x31: {  	[smem:$0x3F9D] =	sst s10  }
0x32: {  	s10 =	sld [smem:$0x3F9B];
	_ =	sdelay $0x3  }
0x33: {  	p0 =	seq.s32 s10, $0x1;
	s10 =	sld [smem:$0x3F9D];
	_ =	sdelay $0x3  }
0x34: {  	[smem:$0x3F9D] =	sst s10  }
0x35: {  	s10 =	sld [smem:$0x3F9C];
	_ =	sdelay $0x3  }
0x36: {  	p1 =	seq.s32 s10, $0x1;
	s10 =	sld [smem:$0x3F9D];
	_ =	sdelay $0x3  }
0x37: {  	[smem:$0x3F9D] =	sst s10  }
0x38: {  	s10 =	sld [smem:$0x3F9E]  }
0x39: {  	_ = 	snop;
	(pc) =	sbr.ind lr, $3  }
0x3a: {  	_ = 	snop  }
0x3b: {  	_ = 	snop  }
0x3c: {  	p2 =	seq.s32 s10, $0x1;
	s10 =	sld [smem:$0x3F9D]  }
0x3d: {  	_ =	shalt  }
0x3e: {  	_ =	shalt  }
0x3f: {  	_ =	shalt  }
0x40: {  	_ =	shalt  }
0x41: {  	_ =	shalt  }
0x42: {  	_ =	shalt  }
0x43: {  	_ =	shalt  }
0x44: {  	_ =	shalt  }
0x45: {  	_ =	shalt  }
0x46: {  	_ =	shalt  }
0x47: {  	_ =	shalt  }
0x48: {  	_ =	shalt  }
0x49: {  	_ =	shalt  }
0x4a: {  	_ =	shalt  }
0x4b: {  	_ =	shalt  }
0x4c: {  	_ =	shalt  }
0x4d: {  	_ =	shalt  }
0x4e: {  	_ =	shalt  }
0x4f: {  	_ =	shalt  }
0x50: {  	_ =	shalt  }
0x51: {  	_ =	shalt  }
0x52: {  	_ =	shalt  }
0x53: {  	_ =	shalt  }
0x54: {  	_ =	shalt  }
0x55: {  	_ =	shalt  }
0x56: {  	_ =	shalt  }
0x57: {  	_ =	shalt  }
0x58: {  	_ =	shalt  }
0x59: {  	_ =	shalt  }
0x5a: {  	_ =	shalt  }
0x5b: {  	_ =	shalt  }
0x5c: {  	_ =	shalt  }
0x5d: {  	_ =	shalt  }
0x5e: {  	_ =	shalt  }
0x5f: {  	_ =	shalt  }
0x60: {  	_ =	shalt  }
0x61: {  	_ =	shalt  }
0x62: {  	_ =	shalt  }
0x63: {  	_ =	shalt  }
0x64: {  	_ =	shalt  }
0x65: {  	_ =	shalt  }
0x66: {  	_ =	shalt  }
0x67: {  	_ =	shalt  }
0x68: {  	_ =	shalt  }
0x69: {  	_ =	shalt  }
0x6a: {  	_ =	shalt  }
0x6b: {  	_ =	shalt  }
0x6c: {  	_ =	shalt  }
0x6d: {  	_ =	shalt  }
0x6e: {  	_ =	shalt  }
0x6f: {  	_ =	shalt  }
0x70: {  	_ =	shalt  }
0x71: {  	_ =	shalt  }
0x72: {  	_ =	shalt  }
0x73: {  	_ =	shalt  }
0x74: {  	_ =	shalt  }
0x75: {  	_ =	shalt  }
0x76: {  	_ =	shalt  }
0x77: {  	_ =	shalt  }
0x78: {  	_ =	shalt  }
0x79: {  	_ =	shalt  }
0x7a: {  	_ =	shalt  }
0x7b: {  	_ =	shalt  }
0x7c: {  	_ =	shalt  }
0x7d: {  	_ =	shalt  }
0x7e: {  	_ =	shalt  }
0x7f: {  	_ =	shalt  }
0x80: {  	_ =	shalt  }
0x81: {  	_ =	shalt  }
0x82: {  	_ =	shalt  }
0x83: {  	_ =	shalt  }
0x84: {  	_ =	shalt  }
0x85: {  	_ =	shalt  }
0x86: {  	_ =	shalt  }
0x87: {  	_ =	shalt  }
.Lfunc_end0:
.L_simem_size_0:
called_computation.1_lowered:
.L_overlay_start_0:
0x88: {  	s2 =	sld [smem:$0x3FD9]  }
0x89: {  	s3 =	sld [smem:$0x3FFE];
	_ =	sdelay $0x1  }
0x8a: {  	s1 =	srdreg.scid  }
0x8b: {  	s0 =	sand.u32 $0x1, s1  }
0x8c: {  	s26 =	sshll.u32 s0, $0xA;
	s2 =	sadd.s32 s3, s2  }
0x8d: {  	s2 =	sadd.s32 s2, s26  }
0x8e: {  	[smem:$0x3FA9] =	sst s2  }
0x8f: {  	_ = 	snop  }
0x90: {  	s12 =	sld [smem:$0x3FC9]  }
0x91: {  	s2 =	sld [smem:$0x3FC8]  }
0x92: {  	s14 =	sld [smem:$0x3FC7]  }
0x93: {  	s13 =	sld [smem:$0x3FC6]  }
0x94: {  	s3 =	sld [smem:$0x3FB8]  }
0x95: {  	s4 =	sld [smem:$0x3FB7]  }
0x96: {  	s5 =	sld [smem:$0x3FB6]  }
0x97: {  	s6 =	sld [smem:$0x3FB5]  }
0x98: {  	s7 =	sld [smem:$0x3FB4]  }
0x99: {  	s8 =	sld [smem:$0x3FB3]  }
0x9a: {  	s9 =	sld [smem:$0x3FB2]  }
0x9b: {  	s10 =	sld [smem:$0x3FB1]  }
0x9c: {  	s11 =	sld [smem:$0x3FB0]  }
0x9d: {  	s16 =	sld [smem:$0x3FAF]  }
0x9e: {  	s17 =	sld [smem:$0x3FAE]  }
0x9f: {  	s18 =	sld [smem:$0x3FAD]  }
0xa0: {  	s19 =	sld [smem:$0x3FAC]  }
0xa1: {  	s20 =	sld [smem:$0x3FAB]  }
0xa2: {  	s21 =	sld [smem:$0x3FD0];
	(tm) =	ssettm $0x1  }
0xa3: {  	s15 =	sld [smem:$0x3FFB];
	_ =	sdelay $0x3  }
0xa4: {  	_ =	strace s15  }
0xa5: {  	s15 =	sld [smem:$0x3FFC];
	_ =	sdelay $0x3  }
0xa6: {  	_ =	strace s15  }
0xa7: {  	s15 =	sld [smem:$0x3FFD];
	_ =	sdelay $0x3  }
0xa8: {  	_ =	strace s15  }
0xa9: {  	_ =	strace $0x8FFFFFFF  }
0xaa: {  	s28 =	sld [smem:$0x3FDB];
	_ =	sdelay $0x1  }
0xab: {  	s22 =	simm.s32 $_scs_section_size  }
0xac: {  	s23 =	simm.s32 $_size__tile_task_arg_handler_lowered;
	s24 =	simm.s32 $_tile_task_arg_handler_lowered  }
0xad: {  	s31 =	simm.s32 $0x1BFF;
	s30 =	sshll.u32 s24, $0x1;
	s22 =	sadd.s32 s22, s28  }
0xae: {  	s25 =	simm.s32 $0x60;
	s29 =	sshll.u32 s23, $0x1;
	s23 =	sadd.s32 s30, s22  }
0xaf: {  	[timem:s25], [sflag:s31] =	dma.local [hbm:s23], s29  }
0xb0: {  	_ =	swait.ge [sflag:s31], s29  }
0xb1: {  	s15 =	ssub.s32 $0x0, s29;
	s25 =	simm.s32 $_tile_overlayer_lowered;
	[sflag:s31] =	ssyncset.done $0x0  }
0xb2: {  	s26 =	simm.s32 $_size__tile_overlayer_lowered;
	s23 =	sshll.u32 s25, $0x1;
	[sflag:s31] =	ssyncadd.s32 s15  }
0xb3: {  	s28 =	sshll.u32 s26, $0x1;
	s23 =	sadd.s32 s23, s22;
	s15 =	simm.s32 $0x0  }
0xb4: {  	[timem:s15], [sflag:s31] =	dma.local [hbm:s23], s28  }
0xb5: {  	_ =	swait.ge [sflag:s31], s28  }
0xb6: {  	s29 =	ssub.s32 $0x0, s28;
	[sflag:s31] =	ssyncset.done $0x0  }
0xb7: {  	[sflag:s31] =	ssyncadd.s32 s29;
	_ =	sdelay $0x1  }
0xb8: {  	s30 =	simm.s32 $0x1B8B  }
0xb9: {  	_ =	swait.ge [sflag:s30], $0x1  }
0xba: {  	[sflag:s30] =	ssyncset.done $0x0  }
0xbb: {  	s25 =	simm.s32 $0x1B8E;
	s31 =	sld [smem:$0x3FFE];
	[sflag:s30] =	ssyncadd.s32 $0xFFFFFFFF  }
0xbc: {  	s26 =	simm.s32 $execute0_lowered;
	[smem:$0x3FD2] =	sst s25  }
0xbd: {  	s24 =	sshll.u32 s26, $0x1;
	_ =	strace $0x80000049;
	[dreg:$0x1] =	wrdreg $0xFFFFFFFF  }
0xbe: {  	s22 =	sadd.s32 s22, s24;
	s28 =	simm.s32 $_size_execute0_lowered;
	[dreg:$0x0] =	wrdreg $0x0  }
0xbf: {  	s24 =	sshll.u32 s28, $0x1;
	[dreg:$0x2] =	wrdreg s22  }
0xc0: {  	[dreg:$0x3] =	wrdreg s24  }
0xc1: {  	[dreg:$0x4] =	wrdreg $0xC0  }
0xc2: {  	_ =	task [dreg:s15], $0x5FFFF  }
0xc3: {  	[dreg:$0x1] =	wrdreg $0xFFFFFFFF  }
0xc4: {  	[dreg:$0x0] =	wrdreg $0x30  }
0xc5: {  	[dreg:$0x2] =	wrdreg $0x0  }
0xc6: {  	[dreg:$0x3] =	wrdreg s16  }
0xc7: {  	[dreg:$0x4] =	wrdreg s17  }
0xc8: {  	[dreg:$0x5] =	wrdreg s18  }
0xc9: {  	[dreg:$0x6] =	wrdreg s19  }
0xca: {  	[dreg:$0x7] =	wrdreg s20  }
0xcb: {  	[dreg:$0x8] =	wrdreg s21  }
0xcc: {  	[dreg:$0x9] =	wrdreg $0x9  }
0xcd: {  	_ =	task [dreg:s15], $0xAFFFF  }
0xce: {  	[dreg:$0x1] =	wrdreg $0xFFFFFFFF  }
0xcf: {  	[dreg:$0x0] =	wrdreg $0x60  }
0xd0: {  	[dreg:$0x2] =	wrdreg s12  }
0xd1: {  	[dreg:$0x3] =	wrdreg s14  }
0xd2: {  	[dreg:$0x4] =	wrdreg s2  }
0xd3: {  	[dreg:$0x5] =	wrdreg s13  }
0xd4: {  	[dreg:$0x6] =	wrdreg s31  }
0xd5: {  	[dreg:$0x7] =	wrdreg s3  }
0xd6: {  	[dreg:$0x8] =	wrdreg s4  }
0xd7: {  	[dreg:$0x9] =	wrdreg s5  }
0xd8: {  	[dreg:$0xa] =	wrdreg s6  }
0xd9: {  	[dreg:$0xb] =	wrdreg s7  }
0xda: {  	[dreg:$0xc] =	wrdreg s8  }
0xdb: {  	[dreg:$0xd] =	wrdreg s9  }
0xdc: {  	[dreg:$0xe] =	wrdreg s10  }
0xdd: {  	[dreg:$0xf] =	wrdreg s11  }
0xde: {  	_ =	task.clear_ibuf [dreg:s15], $0x10FFFF;
	_ =	strace $0x90000049  }
0xdf: {  	s29 =	simm.s32 $0x9;
	_ =	strace $0x8000004B  }
0xe0: {  	_ =	swait.ge [sflag:s29], $0x1  }
0xe1: {  	[sflag:s29] =	ssyncadd.s32 $0xFFFFFFFF  }
0xe2: {  	_ =	strace $0x9000004B  }
0xe3: {  	_ =	sfence  }
0xe4: {  	s30 =	sld [smem:$0x0];
	_ =	sdelay $0x2  }
0xe5: {  	s31 =	sshll.u32 s1, $0xD;
	s1 =	sshrl.u32 s1, $0x2  }
0xe6: {  	s3 =	sand.u32 $0x4000, s31;
	s1 =	sadd.s32 s1, s30  }
0xe7: {  	s0 =	sor.u32 s3, s0;
	s1 =	sshll.u32 s1, $0x11  }
0xe8: {  	s0 =	sor.u32 s1, s0  }
0xe9: {  	s0 =	sadd.s32 $0x8F2B, s0  }
0xea: {  	[sflag:s0] =	ssyncadd.remote.s32 $0x1  }
0xeb: {  	_ =	sfence.sel $0xFFFF  }
0xec: {  	[dreg:$0x0] =	wrdreg $0xFFFFFFFF;
	(pc) =	sbr.abs _section_cstart, $3  }
0xed: {  	[dreg:$0x1] =	wrdreg $0xFFFFFFFF  }
0xee: {  	_ =	task.clear_ibuf [dreg:s15], $0x2FFFF;
	_ =	strace $0x9FFFFFFF  }
0xef: {  	(tm) =	ssettm $0x7FFFFFFF  }
tec
_tile_task_arg_handler_lowered:
.L_overlay_start_1:
0x0: {  	(tag) =	ssettag $0x1  }
0x1: {  	s0 =	rddreg [dreg:$0x0]  }
0x2: {  	s1 =	rddreg [dreg:$0x1]  }
0x3: {  	s2 =	rddreg [dreg:$0x2]  }
0x4: {  	s3 =	rddreg [dreg:$0x3]  }
0x5: {  	s4 =	rddreg [dreg:$0x4]  }
0x6: {  	s5 =	rddreg [dreg:$0x5]  }
0x7: {  	s6 =	rddreg [dreg:$0x6]  }
0x8: {  	s7 =	rddreg [dreg:$0x7]  }
0x9: {  	s8 =	rddreg [dreg:$0x8]  }
0xa: {  	s9 =	rddreg [dreg:$0x9]  }
0xb: {  	s10 =	rddreg [dreg:$0xa]  }
0xc: {  	s11 =	rddreg [dreg:$0xb]  }
0xd: {  	s12 =	rddreg [dreg:$0xc]  }
0xe: {  	s13 =	rddreg [dreg:$0xd]  }
0xf: {  	[smem:s0] =	sst s1  }
0x10: {  	[smem:s0+$0x1] =	sst s2  }
0x11: {  	[smem:s0+$0x2] =	sst s3  }
0x12: {  	[smem:s0+$0x3] =	sst s4  }
0x13: {  	[smem:s0+$0x4] =	sst s5  }
0x14: {  	[smem:s0+$0x5] =	sst s6  }
0x15: {  	[smem:s0+$0x6] =	sst s7  }
0x16: {  	[smem:s0+$0x7] =	sst s8  }
0x17: {  	[smem:s0+$0x8] =	sst s9  }
0x18: {  	[smem:s0+$0x9] =	sst s10  }
0x19: {  	[smem:s0+$0xA] =	sst s11  }
0x1a: {  	[smem:s0+$0xB] =	sst s12  }
0x1b: {  	[smem:s0+$0xC] =	sst s13;
	_ =	shalt  }
.Lfunc_end2:
execute0_lowered:
.L_overlay_start_2:
0x1c: {  	(tag) =	ssettag $0x2  }
0x1d: {  	s0 =	rddreg [dreg:$0x0]  }
0x1e: {  	s11 =	rddreg [dreg:$0x1]  }
0x1f: {  	s16 =	rddreg [dreg:$0x2]  }
0x20: {  	s18 =	rddreg [dreg:$0x4]  }
0x21: {  	s1 =	rddreg [dreg:$0x5]  }
0x22: {  	s2 =	rddreg [dreg:$0x6]  }
0x23: {  	s3 =	rddreg [dreg:$0x7]  }
0x24: {  	s4 =	rddreg [dreg:$0x8]  }
0x25: {  	s5 =	rddreg [dreg:$0x9]  }
0x26: {  	s6 =	rddreg [dreg:$0xa]  }
0x27: {  	s7 =	rddreg [dreg:$0xb]  }
0x28: {  	s8 =	rddreg [dreg:$0xc]  }
0x29: {  	s9 =	rddreg [dreg:$0xd];
	s10 =	simm.s32 $0x0  }
0x2a: {  	[smem:$0x7FF] =	sst s10  }
0x2b: {  	s12 =	sld [smem:$0x0]  }
0x2c: {  	s15 =	srdreg.scid;
	s13 =	sld [smem:$0x1]  }
0x2d: {  	s17 =	stileid.u32;
	s14 =	sld [smem:$0x2]  }
0x2e: {  	s19 =	sand.u32 $0x1, s15;
	s20 =	sshll.u32 s17, $0xA;
	s23 =	sld [smem:$0x5]  }
0x2f: {  	s21 =	sshll.u32 s19, $0x9;
	s19 =	ssub.s32 $0x2, s19;
	s22 =	sld [smem:$0x6]  }
0x30: {  	s15 =	sld [smem:$0x3];
	s20 =	sor.u32 s21, s20;
	s24 =	sshrl.u32 s19, $0x1  }
0x31: {  	s17 =	sld [smem:$0x4];
	s20 =	sshrl.u32 s20, $0x3;
	s19 =	ssub.s32 s19, s24  }
0x32: {  	[dreg:$0xe] =	wrdreg s22;
	s18 =	sadd.s32 s20, s18;
	s25 =	sadd.s32 s23, s20  }
0x33: {  	s26 =	smax.u32 s19, $0x1;
	_ =	strace $0x8000004A;
	[dreg:$0x10] =	wrdreg s25  }
0x34: {  	s0 =	sadd.s32 s20, s0;
	s18 =	sadd.s32 $0x800, s18;
	[dreg:$0x11] =	wrdreg s26  }
0x35: {  	s28 =	sadd.s32 $0x6800, s0;
	[dreg:$0xf] =	wrdreg s18  }
0x36: {  	s22 =	sadd.s32 s16, s20;
	s19 =	sadd.s32 $0x7800, s0;
	[dreg:$0x12] =	wrdreg s28  }
0x37: {  	s23 =	sadd.s32 s20, s11;
	s20 =	sadd.s32 $0x8000, s0;
	[dreg:$0x14] =	wrdreg s19  }
0x38: {  	s21 =	sadd.s32 $0x8800, s0;
	[dreg:$0x15] =	wrdreg s20  }
0x39: {  	s24 =	sadd.s32 $0x9000, s0;
	[dreg:$0x16] =	wrdreg s21  }
0x3a: {  	s25 =	sadd.s32 $0x9800, s0;
	[dreg:$0x17] =	wrdreg s24  }
0x3b: {  	s26 =	sadd.s32 $0xA000, s0;
	[dreg:$0x18] =	wrdreg s25  }
0x3c: {  	s16 =	sadd.s32 $0xB000, s0;
	[dreg:$0x19] =	wrdreg s26  }
0x3d: {  	s18 =	sadd.s32 $0x7000, s0;
	[dreg:$0x1b] =	wrdreg s16  }
0x3e: {  	s28 =	sadd.s32 $0xA800, s0;
	[dreg:$0x13] =	wrdreg s18  }
0x3f: {  	s29 =	sadd.s32 $0x3800, s22;
	s19 =	sadd.s32 $0xC000, s0;
	[dreg:$0x1a] =	wrdreg s28  }
0x40: {  	s30 =	sadd.s32 $0x4000, s22;
	s20 =	sadd.s32 $0x800, s22;
	[dreg:$0x1d] =	wrdreg s19  }
0x41: {  	s31 =	sadd.s32 $0x4800, s22;
	s21 =	sadd.s32 $0x1000, s22;
	[dreg:$0x1f] =	wrdreg s20  }
0x42: {  	s11 =	sadd.s32 $0x5000, s22;
	s24 =	sadd.s32 $0x1800, s22;
	[smem:$0x7F9] =	sst s21  }
0x43: {  	s25 =	sadd.s32 $0x2000, s22;
	s26 =	sadd.s32 $0x2800, s22;
	[smem:$0x7FA] =	sst s24  }
0x44: {  	s16 =	sadd.s32 $0x5800, s22;
	s18 =	sadd.s32 $0xB800, s0;
	[smem:$0x7FB] =	sst s25  }
0x45: {  	s0 =	sadd.s32 $0xC800, s0;
	[smem:$0x7FC] =	sst s26;
	s28 =	sadd.s32 $0x3000, s22  }
0x46: {  	s19 =	simm.s32 $0x1;
	s20 =	simm.s32 $0x80;
	[dreg:$0x1c] =	wrdreg s18  }
0x47: {  	s21 =	simm.s32 $0x2;
	s24 =	simm.s32 $0x0;
	[dreg:$0x1e] =	wrdreg s0  }
0x48: {  	v0 =	vimm.f32 $0.0e+00;
	[smem:$0x7FD] =	sst s28;
	s0 =	sadd.s32 $0x6000, s22;
	s18 =	simm.s32 $0x3  }
.LBB3_1:
0x49: {  	s25 =	rddreg [dreg:$0x12]  }
0x4a: {  	[tilespmem:s10], [sflag:$0x1] =	stream.linear.gather [hbm4b:s25+s10], $0x200, $0x38;
	[tilespmem:$0x11AD0] =	vst v63  }
0x4b: {  	s26 =	simm.s32 $0x200;
	s25 =	rddreg [dreg:$0x13]  }
0x4c: {  	[tilespmem:s26], [sflag:$0x1] =	stream.linear.gather [hbm4b:s25+s10], $0x200, $0x38;
	[tilespmem:$0x11AD0] =	vst v63  }
0x4d: {  	s25 =	rddreg [dreg:$0x14];
	s26 =	simm.s32 $0x400  }
0x4e: {  	[tilespmem:s26], [sflag:$0x1] =	stream.linear.gather [hbm4b:s25+s10], $0x200, $0x38;
	[tilespmem:$0x11AD0] =	vst v63  }
0x4f: {  	s25 =	rddreg [dreg:$0x15];
	s26 =	simm.s32 $0x600  }
0x50: {  	[tilespmem:s26], [sflag:$0x1] =	stream.linear.gather [hbm4b:s25+s10], $0x200, $0x38;
	[tilespmem:$0x11AD0] =	vst v63  }
0x51: {  	s25 =	rddreg [dreg:$0x16];
	s26 =	simm.s32 $0x800  }
0x52: {  	[tilespmem:s26], [sflag:$0x1] =	stream.linear.gather [hbm4b:s25+s10], $0x200, $0x38;
	[tilespmem:$0x11AD0] =	vst v63  }
0x53: {  	s25 =	rddreg [dreg:$0x17];
	s26 =	simm.s32 $0xA00  }
0x54: {  	[tilespmem:s26], [sflag:$0x1] =	stream.linear.gather [hbm4b:s25+s10], $0x200, $0x38;
	[tilespmem:$0x11AD0] =	vst v63  }
0x55: {  	s25 =	rddreg [dreg:$0x18];
	s26 =	simm.s32 $0xC00  }
0x56: {  	[tilespmem:s26], [sflag:$0x1] =	stream.linear.gather [hbm4b:s25+s10], $0x200, $0x38;
	[tilespmem:$0x11AD0] =	vst v63  }
0x57: {  	s25 =	rddreg [dreg:$0x19];
	s26 =	simm.s32 $0xE00  }
0x58: {  	[tilespmem:s26], [sflag:$0x1] =	stream.linear.gather [hbm4b:s25+s10], $0x200, $0x38;
	[tilespmem:$0x11AD0] =	vst v63  }
0x59: {  	s25 =	rddreg [dreg:$0x1a];
	s26 =	simm.s32 $0x1000  }
0x5a: {  	[tilespmem:s26], [sflag:$0x1] =	stream.linear.gather [hbm4b:s25+s10], $0x200, $0x38;
	[tilespmem:$0x11AD0] =	vst v63  }
0x5b: {  	s25 =	rddreg [dreg:$0x1b];
	s26 =	simm.s32 $0x1200  }
0x5c: {  	[tilespmem:s26], [sflag:$0x1] =	stream.linear.gather [hbm4b:s25+s10], $0x200, $0x38;
	[tilespmem:$0x11AD0] =	vst v63  }
0x5d: {  	s25 =	rddreg [dreg:$0x1c];
	s26 =	simm.s32 $0x1400  }
0x5e: {  	[tilespmem:s26], [sflag:$0x1] =	stream.linear.gather [hbm4b:s25+s10], $0x200, $0x38;
	[tilespmem:$0x11AD0] =	vst v63  }
0x5f: {  	s25 =	rddreg [dreg:$0x1d];
	s26 =	simm.s32 $0x1600  }
0x60: {  	[tilespmem:s26], [sflag:$0x1] =	stream.linear.gather [hbm4b:s25+s10], $0x200, $0x38;
	[tilespmem:$0x11AD0] =	vst v63  }
0x61: {  	s25 =	rddreg [dreg:$0x1e];
	s26 =	simm.s32 $0x1800  }
0x62: {  	[tilespmem:s26], [sflag:$0x1] =	stream.linear.gather [hbm4b:s25+s10], $0x200, $0x38;
	[tilespmem:$0x11AD0] =	vst v63  }
0x63: {  	s28 =	sadd.s32 $0x0, s23;
	s25 =	simm.s32 $0x800;
	s26 =	simm.s32 $0x1A00  }
.LBB3_2:
0x64: {  	[tilespmem:s26], [sflag:$0x1] =	stream.linear.gather [hbm4b:s28+s10], $0x200, $0x38;
	[tilespmem:$0x11AD0] =	vst v63  }
0x65: {  	s28 =	smov.u32 s25;
	p0 =	sne.s32 s25, $0x18800  }
.Ltmp0:
0x66: {  	s25 =	sadd.s32 $0x800, s25;
	(pc) =	sbr.rel @p0 .LBB3_2-.Ltmp0, $3  }
0x67: {  	_ =	sdelay $0x1  }
0x68: {  	s26 =	sshra.s32 s28, $0x2  }
0x69: {  	s28 =	sadd.s32 s28, s23;
	s26 =	sadd.s32 $0x1A00, s26  }
0x6a: {  	[tilespmem:s26], [sflag:$0x1] =	stream.linear.gather [hbm4b:s28+s10], $0x200, $0x38;
	[tilespmem:$0x11AD0] =	vst v63  }
0x6b: {  	s25 =	simm.s32 $0xFC00  }
0x6c: {  	[tilespmem:s25], [sflag:$0x1] =	stream.linear.gather [hbm4b:s22+s10], $0x200, $0x38;
	[tilespmem:$0x11AD0] =	vst v63  }
0x6d: {  	s26 =	rddreg [dreg:$0x1f];
	s28 =	simm.s32 $0xFE00  }
0x6e: {  	[tilespmem:s28], [sflag:$0x1] =	stream.linear.gather [hbm4b:s26+s10], $0x200, $0x38;
	[tilespmem:$0x11AD0] =	vst v63  }
0x6f: {  	s26 =	sld [smem:$0x7F9];
	_ =	sdelay $0x1  }
0x70: {  	s28 =	simm.s32 $0x10000  }
0x71: {  	[tilespmem:s28], [sflag:$0x1] =	stream.linear.gather [hbm4b:s26+s10], $0x200, $0x38;
	[tilespmem:$0x11AD0] =	vst v63  }
0x72: {  	s26 =	sld [smem:$0x7FA];
	_ =	sdelay $0x1  }
0x73: {  	s28 =	simm.s32 $0x10200  }
0x74: {  	[tilespmem:s28], [sflag:$0x1] =	stream.linear.gather [hbm4b:s26+s10], $0x200, $0x38;
	[tilespmem:$0x11AD0] =	vst v63  }
0x75: {  	s26 =	sld [smem:$0x7FB];
	_ =	sdelay $0x1  }
0x76: {  	s28 =	simm.s32 $0x10400  }
0x77: {  	[tilespmem:s28], [sflag:$0x1] =	stream.linear.gather [hbm4b:s26+s10], $0x200, $0x38;
	[tilespmem:$0x11AD0] =	vst v63  }
0x78: {  	s26 =	sld [smem:$0x7FC];
	_ =	sdelay $0x1  }
0x79: {  	s28 =	simm.s32 $0x10600  }
0x7a: {  	[tilespmem:s28], [sflag:$0x1] =	stream.linear.gather [hbm4b:s26+s10], $0x200, $0x38;
	[tilespmem:$0x11AD0] =	vst v63  }
0x7b: {  	s26 =	sld [smem:$0x7FD];
	_ =	sdelay $0x1  }
0x7c: {  	s28 =	simm.s32 $0x10800  }
0x7d: {  	[tilespmem:s28], [sflag:$0x1] =	stream.linear.gather [hbm4b:s26+s10], $0x200, $0x38;
	[tilespmem:$0x11AD0] =	vst v63  }
0x7e: {  	s26 =	simm.s32 $0x10A00  }
0x7f: {  	[tilespmem:s26], [sflag:$0x1] =	stream.linear.gather [hbm4b:s29+s10], $0x200, $0x38;
	[tilespmem:$0x11AD0] =	vst v63  }
0x80: {  	s28 =	simm.s32 $0x10C00  }
0x81: {  	[tilespmem:s28], [sflag:$0x1] =	stream.linear.gather [hbm4b:s30+s10], $0x200, $0x38;
	[tilespmem:$0x11AD0] =	vst v63  }
0x82: {  	s26 =	simm.s32 $0x10E00  }
0x83: {  	[tilespmem:s26], [sflag:$0x1] =	stream.linear.gather [hbm4b:s31+s10], $0x200, $0x38;
	[tilespmem:$0x11AD0] =	vst v63  }
0x84: {  	s28 =	simm.s32 $0x11000  }
0x85: {  	[tilespmem:s28], [sflag:$0x1] =	stream.linear.gather [hbm4b:s11+s10], $0x200, $0x38;
	[tilespmem:$0x11AD0] =	vst v63  }
0x86: {  	s26 =	simm.s32 $0x11200  }
0x87: {  	[tilespmem:s26], [sflag:$0x1] =	stream.linear.gather [hbm4b:s16+s10], $0x200, $0x38;
	[tilespmem:$0x11AD0] =	vst v63  }
0x88: {  	s28 =	simm.s32 $0x11400  }
0x89: {  	[tilespmem:s28], [sflag:$0x1] =	stream.linear.gather [hbm4b:s0+s10], $0x200, $0x38;
	[tilespmem:$0x11AD0] =	vst v63  }
0x8a: {  	s26 =	rddreg [dreg:$0xf];
	s28 =	simm.s32 $0x116D0  }
0x8b: {  	[tilespmem:s28], [sflag:$0x1] =	stream.linear.gather [hbm4b:s26+s10], $0x200, $0x38;
	[tilespmem:$0x11AD0] =	vst v63  }
0x8c: {  	s26 =	rddreg [dreg:$0x3];
	s28 =	simm.s32 $0x11600  }
0x8d: {  	[tilespmem:s28], [sflag:$0x3] =	stream.linear.gather [hbm4b:s26+s10], $0xD0, $0x38;
	[tilespmem:$0x11AD0] =	vst v63  }
0x8e: {  	_ =	swait.ge [sflag:s18], $0xD0  }
0x8f: {  	[sflag:s18] =	ssyncset.done $0x0  }
0x90: {  	[sflag:s18] =	ssyncadd.s32 $0xFFFFFF30  }
0x91: {  	_ =	swait.ge [sflag:s19], $0x200  }
0x92: {  	s25 =	simm.s32 $0x4C;
	[sflag:s19] =	ssyncset.done $0x0  }
.LBB3_4:
0x93: {  	p0 =	sne.s32 s25, $0x1;
	s25 =	sadd.s32 $0xFFFFFFFF, s25;
	[sflag:s19] =	ssyncadd.s32 $0xFFFFFE00  }
.Ltmp1:
0x94: {  	(pc) =	sbr.rel @p0 .LBB3_4-.Ltmp1, $3  }
0x95: {  	_ =	sdelay $0x1  }
0x96: {  	_ =	swait.ge [sflag:s19], $0x200  }
0x97: {  	[sflag:s19] =	ssyncset.done $0x0  }
0x98: {  	[sflag:s19] =	ssyncadd.s32 $0xFFFFFE00;
	s25 =	simm.s32 $0x7E00  }
0x99: {  	[tilespmem:s25], [sflag:$0x2] =	stream.indirect.gather [hbm4b:s1+s20], $0x1, s10, s20, $0xb8;
	[tilespmem:$0x11AD0] =	vst v63  }
0x9a: {  	s26 =	simm.s32 $0x7E80  }
0x9b: {  	[tilespmem:s26], [sflag:$0x2] =	stream.indirect.gather [hbm4b:s1+s20], $0x1, s20, s20, $0xb8;
	[tilespmem:$0x11AD0] =	vst v63  }
0x9c: {  	s28 =	simm.s32 $0x100;
	s26 =	simm.s32 $0x7F00  }
0x9d: {  	[tilespmem:s26], [sflag:$0x2] =	stream.indirect.gather [hbm4b:s1+s20], $0x1, s28, s20, $0xb8;
	[tilespmem:$0x11AD0] =	vst v63  }
0x9e: {  	s26 =	simm.s32 $0x180;
	s28 =	simm.s32 $0x7F80  }
0x9f: {  	[tilespmem:s28], [sflag:$0x2] =	stream.indirect.gather [hbm4b:s1+s20], $0x1, s26, s20, $0xb8;
	[tilespmem:$0x11AD0] =	vst v63  }
0xa0: {  	s26 =	simm.s32 $0x200;
	s28 =	simm.s32 $0x8000  }
0xa1: {  	[tilespmem:s28], [sflag:$0x2] =	stream.indirect.gather [hbm4b:s2+s20], $0x1, s26, s20, $0xb8;
	[tilespmem:$0x11AD0] =	vst v63  }
0xa2: {  	s26 =	simm.s32 $0x280;
	s28 =	simm.s32 $0x8080  }
0xa3: {  	[tilespmem:s28], [sflag:$0x2] =	stream.indirect.gather [hbm4b:s2+s20], $0x1, s26, s20, $0xb8;
	[tilespmem:$0x11AD0] =	vst v63  }
0xa4: {  	s26 =	simm.s32 $0x300;
	s28 =	simm.s32 $0x8100  }
0xa5: {  	[tilespmem:s28], [sflag:$0x2] =	stream.indirect.gather [hbm4b:s2+s20], $0x1, s26, s20, $0xb8;
	[tilespmem:$0x11AD0] =	vst v63  }
0xa6: {  	s26 =	simm.s32 $0x380;
	s28 =	simm.s32 $0x8180  }
0xa7: {  	[tilespmem:s28], [sflag:$0x2] =	stream.indirect.gather [hbm4b:s2+s20], $0x1, s26, s20, $0xb8;
	[tilespmem:$0x11AD0] =	vst v63  }
0xa8: {  	s26 =	simm.s32 $0x400;
	s28 =	simm.s32 $0x8200  }
0xa9: {  	[tilespmem:s28], [sflag:$0x2] =	stream.indirect.gather [hbm4b:s3+s20], $0x1, s26, s20, $0xb8;
	[tilespmem:$0x11AD0] =	vst v63  }
0xaa: {  	s26 =	simm.s32 $0x480;
	s28 =	simm.s32 $0x8280  }
0xab: {  	[tilespmem:s28], [sflag:$0x2] =	stream.indirect.gather [hbm4b:s3+s20], $0x1, s26, s20, $0xb8;
	[tilespmem:$0x11AD0] =	vst v63  }
0xac: {  	s26 =	simm.s32 $0x500;
	s28 =	simm.s32 $0x8300  }
0xad: {  	[tilespmem:s28], [sflag:$0x2] =	stream.indirect.gather [hbm4b:s3+s20], $0x1, s26, s20, $0xb8;
	[tilespmem:$0x11AD0] =	vst v63  }
0xae: {  	s26 =	simm.s32 $0x580;
	s28 =	simm.s32 $0x8380  }
0xaf: {  	[tilespmem:s28], [sflag:$0x2] =	stream.indirect.gather [hbm4b:s3+s20], $0x1, s26, s20, $0xb8;
	[tilespmem:$0x11AD0] =	vst v63  }
0xb0: {  	s26 =	simm.s32 $0x600;
	s28 =	simm.s32 $0x8400  }
0xb1: {  	[tilespmem:s28], [sflag:$0x2] =	stream.indirect.gather [hbm4b:s4+s20], $0x1, s26, s20, $0xb8;
	[tilespmem:$0x11AD0] =	vst v63  }
0xb2: {  	s26 =	simm.s32 $0x680;
	s28 =	simm.s32 $0x8480  }
0xb3: {  	[tilespmem:s28], [sflag:$0x2] =	stream.indirect.gather [hbm4b:s4+s20], $0x1, s26, s20, $0xb8;
	[tilespmem:$0x11AD0] =	vst v63  }
0xb4: {  	s26 =	simm.s32 $0x700;
	s28 =	simm.s32 $0x8500  }
0xb5: {  	[tilespmem:s28], [sflag:$0x2] =	stream.indirect.gather [hbm4b:s4+s20], $0x1, s26, s20, $0xb8;
	[tilespmem:$0x11AD0] =	vst v63  }
0xb6: {  	s26 =	simm.s32 $0x780;
	s28 =	simm.s32 $0x8580  }
0xb7: {  	[tilespmem:s28], [sflag:$0x2] =	stream.indirect.gather [hbm4b:s4+s20], $0x1, s26, s20, $0xb8;
	[tilespmem:$0x11AD0] =	vst v63  }
0xb8: {  	s26 =	simm.s32 $0x800;
	s28 =	simm.s32 $0x8600  }
0xb9: {  	[tilespmem:s28], [sflag:$0x2] =	stream.indirect.gather [hbm4b:s5+s20], $0x1, s26, s20, $0xb8;
	[tilespmem:$0x11AD0] =	vst v63  }
0xba: {  	s26 =	simm.s32 $0x880;
	s28 =	simm.s32 $0x8680  }
0xbb: {  	[tilespmem:s28], [sflag:$0x2] =	stream.indirect.gather [hbm4b:s5+s20], $0x1, s26, s20, $0xb8;
	[tilespmem:$0x11AD0] =	vst v63  }
0xbc: {  	s26 =	simm.s32 $0x900;
	s28 =	simm.s32 $0x8700  }
0xbd: {  	[tilespmem:s28], [sflag:$0x2] =	stream.indirect.gather [hbm4b:s5+s20], $0x1, s26, s20, $0xb8;
	[tilespmem:$0x11AD0] =	vst v63  }
0xbe: {  	s26 =	simm.s32 $0x980;
	s28 =	simm.s32 $0x8780  }
0xbf: {  	[tilespmem:s28], [sflag:$0x2] =	stream.indirect.gather [hbm4b:s5+s20], $0x1, s26, s20, $0xb8;
	[tilespmem:$0x11AD0] =	vst v63  }
0xc0: {  	s26 =	simm.s32 $0xA00;
	s28 =	simm.s32 $0x8800  }
0xc1: {  	[tilespmem:s28], [sflag:$0x2] =	stream.indirect.gather [hbm4b:s6+s20], $0x1, s26, s20, $0xb8;
	[tilespmem:$0x11AD0] =	vst v63  }
0xc2: {  	s26 =	simm.s32 $0xA80;
	s28 =	simm.s32 $0x8880  }
0xc3: {  	[tilespmem:s28], [sflag:$0x2] =	stream.indirect.gather [hbm4b:s6+s20], $0x1, s26, s20, $0xb8;
	[tilespmem:$0x11AD0] =	vst v63  }
0xc4: {  	s26 =	simm.s32 $0xB00;
	s28 =	simm.s32 $0x8900  }
0xc5: {  	[tilespmem:s28], [sflag:$0x2] =	stream.indirect.gather [hbm4b:s6+s20], $0x1, s26, s20, $0xb8;
	[tilespmem:$0x11AD0] =	vst v63  }
0xc6: {  	s26 =	simm.s32 $0xB80;
	s28 =	simm.s32 $0x8980  }
0xc7: {  	[tilespmem:s28], [sflag:$0x2] =	stream.indirect.gather [hbm4b:s6+s20], $0x1, s26, s20, $0xb8;
	[tilespmem:$0x11AD0] =	vst v63  }
0xc8: {  	s26 =	simm.s32 $0xC00;
	s28 =	simm.s32 $0x8A00  }
0xc9: {  	[tilespmem:s28], [sflag:$0x2] =	stream.indirect.gather [hbm4b:s7+s20], $0x1, s26, s20, $0xb8;
	[tilespmem:$0x11AD0] =	vst v63  }
0xca: {  	s26 =	simm.s32 $0xC80;
	s28 =	simm.s32 $0x8A80  }
0xcb: {  	[tilespmem:s28], [sflag:$0x2] =	stream.indirect.gather [hbm4b:s7+s20], $0x1, s26, s20, $0xb8;
	[tilespmem:$0x11AD0] =	vst v63  }
0xcc: {  	s26 =	simm.s32 $0xD00;
	s28 =	simm.s32 $0x8B00  }
0xcd: {  	[tilespmem:s28], [sflag:$0x2] =	stream.indirect.gather [hbm4b:s7+s20], $0x1, s26, s20, $0xb8;
	[tilespmem:$0x11AD0] =	vst v63  }
0xce: {  	s26 =	simm.s32 $0xD80;
	s28 =	simm.s32 $0x8B80  }
0xcf: {  	[tilespmem:s28], [sflag:$0x2] =	stream.indirect.gather [hbm4b:s7+s20], $0x1, s26, s20, $0xb8;
	[tilespmem:$0x11AD0] =	vst v63  }
0xd0: {  	s26 =	simm.s32 $0xE00;
	s28 =	simm.s32 $0x8C00  }
0xd1: {  	[tilespmem:s28], [sflag:$0x2] =	stream.indirect.gather [hbm4b:s8+s20], $0x1, s26, s20, $0xb8;
	[tilespmem:$0x11AD0] =	vst v63  }
0xd2: {  	s26 =	simm.s32 $0xE80;
	s28 =	simm.s32 $0x8C80  }
0xd3: {  	[tilespmem:s28], [sflag:$0x2] =	stream.indirect.gather [hbm4b:s8+s20], $0x1, s26, s20, $0xb8;
	[tilespmem:$0x11AD0] =	vst v63  }
0xd4: {  	s26 =	simm.s32 $0xF00;
	s28 =	simm.s32 $0x8D00  }
0xd5: {  	[tilespmem:s28], [sflag:$0x2] =	stream.indirect.gather [hbm4b:s8+s20], $0x1, s26, s20, $0xb8;
	[tilespmem:$0x11AD0] =	vst v63  }
0xd6: {  	s26 =	simm.s32 $0xF80;
	s28 =	simm.s32 $0x8D80  }
0xd7: {  	[tilespmem:s28], [sflag:$0x2] =	stream.indirect.gather [hbm4b:s8+s20], $0x1, s26, s20, $0xb8;
	[tilespmem:$0x11AD0] =	vst v63  }
0xd8: {  	s26 =	simm.s32 $0x1000;
	s28 =	simm.s32 $0x8E00  }
0xd9: {  	[tilespmem:s28], [sflag:$0x2] =	stream.indirect.gather [hbm4b:s9+s20], $0x1, s26, s20, $0xb8;
	[tilespmem:$0x11AD0] =	vst v63  }
0xda: {  	s26 =	simm.s32 $0x1080;
	s28 =	simm.s32 $0x8E80  }
0xdb: {  	[tilespmem:s28], [sflag:$0x2] =	stream.indirect.gather [hbm4b:s9+s20], $0x1, s26, s20, $0xb8;
	[tilespmem:$0x11AD0] =	vst v63  }
0xdc: {  	s26 =	simm.s32 $0x1100;
	s28 =	simm.s32 $0x8F00  }
0xdd: {  	[tilespmem:s28], [sflag:$0x2] =	stream.indirect.gather [hbm4b:s9+s20], $0x1, s26, s20, $0xb8;
	[tilespmem:$0x11AD0] =	vst v63  }
0xde: {  	s26 =	simm.s32 $0x1180;
	s28 =	simm.s32 $0x8F80  }
0xdf: {  	[tilespmem:s28], [sflag:$0x2] =	stream.indirect.gather [hbm4b:s9+s20], $0x1, s26, s20, $0xb8;
	[tilespmem:$0x11AD0] =	vst v63  }
0xe0: {  	s26 =	simm.s32 $0x1200;
	s28 =	simm.s32 $0x9000  }
0xe1: {  	[tilespmem:s28], [sflag:$0x2] =	stream.indirect.gather [hbm4b:s12+s20], $0x1, s26, s20, $0xb8;
	[tilespmem:$0x11AD0] =	vst v63  }
0xe2: {  	s26 =	simm.s32 $0x1280;
	s28 =	simm.s32 $0x9080  }
0xe3: {  	[tilespmem:s28], [sflag:$0x2] =	stream.indirect.gather [hbm4b:s12+s20], $0x1, s26, s20, $0xb8;
	[tilespmem:$0x11AD0] =	vst v63  }
0xe4: {  	s26 =	simm.s32 $0x1300;
	s28 =	simm.s32 $0x9100  }
0xe5: {  	[tilespmem:s28], [sflag:$0x2] =	stream.indirect.gather [hbm4b:s12+s20], $0x1, s26, s20, $0xb8;
	[tilespmem:$0x11AD0] =	vst v63  }
0xe6: {  	s26 =	simm.s32 $0x1380;
	s28 =	simm.s32 $0x9180  }
0xe7: {  	[tilespmem:s28], [sflag:$0x2] =	stream.indirect.gather [hbm4b:s12+s20], $0x1, s26, s20, $0xb8;
	[tilespmem:$0x11AD0] =	vst v63  }
0xe8: {  	s26 =	simm.s32 $0x1400;
	s28 =	simm.s32 $0x9200  }
0xe9: {  	[tilespmem:s28], [sflag:$0x2] =	stream.indirect.gather [hbm4b:s13+s20], $0x1, s26, s20, $0xb8;
	[tilespmem:$0x11AD0] =	vst v63  }
0xea: {  	s26 =	simm.s32 $0x1480;
	s28 =	simm.s32 $0x9280  }
0xeb: {  	[tilespmem:s28], [sflag:$0x2] =	stream.indirect.gather [hbm4b:s13+s20], $0x1, s26, s20, $0xb8;
	[tilespmem:$0x11AD0] =	vst v63  }
0xec: {  	s26 =	simm.s32 $0x1500;
	s28 =	simm.s32 $0x9300  }
0xed: {  	[tilespmem:s28], [sflag:$0x2] =	stream.indirect.gather [hbm4b:s13+s20], $0x1, s26, s20, $0xb8;
	[tilespmem:$0x11AD0] =	vst v63  }
0xee: {  	s26 =	simm.s32 $0x1580;
	s28 =	simm.s32 $0x9380  }
0xef: {  	[tilespmem:s28], [sflag:$0x2] =	stream.indirect.gather [hbm4b:s13+s20], $0x1, s26, s20, $0xb8;
	[tilespmem:$0x11AD0] =	vst v63  }
0xf0: {  	s26 =	simm.s32 $0x1600;
	s28 =	simm.s32 $0x9400  }
0xf1: {  	[tilespmem:s28], [sflag:$0x2] =	stream.indirect.gather [hbm4b:s14+s20], $0x1, s26, s20, $0xb8;
	[tilespmem:$0x11AD0] =	vst v63  }
0xf2: {  	s26 =	simm.s32 $0x1680;
	s28 =	simm.s32 $0x9480  }
0xf3: {  	[tilespmem:s28], [sflag:$0x2] =	stream.indirect.gather [hbm4b:s14+s20], $0x1, s26, s20, $0xb8;
	[tilespmem:$0x11AD0] =	vst v63  }
0xf4: {  	s26 =	simm.s32 $0x1700;
	s28 =	simm.s32 $0x9500  }
0xf5: {  	[tilespmem:s28], [sflag:$0x2] =	stream.indirect.gather [hbm4b:s14+s20], $0x1, s26, s20, $0xb8;
	[tilespmem:$0x11AD0] =	vst v63  }
0xf6: {  	s26 =	simm.s32 $0x1780;
	s28 =	simm.s32 $0x9580  }
0xf7: {  	[tilespmem:s28], [sflag:$0x2] =	stream.indirect.gather [hbm4b:s14+s20], $0x1, s26, s20, $0xb8;
	[tilespmem:$0x11AD0] =	vst v63  }
0xf8: {  	s26 =	simm.s32 $0x1800;
	s28 =	simm.s32 $0x9600  }
0xf9: {  	[tilespmem:s28], [sflag:$0x2] =	stream.indirect.gather [hbm4b:s15+s20], $0x1, s26, s20, $0xb8;
	[tilespmem:$0x11AD0] =	vst v63  }
0xfa: {  	s26 =	simm.s32 $0x1880;
	s28 =	simm.s32 $0x9680  }
0xfb: {  	[tilespmem:s28], [sflag:$0x2] =	stream.indirect.gather [hbm4b:s15+s20], $0x1, s26, s20, $0xb8;
	[tilespmem:$0x11AD0] =	vst v63  }
0xfc: {  	s26 =	simm.s32 $0x1900;
	s28 =	simm.s32 $0x9700  }
0xfd: {  	[tilespmem:s28], [sflag:$0x2] =	stream.indirect.gather [hbm4b:s15+s20], $0x1, s26, s20, $0xb8;
	[tilespmem:$0x11AD0] =	vst v63  }
0xfe: {  	s25 =	simm.s32 $0x6800;
	s26 =	simm.s32 $0x1980;
	s28 =	simm.s32 $0x9780  }
0xff: {  	[tilespmem:s28], [sflag:$0x2] =	stream.indirect.gather [hbm4b:s15+s20], $0x1, s26, s20, $0xb8;
	[tilespmem:$0x11AD0] =	vst v63  }
.LBB3_6:
0x100: {  	p0 =	sne.s32 s25, $0x1F600  }
.Ltmp2:
0x101: {  	_ = 	snop;
	(pc) =	sbr.rel @p0 .LBB3_6-.Ltmp2, $4  }
0x102: {  	_ = 	snop  }
0x103: {  	s26 =	sshra.s32 s25, $0x2  }
0x104: {  	s25 =	sadd.s32 $0x200, s25;
	s28 =	sadd.s32 $0x7E00, s26  }
0x105: {  	[tilespmem:s28], [sflag:$0x2] =	stream.indirect.gather [hbm4b:s17+s20], $0x1, s26, s20, $0xb8;
	[tilespmem:$0x11AD0] =	vst v63  }
0x106: {  	_ =	swait.ge [sflag:s21], $0x80  }
0x107: {  	s25 =	simm.s32 $0xFB;
	[sflag:s21] =	ssyncset.done $0x0  }
.LBB3_8:
0x108: {  	p0 =	sne.s32 s25, $0x1;
	s25 =	sadd.s32 $0xFFFFFFFF, s25;
	[sflag:s21] =	ssyncadd.s32 $0xFFFFFF80  }
.Ltmp3:
0x109: {  	(pc) =	sbr.rel @p0 .LBB3_8-.Ltmp3, $3  }
0x10a: {  	_ =	sdelay $0x1  }
0x10b: {  	_ =	swait.ge [sflag:s21], $0x80  }
0x10c: {  	[sflag:s21] =	ssyncset.done $0x0  }
0x10d: {  	[sflag:s21] =	ssyncadd.s32 $0xFFFFFF80  }
0x10e: {  	v13 =	vld [tilespmem:$0x11600]  }
0x10f: {  	v12 =	vld [tilespmem:$0x11610]  }
0x110: {  	v11 =	vld [tilespmem:$0x11620]  }
0x111: {  	v10 =	vld [tilespmem:$0x11630]  }
0x112: {  	v9 =	vld [tilespmem:$0x11640]  }
0x113: {  	v8 =	vld [tilespmem:$0x11650]  }
0x114: {  	v7 =	vld [tilespmem:$0x11660]  }
0x115: {  	v6 =	vld [tilespmem:$0x11670]  }
0x116: {  	v5 =	vld [tilespmem:$0x11680]  }
0x117: {  	v4 =	vld [tilespmem:$0x11690]  }
0x118: {  	v3 =	vld [tilespmem:$0x116A0]  }
0x119: {  	v2 =	vld [tilespmem:$0x116B0]  }
0x11a: {  	s25 =	simm.s32 $0x0;
	v1 =	vld [tilespmem:$0x116C0]  }
0x11b: {  	v14 =	vld [tilespmem:s25+$0xEE00]  }
0x11c: {  	v15 =	vld [tilespmem:s25+$0xEC00]  }
0x11d: {  	v18 =	vld [tilespmem:s25+$0x1A00]  }
0x11e: {  	v19 =	vld [tilespmem:s25+$0x1C00]  }
0x11f: {  	v16 =	vld [tilespmem:s25+$0xEA00]  }
0x120: {  	v20 =	vld [tilespmem:s25+$0x1E00]  }
0x121: {  	v17 =	vld [tilespmem:s25+$0xE800]  }
0x122: {  	v21 =	vld [tilespmem:s25+$0x2000]  }
0x123: {  	v23 =	vld [tilespmem:s25+$0x2200];
	vm2 =	vgt.s32 v18, $0x0;
	vm0 =	vgt.s32 v19, $0x0  }
0x124: {  	v24 =	vld [tilespmem:s25+$0x9A00];
	v19 =	vsel vm2, $0x3F800000, v0;
	v22 =	vsel vm0, $0x3F800000, v0  }
0x125: {  	v25 =	vld [tilespmem:s25+$0x9800];
	vm6 =	vgt.s32 v20, $0x0;
	v19 =	vadd.f32 v22, v19  }
0x126: {  	v20 =	vsel vm6, $0x3F800000, v0;
	v22 =	vld [tilespmem:s25+$0x2400]  }
0x127: {  	v27 =	vld [tilespmem:s25+$0x9C00];
	vm3 =	vgt.s32 v21, $0x0;
	v19 =	vadd.f32 v20, v19  }
0x128: {  	v21 =	vld [tilespmem:s25+$0x2600];
	v20 =	vsel vm3, $0x3F800000, v0  }
0x129: {  	v28 =	vld [tilespmem:s25+$0x9E00];
	vm4 =	vgt.s32 v23, $0x0;
	v20 =	vadd.f32 v20, v19  }
0x12a: {  	v23 =	vld [tilespmem:s25+$0x2800];
	v26 =	vsel vm4, $0x3F800000, v0  }
0x12b: {  	v29 =	vld [tilespmem:s25+$0xA200];
	vm5 =	vgt.s32 v22, $0x0;
	v20 =	vadd.f32 v26, v20  }
0x12c: {  	v22 =	vsel vm5, $0x3F800000, v0;
	v26 =	vld [tilespmem:s25+$0x2A00]  }
0x12d: {  	v18 =	vld [tilespmem:s25+$0xE600];
	v25 =	vadd.f32 $0.0e+00, v25;
	vm1 =	vgt.s32 v21, $0x0;
	v20 =	vadd.f32 v22, v20  }
0x12e: {  	v21 =	vnsel vm0, $0x0, v24;
	v24 =	vld [tilespmem:s25+$0x2C00];
	v22 =	vsel vm1, $0x3F800000, v0  }
0x12f: {  	vm12 =	vgt.s32 v23, $0x0;
	v23 =	vnsel vm2, $0x0, v25;
	v25 =	vld [tilespmem:s25+$0xA000];
	v20 =	vadd.f32 v22, v20  }
0x130: {  	v21 =	vadd.f32 v21, v23;
	v23 =	vld [tilespmem:s25+$0x2E00];
	v22 =	vsel vm12, $0x3F800000, v0  }
0x131: {  	v27 =	vnsel vm6, $0x0, v27;
	v19 =	vld [tilespmem:s25+$0x116D0];
	vm13 =	vgt.s32 v26, $0x0;
	v20 =	vadd.f32 v22, v20  }
0x132: {  	v21 =	vadd.f32 v27, v21;
	v26 =	vld [tilespmem:s25+$0x3000];
	v22 =	vsel vm13, $0x3F800000, v0  }
0x133: {  	v27 =	vnsel vm3, $0x0, v28;
	v28 =	vld [tilespmem:s25+$0xA400];
	vm14 =	vgt.s32 v24, $0x0;
	v20 =	vadd.f32 v22, v20  }
0x134: {  	v21 =	vadd.f32 v27, v21;
	v24 =	vld [tilespmem:s25+$0x3200];
	v22 =	vsel vm14, $0x3F800000, v0  }
0x135: {  	v25 =	vnsel vm4, $0x0, v25;
	v27 =	vld [tilespmem:s25+$0xA600];
	vm15 =	vgt.s32 v23, $0x0;
	v20 =	vadd.f32 v22, v20  }
0x136: {  	v23 =	vld [tilespmem:s25+$0x3400];
	v21 =	vadd.f32 v25, v21;
	v22 =	vsel vm15, $0x3F800000, v0  }
0x137: {  	v25 =	vnsel vm5, $0x0, v29;
	v29 =	vld [tilespmem:s25+$0xA800];
	vm8 =	vgt.s32 v26, $0x0;
	v20 =	vadd.f32 v22, v20  }
0x138: {  	v21 =	vadd.f32 v25, v21;
	v25 =	vld [tilespmem:s25+$0x3600];
	v22 =	vsel vm8, $0x3F800000, v0  }
0x139: {  	vm9 =	vgt.s32 v24, $0x0;
	v24 =	vld [tilespmem:s25+$0x3800];
	v26 =	vnsel vm1, $0x0, v28;
	v20 =	vadd.f32 v22, v20  }
0x13a: {  	v28 =	vld [tilespmem:s25+$0xAA00];
	v21 =	vadd.f32 v26, v21;
	v22 =	vsel vm9, $0x3F800000, v0  }
0x13b: {  	vm10 =	vgt.s32 v23, $0x0;
	v23 =	vld [tilespmem:s25+$0x3A00];
	v26 =	vnsel vm12, $0x0, v27;
	v20 =	vadd.f32 v22, v20  }
0x13c: {  	v27 =	vld [tilespmem:s25+$0xAC00];
	v21 =	vadd.f32 v26, v21;
	v22 =	vsel vm10, $0x3F800000, v0  }
0x13d: {  	vm11 =	vgt.s32 v25, $0x0;
	v25 =	vld [tilespmem:s25+$0x3C00];
	v26 =	vnsel vm13, $0x0, v29;
	v20 =	vadd.f32 v22, v20  }
0x13e: {  	v29 =	vld [tilespmem:s25+$0xAE00];
	v21 =	vadd.f32 v26, v21;
	v22 =	vsel vm11, $0x3F800000, v0  }
0x13f: {  	vm12 =	vgt.s32 v24, $0x0;
	v24 =	vld [tilespmem:s25+$0x3E00];
	v26 =	vnsel vm14, $0x0, v28;
	v20 =	vadd.f32 v22, v20  }
0x140: {  	v28 =	vld [tilespmem:s25+$0xB000];
	v21 =	vadd.f32 v26, v21;
	v22 =	vsel vm12, $0x3F800000, v0  }
0x141: {  	vm13 =	vgt.s32 v23, $0x0;
	v23 =	vld [tilespmem:s25+$0x4000];
	v26 =	vnsel vm15, $0x0, v27;
	v20 =	vadd.f32 v22, v20  }
0x142: {  	v27 =	vld [tilespmem:s25+$0xB200];
	v21 =	vadd.f32 v26, v21;
	v22 =	vsel vm13, $0x3F800000, v0  }
0x143: {  	vm14 =	vgt.s32 v25, $0x0;
	v25 =	vld [tilespmem:s25+$0x4200];
	v26 =	vnsel vm8, $0x0, v29;
	v20 =	vadd.f32 v22, v20  }
0x144: {  	v29 =	vld [tilespmem:s25+$0xB400];
	v21 =	vadd.f32 v26, v21;
	v22 =	vsel vm14, $0x3F800000, v0  }
0x145: {  	vm15 =	vgt.s32 v24, $0x0;
	v24 =	vld [tilespmem:s25+$0x4400];
	v26 =	vnsel vm9, $0x0, v28;
	v20 =	vadd.f32 v22, v20  }
0x146: {  	v28 =	vld [tilespmem:s25+$0xB600];
	v21 =	vadd.f32 v26, v21;
	v22 =	vsel vm15, $0x3F800000, v0  }
0x147: {  	vm8 =	vgt.s32 v23, $0x0;
	v23 =	vld [tilespmem:s25+$0x4600];
	v26 =	vnsel vm10, $0x0, v27;
	v20 =	vadd.f32 v22, v20  }
0x148: {  	v27 =	vld [tilespmem:s25+$0xB800];
	v21 =	vadd.f32 v26, v21;
	v22 =	vsel vm8, $0x3F800000, v0  }
0x149: {  	vm9 =	vgt.s32 v25, $0x0;
	v25 =	vld [tilespmem:s25+$0x4800];
	v26 =	vnsel vm11, $0x0, v29;
	v20 =	vadd.f32 v22, v20  }
0x14a: {  	v29 =	vld [tilespmem:s25+$0xBA00];
	v21 =	vadd.f32 v26, v21;
	v22 =	vsel vm9, $0x3F800000, v0  }
0x14b: {  	vm10 =	vgt.s32 v24, $0x0;
	v24 =	vld [tilespmem:s25+$0x4A00];
	v26 =	vnsel vm12, $0x0, v28;
	v20 =	vadd.f32 v22, v20  }
0x14c: {  	v28 =	vld [tilespmem:s25+$0xBC00];
	v21 =	vadd.f32 v26, v21;
	v22 =	vsel vm10, $0x3F800000, v0  }
0x14d: {  	vm11 =	vgt.s32 v23, $0x0;
	v23 =	vld [tilespmem:s25+$0x4C00];
	v26 =	vnsel vm13, $0x0, v27;
	v20 =	vadd.f32 v22, v20  }
0x14e: {  	v27 =	vld [tilespmem:s25+$0xBE00];
	v21 =	vadd.f32 v26, v21;
	v22 =	vsel vm11, $0x3F800000, v0  }
0x14f: {  	vm12 =	vgt.s32 v25, $0x0;
	v25 =	vld [tilespmem:s25+$0x4E00];
	v26 =	vnsel vm14, $0x0, v29;
	v20 =	vadd.f32 v22, v20  }
0x150: {  	v29 =	vld [tilespmem:s25+$0xC000];
	v21 =	vadd.f32 v26, v21;
	v22 =	vsel vm12, $0x3F800000, v0  }
0x151: {  	vm13 =	vgt.s32 v24, $0x0;
	v24 =	vld [tilespmem:s25+$0x5000];
	v26 =	vnsel vm15, $0x0, v28;
	v20 =	vadd.f32 v22, v20  }
0x152: {  	v28 =	vld [tilespmem:s25+$0xC200];
	v21 =	vadd.f32 v26, v21;
	v22 =	vsel vm13, $0x3F800000, v0  }
0x153: {  	vm14 =	vgt.s32 v23, $0x0;
	v23 =	vld [tilespmem:s25+$0x5200];
	v26 =	vnsel vm8, $0x0, v27;
	v20 =	vadd.f32 v22, v20  }
0x154: {  	v27 =	vld [tilespmem:s25+$0xC400];
	v21 =	vadd.f32 v26, v21;
	v22 =	vsel vm14, $0x3F800000, v0  }
0x155: {  	vm15 =	vgt.s32 v25, $0x0;
	v25 =	vld [tilespmem:s25+$0x5400];
	v26 =	vnsel vm9, $0x0, v29;
	v20 =	vadd.f32 v22, v20  }
0x156: {  	v29 =	vld [tilespmem:s25+$0xC600];
	v21 =	vadd.f32 v26, v21;
	v22 =	vsel vm15, $0x3F800000, v0  }
0x157: {  	vm9 =	vgt.s32 v24, $0x0;
	v24 =	vld [tilespmem:s25+$0x5600];
	v26 =	vnsel vm10, $0x0, v28;
	v20 =	vadd.f32 v22, v20  }
0x158: {  	v28 =	vld [tilespmem:s25+$0xC800];
	v21 =	vadd.f32 v26, v21;
	v22 =	vsel vm9, $0x3F800000, v0  }
0x159: {  	vm10 =	vgt.s32 v23, $0x0;
	v23 =	vld [tilespmem:s25+$0x5800];
	v26 =	vnsel vm11, $0x0, v27;
	v20 =	vadd.f32 v22, v20  }
0x15a: {  	v27 =	vld [tilespmem:s25+$0xCA00];
	v21 =	vadd.f32 v26, v21;
	v22 =	vsel vm10, $0x3F800000, v0  }
0x15b: {  	vm11 =	vgt.s32 v25, $0x0;
	v25 =	vld [tilespmem:s25+$0x5A00];
	v26 =	vnsel vm12, $0x0, v29;
	v20 =	vadd.f32 v22, v20  }
0x15c: {  	v29 =	vld [tilespmem:s25+$0xCC00];
	v21 =	vadd.f32 v26, v21;
	v22 =	vsel vm11, $0x3F800000, v0  }
0x15d: {  	vm12 =	vgt.s32 v24, $0x0;
	v24 =	vld [tilespmem:s25+$0x5C00];
	v26 =	vnsel vm13, $0x0, v28;
	v20 =	vadd.f32 v22, v20  }
0x15e: {  	v28 =	vld [tilespmem:s25+$0xCE00];
	v21 =	vadd.f32 v26, v21;
	v22 =	vsel vm12, $0x3F800000, v0  }
0x15f: {  	vm13 =	vgt.s32 v23, $0x0;
	v23 =	vld [tilespmem:s25+$0x5E00];
	v26 =	vnsel vm14, $0x0, v27;
	v20 =	vadd.f32 v22, v20  }
0x160: {  	v27 =	vld [tilespmem:s25+$0xD000];
	v21 =	vadd.f32 v26, v21;
	v22 =	vsel vm13, $0x3F800000, v0  }
0x161: {  	vm14 =	vgt.s32 v25, $0x0;
	v25 =	vld [tilespmem:s25+$0x6000];
	v26 =	vnsel vm15, $0x0, v29;
	v20 =	vadd.f32 v22, v20  }
0x162: {  	v29 =	vld [tilespmem:s25+$0xD200];
	v21 =	vadd.f32 v26, v21;
	v22 =	vsel vm14, $0x3F800000, v0  }
0x163: {  	vm15 =	vgt.s32 v24, $0x0;
	v24 =	vld [tilespmem:s25+$0x6200];
	v26 =	vnsel vm9, $0x0, v28;
	v20 =	vadd.f32 v22, v20  }
0x164: {  	v28 =	vld [tilespmem:s25+$0xD400];
	v21 =	vadd.f32 v26, v21;
	v22 =	vsel vm15, $0x3F800000, v0  }
0x165: {  	vm9 =	vgt.s32 v23, $0x0;
	v23 =	vld [tilespmem:s25+$0x6400];
	v26 =	vnsel vm10, $0x0, v27;
	v20 =	vadd.f32 v22, v20  }
0x166: {  	v27 =	vld [tilespmem:s25+$0xD600];
	v21 =	vadd.f32 v26, v21;
	v22 =	vsel vm9, $0x3F800000, v0  }
0x167: {  	vm7 =	vgt.s32 v25, $0x0;
	v25 =	vld [tilespmem:s25+$0x6600];
	v26 =	vnsel vm11, $0x0, v29;
	v20 =	vadd.f32 v22, v20  }
0x168: {  	v29 =	vld [tilespmem:s25+$0xD800];
	v21 =	vadd.f32 v26, v21;
	v22 =	vsel vm7, $0x3F800000, v0  }
0x169: {  	vm10 =	vgt.s32 v24, $0x0;
	v24 =	vld [tilespmem:s25+$0x6800];
	v26 =	vnsel vm12, $0x0, v28;
	v20 =	vadd.f32 v22, v20  }
0x16a: {  	v28 =	vld [tilespmem:s25+$0xDA00];
	v21 =	vadd.f32 v26, v21;
	v22 =	vsel vm10, $0x3F800000, v0  }
0x16b: {  	vm11 =	vgt.s32 v23, $0x0;
	v23 =	vld [tilespmem:s25+$0x6A00];
	v26 =	vnsel vm13, $0x0, v27;
	v20 =	vadd.f32 v22, v20  }
0x16c: {  	v27 =	vld [tilespmem:s25+$0xDC00];
	v21 =	vadd.f32 v26, v21;
	v22 =	vsel vm11, $0x3F800000, v0  }
0x16d: {  	vm12 =	vgt.s32 v25, $0x0;
	v25 =	vld [tilespmem:s25+$0x6C00];
	v26 =	vnsel vm14, $0x0, v29;
	v20 =	vadd.f32 v22, v20  }
0x16e: {  	v29 =	vld [tilespmem:s25+$0xDE00];
	v21 =	vadd.f32 v26, v21;
	v22 =	vsel vm12, $0x3F800000, v0  }
0x16f: {  	vm13 =	vgt.s32 v24, $0x0;
	v24 =	vld [tilespmem:s25+$0x6E00];
	v26 =	vnsel vm15, $0x0, v28;
	v20 =	vadd.f32 v22, v20  }
0x170: {  	v28 =	vld [tilespmem:s25+$0xE000];
	v21 =	vadd.f32 v26, v21;
	v22 =	vsel vm13, $0x3F800000, v0  }
0x171: {  	vm14 =	vgt.s32 v23, $0x0;
	v23 =	vld [tilespmem:s25+$0x7000];
	v26 =	vnsel vm9, $0x0, v27;
	v20 =	vadd.f32 v22, v20  }
0x172: {  	v27 =	vld [tilespmem:s25+$0xE200];
	v21 =	vadd.f32 v26, v21;
	v22 =	vsel vm14, $0x3F800000, v0  }
0x173: {  	vm15 =	vgt.s32 v25, $0x0;
	v25 =	vld [tilespmem:s25+$0x7200];
	v26 =	vnsel vm7, $0x0, v29;
	v20 =	vadd.f32 v22, v20  }
0x174: {  	v29 =	vld [tilespmem:s25+$0xE400];
	v21 =	vadd.f32 v26, v21;
	v22 =	vsel vm15, $0x3F800000, v0  }
0x175: {  	vm8 =	vgt.s32 v24, $0x0;
	v28 =	vnsel vm10, $0x0, v28;
	v26 =	vld [tilespmem:s25+$0x7E00];
	v20 =	vadd.f32 v22, v20  }
0x176: {  	v24 =	vld [tilespmem:s25+$0x7400];
	v21 =	vadd.f32 v28, v21;
	v22 =	vsel vm8, $0x3F800000, v0  }
0x177: {  	vm9 =	vgt.s32 v23, $0x0;
	v27 =	vnsel vm11, $0x0, v27;
	v28 =	vld [tilespmem:s25+$0x8000];
	v20 =	vadd.f32 v22, v20  }
0x178: {  	v23 =	vld [tilespmem:s25+$0x7600];
	v21 =	vadd.f32 v27, v21;
	v22 =	vsel vm9, $0x3F800000, v0  }
0x179: {  	vm10 =	vgt.s32 v25, $0x0;
	v29 =	vnsel vm12, $0x0, v29;
	v27 =	vld [tilespmem:s25+$0x8200];
	v20 =	vadd.f32 v22, v20  }
0x17a: {  	v25 =	vld [tilespmem:s25+$0x7800];
	v19 =	vadd.f32 v26, v19;
	v21 =	vadd.f32 v29, v21;
	v22 =	vsel vm10, $0x3F800000, v0  }
0x17b: {  	v18 =	vnsel vm13, $0x0, v18;
	vm11 =	vgt.s32 v24, $0x0;
	v26 =	vld [tilespmem:s25+$0x8400];
	v20 =	vadd.f32 v22, v20  }
0x17c: {  	v19 =	vadd.f32 v28, v19;
	v18 =	vadd.f32 v18, v21;
	v21 =	vsel vm11, $0x3F800000, v0;
	v22 =	vld [tilespmem:s25+$0x7A00]  }
0x17d: {  	v17 =	vnsel vm14, $0x0, v17;
	v24 =	vld [tilespmem:s25+$0x8600];
	vm12 =	vgt.s32 v23, $0x0;
	v20 =	vadd.f32 v21, v20  }
0x17e: {  	v19 =	vadd.f32 v27, v19;
	v17 =	vadd.f32 v17, v18;
	v18 =	vsel vm12, $0x3F800000, v0;
	v21 =	vld [tilespmem:s25+$0x7C00]  }
0x17f: {  	v16 =	vnsel vm15, $0x0, v16;
	v23 =	vld [tilespmem:s25+$0x8800];
	vm13 =	vgt.s32 v25, $0x0;
	v18 =	vadd.f32 v18, v20  }
0x180: {  	v19 =	vadd.f32 v26, v19;
	v16 =	vadd.f32 v16, v17;
	v17 =	vld [tilespmem:s25+$0xF000];
	v20 =	vsel vm13, $0x3F800000, v0  }
0x181: {  	v15 =	vnsel vm8, $0x0, v15;
	v25 =	vld [tilespmem:s25+$0x8A00];
	vm14 =	vgt.s32 v22, $0x0;
	v18 =	vadd.f32 v20, v18  }
0x182: {  	v19 =	vadd.f32 v24, v19;
	v15 =	vadd.f32 v15, v16;
	v16 =	vld [tilespmem:s25+$0xF200];
	v20 =	vsel vm14, $0x3F800000, v0  }
0x183: {  	v14 =	vnsel vm9, $0x0, v14;
	v22 =	vld [tilespmem:s25+$0x8C00];
	vm15 =	vgt.s32 v21, $0x0;
	v18 =	vadd.f32 v20, v18  }
0x184: {  	v19 =	vadd.f32 v23, v19;
	v14 =	vadd.f32 v14, v15;
	v15 =	vld [tilespmem:s25+$0xF400];
	v20 =	vsel vm15, $0x3F800000, v0  }
0x185: {  	v17 =	vnsel vm10, $0x0, v17;
	v21 =	vld [tilespmem:s25+$0x8E00];
	v18 =	vadd.f32 v20, v18  }
0x186: {  	v19 =	vadd.f32 v25, v19;
	v14 =	vadd.f32 v17, v14;
	v17 =	vld [tilespmem:s25+$0xF600]  }
0x187: {  	v16 =	vnsel vm11, $0x0, v16;
	v20 =	vld [tilespmem:s25+$0x9000];
	v18 =	vmax.f32 v18, $1.000000000e+00  }
0x188: {  	v14 =	vadd.f32 v16, v14;
	v16 =	vld [tilespmem:s25+$0xF800];
	v19 =	vadd.f32 v22, v19;
	(erf) = vrcp.f32 v18  }
0x189: {  	v15 =	vnsel vm12, $0x0, v15;
	v18 =	vld [tilespmem:s25+$0x9200]  }
0x18a: {  	v14 =	vadd.f32 v15, v14;
	v15 =	vld [tilespmem:s25+$0xFA00];
	v19 =	vadd.f32 v21, v19  }
0x18b: {  	v22 =	vld [tilespmem:s25+$0x9400];
	v17 =	vnsel vm13, $0x0, v17  }
0x18c: {  	v24 =	vld [tilespmem:s25+$0x10000];
	v14 =	vadd.f32 v17, v14;
	v19 =	vadd.f32 v20, v19  }
0x18d: {  	v17 =	vld [tilespmem:s25+$0x9600];
	v16 =	vnsel vm14, $0x0, v16  }
0x18e: {  	v25 =	vld [tilespmem:s25+$0x10200];
	v14 =	vadd.f32 v16, v14;
	v18 =	vadd.f32 v18, v19  }
0x18f: {  	v16 =	vld [tilespmem:s25+$0xFC00];
	v15 =	vnsel vm15, $0x0, v15  }
0x190: {  	v23 =	vld [tilespmem:s25+$0x10C00];
	v14 =	vadd.f32 v15, v14;
	v18 =	vadd.f32 v22, v18  }
0x191: {  	v15 =	vld [tilespmem:s25+$0xFE00];
	v22 =	vpop (erf)  }
0x192: {  	s28 =	simm.s32 $0x10;
	v26 =	vmul.f32 v24, v11;
	v24 =	vld [tilespmem:s25+$0x10800];
	v17 =	vadd.f32 v17, v18;
	v14 =	vmul.f32 v22, v14  }
0x193: {  	v27 =	vmul.f32 v25, v10;
	v25 =	vld [tilespmem:s28+$0x1A00]  }
0x194: {  	v21 =	vld [tilespmem:s25+$0x11200];
	v16 =	vmul.f32 v16, v13;
	v14 =	vadd.f32 v14, v17  }
0x195: {  	v20 =	vld [tilespmem:s25+$0x11400]  }
0x196: {  	v19 =	vld [tilespmem:s25+$0x11000];
	v15 =	vmul.f32 v15, v12;
	v14 =	vadd.f32 v14, v16  }
0x197: {  	v16 =	vld [tilespmem:s25+$0x10400]  }
0x198: {  	v18 =	vld [tilespmem:s25+$0x10A00];
	v15 =	vadd.f32 v14, v15  }
0x199: {  	v17 =	vld [tilespmem:s25+$0x10600]  }
0x19a: {  	v22 =	vld [tilespmem:s25+$0x10E00];
	v26 =	vadd.f32 v15, v26  }
0x19b: {  	v14 =	vld [tilespmem:s28+$0xEE00]  }
0x19c: {  	s26 =	simm.s32 $0x80;
	v15 =	vld [tilespmem:s28+$0xEC00];
	v26 =	vadd.f32 v26, v27;
	v27 =	vmul.f32 v16, v9  }
.LBB3_10:
0x19d: {  	p0 =	sne.s32 s26, $0x7C0;
	v28 =	vld [tilespmem:s28+$0x1C00]  }
0x19e: {  	v16 =	vld [tilespmem:s28+$0xEA00];
	v26 =	vadd.f32 v26, v27;
	v27 =	vmul.f32 v17, v8  }
0x19f: {  	v29 =	vld [tilespmem:s28+$0x1E00]  }
0x1a0: {  	v24 =	vmul.f32 v24, v7;
	v17 =	vld [tilespmem:s28+$0xE800];
	v26 =	vadd.f32 v26, v27  }
0x1a1: {  	v30 =	vmul.f32 v18, v6;
	v27 =	vld [tilespmem:s28+$0x2000]  }
0x1a2: {  	vm1 =	vgt.s32 v25, $0x0;
	vm0 =	vgt.s32 v28, $0x0;
	v18 =	vld [tilespmem:s28+$0xE600];
	v24 =	vadd.f32 v26, v24  }
0x1a3: {  	v23 =	vmul.f32 v23, v5;
	v25 =	vsel vm1, $0x3F800000, v0;
	v26 =	vsel vm0, $0x3F800000, v0;
	v28 =	vld [tilespmem:s28+$0x2200]  }
0x1a4: {  	v31 =	vld [tilespmem:s28+$0x9A00];
	v25 =	vadd.f32 v26, v25;
	vm6 =	vgt.s32 v29, $0x0;
	v24 =	vadd.f32 v24, v30  }
0x1a5: {  	v22 =	vmul.f32 v22, v4;
	v26 =	vsel vm6, $0x3F800000, v0;
	v29 =	vld [tilespmem:s28+$0x2400]  }
0x1a6: {  	v30 =	vld [tilespmem:s28+$0x9800];
	v25 =	vadd.f32 v26, v25;
	vm3 =	vgt.s32 v27, $0x0;
	v23 =	vadd.f32 v24, v23  }
0x1a7: {  	v27 =	vmul.f32 v19, v3;
	v24 =	vsel vm3, $0x3F800000, v0;
	v26 =	vld [tilespmem:s28+$0x2600]  }
0x1a8: {  	v24 =	vadd.f32 v24, v25;
	vm2 =	vgt.s32 v28, $0x0;
	v25 =	vld [tilespmem:s28+$0x2800];
	v22 =	vadd.f32 v23, v22  }
0x1a9: {  	v21 =	vmul.f32 v21, v2;
	v19 =	vld [tilespmem:s28+$0x116D0];
	v23 =	vsel vm2, $0x3F800000, v0  }
0x1aa: {  	v28 =	vld [tilespmem:s28+$0x9C00];
	v23 =	vadd.f32 v23, v24;
	vm4 =	vgt.s32 v29, $0x0;
	v22 =	vadd.f32 v22, v27  }
0x1ab: {  	v20 =	vmul.f32 v20, v1;
	v24 =	vadd.f32 $0.0e+00, v30;
	v27 =	vsel vm4, $0x3F800000, v0;
	v29 =	vld [tilespmem:s28+$0x2A00]  }
0x1ac: {  	v30 =	vld [tilespmem:s28+$0x9E00];
	v23 =	vadd.f32 v27, v23;
	vm5 =	vgt.s32 v26, $0x0;
	v21 =	vadd.f32 v22, v21  }
0x1ad: {  	v22 =	vnsel vm0, $0x0, v31;
	v26 =	vsel vm5, $0x3F800000, v0;
	vm0 =	vgt.s32 v25, $0x0;
	v25 =	vld [tilespmem:s28+$0x2C00]  }
0x1ae: {  	v24 =	vnsel vm1, $0x0, v24;
	v27 =	vld [tilespmem:s28+$0xA000];
	v23 =	vadd.f32 v26, v23;
	v20 =	vadd.f32 v21, v20  }
0x1af: {  	v21 =	vadd.f32 v22, v24;
	v22 =	vsel vm0, $0x3F800000, v0;
	v24 =	vld [tilespmem:s28+$0x2E00]  }
0x1b0: {  	v26 =	vnsel vm6, $0x0, v28;
	v28 =	vld [tilespmem:s28+$0xA200];
	v22 =	vadd.f32 v22, v23;
	vm1 =	vgt.s32 v29, $0x0;
	[tilespmem:s25+$0x118D0] =	vst v20;
	s25 =	smov.u32 s28  }
0x1b1: {  	v20 =	vadd.f32 v26, v21;
	v21 =	vsel vm1, $0x3F800000, v0;
	v23 =	vld [tilespmem:s25+$0x3000]  }
0x1b2: {  	v26 =	vnsel vm3, $0x0, v30;
	v29 =	vld [tilespmem:s25+$0xA400];
	v21 =	vadd.f32 v21, v22;
	vm3 =	vgt.s32 v25, $0x0  }
0x1b3: {  	v20 =	vadd.f32 v26, v20;
	v22 =	vsel vm3, $0x3F800000, v0;
	v25 =	vld [tilespmem:s25+$0x3200]  }
0x1b4: {  	v26 =	vnsel vm2, $0x0, v27;
	v27 =	vld [tilespmem:s25+$0xA600];
	v21 =	vadd.f32 v22, v21;
	vm2 =	vgt.s32 v24, $0x0  }
0x1b5: {  	v20 =	vadd.f32 v26, v20;
	v22 =	vsel vm2, $0x3F800000, v0;
	v24 =	vld [tilespmem:s25+$0x3400]  }
0x1b6: {  	v26 =	vnsel vm4, $0x0, v28;
	v28 =	vld [tilespmem:s25+$0xA800];
	v21 =	vadd.f32 v22, v21;
	vm4 =	vgt.s32 v23, $0x0  }
0x1b7: {  	v20 =	vadd.f32 v26, v20;
	v22 =	vsel vm4, $0x3F800000, v0;
	v23 =	vld [tilespmem:s25+$0x3600]  }
0x1b8: {  	v26 =	vnsel vm5, $0x0, v29;
	v29 =	vld [tilespmem:s25+$0xAA00];
	v21 =	vadd.f32 v22, v21;
	vm5 =	vgt.s32 v25, $0x0  }
0x1b9: {  	v20 =	vadd.f32 v26, v20;
	v22 =	vsel vm5, $0x3F800000, v0;
	v25 =	vld [tilespmem:s25+$0x3800]  }
0x1ba: {  	v26 =	vnsel vm0, $0x0, v27;
	v27 =	vld [tilespmem:s25+$0xAC00];
	v21 =	vadd.f32 v22, v21;
	vm0 =	vgt.s32 v24, $0x0  }
0x1bb: {  	v20 =	vadd.f32 v26, v20;
	v22 =	vsel vm0, $0x3F800000, v0;
	v24 =	vld [tilespmem:s25+$0x3A00]  }
0x1bc: {  	v26 =	vnsel vm1, $0x0, v28;
	v28 =	vld [tilespmem:s25+$0xAE00];
	v21 =	vadd.f32 v22, v21;
	vm1 =	vgt.s32 v23, $0x0  }
0x1bd: {  	v20 =	vadd.f32 v26, v20;
	v22 =	vsel vm1, $0x3F800000, v0;
	v23 =	vld [tilespmem:s25+$0x3C00]  }
0x1be: {  	v26 =	vnsel vm3, $0x0, v29;
	v29 =	vld [tilespmem:s25+$0xB000];
	v21 =	vadd.f32 v22, v21;
	vm3 =	vgt.s32 v25, $0x0  }
0x1bf: {  	v20 =	vadd.f32 v26, v20;
	v22 =	vsel vm3, $0x3F800000, v0;
	v25 =	vld [tilespmem:s25+$0x3E00]  }
0x1c0: {  	v26 =	vnsel vm2, $0x0, v27;
	v27 =	vld [tilespmem:s25+$0xB200];
	v21 =	vadd.f32 v22, v21;
	vm2 =	vgt.s32 v24, $0x0  }
0x1c1: {  	v20 =	vadd.f32 v26, v20;
	v22 =	vsel vm2, $0x3F800000, v0;
	v24 =	vld [tilespmem:s25+$0x4000]  }
0x1c2: {  	v26 =	vnsel vm4, $0x0, v28;
	v28 =	vld [tilespmem:s25+$0xB400];
	v21 =	vadd.f32 v22, v21;
	vm4 =	vgt.s32 v23, $0x0  }
0x1c3: {  	v20 =	vadd.f32 v26, v20;
	v22 =	vsel vm4, $0x3F800000, v0;
	v23 =	vld [tilespmem:s25+$0x4200]  }
0x1c4: {  	v26 =	vnsel vm5, $0x0, v29;
	v29 =	vld [tilespmem:s25+$0xB600];
	v21 =	vadd.f32 v22, v21;
	vm5 =	vgt.s32 v25, $0x0  }
0x1c5: {  	v20 =	vadd.f32 v26, v20;
	v22 =	vsel vm5, $0x3F800000, v0;
	v25 =	vld [tilespmem:s25+$0x4400]  }
0x1c6: {  	v26 =	vnsel vm0, $0x0, v27;
	v27 =	vld [tilespmem:s25+$0xB800];
	v21 =	vadd.f32 v22, v21;
	vm0 =	vgt.s32 v24, $0x0  }
0x1c7: {  	v20 =	vadd.f32 v26, v20;
	v22 =	vsel vm0, $0x3F800000, v0;
	v24 =	vld [tilespmem:s25+$0x4600]  }
0x1c8: {  	v26 =	vnsel vm1, $0x0, v28;
	v28 =	vld [tilespmem:s25+$0xBA00];
	v21 =	vadd.f32 v22, v21;
	vm1 =	vgt.s32 v23, $0x0  }
0x1c9: {  	v20 =	vadd.f32 v26, v20;
	v22 =	vsel vm1, $0x3F800000, v0;
	v23 =	vld [tilespmem:s25+$0x4800]  }
0x1ca: {  	v26 =	vnsel vm3, $0x0, v29;
	v29 =	vld [tilespmem:s25+$0xBC00];
	v21 =	vadd.f32 v22, v21;
	vm3 =	vgt.s32 v25, $0x0  }
0x1cb: {  	v20 =	vadd.f32 v26, v20;
	v22 =	vsel vm3, $0x3F800000, v0;
	v25 =	vld [tilespmem:s25+$0x4A00]  }
0x1cc: {  	v26 =	vnsel vm2, $0x0, v27;
	v27 =	vld [tilespmem:s25+$0xBE00];
	v21 =	vadd.f32 v22, v21;
	vm2 =	vgt.s32 v24, $0x0  }
0x1cd: {  	v20 =	vadd.f32 v26, v20;
	v22 =	vsel vm2, $0x3F800000, v0;
	v24 =	vld [tilespmem:s25+$0x4C00]  }
0x1ce: {  	v26 =	vnsel vm4, $0x0, v28;
	v28 =	vld [tilespmem:s25+$0xC000];
	v21 =	vadd.f32 v22, v21;
	vm4 =	vgt.s32 v23, $0x0  }
0x1cf: {  	v20 =	vadd.f32 v26, v20;
	v22 =	vsel vm4, $0x3F800000, v0;
	v23 =	vld [tilespmem:s25+$0x4E00]  }
0x1d0: {  	v26 =	vnsel vm5, $0x0, v29;
	v29 =	vld [tilespmem:s25+$0xC200];
	v21 =	vadd.f32 v22, v21;
	vm5 =	vgt.s32 v25, $0x0  }
0x1d1: {  	v20 =	vadd.f32 v26, v20;
	v22 =	vsel vm5, $0x3F800000, v0;
	v25 =	vld [tilespmem:s25+$0x5000]  }
0x1d2: {  	v26 =	vnsel vm0, $0x0, v27;
	v27 =	vld [tilespmem:s25+$0xC400];
	v21 =	vadd.f32 v22, v21;
	vm0 =	vgt.s32 v24, $0x0  }
0x1d3: {  	v20 =	vadd.f32 v26, v20;
	v22 =	vsel vm0, $0x3F800000, v0;
	v24 =	vld [tilespmem:s25+$0x5200]  }
0x1d4: {  	v26 =	vnsel vm1, $0x0, v28;
	v28 =	vld [tilespmem:s25+$0xC600];
	v21 =	vadd.f32 v22, v21;
	vm1 =	vgt.s32 v23, $0x0  }
0x1d5: {  	v20 =	vadd.f32 v26, v20;
	v22 =	vsel vm1, $0x3F800000, v0;
	v23 =	vld [tilespmem:s25+$0x5400]  }
0x1d6: {  	v26 =	vnsel vm3, $0x0, v29;
	v29 =	vld [tilespmem:s25+$0xC800];
	v21 =	vadd.f32 v22, v21;
	vm3 =	vgt.s32 v25, $0x0  }
0x1d7: {  	v20 =	vadd.f32 v26, v20;
	v22 =	vsel vm3, $0x3F800000, v0;
	v25 =	vld [tilespmem:s25+$0x5600]  }
0x1d8: {  	v26 =	vnsel vm2, $0x0, v27;
	v27 =	vld [tilespmem:s25+$0xCA00];
	v21 =	vadd.f32 v22, v21;
	vm2 =	vgt.s32 v24, $0x0  }
0x1d9: {  	v20 =	vadd.f32 v26, v20;
	v22 =	vsel vm2, $0x3F800000, v0;
	v24 =	vld [tilespmem:s25+$0x5800]  }
0x1da: {  	v26 =	vnsel vm4, $0x0, v28;
	v28 =	vld [tilespmem:s25+$0xCC00];
	v21 =	vadd.f32 v22, v21;
	vm4 =	vgt.s32 v23, $0x0  }
0x1db: {  	v20 =	vadd.f32 v26, v20;
	v22 =	vsel vm4, $0x3F800000, v0;
	v23 =	vld [tilespmem:s25+$0x5A00]  }
0x1dc: {  	v26 =	vnsel vm5, $0x0, v29;
	v29 =	vld [tilespmem:s25+$0xCE00];
	v21 =	vadd.f32 v22, v21;
	vm5 =	vgt.s32 v25, $0x0  }
0x1dd: {  	v20 =	vadd.f32 v26, v20;
	v22 =	vsel vm5, $0x3F800000, v0;
	v25 =	vld [tilespmem:s25+$0x5C00]  }
0x1de: {  	v26 =	vnsel vm0, $0x0, v27;
	v27 =	vld [tilespmem:s25+$0xD000];
	v21 =	vadd.f32 v22, v21;
	vm6 =	vgt.s32 v24, $0x0  }
0x1df: {  	v20 =	vadd.f32 v26, v20;
	v22 =	vsel vm6, $0x3F800000, v0;
	v24 =	vld [tilespmem:s25+$0x5E00]  }
0x1e0: {  	v26 =	vnsel vm1, $0x0, v28;
	v28 =	vld [tilespmem:s25+$0xD200];
	v21 =	vadd.f32 v22, v21;
	vm7 =	vgt.s32 v23, $0x0  }
0x1e1: {  	v20 =	vadd.f32 v26, v20;
	v22 =	vsel vm7, $0x3F800000, v0;
	v23 =	vld [tilespmem:s25+$0x6000]  }
0x1e2: {  	v26 =	vnsel vm3, $0x0, v29;
	v29 =	vld [tilespmem:s25+$0xD400];
	v21 =	vadd.f32 v22, v21;
	vm3 =	vgt.s32 v25, $0x0  }
0x1e3: {  	v20 =	vadd.f32 v26, v20;
	v22 =	vsel vm3, $0x3F800000, v0;
	v25 =	vld [tilespmem:s25+$0x6200]  }
0x1e4: {  	v26 =	vnsel vm2, $0x0, v27;
	v27 =	vld [tilespmem:s25+$0xD600];
	v21 =	vadd.f32 v22, v21;
	vm2 =	vgt.s32 v24, $0x0  }
0x1e5: {  	v20 =	vadd.f32 v26, v20;
	v22 =	vsel vm2, $0x3F800000, v0;
	v24 =	vld [tilespmem:s25+$0x6400]  }
0x1e6: {  	v26 =	vnsel vm4, $0x0, v28;
	v28 =	vld [tilespmem:s25+$0xD800];
	v21 =	vadd.f32 v22, v21;
	vm4 =	vgt.s32 v23, $0x0  }
0x1e7: {  	v20 =	vadd.f32 v26, v20;
	v22 =	vsel vm4, $0x3F800000, v0;
	v23 =	vld [tilespmem:s25+$0x6600]  }
0x1e8: {  	v26 =	vnsel vm5, $0x0, v29;
	v29 =	vld [tilespmem:s25+$0xDA00];
	v21 =	vadd.f32 v22, v21;
	vm0 =	vgt.s32 v25, $0x0  }
0x1e9: {  	v20 =	vadd.f32 v26, v20;
	v22 =	vsel vm0, $0x3F800000, v0;
	v25 =	vld [tilespmem:s25+$0x6800]  }
0x1ea: {  	v26 =	vnsel vm6, $0x0, v27;
	v27 =	vld [tilespmem:s25+$0xDC00];
	v21 =	vadd.f32 v22, v21;
	vm1 =	vgt.s32 v24, $0x0  }
0x1eb: {  	v20 =	vadd.f32 v26, v20;
	v22 =	vsel vm1, $0x3F800000, v0;
	v24 =	vld [tilespmem:s25+$0x6A00]  }
0x1ec: {  	v26 =	vnsel vm7, $0x0, v28;
	v28 =	vld [tilespmem:s25+$0xDE00];
	v21 =	vadd.f32 v22, v21;
	vm6 =	vgt.s32 v23, $0x0  }
0x1ed: {  	v20 =	vadd.f32 v26, v20;
	v22 =	vsel vm6, $0x3F800000, v0;
	v23 =	vld [tilespmem:s25+$0x6C00]  }
0x1ee: {  	v26 =	vnsel vm3, $0x0, v29;
	v29 =	vld [tilespmem:s25+$0xE000];
	v21 =	vadd.f32 v22, v21;
	vm3 =	vgt.s32 v25, $0x0  }
0x1ef: {  	v20 =	vadd.f32 v26, v20;
	v22 =	vsel vm3, $0x3F800000, v0;
	v25 =	vld [tilespmem:s25+$0x6E00]  }
0x1f0: {  	v26 =	vnsel vm2, $0x0, v27;
	v27 =	vld [tilespmem:s25+$0xE200];
	v21 =	vadd.f32 v22, v21;
	vm5 =	vgt.s32 v24, $0x0  }
0x1f1: {  	v20 =	vadd.f32 v26, v20;
	v22 =	vsel vm5, $0x3F800000, v0;
	v24 =	vld [tilespmem:s25+$0x7000]  }
0x1f2: {  	v26 =	vnsel vm4, $0x0, v28;
	v28 =	vld [tilespmem:s25+$0xE400];
	v21 =	vadd.f32 v22, v21;
	vm4 =	vgt.s32 v23, $0x0  }
0x1f3: {  	v20 =	vadd.f32 v26, v20;
	v22 =	vsel vm4, $0x3F800000, v0;
	v23 =	vld [tilespmem:s25+$0x7200]  }
0x1f4: {  	v29 =	vnsel vm0, $0x0, v29;
	v26 =	vld [tilespmem:s25+$0x7E00];
	v21 =	vadd.f32 v22, v21;
	vm2 =	vgt.s32 v25, $0x0  }
0x1f5: {  	v20 =	vadd.f32 v29, v20;
	v22 =	vsel vm2, $0x3F800000, v0;
	v25 =	vld [tilespmem:s25+$0x7400]  }
0x1f6: {  	v27 =	vnsel vm1, $0x0, v27;
	v29 =	vld [tilespmem:s25+$0x8000];
	v21 =	vadd.f32 v22, v21;
	vm1 =	vgt.s32 v24, $0x0  }
0x1f7: {  	v20 =	vadd.f32 v27, v20;
	v22 =	vsel vm1, $0x3F800000, v0;
	v24 =	vld [tilespmem:s25+$0x7600]  }
0x1f8: {  	v28 =	vnsel vm6, $0x0, v28;
	v27 =	vld [tilespmem:s25+$0x8200];
	v21 =	vadd.f32 v22, v21;
	vm0 =	vgt.s32 v23, $0x0  }
0x1f9: {  	v20 =	vadd.f32 v28, v20;
	v19 =	vadd.f32 v26, v19;
	v22 =	vsel vm0, $0x3F800000, v0;
	v23 =	vld [tilespmem:s25+$0x7800]  }
0x1fa: {  	v18 =	vnsel vm3, $0x0, v18;
	v26 =	vld [tilespmem:s25+$0x8400];
	v21 =	vadd.f32 v22, v21;
	vm3 =	vgt.s32 v25, $0x0  }
0x1fb: {  	v18 =	vadd.f32 v18, v20;
	v19 =	vadd.f32 v29, v19;
	v20 =	vsel vm3, $0x3F800000, v0;
	v22 =	vld [tilespmem:s25+$0x7A00]  }
0x1fc: {  	v17 =	vnsel vm5, $0x0, v17;
	v25 =	vld [tilespmem:s25+$0x8600];
	v20 =	vadd.f32 v20, v21;
	vm5 =	vgt.s32 v24, $0x0  }
0x1fd: {  	v17 =	vadd.f32 v17, v18;
	v19 =	vadd.f32 v27, v19;
	v18 =	vsel vm5, $0x3F800000, v0;
	v21 =	vld [tilespmem:s25+$0x7C00]  }
0x1fe: {  	v16 =	vnsel vm4, $0x0, v16;
	v24 =	vld [tilespmem:s25+$0x8800];
	v18 =	vadd.f32 v18, v20;
	vm4 =	vgt.s32 v23, $0x0  }
0x1ff: {  	v16 =	vadd.f32 v16, v17;
	v19 =	vadd.f32 v26, v19;
	v17 =	vld [tilespmem:s25+$0xF000];
	v20 =	vsel vm4, $0x3F800000, v0  }
0x200: {  	v15 =	vnsel vm2, $0x0, v15;
	v23 =	vld [tilespmem:s25+$0x8A00];
	v18 =	vadd.f32 v20, v18;
	vm2 =	vgt.s32 v22, $0x0  }
0x201: {  	v15 =	vadd.f32 v15, v16;
	v19 =	vadd.f32 v25, v19;
	v16 =	vld [tilespmem:s25+$0xF200];
	v20 =	vsel vm2, $0x3F800000, v0  }
0x202: {  	v14 =	vnsel vm1, $0x0, v14;
	v22 =	vld [tilespmem:s25+$0x8C00];
	v18 =	vadd.f32 v20, v18;
	vm1 =	vgt.s32 v21, $0x0  }
0x203: {  	v14 =	vadd.f32 v14, v15;
	v19 =	vadd.f32 v24, v19;
	v15 =	vld [tilespmem:s25+$0xF400];
	v20 =	vsel vm1, $0x3F800000, v0  }
0x204: {  	v21 =	vld [tilespmem:s25+$0x8E00];
	v17 =	vnsel vm0, $0x0, v17;
	v18 =	vadd.f32 v20, v18  }
0x205: {  	v19 =	vadd.f32 v23, v19;
	v14 =	vadd.f32 v17, v14;
	v17 =	vld [tilespmem:s25+$0xF600]  }
0x206: {  	v20 =	vld [tilespmem:s25+$0x9000];
	v16 =	vnsel vm3, $0x0, v16;
	v18 =	vmax.f32 v18, $1.000000000e+00  }
0x207: {  	v19 =	vadd.f32 v22, v19;
	v14 =	vadd.f32 v16, v14;
	v16 =	vld [tilespmem:s25+$0xF800];
	(erf) = vrcp.f32 v18  }
0x208: {  	v18 =	vld [tilespmem:s25+$0x9200];
	v15 =	vnsel vm5, $0x0, v15  }
0x209: {  	v19 =	vadd.f32 v21, v19;
	v14 =	vadd.f32 v15, v14;
	v15 =	vld [tilespmem:s25+$0xFA00]  }
0x20a: {  	v22 =	vld [tilespmem:s25+$0x9400];
	v17 =	vnsel vm4, $0x0, v17  }
0x20b: {  	v19 =	vadd.f32 v20, v19;
	v14 =	vadd.f32 v17, v14;
	v20 =	vld [tilespmem:s25+$0x11400]  }
0x20c: {  	v17 =	vld [tilespmem:s25+$0x9600];
	v16 =	vnsel vm2, $0x0, v16  }
0x20d: {  	v18 =	vadd.f32 v18, v19;
	v14 =	vadd.f32 v16, v14;
	v21 =	vld [tilespmem:s25+$0x11200]  }
0x20e: {  	v15 =	vnsel vm1, $0x0, v15;
	v16 =	vld [tilespmem:s25+$0xFC00]  }
0x20f: {  	v18 =	vadd.f32 v22, v18;
	v14 =	vadd.f32 v15, v14;
	v19 =	vld [tilespmem:s25+$0x11000]  }
0x210: {  	v15 =	vld [tilespmem:s25+$0xFE00];
	v22 =	vpop (erf)  }
0x211: {  	v17 =	vadd.f32 v17, v18;
	v14 =	vmul.f32 v22, v14;
	v22 =	vld [tilespmem:s25+$0x10E00]  }
0x212: {  	v24 =	vld [tilespmem:s25+$0x10000]  }
0x213: {  	v14 =	vadd.f32 v14, v17;
	v16 =	vmul.f32 v16, v13;
	v23 =	vld [tilespmem:s25+$0x10C00]  }
0x214: {  	v25 =	vld [tilespmem:s25+$0x10200]  }
0x215: {  	v14 =	vadd.f32 v14, v16;
	v15 =	vmul.f32 v15, v12;
	v18 =	vld [tilespmem:s25+$0x10A00]  }
0x216: {  	v16 =	vld [tilespmem:s25+$0x10400]  }
.Ltmp4:
0x217: {  	v15 =	vadd.f32 v14, v15;
	v26 =	vmul.f32 v24, v11;
	v24 =	vld [tilespmem:s25+$0x10800];
	(pc) =	sbr.rel @p0 .LBB3_10-.Ltmp4, $4  }
0x218: {  	s28 =	sshra.s32 s26, $0x2;
	v17 =	vld [tilespmem:s25+$0x10600]  }
0x219: {  	v14 =	vld [tilespmem:s28+$0xEE00];
	v26 =	vadd.f32 v15, v26;
	v27 =	vmul.f32 v25, v10  }
0x21a: {  	v15 =	vld [tilespmem:s28+$0xEC00]  }
0x21b: {  	s26 =	sadd.s32 $0x40, s26;
	v25 =	vld [tilespmem:s28+$0x1A00];
	v26 =	vadd.f32 v26, v27;
	v27 =	vmul.f32 v16, v9  }
0x21c: {  	v28 =	vld [tilespmem:s28+$0x1C00]  }
0x21d: {  	v16 =	vld [tilespmem:s28+$0xEA00];
	v26 =	vadd.f32 v26, v27;
	v56 =	vmul.f32 v17, v8  }
0x21e: {  	v29 =	vld [tilespmem:s28+$0x1E00]  }
0x21f: {  	v24 =	vmul.f32 v24, v7;
	v57 =	vld [tilespmem:s28+$0x2000];
	v26 =	vadd.f32 v26, v56  }
0x220: {  	v30 =	vmul.f32 v18, v6;
	v18 =	vld [tilespmem:s28+$0xE600]  }
0x221: {  	v58 =	vld [tilespmem:s28+$0x2200];
	vm0 =	vgt.s32 v25, $0x0;
	vm1 =	vgt.s32 v28, $0x0;
	v24 =	vadd.f32 v26, v24  }
0x222: {  	v23 =	vmul.f32 v23, v5;
	v31 =	vld [tilespmem:s28+$0x9A00];
	v59 =	vsel vm0, $0x3F800000, v0;
	v28 =	vsel vm1, $0x3F800000, v0  }
0x223: {  	v60 =	vld [tilespmem:s28+$0x2400];
	vm2 =	vgt.s32 v29, $0x0;
	v26 =	vadd.f32 v28, v59;
	v24 =	vadd.f32 v24, v30  }
0x224: {  	v22 =	vmul.f32 v22, v4;
	v61 =	vld [tilespmem:s28+$0x9800];
	v29 =	vsel vm2, $0x3F800000, v0  }
0x225: {  	v62 =	vld [tilespmem:s28+$0x2600];
	vm3 =	vgt.s32 v57, $0x0;
	v26 =	vadd.f32 v29, v26;
	v23 =	vadd.f32 v24, v23  }
0x226: {  	v63 =	vmul.f32 v19, v3;
	v32 =	vld [tilespmem:s28+$0x2800];
	v27 =	vsel vm3, $0x3F800000, v0  }
0x227: {  	v19 =	vld [tilespmem:s28+$0x116D0];
	vm4 =	vgt.s32 v58, $0x0;
	v26 =	vadd.f32 v27, v26;
	v22 =	vadd.f32 v23, v22  }
0x228: {  	v21 =	vmul.f32 v21, v2;
	v34 =	vld [tilespmem:s28+$0x9C00];
	v33 =	vsel vm4, $0x3F800000, v0  }
0x229: {  	v35 =	vld [tilespmem:s28+$0x2A00];
	vm5 =	vgt.s32 v60, $0x0;
	v23 =	vadd.f32 v33, v26;
	v22 =	vadd.f32 v22, v63  }
0x22a: {  	v20 =	vmul.f32 v20, v1;
	v37 =	vld [tilespmem:s28+$0x9E00];
	v36 =	vadd.f32 $0.0e+00, v61;
	v28 =	vsel vm5, $0x3F800000, v0  }
0x22b: {  	v38 =	vld [tilespmem:s28+$0x2C00];
	vm6 =	vgt.s32 v62, $0x0;
	v23 =	vadd.f32 v28, v23;
	v21 =	vadd.f32 v22, v21  }
0x22c: {  	v41 =	vld [tilespmem:s28+$0xA000];
	vm13 =	vgt.s32 v32, $0x0;
	v39 =	vnsel vm1, $0x0, v31;
	v40 =	vsel vm6, $0x3F800000, v0  }
0x22d: {  	v42 =	vld [tilespmem:s28+$0x2E00];
	v27 =	vnsel vm0, $0x0, v36;
	v23 =	vadd.f32 v40, v23;
	v20 =	vadd.f32 v21, v20  }
0x22e: {  	v44 =	vld [tilespmem:s28+$0xA200];
	v43 =	vsel vm13, $0x3F800000, v0;
	v24 =	vadd.f32 v39, v27  }
0x22f: {  	v17 =	vld [tilespmem:s28+$0xE800];
	vm14 =	vgt.s32 v35, $0x0;
	v25 =	vnsel vm2, $0x0, v34;
	v23 =	vadd.f32 v43, v23;
	[tilespmem:s25+$0x118D0] =	vst v20  }
0x230: {  	v46 =	vsel vm14, $0x3F800000, v0;
	v45 =	vadd.f32 v25, v24;
	v47 =	vld [tilespmem:s28+$0x3000]  }
0x231: {  	vm15 =	vgt.s32 v38, $0x0;
	v48 =	vnsel vm3, $0x0, v37;
	v49 =	vld [tilespmem:s28+$0xA400];
	v23 =	vadd.f32 v46, v23  }
0x232: {  	v22 =	vsel vm15, $0x3F800000, v0;
	v20 =	vadd.f32 v48, v45;
	v50 =	vld [tilespmem:s28+$0x3200]  }
0x233: {  	vm8 =	vgt.s32 v42, $0x0;
	v51 =	vnsel vm4, $0x0, v41;
	v52 =	vld [tilespmem:s28+$0xA600];
	v22 =	vadd.f32 v22, v23  }
0x234: {  	v21 =	vsel vm8, $0x3F800000, v0;
	v53 =	vld [tilespmem:s28+$0x3400];
	v20 =	vadd.f32 v51, v20  }
0x235: {  	v54 =	vnsel vm5, $0x0, v44;
	v55 =	vld [tilespmem:s28+$0xA800];
	v21 =	vadd.f32 v21, v22;
	vm9 =	vgt.s32 v47, $0x0  }
0x236: {  	v57 =	vld [tilespmem:s28+$0x3600];
	v20 =	vadd.f32 v54, v20;
	v56 =	vsel vm9, $0x3F800000, v0  }
0x237: {  	v59 =	vld [tilespmem:s28+$0xAA00];
	v58 =	vnsel vm6, $0x0, v49;
	vm10 =	vgt.s32 v50, $0x0;
	v21 =	vadd.f32 v56, v21  }
0x238: {  	v61 =	vld [tilespmem:s28+$0x3800];
	v20 =	vadd.f32 v58, v20;
	v60 =	vsel vm10, $0x3F800000, v0  }
0x239: {  	v63 =	vld [tilespmem:s28+$0xAC00];
	v62 =	vnsel vm13, $0x0, v52;
	vm11 =	vgt.s32 v53, $0x0;
	v21 =	vadd.f32 v60, v21  }
0x23a: {  	v33 =	vld [tilespmem:s28+$0x3A00];
	v32 =	vsel vm11, $0x3F800000, v0;
	v20 =	vadd.f32 v62, v20  }
0x23b: {  	v35 =	vld [tilespmem:s28+$0xAE00];
	v34 =	vnsel vm14, $0x0, v55;
	vm12 =	vgt.s32 v57, $0x0;
	v21 =	vadd.f32 v32, v21  }
0x23c: {  	v37 =	vld [tilespmem:s28+$0x3C00];
	v36 =	vsel vm12, $0x3F800000, v0;
	v20 =	vadd.f32 v34, v20  }
0x23d: {  	v39 =	vld [tilespmem:s28+$0xB000];
	v38 =	vnsel vm15, $0x0, v59;
	vm13 =	vgt.s32 v61, $0x0;
	v21 =	vadd.f32 v36, v21  }
0x23e: {  	v41 =	vld [tilespmem:s28+$0x3E00];
	v40 =	vsel vm13, $0x3F800000, v0;
	v20 =	vadd.f32 v38, v20  }
0x23f: {  	v43 =	vld [tilespmem:s28+$0xB200];
	v42 =	vnsel vm8, $0x0, v63;
	vm14 =	vgt.s32 v33, $0x0;
	v21 =	vadd.f32 v40, v21  }
0x240: {  	v45 =	vld [tilespmem:s28+$0x4000];
	v44 =	vsel vm14, $0x3F800000, v0;
	v20 =	vadd.f32 v42, v20  }
0x241: {  	v47 =	vld [tilespmem:s28+$0xB400];
	vm15 =	vgt.s32 v37, $0x0;
	v46 =	vnsel vm9, $0x0, v35;
	v21 =	vadd.f32 v44, v21  }
0x242: {  	v49 =	vld [tilespmem:s28+$0x4200];
	v48 =	vsel vm15, $0x3F800000, v0;
	v20 =	vadd.f32 v46, v20  }
0x243: {  	v51 =	vld [tilespmem:s28+$0xB600];
	vm8 =	vgt.s32 v41, $0x0;
	v50 =	vnsel vm10, $0x0, v39;
	v21 =	vadd.f32 v48, v21  }
0x244: {  	v53 =	vld [tilespmem:s28+$0x4400];
	v52 =	vsel vm8, $0x3F800000, v0;
	v20 =	vadd.f32 v50, v20  }
0x245: {  	v55 =	vld [tilespmem:s28+$0xB800];
	v54 =	vnsel vm11, $0x0, v43;
	vm9 =	vgt.s32 v45, $0x0;
	v21 =	vadd.f32 v52, v21  }
0x246: {  	v57 =	vld [tilespmem:s28+$0x4600];
	v56 =	vsel vm9, $0x3F800000, v0;
	v20 =	vadd.f32 v54, v20  }
0x247: {  	v59 =	vld [tilespmem:s28+$0xBA00];
	v58 =	vnsel vm12, $0x0, v47;
	vm10 =	vgt.s32 v49, $0x0;
	v21 =	vadd.f32 v56, v21  }
0x248: {  	v61 =	vld [tilespmem:s28+$0x4800];
	v60 =	vsel vm10, $0x3F800000, v0;
	v20 =	vadd.f32 v58, v20  }
0x249: {  	v63 =	vld [tilespmem:s28+$0xBC00];
	v62 =	vnsel vm13, $0x0, v51;
	vm11 =	vgt.s32 v53, $0x0;
	v21 =	vadd.f32 v60, v21  }
0x24a: {  	v33 =	vld [tilespmem:s28+$0x4A00];
	v32 =	vsel vm11, $0x3F800000, v0;
	v20 =	vadd.f32 v62, v20  }
0x24b: {  	v37 =	vld [tilespmem:s28+$0x4C00];
	v34 =	vnsel vm14, $0x0, v55;
	vm12 =	vgt.s32 v57, $0x0;
	v21 =	vadd.f32 v32, v21  }
0x24c: {  	v35 =	vld [tilespmem:s28+$0xBE00];
	v36 =	vsel vm12, $0x3F800000, v0;
	v20 =	vadd.f32 v34, v20  }
0x24d: {  	v41 =	vld [tilespmem:s28+$0x4E00];
	vm13 =	vgt.s32 v61, $0x0;
	v38 =	vnsel vm15, $0x0, v59;
	v21 =	vadd.f32 v36, v21  }
0x24e: {  	v39 =	vld [tilespmem:s28+$0xC000];
	v40 =	vsel vm13, $0x3F800000, v0;
	v20 =	vadd.f32 v38, v20  }
0x24f: {  	v43 =	vld [tilespmem:s28+$0xC200];
	vm14 =	vgt.s32 v33, $0x0;
	v42 =	vnsel vm8, $0x0, v63;
	v21 =	vadd.f32 v40, v21  }
0x250: {  	v45 =	vld [tilespmem:s28+$0x5000];
	v44 =	vsel vm14, $0x3F800000, v0;
	v20 =	vadd.f32 v42, v20  }
0x251: {  	v47 =	vld [tilespmem:s28+$0xC400];
	vm15 =	vgt.s32 v37, $0x0;
	v46 =	vnsel vm9, $0x0, v35;
	v21 =	vadd.f32 v44, v21  }
0x252: {  	v49 =	vld [tilespmem:s28+$0x5200];
	v48 =	vsel vm15, $0x3F800000, v0;
	v20 =	vadd.f32 v46, v20  }
0x253: {  	v51 =	vld [tilespmem:s28+$0xC600];
	vm8 =	vgt.s32 v41, $0x0;
	v50 =	vnsel vm10, $0x0, v39;
	v21 =	vadd.f32 v48, v21  }
0x254: {  	v53 =	vld [tilespmem:s28+$0x5400];
	v52 =	vsel vm8, $0x3F800000, v0;
	v20 =	vadd.f32 v50, v20  }
0x255: {  	v55 =	vld [tilespmem:s28+$0xC800];
	vm9 =	vgt.s32 v45, $0x0;
	v54 =	vnsel vm11, $0x0, v43;
	v21 =	vadd.f32 v52, v21  }
0x256: {  	v57 =	vld [tilespmem:s28+$0x5600];
	v56 =	vsel vm9, $0x3F800000, v0;
	v20 =	vadd.f32 v54, v20  }
0x257: {  	v61 =	vld [tilespmem:s28+$0x5800];
	vm10 =	vgt.s32 v49, $0x0;
	v58 =	vnsel vm12, $0x0, v47;
	v21 =	vadd.f32 v56, v21  }
0x258: {  	v59 =	vld [tilespmem:s28+$0xCA00];
	v60 =	vsel vm10, $0x3F800000, v0;
	v20 =	vadd.f32 v58, v20  }
0x259: {  	v63 =	vld [tilespmem:s28+$0xCC00];
	vm11 =	vgt.s32 v53, $0x0;
	v62 =	vnsel vm13, $0x0, v51;
	v21 =	vadd.f32 v60, v21  }
0x25a: {  	v31 =	vsel vm11, $0x3F800000, v0;
	v32 =	vld [tilespmem:s28+$0x5A00];
	v20 =	vadd.f32 v62, v20  }
0x25b: {  	v33 =	vnsel vm14, $0x0, v55;
	vm12 =	vgt.s32 v57, $0x0;
	v34 =	vld [tilespmem:s28+$0xCE00];
	v21 =	vadd.f32 v31, v21  }
0x25c: {  	v35 =	vsel vm12, $0x3F800000, v0;
	v36 =	vld [tilespmem:s28+$0x5C00];
	v20 =	vadd.f32 v33, v20  }
0x25d: {  	v37 =	vnsel vm15, $0x0, v59;
	vm13 =	vgt.s32 v61, $0x0;
	v38 =	vld [tilespmem:s28+$0xD000];
	v21 =	vadd.f32 v35, v21  }
0x25e: {  	v39 =	vsel vm13, $0x3F800000, v0;
	v40 =	vld [tilespmem:s28+$0x5E00];
	v20 =	vadd.f32 v37, v20  }
0x25f: {  	v41 =	vnsel vm8, $0x0, v63;
	v42 =	vld [tilespmem:s28+$0xD200];
	vm14 =	vgt.s32 v32, $0x0;
	v21 =	vadd.f32 v39, v21  }
0x260: {  	v43 =	vsel vm14, $0x3F800000, v0;
	v44 =	vld [tilespmem:s28+$0x6000];
	v20 =	vadd.f32 v41, v20  }
0x261: {  	v45 =	vnsel vm9, $0x0, v34;
	v46 =	vld [tilespmem:s28+$0xD400];
	vm15 =	vgt.s32 v36, $0x0;
	v21 =	vadd.f32 v43, v21  }
0x262: {  	v47 =	vsel vm15, $0x3F800000, v0;
	v48 =	vld [tilespmem:s28+$0x6200];
	v20 =	vadd.f32 v45, v20  }
0x263: {  	v49 =	vnsel vm10, $0x0, v38;
	v50 =	vld [tilespmem:s28+$0xD600];
	vm7 =	vgt.s32 v40, $0x0;
	v21 =	vadd.f32 v47, v21  }
0x264: {  	v51 =	vsel vm7, $0x3F800000, v0;
	v52 =	vld [tilespmem:s28+$0x6400];
	v20 =	vadd.f32 v49, v20  }
0x265: {  	v53 =	vnsel vm11, $0x0, v42;
	v54 =	vld [tilespmem:s28+$0xD800];
	vm9 =	vgt.s32 v44, $0x0;
	v21 =	vadd.f32 v51, v21  }
0x266: {  	v55 =	vsel vm9, $0x3F800000, v0;
	v56 =	vld [tilespmem:s28+$0x6600];
	v20 =	vadd.f32 v53, v20  }
0x267: {  	v57 =	vnsel vm12, $0x0, v46;
	v58 =	vld [tilespmem:s28+$0xDA00];
	vm10 =	vgt.s32 v48, $0x0;
	v21 =	vadd.f32 v55, v21  }
0x268: {  	v59 =	vsel vm10, $0x3F800000, v0;
	v60 =	vld [tilespmem:s28+$0x6800];
	v20 =	vadd.f32 v57, v20  }
0x269: {  	v32 =	vld [tilespmem:s28+$0x6A00];
	v61 =	vnsel vm13, $0x0, v50;
	vm11 =	vgt.s32 v52, $0x0;
	v21 =	vadd.f32 v59, v21  }
0x26a: {  	v62 =	vld [tilespmem:s28+$0xDC00];
	v63 =	vsel vm11, $0x3F800000, v0;
	v20 =	vadd.f32 v61, v20  }
0x26b: {  	v34 =	vld [tilespmem:s28+$0xDE00];
	v33 =	vnsel vm14, $0x0, v54;
	vm12 =	vgt.s32 v56, $0x0;
	v21 =	vadd.f32 v63, v21  }
0x26c: {  	v36 =	vld [tilespmem:s28+$0x6C00];
	v35 =	vsel vm12, $0x3F800000, v0;
	v20 =	vadd.f32 v33, v20  }
0x26d: {  	v38 =	vld [tilespmem:s28+$0xE000];
	v37 =	vnsel vm15, $0x0, v58;
	vm13 =	vgt.s32 v60, $0x0;
	v21 =	vadd.f32 v35, v21  }
0x26e: {  	v40 =	vld [tilespmem:s28+$0x6E00];
	v39 =	vsel vm13, $0x3F800000, v0;
	v20 =	vadd.f32 v37, v20  }
0x26f: {  	v42 =	vld [tilespmem:s28+$0xE200];
	vm14 =	vgt.s32 v32, $0x0;
	v41 =	vnsel vm7, $0x0, v62;
	v21 =	vadd.f32 v39, v21  }
0x270: {  	v44 =	vld [tilespmem:s28+$0x7000];
	v43 =	vsel vm14, $0x3F800000, v0;
	v20 =	vadd.f32 v41, v20  }
0x271: {  	v46 =	vld [tilespmem:s28+$0xE400];
	vm15 =	vgt.s32 v36, $0x0;
	v45 =	vnsel vm9, $0x0, v34;
	v21 =	vadd.f32 v43, v21  }
0x272: {  	v48 =	vld [tilespmem:s28+$0x7200];
	v47 =	vsel vm15, $0x3F800000, v0;
	v20 =	vadd.f32 v45, v20  }
0x273: {  	v27 =	vnsel vm10, $0x0, v38;
	vm8 =	vgt.s32 v40, $0x0;
	v49 =	vld [tilespmem:s28+$0x7E00];
	v21 =	vadd.f32 v47, v21  }
0x274: {  	v50 =	vsel vm8, $0x3F800000, v0;
	v51 =	vld [tilespmem:s28+$0x7400];
	v20 =	vadd.f32 v27, v20  }
0x275: {  	v52 =	vld [tilespmem:s28+$0x8000];
	v29 =	vnsel vm11, $0x0, v42;
	vm9 =	vgt.s32 v44, $0x0;
	v21 =	vadd.f32 v50, v21  }
0x276: {  	v54 =	vld [tilespmem:s28+$0x7600];
	v53 =	vsel vm9, $0x3F800000, v0;
	v20 =	vadd.f32 v29, v20  }
0x277: {  	v28 =	vnsel vm12, $0x0, v46;
	vm10 =	vgt.s32 v48, $0x0;
	v55 =	vld [tilespmem:s28+$0x8200];
	v21 =	vadd.f32 v53, v21  }
0x278: {  	v56 =	vsel vm10, $0x3F800000, v0;
	v57 =	vld [tilespmem:s28+$0x7800];
	v19 =	vadd.f32 v49, v19;
	v20 =	vadd.f32 v28, v20  }
0x279: {  	v58 =	vld [tilespmem:s28+$0x8400];
	v18 =	vnsel vm13, $0x0, v18;
	vm11 =	vgt.s32 v51, $0x0;
	v21 =	vadd.f32 v56, v21  }
0x27a: {  	v60 =	vld [tilespmem:s28+$0x7A00];
	v19 =	vadd.f32 v52, v19;
	v59 =	vsel vm11, $0x3F800000, v0;
	v18 =	vadd.f32 v18, v20  }
0x27b: {  	v17 =	vnsel vm14, $0x0, v17;
	vm12 =	vgt.s32 v54, $0x0;
	v61 =	vld [tilespmem:s28+$0x8600];
	v20 =	vadd.f32 v59, v21  }
0x27c: {  	v62 =	vsel vm12, $0x3F800000, v0;
	v63 =	vld [tilespmem:s28+$0x7C00];
	v19 =	vadd.f32 v55, v19;
	v17 =	vadd.f32 v17, v18  }
0x27d: {  	v16 =	vnsel vm15, $0x0, v16;
	vm13 =	vgt.s32 v57, $0x0;
	v28 =	vld [tilespmem:s28+$0x8800];
	v18 =	vadd.f32 v62, v20  }
0x27e: {  	v30 =	vsel vm13, $0x3F800000, v0;
	v19 =	vadd.f32 v58, v19;
	v29 =	vld [tilespmem:s28+$0xF000];
	v16 =	vadd.f32 v16, v17  }
0x27f: {  	v15 =	vnsel vm8, $0x0, v15;
	v31 =	vld [tilespmem:s28+$0x8A00];
	vm14 =	vgt.s32 v60, $0x0;
	v18 =	vadd.f32 v30, v18  }
0x280: {  	v32 =	vld [tilespmem:s28+$0xF200];
	v33 =	vsel vm14, $0x3F800000, v0;
	v19 =	vadd.f32 v61, v19;
	v15 =	vadd.f32 v15, v16  }
0x281: {  	v34 =	vld [tilespmem:s28+$0x8C00];
	v14 =	vnsel vm9, $0x0, v14;
	vm15 =	vgt.s32 v63, $0x0;
	v18 =	vadd.f32 v33, v18  }
0x282: {  	v35 =	vld [tilespmem:s28+$0xF400];
	v36 =	vsel vm15, $0x3F800000, v0;
	v19 =	vadd.f32 v28, v19;
	v14 =	vadd.f32 v14, v15  }
0x283: {  	v37 =	vld [tilespmem:s28+$0x8E00];
	v17 =	vnsel vm10, $0x0, v29;
	v18 =	vadd.f32 v36, v18  }
0x284: {  	v38 =	vld [tilespmem:s28+$0xF600];
	v19 =	vadd.f32 v31, v19;
	v14 =	vadd.f32 v17, v14  }
0x285: {  	v39 =	vld [tilespmem:s28+$0x9000];
	v16 =	vnsel vm11, $0x0, v32;
	v18 =	vmax.f32 v18, $1.000000000e+00  }
0x286: {  	v40 =	vld [tilespmem:s28+$0xF800];
	v19 =	vadd.f32 v34, v19;
	v14 =	vadd.f32 v16, v14;
	(erf) = vrcp.f32 v18  }
0x287: {  	v41 =	vld [tilespmem:s28+$0x9200];
	v15 =	vnsel vm12, $0x0, v35  }
0x288: {  	v42 =	vld [tilespmem:s28+$0xFA00];
	v19 =	vadd.f32 v37, v19;
	v14 =	vadd.f32 v15, v14  }
0x289: {  	v43 =	vld [tilespmem:s28+$0x9400];
	v17 =	vnsel vm13, $0x0, v38  }
0x28a: {  	v19 =	vadd.f32 v39, v19;
	v14 =	vadd.f32 v17, v14  }
0x28b: {  	v44 =	vld [tilespmem:s28+$0x9600];
	v16 =	vnsel vm14, $0x0, v40  }
0x28c: {  	v18 =	vadd.f32 v41, v19;
	v14 =	vadd.f32 v16, v14  }
0x28d: {  	v45 =	vld [tilespmem:s28+$0xFC00];
	v15 =	vnsel vm15, $0x0, v42  }
0x28e: {  	v18 =	vadd.f32 v43, v18;
	v14 =	vadd.f32 v15, v14  }
0x28f: {  	v46 =	vld [tilespmem:s28+$0xFE00];
	v47 =	vpop (erf)  }
0x290: {  	v17 =	vadd.f32 v44, v18;
	v14 =	vmul.f32 v47, v14  }
0x291: {  	v48 =	vld [tilespmem:s28+$0x10000]  }
0x292: {  	v13 =	vmul.f32 v45, v13;
	v14 =	vadd.f32 v14, v17  }
0x293: {  	v49 =	vld [tilespmem:s28+$0x10200]  }
0x294: {  	v12 =	vmul.f32 v46, v12;
	v13 =	vadd.f32 v14, v13  }
0x295: {  	v50 =	vld [tilespmem:s28+$0x10400]  }
0x296: {  	v11 =	vmul.f32 v48, v11;
	v12 =	vadd.f32 v13, v12  }
0x297: {  	v51 =	vld [tilespmem:s28+$0x10600]  }
0x298: {  	v10 =	vmul.f32 v49, v10;
	v11 =	vadd.f32 v12, v11  }
0x299: {  	v52 =	vld [tilespmem:s28+$0x10800]  }
0x29a: {  	v9 =	vmul.f32 v50, v9;
	v10 =	vadd.f32 v11, v10  }
0x29b: {  	v53 =	vld [tilespmem:s28+$0x10A00]  }
0x29c: {  	v54 =	vmul.f32 v51, v8;
	v9 =	vadd.f32 v10, v9  }
0x29d: {  	v55 =	vld [tilespmem:s28+$0x10C00]  }
0x29e: {  	v56 =	vmul.f32 v52, v7;
	v8 =	vadd.f32 v9, v54  }
0x29f: {  	v57 =	vld [tilespmem:s28+$0x10E00]  }
0x2a0: {  	v58 =	vmul.f32 v53, v6;
	v7 =	vadd.f32 v8, v56  }
0x2a1: {  	v59 =	vld [tilespmem:s28+$0x11000]  }
0x2a2: {  	v60 =	vmul.f32 v55, v5;
	v6 =	vadd.f32 v7, v58  }
0x2a3: {  	v61 =	vld [tilespmem:s28+$0x11200]  }
0x2a4: {  	v62 =	vmul.f32 v57, v4;
	v5 =	vadd.f32 v6, v60  }
0x2a5: {  	v63 =	vld [tilespmem:s28+$0x11400]  }
0x2a6: {  	v3 =	vmul.f32 v59, v3;
	v4 =	vadd.f32 v5, v62;
	_ =	sdelay $0x1  }
0x2a7: {  	v2 =	vmul.f32 v61, v2;
	v3 =	vadd.f32 v4, v3;
	_ =	sdelay $0x1  }
0x2a8: {  	v1 =	vmul.f32 v63, v1;
	v2 =	vadd.f32 v3, v2;
	_ =	sdelay $0x1  }
0x2a9: {  	v1 =	vadd.f32 v2, v1;
	_ =	sdelay $0x1  }
0x2aa: {  	s26 =	simm.s32 $0x118D0;
	[tilespmem:s28+$0x118D0] =	vst v1;
	s28 =	rddreg [dreg:$0x10]  }
0x2ab: {  	[hbm4b:s28+s10] =	stream.linear.scatter [tilespmem:s26], [sflag:$0x3], $0x200, $0x38;
	[tilespmem:$0x11AD0] =	vst v63  }
0x2ac: {  	_ =	swait.ge [sflag:s18], $0x200  }
0x2ad: {  	s24 =	sadd.s32 $0x1, s24;
	s28 =	rddreg [dreg:$0x11]  }
0x2ae: {  	p0 =	sne.s32 s24, s28  }
.Ltmp5:
0x2af: {  	_ = 	snop;
	(pc) =	sbr.rel @p0 .LBB3_1-.Ltmp5, $3  }
0x2b0: {  	_ =	sdelay $0x1  }
0x2b1: {  	[sflag:s18] =	ssyncset.done $0x0  }
0x2b2: {  	[sflag:s18] =	ssyncadd.s32 $0xFFFFFE00  }
0x2b3: {  	_ =	sfence.sel $0x180000  }
0x2b4: {  	[bflag:$0x0] =	sbarrier.arrive $0xFFFF  }
0x2b5: {  	_ =	strace $0x9000004A  }
0x2b6: {  	s0 =	stileid.u32;
	[bflag:$0x2] =	sbarrier.arrive $0xFFFF  }
0x2b7: {  	p0 =	sne.s32 s0, $0x0;
	s0 =	rddreg [dreg:$0xe]  }
0x2b8: {  	s0 =	sadd.s32 @!p0 $0x100000, s0  }
0x2b9: {  	[sflag:s0] =	ssyncadd.tile.s32 @!p0 $0x1;
	_ =	shalt  }
.Lfunc_end3:
_tile_overlayer_lowered:
.L_overlay_start_3:
0x2ba: {  	(tag) =	ssettag $0x3  }
0x2bb: {  	s0 =	rddreg [dreg:$0x0];
	s2 =	stileid.u32  }
0x2bc: {  	s1 =	rddreg [dreg:$0x1];
	p0 =	sne.s32 s2, $0x0  }
0x2bd: {  	s3 =	rddreg [dreg:$0x2];
	[bflag:$0x3] =	sbarrier.arrive $0xFFFF;
	s2 =	simm.s32 @!p0 $0x1C03  }
0x2be: {  	[timem:s3], [sflag:s2] =	dma.local @!p0 [hbm:s0], s1  }
0x2bf: {  	s0 =	simm.s32 @!p0 $0x3  }
0x2c0: {  	_ =	swait.ge @!p0 [sflag:s0], s1  }
0x2c1: {  	s1 =	ssub.s32 @!p0 $0x0, s1;
	[sflag:s0] =	ssyncset.done @!p0 $0x0  }
0x2c2: {  	[sflag:s0] =	ssyncadd.s32 @!p0 s1  }
0x2c3: {  	[bflag:$0x3] =	sbarrier.arrive $0xFFFF  }
0x2c4: {  	_ =	shalt  }

</sc_bundles>
